<compile_context>
chip_gen: v7x
topology: tpu7x:2x2x1
jax: 0.10.2.dev20260603
libtpu: 0.0.44.dev20260713+nightly
codegen_flags: <defaults>
</compile_context>

<pallas_src>
import functools

import jax
import jax.numpy as jnp
from jax import lax
from jax.experimental import pallas as pl
from jax.experimental.pallas import tpu as pltpu
from jax.experimental.pallas import tpu_sc as plsc

_NC = 1
_NS = 16
_CHUNK = 125
_GPC = 16


@functools.lru_cache(maxsize=None)
def _sc_segment_sum(npad, e, d, nc, gpc):
  dcol = d // nc
  assert e % (_NS * _CHUNK * gpc) == 0 and npad % (_NS * 8) == 0
  assert gpc % 8 == 0 and gpc >= 8
  nchunks = e // (_NS * _CHUNK)
  ngen = nchunks // gpc
  rpt = npad // _NS
  mesh = plsc.VectorSubcoreMesh(core_axis_name="c", subcore_axis_name="s",
                                num_cores=nc, num_subcores=_NS)

  def body(h_hbm, src_hbm, dst_hbm, znd_hbm, p_out,
           srcv, dstv, b0, b1, b2, b3, g0, g1, g2, g3, s0, s1, s2, s3,
           isem, acc):
    bufs = (b0, b1, b2, b3)
    gsems = (g0, g1, g2, g3)
    ssems = (s0, s1, s2, s3)
    c = lax.axis_index("c")
    s = lax.axis_index("s")
    row0 = s * nchunks
    r0 = s * rpt
    hsrc = h_hbm if nc == 1 else h_hbm.at[c]
    pdst = p_out if nc == 1 else p_out.at[c]

    pltpu.sync_copy(znd_hbm.at[pl.ds(r0, rpt)], acc.at[pl.ds(r0, rpt)])
    plsc.subcore_barrier()

    def gather(k, kb):
      p, j = (k // gpc) % 2, k % gpc
      pltpu.async_copy(hsrc.at[srcv.at[p, j]], bufs[kb], gsems[kb])

    def wait_gather(k, kb):
      p, j = (k // gpc) % 2, k % gpc
      pltpu.make_async_copy(hsrc.at[srcv.at[p, j]], bufs[kb],
                            gsems[kb]).wait()

    def scat(k, kb):
      p, j = (k // gpc) % 2, k % gpc
      pltpu.async_copy(bufs[kb], acc.at[dstv.at[p, j]], ssems[kb],
                       add=True)

    def wait_scat(k, kb):
      p, j = (k // gpc) % 2, k % gpc
      pltpu.make_async_copy(bufs[kb], acc.at[dstv.at[p, j]],
                            ssems[kb]).wait()

    def load_idx(g, sync):
      base = row0 + g * gpc
      p = g % 2
      if sync:
        pltpu.sync_copy(src_hbm.at[pl.ds(base, gpc)], srcv.at[p])
        pltpu.sync_copy(dst_hbm.at[pl.ds(base, gpc)], dstv.at[p])
      else:
        pltpu.async_copy(src_hbm.at[pl.ds(base, gpc)], srcv.at[p], isem)
        pltpu.async_copy(dst_hbm.at[pl.ds(base, gpc)], dstv.at[p], isem)

    def wait_idx(g):
      base = row0 + g * gpc
      p = g % 2
      pltpu.make_async_copy(src_hbm.at[pl.ds(base, gpc)], srcv.at[p],
                            isem).wait()
      pltpu.make_async_copy(dst_hbm.at[pl.ds(base, gpc)], dstv.at[p],
                            isem).wait()

    load_idx(0, True)
    gather(0, 0)
    gather(1, 1)
    wait_gather(0, 0)
    scat(0, 0)
    gather(2, 2)
    wait_gather(1, 1)
    scat(1, 1)
    gather(3, 3)

    def step(i, cy):
      k0 = 4 * i + 4
      g = k0 // gpc

      @pl.when(k0 % gpc == 0)
      def _():
        wait_idx(g)

      @pl.when(jnp.logical_and(k0 % gpc == 4, g + 1 < ngen))
      def _():
        load_idx(g + 1, False)

      for j in range(4):
        k = k0 + j
        wait_scat(k - 4, j)
        gather(k, j)
        wait_gather(k - 2, (j + 2) % 4)
        scat(k - 2, (j + 2) % 4)
      return cy

    lax.fori_loop(0, (nchunks - 4) // 4, step, 0)
    e1, e2 = nchunks - 2, nchunks - 1
    wait_gather(e1, e1 % 4)
    scat(e1, e1 % 4)
    wait_gather(e2, e2 % 4)
    scat(e2, e2 % 4)
    for j in range(4):
      wait_scat(nchunks - 4 + j, (nchunks - 4 + j) % 4)

    plsc.subcore_barrier()
    pltpu.sync_copy(acc.at[pl.ds(r0, rpt)], pdst.at[pl.ds(r0, rpt)])

  oshape = (npad, d) if nc == 1 else (nc, npad, dcol)
  return pl.kernel(
      body,
      out_type=[jax.ShapeDtypeStruct(oshape, jnp.float32)],
      mesh=mesh,
      compiler_params=pltpu.CompilerParams(use_tc_tiling_on_sc=False),
      scratch_types=[
          pltpu.VMEM((2, gpc, _CHUNK), jnp.int32),
          pltpu.VMEM((2, gpc, _CHUNK), jnp.int32),
          pltpu.VMEM((_CHUNK, dcol), jnp.float32),
          pltpu.VMEM((_CHUNK, dcol), jnp.float32),
          pltpu.VMEM((_CHUNK, dcol), jnp.float32),
          pltpu.VMEM((_CHUNK, dcol), jnp.float32),
          pltpu.SemaphoreType.DMA,
          pltpu.SemaphoreType.DMA,
          pltpu.SemaphoreType.DMA,
          pltpu.SemaphoreType.DMA,
          pltpu.SemaphoreType.DMA,
          pltpu.SemaphoreType.DMA,
          pltpu.SemaphoreType.DMA,
          pltpu.SemaphoreType.DMA,
          pltpu.SemaphoreType.DMA,
          pltpu.VMEM_SHARED((npad, dcol), jnp.float32),
      ])


@functools.lru_cache(maxsize=None)
def _sc_count(npad, e):
  nw = _NC * _NS
  epw = e // nw
  assert e % (nw * 16) == 0 and npad % 8 == 0 and epw % 8 == 0
  mesh = plsc.VectorSubcoreMesh(core_axis_name="c", subcore_axis_name="s",
                                num_cores=_NC, num_subcores=_NS)

  def body(dst_hbm, cnt_out, dstv, tab):
    c = lax.axis_index("c")
    s = lax.axis_index("s")
    w = c * _NS + s

    pltpu.sync_copy(dst_hbm.at[pl.ds(w * epw, epw)], dstv)
    zeros = jnp.zeros((16,), jnp.float32)

    def zstep(i, cy):
      tab[pl.ds(i * 16, 16)] = zeros
      return cy

    lax.fori_loop(0, npad // 16, zstep, 0)
    ones = jnp.ones((16,), jnp.float32)

    def step(i, cy):
      v = dstv[pl.ds(i * 16, 16)]
      plsc.addupdate_scatter(tab, [v], ones)
      return cy

    lax.fori_loop(0, epw // 16, step, 0)
    pltpu.sync_copy(tab, cnt_out.at[pl.ds(w * npad, npad)])

  return pl.kernel(
      body,
      out_type=[jax.ShapeDtypeStruct((nw * npad,), jnp.float32)],
      mesh=mesh,
      compiler_params=pltpu.CompilerParams(needs_layout_passes=False),
      scratch_types=[
          pltpu.VMEM((epw,), jnp.int32),
          pltpu.VMEM((npad,), jnp.float32),
      ])


@functools.lru_cache(maxsize=None)
def _tc_combine(n, d, blk, relu, split):
  assert n % blk == 0
  nw = _NC * _NS

  def body(p_ref, c_ref, h_ref, wl_ref, b_ref, wr_ref, o_ref):
    cnt = jnp.sum(c_ref[...], axis=1)[:, None]
    recip = 1.0 / jnp.maximum(cnt, 1.0)
    if split:
      out = (jnp.dot(p_ref[0] * recip, wl_ref[0],
                     preferred_element_type=jnp.float32)
             + jnp.dot(p_ref[1] * recip, wl_ref[1],
                       preferred_element_type=jnp.float32))
    else:
      out = jnp.dot(p_ref[...] * recip, wl_ref[...],
                    preferred_element_type=jnp.float32)
    out = (out + jnp.dot(h_ref[...], wr_ref[...],
                         preferred_element_type=jnp.float32)
           + b_ref[...])
    if relu:
      out = jnp.maximum(out, 0.0)
    o_ref[...] = out

  return pl.pallas_call(
      body,
      grid=(n // blk,),
      in_specs=[
          (pl.BlockSpec((2, blk, d // 2), lambda i: (0, i, 0)) if split
           else pl.BlockSpec((blk, d), lambda i: (i, 0))),
          pl.BlockSpec((blk, nw), lambda i: (i, 0)),
          pl.BlockSpec((blk, d), lambda i: (i, 0)),
          (pl.BlockSpec((2, d // 2, d), lambda i: (0, 0, 0)) if split
           else pl.BlockSpec((d, d), lambda i: (0, 0))),
          pl.BlockSpec((1, d), lambda i: (0, 0)),
          pl.BlockSpec((d, d), lambda i: (0, 0)),
      ],
      out_specs=pl.BlockSpec((blk, d), lambda i: (i, 0)),
      out_shape=jax.ShapeDtypeStruct((n, d), jnp.float32),
  )


def kernel(x, edge_index, W1l, b1, W1r, W2l, b2, W2r):
  n, d = x.shape
  e = edge_index.shape[1]
  npad = ((n + _NS * 8 - 1) // (_NS * 8)) * (_NS * 8)

  src2 = edge_index[0].reshape(e // _CHUNK, _CHUNK)
  dst2 = edge_index[1].reshape(e // _CHUNK, _CHUNK)
  half = d // 2
  znd = jnp.zeros((npad, half), jnp.float32)
  b1r = b1.reshape(1, d)
  b2r = b2.reshape(1, d)

  (c1f,) = _sc_count(npad, e)(edge_index[1])
  c1 = c1f.reshape(_NS, npad).T
  agg = _sc_segment_sum(npad, e, d, 2, 16)
  W1s = W1l.reshape(2, half, d)
  W2s = W2l.reshape(2, half, d)

  xs = jnp.stack((x[:, :half], x[:, half:]))
  (p1,) = agg(xs, src2, dst2, znd)
  h = _tc_combine(n, d, 2000, True, True)(p1, c1, x, W1s, b1r, W1r)
  hs = jnp.stack((h[:, :half], h[:, half:]))
  (p2,) = agg(hs, src2, dst2, znd)
  out = _tc_combine(n, d, 2000, False, True)(p2, c1, h, W2s, b2r, W2r)
  return out

# --- scband reference (transcript-rebuilt; emitter-appended) ---
"""Pipeline reference for scband-graph-sage-5299989643916 (READ-ONLY COPY).

The authoritative reference and input builder live on the scoring server;
editing this copy changes nothing except your own understanding.
"""

import jax, jax.numpy as jnp
import numpy as np

N = 10000
E = 320000
D = 128


def _init_linear(key, fan_in, fan_out):
    bound = 1.0 / np.sqrt(fan_in)
    return jax.random.uniform(key, (fan_in, fan_out), dtype=jnp.float32, minval=-bound, maxval=bound)


def setup_inputs(seed: int = 0) -> dict:
    key = jax.random.key(seed)
    ks = jax.random.split(key, 10)
    x = jax.random.normal(ks[0], (N, D), dtype=jnp.float32)
    edge_index = jax.random.randint(ks[1], (2, E), 0, N, dtype=jnp.int32)
    W1l = _init_linear(ks[2], D, D)
    b1 = jax.random.uniform(ks[3], (D,), dtype=jnp.float32, minval=-1.0 / np.sqrt(D), maxval=1.0 / np.sqrt(D))
    W1r = _init_linear(ks[4], D, D)
    W2l = _init_linear(ks[5], D, D)
    b2 = jax.random.uniform(ks[6], (D,), dtype=jnp.float32, minval=-1.0 / np.sqrt(D), maxval=1.0 / np.sqrt(D))
    W2r = _init_linear(ks[7], D, D)
    return {"x": x, "edge_index": edge_index, "W1l": W1l, "b1": b1, "W1r": W1r, "W2l": W2l, "b2": b2, "W2r": W2r}


def _sage_conv(h, src, dst, Wl, b, Wr):
    # message: x_j from source nodes, aggregated by mean onto destination nodes
    msgs = h[src]
    summed = jax.ops.segment_sum(msgs, dst, num_segments=N)
    cnt = jax.ops.segment_sum(jnp.ones((src.shape[0],), dtype=h.dtype), dst, num_segments=N)
    mean = summed / jnp.clip(cnt, 1.0)[:, None]
    # out = lin_l(aggregated) + lin_r(root)
    return mean @ Wl + b + h @ Wr


def reference(x, edge_index, W1l, b1, W1r, W2l, b2, W2r):
    src = edge_index[0]
    dst = edge_index[1]
    h = _sage_conv(x, src, dst, W1l, b1, W1r)
    h = jax.nn.relu(h)
    # dropout p=0.0 (eval / disabled) -> identity
    out = _sage_conv(h, src, dst, W2l, b2, W2r)
    return out

if __name__ == "__main__":
    import jax
    _d = setup_inputs()
    print(jax.jit(kernel)(*tuple(_d.values())))

</pallas_src>

<mosaic_0001>
#map = affine_map<(d0, d1) -> (0, 0, 0)>
#map1 = affine_map<(d0, d1) -> (0, 0)>
module attributes {stable_mosaic.version = 14 : i64} {
  func.func @body(%arg0: i32, %arg1: i32, %arg2: memref<2x10000x64xf32, #tpu.memory_space<hbm>>, %arg3: memref<2560x125xi32, #tpu.memory_space<hbm>>, %arg4: memref<2560x125xi32, #tpu.memory_space<hbm>>, %arg5: memref<10112x64xf32, #tpu.memory_space<hbm>>, %arg6: memref<2x10112x64xf32, #tpu.memory_space<hbm>>, %arg7: memref<2x16x125xi32, #tpu.memory_space<vmem>>, %arg8: memref<2x16x125xi32, #tpu.memory_space<vmem>>, %arg9: memref<125x64xf32, #tpu.memory_space<vmem>>, %arg10: memref<125x64xf32, #tpu.memory_space<vmem>>, %arg11: memref<125x64xf32, #tpu.memory_space<vmem>>, %arg12: memref<125x64xf32, #tpu.memory_space<vmem>>, %arg13: memref<!tpu.dma_semaphore, #tpu.memory_space<semaphore_mem>>, %arg14: memref<!tpu.dma_semaphore, #tpu.memory_space<semaphore_mem>>, %arg15: memref<!tpu.dma_semaphore, #tpu.memory_space<semaphore_mem>>, %arg16: memref<!tpu.dma_semaphore, #tpu.memory_space<semaphore_mem>>, %arg17: memref<!tpu.dma_semaphore, #tpu.memory_space<semaphore_mem>>, %arg18: memref<!tpu.dma_semaphore, #tpu.memory_space<semaphore_mem>>, %arg19: memref<!tpu.dma_semaphore, #tpu.memory_space<semaphore_mem>>, %arg20: memref<!tpu.dma_semaphore, #tpu.memory_space<semaphore_mem>>, %arg21: memref<!tpu.dma_semaphore, #tpu.memory_space<semaphore_mem>>, %arg22: memref<10112x64xf32, #tpu.memory_space<vmem_shared>>) attributes {dimension_semantics = [#tpu.dimension_semantics<core_parallel>, #tpu.dimension_semantics<subcore_parallel>], iteration_bounds = array<i64: 2, 16>, scalar_prefetch = 0 : i64, scratch_operands = 16 : i64, tpu.core_type = #tpu.core_type<sc_vector_subcore>, window_params = [{transform_indices = #map}, {transform_indices = #map1}, {transform_indices = #map1}, {transform_indices = #map1}, {transform_indices = #map}]} {
    %mul3A = arith.constant 160 : i32
    %mul3A_0 = arith.muli %arg1, %mul3A : i32
    %mul3A_1 = arith.constant 632 : i32
    %mul3A_2 = arith.muli %arg1, %mul3A_1 : i32
    "tpu.region"() ({
      %run_scoped3A_169 = tpu.sem_alloc : memref<!tpu.dma_semaphore, #tpu.memory_space<semaphore_mem>>
      %dma_start3A_170 = arith.constant 0 : i32
      %dma_start3A_171 = tpu.memref_slice %arg22[%mul3A_2, %dma_start3A_170] : memref<10112x64xf32, #tpu.memory_space<vmem_shared>> -> memref<632x64xf32, #tpu.memory_space<vmem_shared>>
      %dma_start3A_172 = arith.constant 0 : i32
      %dma_start3A_173 = tpu.memref_slice %arg5[%mul3A_2, %dma_start3A_172] : memref<10112x64xf32, #tpu.memory_space<hbm>> -> memref<632x64xf32, #tpu.memory_space<hbm>>
      tpu.enqueue_dma source(%dma_start3A_173 : memref<632x64xf32, #tpu.memory_space<hbm>>) target(%dma_start3A_171 : memref<632x64xf32, #tpu.memory_space<vmem_shared>>) target_semaphore(%run_scoped3A_169 : memref<!tpu.dma_semaphore, #tpu.memory_space<semaphore_mem>>)
      %dma_wait3A_174 = arith.constant 0 : i32
      %dma_wait3A_175 = tpu.memref_slice %arg22[%mul3A_2, %dma_wait3A_174] : memref<10112x64xf32, #tpu.memory_space<vmem_shared>> -> memref<632x64xf32, #tpu.memory_space<vmem_shared>>
      %dma_wait3A_176 = arith.constant 0 : i32
      %dma_wait3A_177 = tpu.memref_slice %arg5[%mul3A_2, %dma_wait3A_176] : memref<10112x64xf32, #tpu.memory_space<hbm>> -> memref<632x64xf32, #tpu.memory_space<hbm>>
      tpu.wait_dma2 semaphore(%run_scoped3A_169 : memref<!tpu.dma_semaphore, #tpu.memory_space<semaphore_mem>>) src(%dma_wait3A_177 : memref<632x64xf32, #tpu.memory_space<hbm>>) dst(%dma_wait3A_175 : memref<632x64xf32, #tpu.memory_space<vmem_shared>>)
      tpu.yield
    }) : () -> ()
    %barrier3A = arith.constant 0 : index
    tpu.barrier barrier_id(%barrier3A)
    %add3A = arith.constant 0 : i32
    %add3A_3 = arith.addi %mul3A_0, %add3A : i32
    %run_scoped3A = arith.constant 0 : i32
    "tpu.region"() ({
      %run_scoped3A_169 = tpu.sem_alloc : memref<!tpu.dma_semaphore, #tpu.memory_space<semaphore_mem>>
      %dma_start3A_170 = arith.constant 0 : i32
      %dma_start3A_171 = arith.constant 0 : i32
      %dma_start3A_172 = tpu.memref_slice %arg7[%run_scoped3A, %dma_start3A_170, %dma_start3A_171] : memref<2x16x125xi32, #tpu.memory_space<vmem>> -> memref<1x16x125xi32, #tpu.memory_space<vmem>>
      %dma_start3A_173 = tpu.memref_squeeze %dma_start3A_172 : memref<1x16x125xi32, #tpu.memory_space<vmem>> -> memref<16x125xi32, #tpu.memory_space<vmem>>
      %dma_start3A_174 = arith.constant 0 : i32
      %dma_start3A_175 = tpu.memref_slice %arg3[%add3A_3, %dma_start3A_174] : memref<2560x125xi32, #tpu.memory_space<hbm>> -> memref<16x125xi32, #tpu.memory_space<hbm>>
      %dma_start3A_176 = arith.constant 0 : i32
      %dma_start3A_177 = arith.constant 0 : i32
      %dma_start3A_178 = tpu.memref_slice %arg7[%run_scoped3A, %dma_start3A_176, %dma_start3A_177] : memref<2x16x125xi32, #tpu.memory_space<vmem>> -> memref<1x16x125xi32, #tpu.memory_space<vmem>>
      %dma_start3A_179 = tpu.memref_squeeze %dma_start3A_178 : memref<1x16x125xi32, #tpu.memory_space<vmem>> -> memref<16x125xi32, #tpu.memory_space<vmem>>
      %dma_start3A_180 = arith.constant 0 : i32
      %dma_start3A_181 = tpu.memref_slice %arg3[%add3A_3, %dma_start3A_180] : memref<2560x125xi32, #tpu.memory_space<hbm>> -> memref<16x125xi32, #tpu.memory_space<hbm>>
      tpu.enqueue_dma source(%dma_start3A_181 : memref<16x125xi32, #tpu.memory_space<hbm>>) target(%dma_start3A_179 : memref<16x125xi32, #tpu.memory_space<vmem>>) target_semaphore(%run_scoped3A_169 : memref<!tpu.dma_semaphore, #tpu.memory_space<semaphore_mem>>)
      %dma_wait3A_182 = arith.constant 0 : i32
      %dma_wait3A_183 = arith.constant 0 : i32
      %dma_wait3A_184 = tpu.memref_slice %arg7[%run_scoped3A, %dma_wait3A_182, %dma_wait3A_183] : memref<2x16x125xi32, #tpu.memory_space<vmem>> -> memref<1x16x125xi32, #tpu.memory_space<vmem>>
      %dma_wait3A_185 = tpu.memref_squeeze %dma_wait3A_184 : memref<1x16x125xi32, #tpu.memory_space<vmem>> -> memref<16x125xi32, #tpu.memory_space<vmem>>
      %dma_wait3A_186 = arith.constant 0 : i32
      %dma_wait3A_187 = tpu.memref_slice %arg3[%add3A_3, %dma_wait3A_186] : memref<2560x125xi32, #tpu.memory_space<hbm>> -> memref<16x125xi32, #tpu.memory_space<hbm>>
      %dma_wait3A_188 = arith.constant 0 : i32
      %dma_wait3A_189 = arith.constant 0 : i32
      %dma_wait3A_190 = tpu.memref_slice %arg7[%run_scoped3A, %dma_wait3A_188, %dma_wait3A_189] : memref<2x16x125xi32, #tpu.memory_space<vmem>> -> memref<1x16x125xi32, #tpu.memory_space<vmem>>
      %dma_wait3A_191 = tpu.memref_squeeze %dma_wait3A_190 : memref<1x16x125xi32, #tpu.memory_space<vmem>> -> memref<16x125xi32, #tpu.memory_space<vmem>>
      %dma_wait3A_192 = arith.constant 0 : i32
      %dma_wait3A_193 = tpu.memref_slice %arg3[%add3A_3, %dma_wait3A_192] : memref<2560x125xi32, #tpu.memory_space<hbm>> -> memref<16x125xi32, #tpu.memory_space<hbm>>
      tpu.wait_dma2 semaphore(%run_scoped3A_169 : memref<!tpu.dma_semaphore, #tpu.memory_space<semaphore_mem>>) src(%dma_wait3A_193 : memref<16x125xi32, #tpu.memory_space<hbm>>) dst(%dma_wait3A_191 : memref<16x125xi32, #tpu.memory_space<vmem>>)
      tpu.yield
    }) : () -> ()
    %run_scoped3A_4 = arith.constant 0 : i32
    "tpu.region"() ({
      %run_scoped3A_169 = tpu.sem_alloc : memref<!tpu.dma_semaphore, #tpu.memory_space<semaphore_mem>>
      %dma_start3A_170 = arith.constant 0 : i32
      %dma_start3A_171 = arith.constant 0 : i32
      %dma_start3A_172 = tpu.memref_slice %arg8[%run_scoped3A_4, %dma_start3A_170, %dma_start3A_171] : memref<2x16x125xi32, #tpu.memory_space<vmem>> -> memref<1x16x125xi32, #tpu.memory_space<vmem>>
      %dma_start3A_173 = tpu.memref_squeeze %dma_start3A_172 : memref<1x16x125xi32, #tpu.memory_space<vmem>> -> memref<16x125xi32, #tpu.memory_space<vmem>>
      %dma_start3A_174 = arith.constant 0 : i32
      %dma_start3A_175 = tpu.memref_slice %arg4[%add3A_3, %dma_start3A_174] : memref<2560x125xi32, #tpu.memory_space<hbm>> -> memref<16x125xi32, #tpu.memory_space<hbm>>
      %dma_start3A_176 = arith.constant 0 : i32
      %dma_start3A_177 = arith.constant 0 : i32
      %dma_start3A_178 = tpu.memref_slice %arg8[%run_scoped3A_4, %dma_start3A_176, %dma_start3A_177] : memref<2x16x125xi32, #tpu.memory_space<vmem>> -> memref<1x16x125xi32, #tpu.memory_space<vmem>>
      %dma_start3A_179 = tpu.memref_squeeze %dma_start3A_178 : memref<1x16x125xi32, #tpu.memory_space<vmem>> -> memref<16x125xi32, #tpu.memory_space<vmem>>
      %dma_start3A_180 = arith.constant 0 : i32
      %dma_start3A_181 = tpu.memref_slice %arg4[%add3A_3, %dma_start3A_180] : memref<2560x125xi32, #tpu.memory_space<hbm>> -> memref<16x125xi32, #tpu.memory_space<hbm>>
      tpu.enqueue_dma source(%dma_start3A_181 : memref<16x125xi32, #tpu.memory_space<hbm>>) target(%dma_start3A_179 : memref<16x125xi32, #tpu.memory_space<vmem>>) target_semaphore(%run_scoped3A_169 : memref<!tpu.dma_semaphore, #tpu.memory_space<semaphore_mem>>)
      %dma_wait3A_182 = arith.constant 0 : i32
      %dma_wait3A_183 = arith.constant 0 : i32
      %dma_wait3A_184 = tpu.memref_slice %arg8[%run_scoped3A_4, %dma_wait3A_182, %dma_wait3A_183] : memref<2x16x125xi32, #tpu.memory_space<vmem>> -> memref<1x16x125xi32, #tpu.memory_space<vmem>>
      %dma_wait3A_185 = tpu.memref_squeeze %dma_wait3A_184 : memref<1x16x125xi32, #tpu.memory_space<vmem>> -> memref<16x125xi32, #tpu.memory_space<vmem>>
      %dma_wait3A_186 = arith.constant 0 : i32
      %dma_wait3A_187 = tpu.memref_slice %arg4[%add3A_3, %dma_wait3A_186] : memref<2560x125xi32, #tpu.memory_space<hbm>> -> memref<16x125xi32, #tpu.memory_space<hbm>>
      %dma_wait3A_188 = arith.constant 0 : i32
      %dma_wait3A_189 = arith.constant 0 : i32
      %dma_wait3A_190 = tpu.memref_slice %arg8[%run_scoped3A_4, %dma_wait3A_188, %dma_wait3A_189] : memref<2x16x125xi32, #tpu.memory_space<vmem>> -> memref<1x16x125xi32, #tpu.memory_space<vmem>>
      %dma_wait3A_191 = tpu.memref_squeeze %dma_wait3A_190 : memref<1x16x125xi32, #tpu.memory_space<vmem>> -> memref<16x125xi32, #tpu.memory_space<vmem>>
      %dma_wait3A_192 = arith.constant 0 : i32
      %dma_wait3A_193 = tpu.memref_slice %arg4[%add3A_3, %dma_wait3A_192] : memref<2560x125xi32, #tpu.memory_space<hbm>> -> memref<16x125xi32, #tpu.memory_space<hbm>>
      tpu.wait_dma2 semaphore(%run_scoped3A_169 : memref<!tpu.dma_semaphore, #tpu.memory_space<semaphore_mem>>) src(%dma_wait3A_193 : memref<16x125xi32, #tpu.memory_space<hbm>>) dst(%dma_wait3A_191 : memref<16x125xi32, #tpu.memory_space<vmem>>)
      tpu.yield
    }) : () -> ()
    %dma_start3A = arith.constant 0 : i32
    %dma_start3A_5 = arith.constant 0 : i32
    %dma_start3A_6 = arith.constant 0 : i32
    %dma_start3A_7 = tpu.memref_slice %arg7[%dma_start3A, %dma_start3A_5, %dma_start3A_6] : memref<2x16x125xi32, #tpu.memory_space<vmem>> -> memref<1x1x125xi32, #tpu.memory_space<vmem>>
    %dma_start3A_8 = tpu.memref_squeeze %dma_start3A_7 : memref<1x1x125xi32, #tpu.memory_space<vmem>> -> memref<125xi32, #tpu.memory_space<vmem>>
    %dma_start3A_9 = arith.constant 0 : i32
    %dma_start3A_10 = arith.constant 0 : i32
    %dma_start3A_11 = tpu.memref_slice %arg2[%arg0, %dma_start3A_9, %dma_start3A_10] : memref<2x10000x64xf32, #tpu.memory_space<hbm>> -> memref<1x10000x64xf32, #tpu.memory_space<hbm>>
    %dma_start3A_12 = tpu.memref_squeeze %dma_start3A_11 : memref<1x10000x64xf32, #tpu.memory_space<hbm>> -> memref<10000x64xf32, #tpu.memory_space<hbm>>
    %dma_start3A_13 = arith.constant 0 : i32
    %dma_start3A_14 = arith.constant 0 : i32
    %dma_start3A_15 = tpu.memref_slice %dma_start3A_12[%dma_start3A_13, %dma_start3A_14] : memref<10000x64xf32, #tpu.memory_space<hbm>> -> memref<10000x64xf32, #tpu.memory_space<hbm>>
    tpu.enqueue_indirect_dma source(%dma_start3A_15 : memref<10000x64xf32, #tpu.memory_space<hbm>>) target(%arg9 : memref<125x64xf32, #tpu.memory_space<vmem>>) offsets(%dma_start3A_8 : memref<125xi32, #tpu.memory_space<vmem>>) semaphore(%arg13 : memref<!tpu.dma_semaphore, #tpu.memory_space<semaphore_mem>>)
    %dma_start3A_16 = arith.constant 0 : i32
    %dma_start3A_17 = arith.constant 1 : i32
    %dma_start3A_18 = arith.constant 0 : i32
    %dma_start3A_19 = tpu.memref_slice %arg7[%dma_start3A_16, %dma_start3A_17, %dma_start3A_18] : memref<2x16x125xi32, #tpu.memory_space<vmem>> -> memref<1x1x125xi32, #tpu.memory_space<vmem>>
    %dma_start3A_20 = tpu.memref_squeeze %dma_start3A_19 : memref<1x1x125xi32, #tpu.memory_space<vmem>> -> memref<125xi32, #tpu.memory_space<vmem>>
    %dma_start3A_21 = arith.constant 0 : i32
    %dma_start3A_22 = arith.constant 0 : i32
    %dma_start3A_23 = tpu.memref_slice %arg2[%arg0, %dma_start3A_21, %dma_start3A_22] : memref<2x10000x64xf32, #tpu.memory_space<hbm>> -> memref<1x10000x64xf32, #tpu.memory_space<hbm>>
    %dma_start3A_24 = tpu.memref_squeeze %dma_start3A_23 : memref<1x10000x64xf32, #tpu.memory_space<hbm>> -> memref<10000x64xf32, #tpu.memory_space<hbm>>
    %dma_start3A_25 = arith.constant 0 : i32
    %dma_start3A_26 = arith.constant 0 : i32
    %dma_start3A_27 = tpu.memref_slice %dma_start3A_24[%dma_start3A_25, %dma_start3A_26] : memref<10000x64xf32, #tpu.memory_space<hbm>> -> memref<10000x64xf32, #tpu.memory_space<hbm>>
    tpu.enqueue_indirect_dma source(%dma_start3A_27 : memref<10000x64xf32, #tpu.memory_space<hbm>>) target(%arg10 : memref<125x64xf32, #tpu.memory_space<vmem>>) offsets(%dma_start3A_20 : memref<125xi32, #tpu.memory_space<vmem>>) semaphore(%arg14 : memref<!tpu.dma_semaphore, #tpu.memory_space<semaphore_mem>>)
    %dma_wait3A = arith.constant 0 : i32
    %dma_wait3A_28 = arith.constant 0 : i32
    %dma_wait3A_29 = arith.constant 0 : i32
    %dma_wait3A_30 = tpu.memref_slice %arg7[%dma_wait3A, %dma_wait3A_28, %dma_wait3A_29] : memref<2x16x125xi32, #tpu.memory_space<vmem>> -> memref<1x1x125xi32, #tpu.memory_space<vmem>>
    %dma_wait3A_31 = tpu.memref_squeeze %dma_wait3A_30 : memref<1x1x125xi32, #tpu.memory_space<vmem>> -> memref<125xi32, #tpu.memory_space<vmem>>
    %dma_wait3A_32 = arith.constant 0 : i32
    %dma_wait3A_33 = arith.constant 0 : i32
    %dma_wait3A_34 = tpu.memref_slice %arg2[%arg0, %dma_wait3A_32, %dma_wait3A_33] : memref<2x10000x64xf32, #tpu.memory_space<hbm>> -> memref<1x10000x64xf32, #tpu.memory_space<hbm>>
    %dma_wait3A_35 = tpu.memref_squeeze %dma_wait3A_34 : memref<1x10000x64xf32, #tpu.memory_space<hbm>> -> memref<10000x64xf32, #tpu.memory_space<hbm>>
    %dma_wait3A_36 = arith.constant 0 : i32
    %dma_wait3A_37 = arith.constant 0 : i32
    %dma_wait3A_38 = tpu.memref_slice %dma_wait3A_35[%dma_wait3A_36, %dma_wait3A_37] : memref<10000x64xf32, #tpu.memory_space<hbm>> -> memref<10000x64xf32, #tpu.memory_space<hbm>>
    tpu.wait_indirect_dma semaphore(%arg13 : memref<!tpu.dma_semaphore, #tpu.memory_space<semaphore_mem>>) src(%dma_wait3A_38 : memref<10000x64xf32, #tpu.memory_space<hbm>>) dst(%arg9 : memref<125x64xf32, #tpu.memory_space<vmem>>)
    %dma_start3A_39 = arith.constant 0 : i32
    %dma_start3A_40 = arith.constant 0 : i32
    %dma_start3A_41 = arith.constant 0 : i32
    %dma_start3A_42 = tpu.memref_slice %arg8[%dma_start3A_39, %dma_start3A_40, %dma_start3A_41] : memref<2x16x125xi32, #tpu.memory_space<vmem>> -> memref<1x1x125xi32, #tpu.memory_space<vmem>>
    %dma_start3A_43 = tpu.memref_squeeze %dma_start3A_42 : memref<1x1x125xi32, #tpu.memory_space<vmem>> -> memref<125xi32, #tpu.memory_space<vmem>>
    %dma_start3A_44 = arith.constant 0 : i32
    %dma_start3A_45 = arith.constant 0 : i32
    %dma_start3A_46 = tpu.memref_slice %arg22[%dma_start3A_44, %dma_start3A_45] : memref<10112x64xf32, #tpu.memory_space<vmem_shared>> -> memref<10112x64xf32, #tpu.memory_space<vmem_shared>>
    tpu.enqueue_indirect_dma source(%arg9 : memref<125x64xf32, #tpu.memory_space<vmem>>) target(%dma_start3A_46 : memref<10112x64xf32, #tpu.memory_space<vmem_shared>>) offsets(%dma_start3A_43 : memref<125xi32, #tpu.memory_space<vmem>>) semaphore(%arg17 : memref<!tpu.dma_semaphore, #tpu.memory_space<semaphore_mem>>) {add = true}
    %dma_start3A_47 = arith.constant 0 : i32
    %dma_start3A_48 = arith.constant 2 : i32
    %dma_start3A_49 = arith.constant 0 : i32
    %dma_start3A_50 = tpu.memref_slice %arg7[%dma_start3A_47, %dma_start3A_48, %dma_start3A_49] : memref<2x16x125xi32, #tpu.memory_space<vmem>> -> memref<1x1x125xi32, #tpu.memory_space<vmem>>
    %dma_start3A_51 = tpu.memref_squeeze %dma_start3A_50 : memref<1x1x125xi32, #tpu.memory_space<vmem>> -> memref<125xi32, #tpu.memory_space<vmem>>
    %dma_start3A_52 = arith.constant 0 : i32
    %dma_start3A_53 = arith.constant 0 : i32
    %dma_start3A_54 = tpu.memref_slice %arg2[%arg0, %dma_start3A_52, %dma_start3A_53] : memref<2x10000x64xf32, #tpu.memory_space<hbm>> -> memref<1x10000x64xf32, #tpu.memory_space<hbm>>
    %dma_start3A_55 = tpu.memref_squeeze %dma_start3A_54 : memref<1x10000x64xf32, #tpu.memory_space<hbm>> -> memref<10000x64xf32, #tpu.memory_space<hbm>>
    %dma_start3A_56 = arith.constant 0 : i32
    %dma_start3A_57 = arith.constant 0 : i32
    %dma_start3A_58 = tpu.memref_slice %dma_start3A_55[%dma_start3A_56, %dma_start3A_57] : memref<10000x64xf32, #tpu.memory_space<hbm>> -> memref<10000x64xf32, #tpu.memory_space<hbm>>
    tpu.enqueue_indirect_dma source(%dma_start3A_58 : memref<10000x64xf32, #tpu.memory_space<hbm>>) target(%arg11 : memref<125x64xf32, #tpu.memory_space<vmem>>) offsets(%dma_start3A_51 : memref<125xi32, #tpu.memory_space<vmem>>) semaphore(%arg15 : memref<!tpu.dma_semaphore, #tpu.memory_space<semaphore_mem>>)
    %dma_wait3A_59 = arith.constant 0 : i32
    %dma_wait3A_60 = arith.constant 1 : i32
    %dma_wait3A_61 = arith.constant 0 : i32
    %dma_wait3A_62 = tpu.memref_slice %arg7[%dma_wait3A_59, %dma_wait3A_60, %dma_wait3A_61] : memref<2x16x125xi32, #tpu.memory_space<vmem>> -> memref<1x1x125xi32, #tpu.memory_space<vmem>>
    %dma_wait3A_63 = tpu.memref_squeeze %dma_wait3A_62 : memref<1x1x125xi32, #tpu.memory_space<vmem>> -> memref<125xi32, #tpu.memory_space<vmem>>
    %dma_wait3A_64 = arith.constant 0 : i32
    %dma_wait3A_65 = arith.constant 0 : i32
    %dma_wait3A_66 = tpu.memref_slice %arg2[%arg0, %dma_wait3A_64, %dma_wait3A_65] : memref<2x10000x64xf32, #tpu.memory_space<hbm>> -> memref<1x10000x64xf32, #tpu.memory_space<hbm>>
    %dma_wait3A_67 = tpu.memref_squeeze %dma_wait3A_66 : memref<1x10000x64xf32, #tpu.memory_space<hbm>> -> memref<10000x64xf32, #tpu.memory_space<hbm>>
    %dma_wait3A_68 = arith.constant 0 : i32
    %dma_wait3A_69 = arith.constant 0 : i32
    %dma_wait3A_70 = tpu.memref_slice %dma_wait3A_67[%dma_wait3A_68, %dma_wait3A_69] : memref<10000x64xf32, #tpu.memory_space<hbm>> -> memref<10000x64xf32, #tpu.memory_space<hbm>>
    tpu.wait_indirect_dma semaphore(%arg14 : memref<!tpu.dma_semaphore, #tpu.memory_space<semaphore_mem>>) src(%dma_wait3A_70 : memref<10000x64xf32, #tpu.memory_space<hbm>>) dst(%arg10 : memref<125x64xf32, #tpu.memory_space<vmem>>)
    %dma_start3A_71 = arith.constant 0 : i32
    %dma_start3A_72 = arith.constant 1 : i32
    %dma_start3A_73 = arith.constant 0 : i32
    %dma_start3A_74 = tpu.memref_slice %arg8[%dma_start3A_71, %dma_start3A_72, %dma_start3A_73] : memref<2x16x125xi32, #tpu.memory_space<vmem>> -> memref<1x1x125xi32, #tpu.memory_space<vmem>>
    %dma_start3A_75 = tpu.memref_squeeze %dma_start3A_74 : memref<1x1x125xi32, #tpu.memory_space<vmem>> -> memref<125xi32, #tpu.memory_space<vmem>>
    %dma_start3A_76 = arith.constant 0 : i32
    %dma_start3A_77 = arith.constant 0 : i32
    %dma_start3A_78 = tpu.memref_slice %arg22[%dma_start3A_76, %dma_start3A_77] : memref<10112x64xf32, #tpu.memory_space<vmem_shared>> -> memref<10112x64xf32, #tpu.memory_space<vmem_shared>>
    tpu.enqueue_indirect_dma source(%arg10 : memref<125x64xf32, #tpu.memory_space<vmem>>) target(%dma_start3A_78 : memref<10112x64xf32, #tpu.memory_space<vmem_shared>>) offsets(%dma_start3A_75 : memref<125xi32, #tpu.memory_space<vmem>>) semaphore(%arg18 : memref<!tpu.dma_semaphore, #tpu.memory_space<semaphore_mem>>) {add = true}
    %dma_start3A_79 = arith.constant 0 : i32
    %dma_start3A_80 = arith.constant 3 : i32
    %dma_start3A_81 = arith.constant 0 : i32
    %dma_start3A_82 = tpu.memref_slice %arg7[%dma_start3A_79, %dma_start3A_80, %dma_start3A_81] : memref<2x16x125xi32, #tpu.memory_space<vmem>> -> memref<1x1x125xi32, #tpu.memory_space<vmem>>
    %dma_start3A_83 = tpu.memref_squeeze %dma_start3A_82 : memref<1x1x125xi32, #tpu.memory_space<vmem>> -> memref<125xi32, #tpu.memory_space<vmem>>
    %dma_start3A_84 = arith.constant 0 : i32
    %dma_start3A_85 = arith.constant 0 : i32
    %dma_start3A_86 = tpu.memref_slice %arg2[%arg0, %dma_start3A_84, %dma_start3A_85] : memref<2x10000x64xf32, #tpu.memory_space<hbm>> -> memref<1x10000x64xf32, #tpu.memory_space<hbm>>
    %dma_start3A_87 = tpu.memref_squeeze %dma_start3A_86 : memref<1x10000x64xf32, #tpu.memory_space<hbm>> -> memref<10000x64xf32, #tpu.memory_space<hbm>>
    %dma_start3A_88 = arith.constant 0 : i32
    %dma_start3A_89 = arith.constant 0 : i32
    %dma_start3A_90 = tpu.memref_slice %dma_start3A_87[%dma_start3A_88, %dma_start3A_89] : memref<10000x64xf32, #tpu.memory_space<hbm>> -> memref<10000x64xf32, #tpu.memory_space<hbm>>
    tpu.enqueue_indirect_dma source(%dma_start3A_90 : memref<10000x64xf32, #tpu.memory_space<hbm>>) target(%arg12 : memref<125x64xf32, #tpu.memory_space<vmem>>) offsets(%dma_start3A_83 : memref<125xi32, #tpu.memory_space<vmem>>) semaphore(%arg16 : memref<!tpu.dma_semaphore, #tpu.memory_space<semaphore_mem>>)
    %scan3A = arith.constant 0 : i32
    %scan3A_91 = arith.constant 0 : i32
    %scan3A_92 = arith.constant 39 : i32
    %scan3A_93 = arith.addi %scan3A_91, %scan3A_92 : i32
    %scan3A_94 = arith.constant 1 : i32
    scf.for %scan3A_169 = %scan3A_91 to %scan3A_93 step %scan3A_94  : i32 {
      %mul3A_170 = arith.constant 4 : i32
      %mul3A_171 = arith.muli %mul3A_170, %scan3A_169 : i32
      %add3A_172 = arith.constant 4 : i32
      %add3A_173 = arith.addi %mul3A_171, %add3A_172 : i32
      %jit3A = arith.constant 16 : i32
      %div3A = arith.divsi %add3A_173, %jit3A : i32
      %sign3A = arith.constant 0 : i32
      %sign3A_174 = arith.cmpi sgt, %add3A_173, %sign3A : i32
      %sign3A_175 = arith.extui %sign3A_174 : i1 to i32
      %sign3A_176 = arith.constant 0 : i32
      %sign3A_177 = arith.cmpi slt, %add3A_173, %sign3A_176 : i32
      %sign3A_178 = arith.extui %sign3A_177 : i1 to i32
      %sign3A_179 = arith.subi %sign3A_175, %sign3A_178 : i32
      %sign3A_180 = arith.constant 0 : i32
      %sign3A_181 = arith.cmpi sgt, %jit3A, %sign3A_180 : i32
      %sign3A_182 = arith.extui %sign3A_181 : i1 to i32
      %sign3A_183 = arith.constant 0 : i32
      %sign3A_184 = arith.cmpi slt, %jit3A, %sign3A_183 : i32
      %sign3A_185 = arith.extui %sign3A_184 : i1 to i32
      %sign3A_186 = arith.subi %sign3A_182, %sign3A_185 : i32
      %ne3A = arith.cmpi ne, %sign3A_179, %sign3A_186 : i32
      %rem3A = arith.remsi %add3A_173, %jit3A : i32
      %ne3A_187 = arith.constant 0 : i32
      %ne3A_188 = arith.cmpi ne, %rem3A, %ne3A_187 : i32
      %and3A = arith.andi %ne3A, %ne3A_188 : i1
      %sub3A = arith.constant 1 : i32
      %sub3A_189 = arith.subi %div3A, %sub3A : i32
      %select_n3A = arith.select %and3A, %sub3A_189, %div3A : i32
      %jit3A_190 = arith.constant 16 : i32
      %eq3A = arith.constant 0 : i32
      %eq3A_191 = arith.cmpi eq, %jit3A_190, %eq3A : i32
      %jit3A_192 = arith.constant 1 : i32
      %select_n3A_193 = arith.select %eq3A_191, %jit3A_192, %jit3A_190 : i32
      %rem3A_194 = arith.remsi %add3A_173, %select_n3A_193 : i32
      %ne3A_195 = arith.constant 0 : i32
      %ne3A_196 = arith.cmpi ne, %rem3A_194, %ne3A_195 : i32
      %lt3A = arith.constant 0 : i32
      %lt3A_197 = arith.cmpi slt, %rem3A_194, %lt3A : i32
      %lt3A_198 = arith.constant 0 : i32
      %lt3A_199 = arith.cmpi slt, %select_n3A_193, %lt3A_198 : i32
      %ne3A_200 = arith.xori %lt3A_197, %lt3A_199 : i1
      %and3A_201 = arith.andi %ne3A_200, %ne3A_196 : i1
      %add3A_202 = arith.addi %rem3A_194, %select_n3A_193 : i32
      %select_n3A_203 = arith.select %and3A_201, %add3A_202, %rem3A_194 : i32
      %eq3A_204 = arith.constant 0 : i32
      %eq3A_205 = arith.cmpi eq, %select_n3A_203, %eq3A_204 : i32
      %convert_element_type3A = arith.extui %eq3A_205 : i1 to i32
      %cond3A = arith.constant 0 : i32
      %cond3A_206 = arith.cmpi ne, %convert_element_type3A, %cond3A : i32
      scf.if %cond3A_206 {
        %mul3A_1289 = arith.constant 16 : i32
        %mul3A_1290 = arith.muli %select_n3A, %mul3A_1289 : i32
        %add3A_1291 = arith.addi %mul3A_0, %mul3A_1290 : i32
        %jit3A_1292 = arith.constant 2 : i32
        %eq3A_1293 = arith.constant 0 : i32
        %eq3A_1294 = arith.cmpi eq, %jit3A_1292, %eq3A_1293 : i32
        %jit3A_1295 = arith.constant 1 : i32
        %select_n3A_1296 = arith.select %eq3A_1294, %jit3A_1295, %jit3A_1292 : i32
        %rem3A_1297 = arith.remsi %select_n3A, %select_n3A_1296 : i32
        %ne3A_1298 = arith.constant 0 : i32
        %ne3A_1299 = arith.cmpi ne, %rem3A_1297, %ne3A_1298 : i32
        %lt3A_1300 = arith.constant 0 : i32
        %lt3A_1301 = arith.cmpi slt, %rem3A_1297, %lt3A_1300 : i32
        %lt3A_1302 = arith.constant 0 : i32
        %lt3A_1303 = arith.cmpi slt, %select_n3A_1296, %lt3A_1302 : i32
        %ne3A_1304 = arith.xori %lt3A_1301, %lt3A_1303 : i1
        %and3A_1305 = arith.andi %ne3A_1304, %ne3A_1299 : i1
        %add3A_1306 = arith.addi %rem3A_1297, %select_n3A_1296 : i32
        %select_n3A_1307 = arith.select %and3A_1305, %add3A_1306, %rem3A_1297 : i32
        %dma_wait3A_1308 = arith.constant 0 : i32
        %dma_wait3A_1309 = arith.constant 0 : i32
        %dma_wait3A_1310 = tpu.memref_slice %arg7[%select_n3A_1307, %dma_wait3A_1308, %dma_wait3A_1309] : memref<2x16x125xi32, #tpu.memory_space<vmem>> -> memref<1x16x125xi32, #tpu.memory_space<vmem>>
        %dma_wait3A_1311 = tpu.memref_squeeze %dma_wait3A_1310 : memref<1x16x125xi32, #tpu.memory_space<vmem>> -> memref<16x125xi32, #tpu.memory_space<vmem>>
        %dma_wait3A_1312 = arith.constant 0 : i32
        %dma_wait3A_1313 = tpu.memref_slice %arg3[%add3A_1291, %dma_wait3A_1312] : memref<2560x125xi32, #tpu.memory_space<hbm>> -> memref<16x125xi32, #tpu.memory_space<hbm>>
        %dma_wait3A_1314 = arith.constant 0 : i32
        %dma_wait3A_1315 = arith.constant 0 : i32
        %dma_wait3A_1316 = tpu.memref_slice %arg7[%select_n3A_1307, %dma_wait3A_1314, %dma_wait3A_1315] : memref<2x16x125xi32, #tpu.memory_space<vmem>> -> memref<1x16x125xi32, #tpu.memory_space<vmem>>
        %dma_wait3A_1317 = tpu.memref_squeeze %dma_wait3A_1316 : memref<1x16x125xi32, #tpu.memory_space<vmem>> -> memref<16x125xi32, #tpu.memory_space<vmem>>
        %dma_wait3A_1318 = arith.constant 0 : i32
        %dma_wait3A_1319 = tpu.memref_slice %arg3[%add3A_1291, %dma_wait3A_1318] : memref<2560x125xi32, #tpu.memory_space<hbm>> -> memref<16x125xi32, #tpu.memory_space<hbm>>
        tpu.wait_dma2 semaphore(%arg21 : memref<!tpu.dma_semaphore, #tpu.memory_space<semaphore_mem>>) src(%dma_wait3A_1319 : memref<16x125xi32, #tpu.memory_space<hbm>>) dst(%dma_wait3A_1317 : memref<16x125xi32, #tpu.memory_space<vmem>>)
        %dma_wait3A_1320 = arith.constant 0 : i32
        %dma_wait3A_1321 = arith.constant 0 : i32
        %dma_wait3A_1322 = tpu.memref_slice %arg8[%select_n3A_1307, %dma_wait3A_1320, %dma_wait3A_1321] : memref<2x16x125xi32, #tpu.memory_space<vmem>> -> memref<1x16x125xi32, #tpu.memory_space<vmem>>
        %dma_wait3A_1323 = tpu.memref_squeeze %dma_wait3A_1322 : memref<1x16x125xi32, #tpu.memory_space<vmem>> -> memref<16x125xi32, #tpu.memory_space<vmem>>
        %dma_wait3A_1324 = arith.constant 0 : i32
        %dma_wait3A_1325 = tpu.memref_slice %arg4[%add3A_1291, %dma_wait3A_1324] : memref<2560x125xi32, #tpu.memory_space<hbm>> -> memref<16x125xi32, #tpu.memory_space<hbm>>
        %dma_wait3A_1326 = arith.constant 0 : i32
        %dma_wait3A_1327 = arith.constant 0 : i32
        %dma_wait3A_1328 = tpu.memref_slice %arg8[%select_n3A_1307, %dma_wait3A_1326, %dma_wait3A_1327] : memref<2x16x125xi32, #tpu.memory_space<vmem>> -> memref<1x16x125xi32, #tpu.memory_space<vmem>>
        %dma_wait3A_1329 = tpu.memref_squeeze %dma_wait3A_1328 : memref<1x16x125xi32, #tpu.memory_space<vmem>> -> memref<16x125xi32, #tpu.memory_space<vmem>>
        %dma_wait3A_1330 = arith.constant 0 : i32
        %dma_wait3A_1331 = tpu.memref_slice %arg4[%add3A_1291, %dma_wait3A_1330] : memref<2560x125xi32, #tpu.memory_space<hbm>> -> memref<16x125xi32, #tpu.memory_space<hbm>>
        tpu.wait_dma2 semaphore(%arg21 : memref<!tpu.dma_semaphore, #tpu.memory_space<semaphore_mem>>) src(%dma_wait3A_1331 : memref<16x125xi32, #tpu.memory_space<hbm>>) dst(%dma_wait3A_1329 : memref<16x125xi32, #tpu.memory_space<vmem>>)
      } else {
      }
      %jit3A_207 = arith.constant 16 : i32
      %eq3A_208 = arith.constant 0 : i32
      %eq3A_209 = arith.cmpi eq, %jit3A_207, %eq3A_208 : i32
      %jit3A_210 = arith.constant 1 : i32
      %select_n3A_211 = arith.select %eq3A_209, %jit3A_210, %jit3A_207 : i32
      %rem3A_212 = arith.remsi %add3A_173, %select_n3A_211 : i32
      %ne3A_213 = arith.constant 0 : i32
      %ne3A_214 = arith.cmpi ne, %rem3A_212, %ne3A_213 : i32
      %lt3A_215 = arith.constant 0 : i32
      %lt3A_216 = arith.cmpi slt, %rem3A_212, %lt3A_215 : i32
      %lt3A_217 = arith.constant 0 : i32
      %lt3A_218 = arith.cmpi slt, %select_n3A_211, %lt3A_217 : i32
      %ne3A_219 = arith.xori %lt3A_216, %lt3A_218 : i1
      %and3A_220 = arith.andi %ne3A_219, %ne3A_214 : i1
      %add3A_221 = arith.addi %rem3A_212, %select_n3A_211 : i32
      %select_n3A_222 = arith.select %and3A_220, %add3A_221, %rem3A_212 : i32
      %eq3A_223 = arith.constant 4 : i32
      %eq3A_224 = arith.cmpi eq, %select_n3A_222, %eq3A_223 : i32
      %add3A_225 = arith.constant 1 : i32
      %add3A_226 = arith.addi %select_n3A, %add3A_225 : i32
      %lt3A_227 = arith.constant 10 : i32
      %lt3A_228 = arith.cmpi slt, %add3A_226, %lt3A_227 : i32
      %and3A_229 = arith.andi %eq3A_224, %lt3A_228 : i1
      %convert_element_type3A_230 = arith.extui %and3A_229 : i1 to i32
      %cond3A_231 = arith.constant 0 : i32
      %cond3A_232 = arith.cmpi ne, %convert_element_type3A_230, %cond3A_231 : i32
      scf.if %cond3A_232 {
        %add3A_1289 = arith.constant 1 : i32
        %add3A_1290 = arith.addi %select_n3A, %add3A_1289 : i32
        %mul3A_1291 = arith.constant 16 : i32
        %mul3A_1292 = arith.muli %add3A_1290, %mul3A_1291 : i32
        %add3A_1293 = arith.addi %mul3A_0, %mul3A_1292 : i32
        %jit3A_1294 = arith.constant 2 : i32
        %eq3A_1295 = arith.constant 0 : i32
        %eq3A_1296 = arith.cmpi eq, %jit3A_1294, %eq3A_1295 : i32
        %jit3A_1297 = arith.constant 1 : i32
        %select_n3A_1298 = arith.select %eq3A_1296, %jit3A_1297, %jit3A_1294 : i32
        %rem3A_1299 = arith.remsi %add3A_1290, %select_n3A_1298 : i32
        %ne3A_1300 = arith.constant 0 : i32
        %ne3A_1301 = arith.cmpi ne, %rem3A_1299, %ne3A_1300 : i32
        %lt3A_1302 = arith.constant 0 : i32
        %lt3A_1303 = arith.cmpi slt, %rem3A_1299, %lt3A_1302 : i32
        %lt3A_1304 = arith.constant 0 : i32
        %lt3A_1305 = arith.cmpi slt, %select_n3A_1298, %lt3A_1304 : i32
        %ne3A_1306 = arith.xori %lt3A_1303, %lt3A_1305 : i1
        %and3A_1307 = arith.andi %ne3A_1306, %ne3A_1301 : i1
        %add3A_1308 = arith.addi %rem3A_1299, %select_n3A_1298 : i32
        %select_n3A_1309 = arith.select %and3A_1307, %add3A_1308, %rem3A_1299 : i32
        %dma_start3A_1310 = arith.constant 0 : i32
        %dma_start3A_1311 = arith.constant 0 : i32
        %dma_start3A_1312 = tpu.memref_slice %arg7[%select_n3A_1309, %dma_start3A_1310, %dma_start3A_1311] : memref<2x16x125xi32, #tpu.memory_space<vmem>> -> memref<1x16x125xi32, #tpu.memory_space<vmem>>
        %dma_start3A_1313 = tpu.memref_squeeze %dma_start3A_1312 : memref<1x16x125xi32, #tpu.memory_space<vmem>> -> memref<16x125xi32, #tpu.memory_space<vmem>>
        %dma_start3A_1314 = arith.constant 0 : i32
        %dma_start3A_1315 = tpu.memref_slice %arg3[%add3A_1293, %dma_start3A_1314] : memref<2560x125xi32, #tpu.memory_space<hbm>> -> memref<16x125xi32, #tpu.memory_space<hbm>>
        %dma_start3A_1316 = arith.constant 0 : i32
        %dma_start3A_1317 = arith.constant 0 : i32
        %dma_start3A_1318 = tpu.memref_slice %arg7[%select_n3A_1309, %dma_start3A_1316, %dma_start3A_1317] : memref<2x16x125xi32, #tpu.memory_space<vmem>> -> memref<1x16x125xi32, #tpu.memory_space<vmem>>
        %dma_start3A_1319 = tpu.memref_squeeze %dma_start3A_1318 : memref<1x16x125xi32, #tpu.memory_space<vmem>> -> memref<16x125xi32, #tpu.memory_space<vmem>>
        %dma_start3A_1320 = arith.constant 0 : i32
        %dma_start3A_1321 = tpu.memref_slice %arg3[%add3A_1293, %dma_start3A_1320] : memref<2560x125xi32, #tpu.memory_space<hbm>> -> memref<16x125xi32, #tpu.memory_space<hbm>>
        tpu.enqueue_dma source(%dma_start3A_1321 : memref<16x125xi32, #tpu.memory_space<hbm>>) target(%dma_start3A_1319 : memref<16x125xi32, #tpu.memory_space<vmem>>) target_semaphore(%arg21 : memref<!tpu.dma_semaphore, #tpu.memory_space<semaphore_mem>>)
        %dma_start3A_1322 = arith.constant 0 : i32
        %dma_start3A_1323 = arith.constant 0 : i32
        %dma_start3A_1324 = tpu.memref_slice %arg8[%select_n3A_1309, %dma_start3A_1322, %dma_start3A_1323] : memref<2x16x125xi32, #tpu.memory_space<vmem>> -> memref<1x16x125xi32, #tpu.memory_space<vmem>>
        %dma_start3A_1325 = tpu.memref_squeeze %dma_start3A_1324 : memref<1x16x125xi32, #tpu.memory_space<vmem>> -> memref<16x125xi32, #tpu.memory_space<vmem>>
        %dma_start3A_1326 = arith.constant 0 : i32
        %dma_start3A_1327 = tpu.memref_slice %arg4[%add3A_1293, %dma_start3A_1326] : memref<2560x125xi32, #tpu.memory_space<hbm>> -> memref<16x125xi32, #tpu.memory_space<hbm>>
        %dma_start3A_1328 = arith.constant 0 : i32
        %dma_start3A_1329 = arith.constant 0 : i32
        %dma_start3A_1330 = tpu.memref_slice %arg8[%select_n3A_1309, %dma_start3A_1328, %dma_start3A_1329] : memref<2x16x125xi32, #tpu.memory_space<vmem>> -> memref<1x16x125xi32, #tpu.memory_space<vmem>>
        %dma_start3A_1331 = tpu.memref_squeeze %dma_start3A_1330 : memref<1x16x125xi32, #tpu.memory_space<vmem>> -> memref<16x125xi32, #tpu.memory_space<vmem>>
        %dma_start3A_1332 = arith.constant 0 : i32
        %dma_start3A_1333 = tpu.memref_slice %arg4[%add3A_1293, %dma_start3A_1332] : memref<2560x125xi32, #tpu.memory_space<hbm>> -> memref<16x125xi32, #tpu.memory_space<hbm>>
        tpu.enqueue_dma source(%dma_start3A_1333 : memref<16x125xi32, #tpu.memory_space<hbm>>) target(%dma_start3A_1331 : memref<16x125xi32, #tpu.memory_space<vmem>>) target_semaphore(%arg21 : memref<!tpu.dma_semaphore, #tpu.memory_space<semaphore_mem>>)
      } else {
      }
      %add3A_233 = arith.constant 0 : i32
      %add3A_234 = arith.addi %add3A_173, %add3A_233 : i32
      %sub3A_235 = arith.constant 4 : i32
      %sub3A_236 = arith.subi %add3A_234, %sub3A_235 : i32
      %jit3A_237 = arith.constant 16 : i32
      %div3A_238 = arith.divsi %sub3A_236, %jit3A_237 : i32
      %sign3A_239 = arith.constant 0 : i32
      %sign3A_240 = arith.cmpi sgt, %sub3A_236, %sign3A_239 : i32
      %sign3A_241 = arith.extui %sign3A_240 : i1 to i32
      %sign3A_242 = arith.constant 0 : i32
      %sign3A_243 = arith.cmpi slt, %sub3A_236, %sign3A_242 : i32
      %sign3A_244 = arith.extui %sign3A_243 : i1 to i32
      %sign3A_245 = arith.subi %sign3A_241, %sign3A_244 : i32
      %sign3A_246 = arith.constant 0 : i32
      %sign3A_247 = arith.cmpi sgt, %jit3A_237, %sign3A_246 : i32
      %sign3A_248 = arith.extui %sign3A_247 : i1 to i32
      %sign3A_249 = arith.constant 0 : i32
      %sign3A_250 = arith.cmpi slt, %jit3A_237, %sign3A_249 : i32
      %sign3A_251 = arith.extui %sign3A_250 : i1 to i32
      %sign3A_252 = arith.subi %sign3A_248, %sign3A_251 : i32
      %ne3A_253 = arith.cmpi ne, %sign3A_245, %sign3A_252 : i32
      %rem3A_254 = arith.remsi %sub3A_236, %jit3A_237 : i32
      %ne3A_255 = arith.constant 0 : i32
      %ne3A_256 = arith.cmpi ne, %rem3A_254, %ne3A_255 : i32
      %and3A_257 = arith.andi %ne3A_253, %ne3A_256 : i1
      %sub3A_258 = arith.constant 1 : i32
      %sub3A_259 = arith.subi %div3A_238, %sub3A_258 : i32
      %select_n3A_260 = arith.select %and3A_257, %sub3A_259, %div3A_238 : i32
      %jit3A_261 = arith.constant 2 : i32
      %eq3A_262 = arith.constant 0 : i32
      %eq3A_263 = arith.cmpi eq, %jit3A_261, %eq3A_262 : i32
      %jit3A_264 = arith.constant 1 : i32
      %select_n3A_265 = arith.select %eq3A_263, %jit3A_264, %jit3A_261 : i32
      %rem3A_266 = arith.remsi %select_n3A_260, %select_n3A_265 : i32
      %ne3A_267 = arith.constant 0 : i32
      %ne3A_268 = arith.cmpi ne, %rem3A_266, %ne3A_267 : i32
      %lt3A_269 = arith.constant 0 : i32
      %lt3A_270 = arith.cmpi slt, %rem3A_266, %lt3A_269 : i32
      %lt3A_271 = arith.constant 0 : i32
      %lt3A_272 = arith.cmpi slt, %select_n3A_265, %lt3A_271 : i32
      %ne3A_273 = arith.xori %lt3A_270, %lt3A_272 : i1
      %and3A_274 = arith.andi %ne3A_273, %ne3A_268 : i1
      %add3A_275 = arith.addi %rem3A_266, %select_n3A_265 : i32
      %select_n3A_276 = arith.select %and3A_274, %add3A_275, %rem3A_266 : i32
      %jit3A_277 = arith.constant 16 : i32
      %eq3A_278 = arith.constant 0 : i32
      %eq3A_279 = arith.cmpi eq, %jit3A_277, %eq3A_278 : i32
      %jit3A_280 = arith.constant 1 : i32
      %select_n3A_281 = arith.select %eq3A_279, %jit3A_280, %jit3A_277 : i32
      %rem3A_282 = arith.remsi %sub3A_236, %select_n3A_281 : i32
      %ne3A_283 = arith.constant 0 : i32
      %ne3A_284 = arith.cmpi ne, %rem3A_282, %ne3A_283 : i32
      %lt3A_285 = arith.constant 0 : i32
      %lt3A_286 = arith.cmpi slt, %rem3A_282, %lt3A_285 : i32
      %lt3A_287 = arith.constant 0 : i32
      %lt3A_288 = arith.cmpi slt, %select_n3A_281, %lt3A_287 : i32
      %ne3A_289 = arith.xori %lt3A_286, %lt3A_288 : i1
      %and3A_290 = arith.andi %ne3A_289, %ne3A_284 : i1
      %add3A_291 = arith.addi %rem3A_282, %select_n3A_281 : i32
      %select_n3A_292 = arith.select %and3A_290, %add3A_291, %rem3A_282 : i32
      %dma_wait3A_293 = arith.constant 0 : i32
      %dma_wait3A_294 = tpu.memref_slice %arg8[%select_n3A_276, %select_n3A_292, %dma_wait3A_293] : memref<2x16x125xi32, #tpu.memory_space<vmem>> -> memref<1x1x125xi32, #tpu.memory_space<vmem>>
      %dma_wait3A_295 = tpu.memref_squeeze %dma_wait3A_294 : memref<1x1x125xi32, #tpu.memory_space<vmem>> -> memref<125xi32, #tpu.memory_space<vmem>>
      %dma_wait3A_296 = arith.constant 0 : i32
      %dma_wait3A_297 = arith.constant 0 : i32
      %dma_wait3A_298 = tpu.memref_slice %arg22[%dma_wait3A_296, %dma_wait3A_297] : memref<10112x64xf32, #tpu.memory_space<vmem_shared>> -> memref<10112x64xf32, #tpu.memory_space<vmem_shared>>
      tpu.wait_indirect_dma semaphore(%arg17 : memref<!tpu.dma_semaphore, #tpu.memory_space<semaphore_mem>>) src(%arg9 : memref<125x64xf32, #tpu.memory_space<vmem>>) dst(%dma_wait3A_298 : memref<10112x64xf32, #tpu.memory_space<vmem_shared>>)
      %jit3A_299 = arith.constant 16 : i32
      %div3A_300 = arith.divsi %add3A_234, %jit3A_299 : i32
      %sign3A_301 = arith.constant 0 : i32
      %sign3A_302 = arith.cmpi sgt, %add3A_234, %sign3A_301 : i32
      %sign3A_303 = arith.extui %sign3A_302 : i1 to i32
      %sign3A_304 = arith.constant 0 : i32
      %sign3A_305 = arith.cmpi slt, %add3A_234, %sign3A_304 : i32
      %sign3A_306 = arith.extui %sign3A_305 : i1 to i32
      %sign3A_307 = arith.subi %sign3A_303, %sign3A_306 : i32
      %sign3A_308 = arith.constant 0 : i32
      %sign3A_309 = arith.cmpi sgt, %jit3A_299, %sign3A_308 : i32
      %sign3A_310 = arith.extui %sign3A_309 : i1 to i32
      %sign3A_311 = arith.constant 0 : i32
      %sign3A_312 = arith.cmpi slt, %jit3A_299, %sign3A_311 : i32
      %sign3A_313 = arith.extui %sign3A_312 : i1 to i32
      %sign3A_314 = arith.subi %sign3A_310, %sign3A_313 : i32
      %ne3A_315 = arith.cmpi ne, %sign3A_307, %sign3A_314 : i32
      %rem3A_316 = arith.remsi %add3A_234, %jit3A_299 : i32
      %ne3A_317 = arith.constant 0 : i32
      %ne3A_318 = arith.cmpi ne, %rem3A_316, %ne3A_317 : i32
      %and3A_319 = arith.andi %ne3A_315, %ne3A_318 : i1
      %sub3A_320 = arith.constant 1 : i32
      %sub3A_321 = arith.subi %div3A_300, %sub3A_320 : i32
      %select_n3A_322 = arith.select %and3A_319, %sub3A_321, %div3A_300 : i32
      %jit3A_323 = arith.constant 2 : i32
      %eq3A_324 = arith.constant 0 : i32
      %eq3A_325 = arith.cmpi eq, %jit3A_323, %eq3A_324 : i32
      %jit3A_326 = arith.constant 1 : i32
      %select_n3A_327 = arith.select %eq3A_325, %jit3A_326, %jit3A_323 : i32
      %rem3A_328 = arith.remsi %select_n3A_322, %select_n3A_327 : i32
      %ne3A_329 = arith.constant 0 : i32
      %ne3A_330 = arith.cmpi ne, %rem3A_328, %ne3A_329 : i32
      %lt3A_331 = arith.constant 0 : i32
      %lt3A_332 = arith.cmpi slt, %rem3A_328, %lt3A_331 : i32
      %lt3A_333 = arith.constant 0 : i32
      %lt3A_334 = arith.cmpi slt, %select_n3A_327, %lt3A_333 : i32
      %ne3A_335 = arith.xori %lt3A_332, %lt3A_334 : i1
      %and3A_336 = arith.andi %ne3A_335, %ne3A_330 : i1
      %add3A_337 = arith.addi %rem3A_328, %select_n3A_327 : i32
      %select_n3A_338 = arith.select %and3A_336, %add3A_337, %rem3A_328 : i32
      %jit3A_339 = arith.constant 16 : i32
      %eq3A_340 = arith.constant 0 : i32
      %eq3A_341 = arith.cmpi eq, %jit3A_339, %eq3A_340 : i32
      %jit3A_342 = arith.constant 1 : i32
      %select_n3A_343 = arith.select %eq3A_341, %jit3A_342, %jit3A_339 : i32
      %rem3A_344 = arith.remsi %add3A_234, %select_n3A_343 : i32
      %ne3A_345 = arith.constant 0 : i32
      %ne3A_346 = arith.cmpi ne, %rem3A_344, %ne3A_345 : i32
      %lt3A_347 = arith.constant 0 : i32
      %lt3A_348 = arith.cmpi slt, %rem3A_344, %lt3A_347 : i32
      %lt3A_349 = arith.constant 0 : i32
      %lt3A_350 = arith.cmpi slt, %select_n3A_343, %lt3A_349 : i32
      %ne3A_351 = arith.xori %lt3A_348, %lt3A_350 : i1
      %and3A_352 = arith.andi %ne3A_351, %ne3A_346 : i1
      %add3A_353 = arith.addi %rem3A_344, %select_n3A_343 : i32
      %select_n3A_354 = arith.select %and3A_352, %add3A_353, %rem3A_344 : i32
      %dma_start3A_355 = arith.constant 0 : i32
      %dma_start3A_356 = tpu.memref_slice %arg7[%select_n3A_338, %select_n3A_354, %dma_start3A_355] : memref<2x16x125xi32, #tpu.memory_space<vmem>> -> memref<1x1x125xi32, #tpu.memory_space<vmem>>
      %dma_start3A_357 = tpu.memref_squeeze %dma_start3A_356 : memref<1x1x125xi32, #tpu.memory_space<vmem>> -> memref<125xi32, #tpu.memory_space<vmem>>
      %dma_start3A_358 = arith.constant 0 : i32
      %dma_start3A_359 = arith.constant 0 : i32
      %dma_start3A_360 = tpu.memref_slice %arg2[%arg0, %dma_start3A_358, %dma_start3A_359] : memref<2x10000x64xf32, #tpu.memory_space<hbm>> -> memref<1x10000x64xf32, #tpu.memory_space<hbm>>
      %dma_start3A_361 = tpu.memref_squeeze %dma_start3A_360 : memref<1x10000x64xf32, #tpu.memory_space<hbm>> -> memref<10000x64xf32, #tpu.memory_space<hbm>>
      %dma_start3A_362 = arith.constant 0 : i32
      %dma_start3A_363 = arith.constant 0 : i32
      %dma_start3A_364 = tpu.memref_slice %dma_start3A_361[%dma_start3A_362, %dma_start3A_363] : memref<10000x64xf32, #tpu.memory_space<hbm>> -> memref<10000x64xf32, #tpu.memory_space<hbm>>
      tpu.enqueue_indirect_dma source(%dma_start3A_364 : memref<10000x64xf32, #tpu.memory_space<hbm>>) target(%arg9 : memref<125x64xf32, #tpu.memory_space<vmem>>) offsets(%dma_start3A_357 : memref<125xi32, #tpu.memory_space<vmem>>) semaphore(%arg13 : memref<!tpu.dma_semaphore, #tpu.memory_space<semaphore_mem>>)
      %sub3A_365 = arith.constant 2 : i32
      %sub3A_366 = arith.subi %add3A_234, %sub3A_365 : i32
      %jit3A_367 = arith.constant 16 : i32
      %div3A_368 = arith.divsi %sub3A_366, %jit3A_367 : i32
      %sign3A_369 = arith.constant 0 : i32
      %sign3A_370 = arith.cmpi sgt, %sub3A_366, %sign3A_369 : i32
      %sign3A_371 = arith.extui %sign3A_370 : i1 to i32
      %sign3A_372 = arith.constant 0 : i32
      %sign3A_373 = arith.cmpi slt, %sub3A_366, %sign3A_372 : i32
      %sign3A_374 = arith.extui %sign3A_373 : i1 to i32
      %sign3A_375 = arith.subi %sign3A_371, %sign3A_374 : i32
      %sign3A_376 = arith.constant 0 : i32
      %sign3A_377 = arith.cmpi sgt, %jit3A_367, %sign3A_376 : i32
      %sign3A_378 = arith.extui %sign3A_377 : i1 to i32
      %sign3A_379 = arith.constant 0 : i32
      %sign3A_380 = arith.cmpi slt, %jit3A_367, %sign3A_379 : i32
      %sign3A_381 = arith.extui %sign3A_380 : i1 to i32
      %sign3A_382 = arith.subi %sign3A_378, %sign3A_381 : i32
      %ne3A_383 = arith.cmpi ne, %sign3A_375, %sign3A_382 : i32
      %rem3A_384 = arith.remsi %sub3A_366, %jit3A_367 : i32
      %ne3A_385 = arith.constant 0 : i32
      %ne3A_386 = arith.cmpi ne, %rem3A_384, %ne3A_385 : i32
      %and3A_387 = arith.andi %ne3A_383, %ne3A_386 : i1
      %sub3A_388 = arith.constant 1 : i32
      %sub3A_389 = arith.subi %div3A_368, %sub3A_388 : i32
      %select_n3A_390 = arith.select %and3A_387, %sub3A_389, %div3A_368 : i32
      %jit3A_391 = arith.constant 2 : i32
      %eq3A_392 = arith.constant 0 : i32
      %eq3A_393 = arith.cmpi eq, %jit3A_391, %eq3A_392 : i32
      %jit3A_394 = arith.constant 1 : i32
      %select_n3A_395 = arith.select %eq3A_393, %jit3A_394, %jit3A_391 : i32
      %rem3A_396 = arith.remsi %select_n3A_390, %select_n3A_395 : i32
      %ne3A_397 = arith.constant 0 : i32
      %ne3A_398 = arith.cmpi ne, %rem3A_396, %ne3A_397 : i32
      %lt3A_399 = arith.constant 0 : i32
      %lt3A_400 = arith.cmpi slt, %rem3A_396, %lt3A_399 : i32
      %lt3A_401 = arith.constant 0 : i32
      %lt3A_402 = arith.cmpi slt, %select_n3A_395, %lt3A_401 : i32
      %ne3A_403 = arith.xori %lt3A_400, %lt3A_402 : i1
      %and3A_404 = arith.andi %ne3A_403, %ne3A_398 : i1
      %add3A_405 = arith.addi %rem3A_396, %select_n3A_395 : i32
      %select_n3A_406 = arith.select %and3A_404, %add3A_405, %rem3A_396 : i32
      %jit3A_407 = arith.constant 16 : i32
      %eq3A_408 = arith.constant 0 : i32
      %eq3A_409 = arith.cmpi eq, %jit3A_407, %eq3A_408 : i32
      %jit3A_410 = arith.constant 1 : i32
      %select_n3A_411 = arith.select %eq3A_409, %jit3A_410, %jit3A_407 : i32
      %rem3A_412 = arith.remsi %sub3A_366, %select_n3A_411 : i32
      %ne3A_413 = arith.constant 0 : i32
      %ne3A_414 = arith.cmpi ne, %rem3A_412, %ne3A_413 : i32
      %lt3A_415 = arith.constant 0 : i32
      %lt3A_416 = arith.cmpi slt, %rem3A_412, %lt3A_415 : i32
      %lt3A_417 = arith.constant 0 : i32
      %lt3A_418 = arith.cmpi slt, %select_n3A_411, %lt3A_417 : i32
      %ne3A_419 = arith.xori %lt3A_416, %lt3A_418 : i1
      %and3A_420 = arith.andi %ne3A_419, %ne3A_414 : i1
      %add3A_421 = arith.addi %rem3A_412, %select_n3A_411 : i32
      %select_n3A_422 = arith.select %and3A_420, %add3A_421, %rem3A_412 : i32
      %dma_wait3A_423 = arith.constant 0 : i32
      %dma_wait3A_424 = tpu.memref_slice %arg7[%select_n3A_406, %select_n3A_422, %dma_wait3A_423] : memref<2x16x125xi32, #tpu.memory_space<vmem>> -> memref<1x1x125xi32, #tpu.memory_space<vmem>>
      %dma_wait3A_425 = tpu.memref_squeeze %dma_wait3A_424 : memref<1x1x125xi32, #tpu.memory_space<vmem>> -> memref<125xi32, #tpu.memory_space<vmem>>
      %dma_wait3A_426 = arith.constant 0 : i32
      %dma_wait3A_427 = arith.constant 0 : i32
      %dma_wait3A_428 = tpu.memref_slice %arg2[%arg0, %dma_wait3A_426, %dma_wait3A_427] : memref<2x10000x64xf32, #tpu.memory_space<hbm>> -> memref<1x10000x64xf32, #tpu.memory_space<hbm>>
      %dma_wait3A_429 = tpu.memref_squeeze %dma_wait3A_428 : memref<1x10000x64xf32, #tpu.memory_space<hbm>> -> memref<10000x64xf32, #tpu.memory_space<hbm>>
      %dma_wait3A_430 = arith.constant 0 : i32
      %dma_wait3A_431 = arith.constant 0 : i32
      %dma_wait3A_432 = tpu.memref_slice %dma_wait3A_429[%dma_wait3A_430, %dma_wait3A_431] : memref<10000x64xf32, #tpu.memory_space<hbm>> -> memref<10000x64xf32, #tpu.memory_space<hbm>>
      tpu.wait_indirect_dma semaphore(%arg15 : memref<!tpu.dma_semaphore, #tpu.memory_space<semaphore_mem>>) src(%dma_wait3A_432 : memref<10000x64xf32, #tpu.memory_space<hbm>>) dst(%arg11 : memref<125x64xf32, #tpu.memory_space<vmem>>)
      %sub3A_433 = arith.constant 2 : i32
      %sub3A_434 = arith.subi %add3A_234, %sub3A_433 : i32
      %jit3A_435 = arith.constant 16 : i32
      %div3A_436 = arith.divsi %sub3A_434, %jit3A_435 : i32
      %sign3A_437 = arith.constant 0 : i32
      %sign3A_438 = arith.cmpi sgt, %sub3A_434, %sign3A_437 : i32
      %sign3A_439 = arith.extui %sign3A_438 : i1 to i32
      %sign3A_440 = arith.constant 0 : i32
      %sign3A_441 = arith.cmpi slt, %sub3A_434, %sign3A_440 : i32
      %sign3A_442 = arith.extui %sign3A_441 : i1 to i32
      %sign3A_443 = arith.subi %sign3A_439, %sign3A_442 : i32
      %sign3A_444 = arith.constant 0 : i32
      %sign3A_445 = arith.cmpi sgt, %jit3A_435, %sign3A_444 : i32
      %sign3A_446 = arith.extui %sign3A_445 : i1 to i32
      %sign3A_447 = arith.constant 0 : i32
      %sign3A_448 = arith.cmpi slt, %jit3A_435, %sign3A_447 : i32
      %sign3A_449 = arith.extui %sign3A_448 : i1 to i32
      %sign3A_450 = arith.subi %sign3A_446, %sign3A_449 : i32
      %ne3A_451 = arith.cmpi ne, %sign3A_443, %sign3A_450 : i32
      %rem3A_452 = arith.remsi %sub3A_434, %jit3A_435 : i32
      %ne3A_453 = arith.constant 0 : i32
      %ne3A_454 = arith.cmpi ne, %rem3A_452, %ne3A_453 : i32
      %and3A_455 = arith.andi %ne3A_451, %ne3A_454 : i1
      %sub3A_456 = arith.constant 1 : i32
      %sub3A_457 = arith.subi %div3A_436, %sub3A_456 : i32
      %select_n3A_458 = arith.select %and3A_455, %sub3A_457, %div3A_436 : i32
      %jit3A_459 = arith.constant 2 : i32
      %eq3A_460 = arith.constant 0 : i32
      %eq3A_461 = arith.cmpi eq, %jit3A_459, %eq3A_460 : i32
      %jit3A_462 = arith.constant 1 : i32
      %select_n3A_463 = arith.select %eq3A_461, %jit3A_462, %jit3A_459 : i32
      %rem3A_464 = arith.remsi %select_n3A_458, %select_n3A_463 : i32
      %ne3A_465 = arith.constant 0 : i32
      %ne3A_466 = arith.cmpi ne, %rem3A_464, %ne3A_465 : i32
      %lt3A_467 = arith.constant 0 : i32
      %lt3A_468 = arith.cmpi slt, %rem3A_464, %lt3A_467 : i32
      %lt3A_469 = arith.constant 0 : i32
      %lt3A_470 = arith.cmpi slt, %select_n3A_463, %lt3A_469 : i32
      %ne3A_471 = arith.xori %lt3A_468, %lt3A_470 : i1
      %and3A_472 = arith.andi %ne3A_471, %ne3A_466 : i1
      %add3A_473 = arith.addi %rem3A_464, %select_n3A_463 : i32
      %select_n3A_474 = arith.select %and3A_472, %add3A_473, %rem3A_464 : i32
      %jit3A_475 = arith.constant 16 : i32
      %eq3A_476 = arith.constant 0 : i32
      %eq3A_477 = arith.cmpi eq, %jit3A_475, %eq3A_476 : i32
      %jit3A_478 = arith.constant 1 : i32
      %select_n3A_479 = arith.select %eq3A_477, %jit3A_478, %jit3A_475 : i32
      %rem3A_480 = arith.remsi %sub3A_434, %select_n3A_479 : i32
      %ne3A_481 = arith.constant 0 : i32
      %ne3A_482 = arith.cmpi ne, %rem3A_480, %ne3A_481 : i32
      %lt3A_483 = arith.constant 0 : i32
      %lt3A_484 = arith.cmpi slt, %rem3A_480, %lt3A_483 : i32
      %lt3A_485 = arith.constant 0 : i32
      %lt3A_486 = arith.cmpi slt, %select_n3A_479, %lt3A_485 : i32
      %ne3A_487 = arith.xori %lt3A_484, %lt3A_486 : i1
      %and3A_488 = arith.andi %ne3A_487, %ne3A_482 : i1
      %add3A_489 = arith.addi %rem3A_480, %select_n3A_479 : i32
      %select_n3A_490 = arith.select %and3A_488, %add3A_489, %rem3A_480 : i32
      %dma_start3A_491 = arith.constant 0 : i32
      %dma_start3A_492 = tpu.memref_slice %arg8[%select_n3A_474, %select_n3A_490, %dma_start3A_491] : memref<2x16x125xi32, #tpu.memory_space<vmem>> -> memref<1x1x125xi32, #tpu.memory_space<vmem>>
      %dma_start3A_493 = tpu.memref_squeeze %dma_start3A_492 : memref<1x1x125xi32, #tpu.memory_space<vmem>> -> memref<125xi32, #tpu.memory_space<vmem>>
      %dma_start3A_494 = arith.constant 0 : i32
      %dma_start3A_495 = arith.constant 0 : i32
      %dma_start3A_496 = tpu.memref_slice %arg22[%dma_start3A_494, %dma_start3A_495] : memref<10112x64xf32, #tpu.memory_space<vmem_shared>> -> memref<10112x64xf32, #tpu.memory_space<vmem_shared>>
      tpu.enqueue_indirect_dma source(%arg11 : memref<125x64xf32, #tpu.memory_space<vmem>>) target(%dma_start3A_496 : memref<10112x64xf32, #tpu.memory_space<vmem_shared>>) offsets(%dma_start3A_493 : memref<125xi32, #tpu.memory_space<vmem>>) semaphore(%arg19 : memref<!tpu.dma_semaphore, #tpu.memory_space<semaphore_mem>>) {add = true}
      %add3A_497 = arith.constant 1 : i32
      %add3A_498 = arith.addi %add3A_173, %add3A_497 : i32
      %sub3A_499 = arith.constant 4 : i32
      %sub3A_500 = arith.subi %add3A_498, %sub3A_499 : i32
      %jit3A_501 = arith.constant 16 : i32
      %div3A_502 = arith.divsi %sub3A_500, %jit3A_501 : i32
      %sign3A_503 = arith.constant 0 : i32
      %sign3A_504 = arith.cmpi sgt, %sub3A_500, %sign3A_503 : i32
      %sign3A_505 = arith.extui %sign3A_504 : i1 to i32
      %sign3A_506 = arith.constant 0 : i32
      %sign3A_507 = arith.cmpi slt, %sub3A_500, %sign3A_506 : i32
      %sign3A_508 = arith.extui %sign3A_507 : i1 to i32
      %sign3A_509 = arith.subi %sign3A_505, %sign3A_508 : i32
      %sign3A_510 = arith.constant 0 : i32
      %sign3A_511 = arith.cmpi sgt, %jit3A_501, %sign3A_510 : i32
      %sign3A_512 = arith.extui %sign3A_511 : i1 to i32
      %sign3A_513 = arith.constant 0 : i32
      %sign3A_514 = arith.cmpi slt, %jit3A_501, %sign3A_513 : i32
      %sign3A_515 = arith.extui %sign3A_514 : i1 to i32
      %sign3A_516 = arith.subi %sign3A_512, %sign3A_515 : i32
      %ne3A_517 = arith.cmpi ne, %sign3A_509, %sign3A_516 : i32
      %rem3A_518 = arith.remsi %sub3A_500, %jit3A_501 : i32
      %ne3A_519 = arith.constant 0 : i32
      %ne3A_520 = arith.cmpi ne, %rem3A_518, %ne3A_519 : i32
      %and3A_521 = arith.andi %ne3A_517, %ne3A_520 : i1
      %sub3A_522 = arith.constant 1 : i32
      %sub3A_523 = arith.subi %div3A_502, %sub3A_522 : i32
      %select_n3A_524 = arith.select %and3A_521, %sub3A_523, %div3A_502 : i32
      %jit3A_525 = arith.constant 2 : i32
      %eq3A_526 = arith.constant 0 : i32
      %eq3A_527 = arith.cmpi eq, %jit3A_525, %eq3A_526 : i32
      %jit3A_528 = arith.constant 1 : i32
      %select_n3A_529 = arith.select %eq3A_527, %jit3A_528, %jit3A_525 : i32
      %rem3A_530 = arith.remsi %select_n3A_524, %select_n3A_529 : i32
      %ne3A_531 = arith.constant 0 : i32
      %ne3A_532 = arith.cmpi ne, %rem3A_530, %ne3A_531 : i32
      %lt3A_533 = arith.constant 0 : i32
      %lt3A_534 = arith.cmpi slt, %rem3A_530, %lt3A_533 : i32
      %lt3A_535 = arith.constant 0 : i32
      %lt3A_536 = arith.cmpi slt, %select_n3A_529, %lt3A_535 : i32
      %ne3A_537 = arith.xori %lt3A_534, %lt3A_536 : i1
      %and3A_538 = arith.andi %ne3A_537, %ne3A_532 : i1
      %add3A_539 = arith.addi %rem3A_530, %select_n3A_529 : i32
      %select_n3A_540 = arith.select %and3A_538, %add3A_539, %rem3A_530 : i32
      %jit3A_541 = arith.constant 16 : i32
      %eq3A_542 = arith.constant 0 : i32
      %eq3A_543 = arith.cmpi eq, %jit3A_541, %eq3A_542 : i32
      %jit3A_544 = arith.constant 1 : i32
      %select_n3A_545 = arith.select %eq3A_543, %jit3A_544, %jit3A_541 : i32
      %rem3A_546 = arith.remsi %sub3A_500, %select_n3A_545 : i32
      %ne3A_547 = arith.constant 0 : i32
      %ne3A_548 = arith.cmpi ne, %rem3A_546, %ne3A_547 : i32
      %lt3A_549 = arith.constant 0 : i32
      %lt3A_550 = arith.cmpi slt, %rem3A_546, %lt3A_549 : i32
      %lt3A_551 = arith.constant 0 : i32
      %lt3A_552 = arith.cmpi slt, %select_n3A_545, %lt3A_551 : i32
      %ne3A_553 = arith.xori %lt3A_550, %lt3A_552 : i1
      %and3A_554 = arith.andi %ne3A_553, %ne3A_548 : i1
      %add3A_555 = arith.addi %rem3A_546, %select_n3A_545 : i32
      %select_n3A_556 = arith.select %and3A_554, %add3A_555, %rem3A_546 : i32
      %dma_wait3A_557 = arith.constant 0 : i32
      %dma_wait3A_558 = tpu.memref_slice %arg8[%select_n3A_540, %select_n3A_556, %dma_wait3A_557] : memref<2x16x125xi32, #tpu.memory_space<vmem>> -> memref<1x1x125xi32, #tpu.memory_space<vmem>>
      %dma_wait3A_559 = tpu.memref_squeeze %dma_wait3A_558 : memref<1x1x125xi32, #tpu.memory_space<vmem>> -> memref<125xi32, #tpu.memory_space<vmem>>
      %dma_wait3A_560 = arith.constant 0 : i32
      %dma_wait3A_561 = arith.constant 0 : i32
      %dma_wait3A_562 = tpu.memref_slice %arg22[%dma_wait3A_560, %dma_wait3A_561] : memref<10112x64xf32, #tpu.memory_space<vmem_shared>> -> memref<10112x64xf32, #tpu.memory_space<vmem_shared>>
      tpu.wait_indirect_dma semaphore(%arg18 : memref<!tpu.dma_semaphore, #tpu.memory_space<semaphore_mem>>) src(%arg10 : memref<125x64xf32, #tpu.memory_space<vmem>>) dst(%dma_wait3A_562 : memref<10112x64xf32, #tpu.memory_space<vmem_shared>>)
      %jit3A_563 = arith.constant 16 : i32
      %div3A_564 = arith.divsi %add3A_498, %jit3A_563 : i32
      %sign3A_565 = arith.constant 0 : i32
      %sign3A_566 = arith.cmpi sgt, %add3A_498, %sign3A_565 : i32
      %sign3A_567 = arith.extui %sign3A_566 : i1 to i32
      %sign3A_568 = arith.constant 0 : i32
      %sign3A_569 = arith.cmpi slt, %add3A_498, %sign3A_568 : i32
      %sign3A_570 = arith.extui %sign3A_569 : i1 to i32
      %sign3A_571 = arith.subi %sign3A_567, %sign3A_570 : i32
      %sign3A_572 = arith.constant 0 : i32
      %sign3A_573 = arith.cmpi sgt, %jit3A_563, %sign3A_572 : i32
      %sign3A_574 = arith.extui %sign3A_573 : i1 to i32
      %sign3A_575 = arith.constant 0 : i32
      %sign3A_576 = arith.cmpi slt, %jit3A_563, %sign3A_575 : i32
      %sign3A_577 = arith.extui %sign3A_576 : i1 to i32
      %sign3A_578 = arith.subi %sign3A_574, %sign3A_577 : i32
      %ne3A_579 = arith.cmpi ne, %sign3A_571, %sign3A_578 : i32
      %rem3A_580 = arith.remsi %add3A_498, %jit3A_563 : i32
      %ne3A_581 = arith.constant 0 : i32
      %ne3A_582 = arith.cmpi ne, %rem3A_580, %ne3A_581 : i32
      %and3A_583 = arith.andi %ne3A_579, %ne3A_582 : i1
      %sub3A_584 = arith.constant 1 : i32
      %sub3A_585 = arith.subi %div3A_564, %sub3A_584 : i32
      %select_n3A_586 = arith.select %and3A_583, %sub3A_585, %div3A_564 : i32
      %jit3A_587 = arith.constant 2 : i32
      %eq3A_588 = arith.constant 0 : i32
      %eq3A_589 = arith.cmpi eq, %jit3A_587, %eq3A_588 : i32
      %jit3A_590 = arith.constant 1 : i32
      %select_n3A_591 = arith.select %eq3A_589, %jit3A_590, %jit3A_587 : i32
      %rem3A_592 = arith.remsi %select_n3A_586, %select_n3A_591 : i32
      %ne3A_593 = arith.constant 0 : i32
      %ne3A_594 = arith.cmpi ne, %rem3A_592, %ne3A_593 : i32
      %lt3A_595 = arith.constant 0 : i32
      %lt3A_596 = arith.cmpi slt, %rem3A_592, %lt3A_595 : i32
      %lt3A_597 = arith.constant 0 : i32
      %lt3A_598 = arith.cmpi slt, %select_n3A_591, %lt3A_597 : i32
      %ne3A_599 = arith.xori %lt3A_596, %lt3A_598 : i1
      %and3A_600 = arith.andi %ne3A_599, %ne3A_594 : i1
      %add3A_601 = arith.addi %rem3A_592, %select_n3A_591 : i32
      %select_n3A_602 = arith.select %and3A_600, %add3A_601, %rem3A_592 : i32
      %jit3A_603 = arith.constant 16 : i32
      %eq3A_604 = arith.constant 0 : i32
      %eq3A_605 = arith.cmpi eq, %jit3A_603, %eq3A_604 : i32
      %jit3A_606 = arith.constant 1 : i32
      %select_n3A_607 = arith.select %eq3A_605, %jit3A_606, %jit3A_603 : i32
      %rem3A_608 = arith.remsi %add3A_498, %select_n3A_607 : i32
      %ne3A_609 = arith.constant 0 : i32
      %ne3A_610 = arith.cmpi ne, %rem3A_608, %ne3A_609 : i32
      %lt3A_611 = arith.constant 0 : i32
      %lt3A_612 = arith.cmpi slt, %rem3A_608, %lt3A_611 : i32
      %lt3A_613 = arith.constant 0 : i32
      %lt3A_614 = arith.cmpi slt, %select_n3A_607, %lt3A_613 : i32
      %ne3A_615 = arith.xori %lt3A_612, %lt3A_614 : i1
      %and3A_616 = arith.andi %ne3A_615, %ne3A_610 : i1
      %add3A_617 = arith.addi %rem3A_608, %select_n3A_607 : i32
      %select_n3A_618 = arith.select %and3A_616, %add3A_617, %rem3A_608 : i32
      %dma_start3A_619 = arith.constant 0 : i32
      %dma_start3A_620 = tpu.memref_slice %arg7[%select_n3A_602, %select_n3A_618, %dma_start3A_619] : memref<2x16x125xi32, #tpu.memory_space<vmem>> -> memref<1x1x125xi32, #tpu.memory_space<vmem>>
      %dma_start3A_621 = tpu.memref_squeeze %dma_start3A_620 : memref<1x1x125xi32, #tpu.memory_space<vmem>> -> memref<125xi32, #tpu.memory_space<vmem>>
      %dma_start3A_622 = arith.constant 0 : i32
      %dma_start3A_623 = arith.constant 0 : i32
      %dma_start3A_624 = tpu.memref_slice %arg2[%arg0, %dma_start3A_622, %dma_start3A_623] : memref<2x10000x64xf32, #tpu.memory_space<hbm>> -> memref<1x10000x64xf32, #tpu.memory_space<hbm>>
      %dma_start3A_625 = tpu.memref_squeeze %dma_start3A_624 : memref<1x10000x64xf32, #tpu.memory_space<hbm>> -> memref<10000x64xf32, #tpu.memory_space<hbm>>
      %dma_start3A_626 = arith.constant 0 : i32
      %dma_start3A_627 = arith.constant 0 : i32
      %dma_start3A_628 = tpu.memref_slice %dma_start3A_625[%dma_start3A_626, %dma_start3A_627] : memref<10000x64xf32, #tpu.memory_space<hbm>> -> memref<10000x64xf32, #tpu.memory_space<hbm>>
      tpu.enqueue_indirect_dma source(%dma_start3A_628 : memref<10000x64xf32, #tpu.memory_space<hbm>>) target(%arg10 : memref<125x64xf32, #tpu.memory_space<vmem>>) offsets(%dma_start3A_621 : memref<125xi32, #tpu.memory_space<vmem>>) semaphore(%arg14 : memref<!tpu.dma_semaphore, #tpu.memory_space<semaphore_mem>>)
      %sub3A_629 = arith.constant 2 : i32
      %sub3A_630 = arith.subi %add3A_498, %sub3A_629 : i32
      %jit3A_631 = arith.constant 16 : i32
      %div3A_632 = arith.divsi %sub3A_630, %jit3A_631 : i32
      %sign3A_633 = arith.constant 0 : i32
      %sign3A_634 = arith.cmpi sgt, %sub3A_630, %sign3A_633 : i32
      %sign3A_635 = arith.extui %sign3A_634 : i1 to i32
      %sign3A_636 = arith.constant 0 : i32
      %sign3A_637 = arith.cmpi slt, %sub3A_630, %sign3A_636 : i32
      %sign3A_638 = arith.extui %sign3A_637 : i1 to i32
      %sign3A_639 = arith.subi %sign3A_635, %sign3A_638 : i32
      %sign3A_640 = arith.constant 0 : i32
      %sign3A_641 = arith.cmpi sgt, %jit3A_631, %sign3A_640 : i32
      %sign3A_642 = arith.extui %sign3A_641 : i1 to i32
      %sign3A_643 = arith.constant 0 : i32
      %sign3A_644 = arith.cmpi slt, %jit3A_631, %sign3A_643 : i32
      %sign3A_645 = arith.extui %sign3A_644 : i1 to i32
      %sign3A_646 = arith.subi %sign3A_642, %sign3A_645 : i32
      %ne3A_647 = arith.cmpi ne, %sign3A_639, %sign3A_646 : i32
      %rem3A_648 = arith.remsi %sub3A_630, %jit3A_631 : i32
      %ne3A_649 = arith.constant 0 : i32
      %ne3A_650 = arith.cmpi ne, %rem3A_648, %ne3A_649 : i32
      %and3A_651 = arith.andi %ne3A_647, %ne3A_650 : i1
      %sub3A_652 = arith.constant 1 : i32
      %sub3A_653 = arith.subi %div3A_632, %sub3A_652 : i32
      %select_n3A_654 = arith.select %and3A_651, %sub3A_653, %div3A_632 : i32
      %jit3A_655 = arith.constant 2 : i32
      %eq3A_656 = arith.constant 0 : i32
      %eq3A_657 = arith.cmpi eq, %jit3A_655, %eq3A_656 : i32
      %jit3A_658 = arith.constant 1 : i32
      %select_n3A_659 = arith.select %eq3A_657, %jit3A_658, %jit3A_655 : i32
      %rem3A_660 = arith.remsi %select_n3A_654, %select_n3A_659 : i32
      %ne3A_661 = arith.constant 0 : i32
      %ne3A_662 = arith.cmpi ne, %rem3A_660, %ne3A_661 : i32
      %lt3A_663 = arith.constant 0 : i32
      %lt3A_664 = arith.cmpi slt, %rem3A_660, %lt3A_663 : i32
      %lt3A_665 = arith.constant 0 : i32
      %lt3A_666 = arith.cmpi slt, %select_n3A_659, %lt3A_665 : i32
      %ne3A_667 = arith.xori %lt3A_664, %lt3A_666 : i1
      %and3A_668 = arith.andi %ne3A_667, %ne3A_662 : i1
      %add3A_669 = arith.addi %rem3A_660, %select_n3A_659 : i32
      %select_n3A_670 = arith.select %and3A_668, %add3A_669, %rem3A_660 : i32
      %jit3A_671 = arith.constant 16 : i32
      %eq3A_672 = arith.constant 0 : i32
      %eq3A_673 = arith.cmpi eq, %jit3A_671, %eq3A_672 : i32
      %jit3A_674 = arith.constant 1 : i32
      %select_n3A_675 = arith.select %eq3A_673, %jit3A_674, %jit3A_671 : i32
      %rem3A_676 = arith.remsi %sub3A_630, %select_n3A_675 : i32
      %ne3A_677 = arith.constant 0 : i32
      %ne3A_678 = arith.cmpi ne, %rem3A_676, %ne3A_677 : i32
      %lt3A_679 = arith.constant 0 : i32
      %lt3A_680 = arith.cmpi slt, %rem3A_676, %lt3A_679 : i32
      %lt3A_681 = arith.constant 0 : i32
      %lt3A_682 = arith.cmpi slt, %select_n3A_675, %lt3A_681 : i32
      %ne3A_683 = arith.xori %lt3A_680, %lt3A_682 : i1
      %and3A_684 = arith.andi %ne3A_683, %ne3A_678 : i1
      %add3A_685 = arith.addi %rem3A_676, %select_n3A_675 : i32
      %select_n3A_686 = arith.select %and3A_684, %add3A_685, %rem3A_676 : i32
      %dma_wait3A_687 = arith.constant 0 : i32
      %dma_wait3A_688 = tpu.memref_slice %arg7[%select_n3A_670, %select_n3A_686, %dma_wait3A_687] : memref<2x16x125xi32, #tpu.memory_space<vmem>> -> memref<1x1x125xi32, #tpu.memory_space<vmem>>
      %dma_wait3A_689 = tpu.memref_squeeze %dma_wait3A_688 : memref<1x1x125xi32, #tpu.memory_space<vmem>> -> memref<125xi32, #tpu.memory_space<vmem>>
      %dma_wait3A_690 = arith.constant 0 : i32
      %dma_wait3A_691 = arith.constant 0 : i32
      %dma_wait3A_692 = tpu.memref_slice %arg2[%arg0, %dma_wait3A_690, %dma_wait3A_691] : memref<2x10000x64xf32, #tpu.memory_space<hbm>> -> memref<1x10000x64xf32, #tpu.memory_space<hbm>>
      %dma_wait3A_693 = tpu.memref_squeeze %dma_wait3A_692 : memref<1x10000x64xf32, #tpu.memory_space<hbm>> -> memref<10000x64xf32, #tpu.memory_space<hbm>>
      %dma_wait3A_694 = arith.constant 0 : i32
      %dma_wait3A_695 = arith.constant 0 : i32
      %dma_wait3A_696 = tpu.memref_slice %dma_wait3A_693[%dma_wait3A_694, %dma_wait3A_695] : memref<10000x64xf32, #tpu.memory_space<hbm>> -> memref<10000x64xf32, #tpu.memory_space<hbm>>
      tpu.wait_indirect_dma semaphore(%arg16 : memref<!tpu.dma_semaphore, #tpu.memory_space<semaphore_mem>>) src(%dma_wait3A_696 : memref<10000x64xf32, #tpu.memory_space<hbm>>) dst(%arg12 : memref<125x64xf32, #tpu.memory_space<vmem>>)
      %sub3A_697 = arith.constant 2 : i32
      %sub3A_698 = arith.subi %add3A_498, %sub3A_697 : i32
      %jit3A_699 = arith.constant 16 : i32
      %div3A_700 = arith.divsi %sub3A_698, %jit3A_699 : i32
      %sign3A_701 = arith.constant 0 : i32
      %sign3A_702 = arith.cmpi sgt, %sub3A_698, %sign3A_701 : i32
      %sign3A_703 = arith.extui %sign3A_702 : i1 to i32
      %sign3A_704 = arith.constant 0 : i32
      %sign3A_705 = arith.cmpi slt, %sub3A_698, %sign3A_704 : i32
      %sign3A_706 = arith.extui %sign3A_705 : i1 to i32
      %sign3A_707 = arith.subi %sign3A_703, %sign3A_706 : i32
      %sign3A_708 = arith.constant 0 : i32
      %sign3A_709 = arith.cmpi sgt, %jit3A_699, %sign3A_708 : i32
      %sign3A_710 = arith.extui %sign3A_709 : i1 to i32
      %sign3A_711 = arith.constant 0 : i32
      %sign3A_712 = arith.cmpi slt, %jit3A_699, %sign3A_711 : i32
      %sign3A_713 = arith.extui %sign3A_712 : i1 to i32
      %sign3A_714 = arith.subi %sign3A_710, %sign3A_713 : i32
      %ne3A_715 = arith.cmpi ne, %sign3A_707, %sign3A_714 : i32
      %rem3A_716 = arith.remsi %sub3A_698, %jit3A_699 : i32
      %ne3A_717 = arith.constant 0 : i32
      %ne3A_718 = arith.cmpi ne, %rem3A_716, %ne3A_717 : i32
      %and3A_719 = arith.andi %ne3A_715, %ne3A_718 : i1
      %sub3A_720 = arith.constant 1 : i32
      %sub3A_721 = arith.subi %div3A_700, %sub3A_720 : i32
      %select_n3A_722 = arith.select %and3A_719, %sub3A_721, %div3A_700 : i32
      %jit3A_723 = arith.constant 2 : i32
      %eq3A_724 = arith.constant 0 : i32
      %eq3A_725 = arith.cmpi eq, %jit3A_723, %eq3A_724 : i32
      %jit3A_726 = arith.constant 1 : i32
      %select_n3A_727 = arith.select %eq3A_725, %jit3A_726, %jit3A_723 : i32
      %rem3A_728 = arith.remsi %select_n3A_722, %select_n3A_727 : i32
      %ne3A_729 = arith.constant 0 : i32
      %ne3A_730 = arith.cmpi ne, %rem3A_728, %ne3A_729 : i32
      %lt3A_731 = arith.constant 0 : i32
      %lt3A_732 = arith.cmpi slt, %rem3A_728, %lt3A_731 : i32
      %lt3A_733 = arith.constant 0 : i32
      %lt3A_734 = arith.cmpi slt, %select_n3A_727, %lt3A_733 : i32
      %ne3A_735 = arith.xori %lt3A_732, %lt3A_734 : i1
      %and3A_736 = arith.andi %ne3A_735, %ne3A_730 : i1
      %add3A_737 = arith.addi %rem3A_728, %select_n3A_727 : i32
      %select_n3A_738 = arith.select %and3A_736, %add3A_737, %rem3A_728 : i32
      %jit3A_739 = arith.constant 16 : i32
      %eq3A_740 = arith.constant 0 : i32
      %eq3A_741 = arith.cmpi eq, %jit3A_739, %eq3A_740 : i32
      %jit3A_742 = arith.constant 1 : i32
      %select_n3A_743 = arith.select %eq3A_741, %jit3A_742, %jit3A_739 : i32
      %rem3A_744 = arith.remsi %sub3A_698, %select_n3A_743 : i32
      %ne3A_745 = arith.constant 0 : i32
      %ne3A_746 = arith.cmpi ne, %rem3A_744, %ne3A_745 : i32
      %lt3A_747 = arith.constant 0 : i32
      %lt3A_748 = arith.cmpi slt, %rem3A_744, %lt3A_747 : i32
      %lt3A_749 = arith.constant 0 : i32
      %lt3A_750 = arith.cmpi slt, %select_n3A_743, %lt3A_749 : i32
      %ne3A_751 = arith.xori %lt3A_748, %lt3A_750 : i1
      %and3A_752 = arith.andi %ne3A_751, %ne3A_746 : i1
      %add3A_753 = arith.addi %rem3A_744, %select_n3A_743 : i32
      %select_n3A_754 = arith.select %and3A_752, %add3A_753, %rem3A_744 : i32
      %dma_start3A_755 = arith.constant 0 : i32
      %dma_start3A_756 = tpu.memref_slice %arg8[%select_n3A_738, %select_n3A_754, %dma_start3A_755] : memref<2x16x125xi32, #tpu.memory_space<vmem>> -> memref<1x1x125xi32, #tpu.memory_space<vmem>>
      %dma_start3A_757 = tpu.memref_squeeze %dma_start3A_756 : memref<1x1x125xi32, #tpu.memory_space<vmem>> -> memref<125xi32, #tpu.memory_space<vmem>>
      %dma_start3A_758 = arith.constant 0 : i32
      %dma_start3A_759 = arith.constant 0 : i32
      %dma_start3A_760 = tpu.memref_slice %arg22[%dma_start3A_758, %dma_start3A_759] : memref<10112x64xf32, #tpu.memory_space<vmem_shared>> -> memref<10112x64xf32, #tpu.memory_space<vmem_shared>>
      tpu.enqueue_indirect_dma source(%arg12 : memref<125x64xf32, #tpu.memory_space<vmem>>) target(%dma_start3A_760 : memref<10112x64xf32, #tpu.memory_space<vmem_shared>>) offsets(%dma_start3A_757 : memref<125xi32, #tpu.memory_space<vmem>>) semaphore(%arg20 : memref<!tpu.dma_semaphore, #tpu.memory_space<semaphore_mem>>) {add = true}
      %add3A_761 = arith.constant 2 : i32
      %add3A_762 = arith.addi %add3A_173, %add3A_761 : i32
      %sub3A_763 = arith.constant 4 : i32
      %sub3A_764 = arith.subi %add3A_762, %sub3A_763 : i32
      %jit3A_765 = arith.constant 16 : i32
      %div3A_766 = arith.divsi %sub3A_764, %jit3A_765 : i32
      %sign3A_767 = arith.constant 0 : i32
      %sign3A_768 = arith.cmpi sgt, %sub3A_764, %sign3A_767 : i32
      %sign3A_769 = arith.extui %sign3A_768 : i1 to i32
      %sign3A_770 = arith.constant 0 : i32
      %sign3A_771 = arith.cmpi slt, %sub3A_764, %sign3A_770 : i32
      %sign3A_772 = arith.extui %sign3A_771 : i1 to i32
      %sign3A_773 = arith.subi %sign3A_769, %sign3A_772 : i32
      %sign3A_774 = arith.constant 0 : i32
      %sign3A_775 = arith.cmpi sgt, %jit3A_765, %sign3A_774 : i32
      %sign3A_776 = arith.extui %sign3A_775 : i1 to i32
      %sign3A_777 = arith.constant 0 : i32
      %sign3A_778 = arith.cmpi slt, %jit3A_765, %sign3A_777 : i32
      %sign3A_779 = arith.extui %sign3A_778 : i1 to i32
      %sign3A_780 = arith.subi %sign3A_776, %sign3A_779 : i32
      %ne3A_781 = arith.cmpi ne, %sign3A_773, %sign3A_780 : i32
      %rem3A_782 = arith.remsi %sub3A_764, %jit3A_765 : i32
      %ne3A_783 = arith.constant 0 : i32
      %ne3A_784 = arith.cmpi ne, %rem3A_782, %ne3A_783 : i32
      %and3A_785 = arith.andi %ne3A_781, %ne3A_784 : i1
      %sub3A_786 = arith.constant 1 : i32
      %sub3A_787 = arith.subi %div3A_766, %sub3A_786 : i32
      %select_n3A_788 = arith.select %and3A_785, %sub3A_787, %div3A_766 : i32
      %jit3A_789 = arith.constant 2 : i32
      %eq3A_790 = arith.constant 0 : i32
      %eq3A_791 = arith.cmpi eq, %jit3A_789, %eq3A_790 : i32
      %jit3A_792 = arith.constant 1 : i32
      %select_n3A_793 = arith.select %eq3A_791, %jit3A_792, %jit3A_789 : i32
      %rem3A_794 = arith.remsi %select_n3A_788, %select_n3A_793 : i32
      %ne3A_795 = arith.constant 0 : i32
      %ne3A_796 = arith.cmpi ne, %rem3A_794, %ne3A_795 : i32
      %lt3A_797 = arith.constant 0 : i32
      %lt3A_798 = arith.cmpi slt, %rem3A_794, %lt3A_797 : i32
      %lt3A_799 = arith.constant 0 : i32
      %lt3A_800 = arith.cmpi slt, %select_n3A_793, %lt3A_799 : i32
      %ne3A_801 = arith.xori %lt3A_798, %lt3A_800 : i1
      %and3A_802 = arith.andi %ne3A_801, %ne3A_796 : i1
      %add3A_803 = arith.addi %rem3A_794, %select_n3A_793 : i32
      %select_n3A_804 = arith.select %and3A_802, %add3A_803, %rem3A_794 : i32
      %jit3A_805 = arith.constant 16 : i32
      %eq3A_806 = arith.constant 0 : i32
      %eq3A_807 = arith.cmpi eq, %jit3A_805, %eq3A_806 : i32
      %jit3A_808 = arith.constant 1 : i32
      %select_n3A_809 = arith.select %eq3A_807, %jit3A_808, %jit3A_805 : i32
      %rem3A_810 = arith.remsi %sub3A_764, %select_n3A_809 : i32
      %ne3A_811 = arith.constant 0 : i32
      %ne3A_812 = arith.cmpi ne, %rem3A_810, %ne3A_811 : i32
      %lt3A_813 = arith.constant 0 : i32
      %lt3A_814 = arith.cmpi slt, %rem3A_810, %lt3A_813 : i32
      %lt3A_815 = arith.constant 0 : i32
      %lt3A_816 = arith.cmpi slt, %select_n3A_809, %lt3A_815 : i32
      %ne3A_817 = arith.xori %lt3A_814, %lt3A_816 : i1
      %and3A_818 = arith.andi %ne3A_817, %ne3A_812 : i1
      %add3A_819 = arith.addi %rem3A_810, %select_n3A_809 : i32
      %select_n3A_820 = arith.select %and3A_818, %add3A_819, %rem3A_810 : i32
      %dma_wait3A_821 = arith.constant 0 : i32
      %dma_wait3A_822 = tpu.memref_slice %arg8[%select_n3A_804, %select_n3A_820, %dma_wait3A_821] : memref<2x16x125xi32, #tpu.memory_space<vmem>> -> memref<1x1x125xi32, #tpu.memory_space<vmem>>
      %dma_wait3A_823 = tpu.memref_squeeze %dma_wait3A_822 : memref<1x1x125xi32, #tpu.memory_space<vmem>> -> memref<125xi32, #tpu.memory_space<vmem>>
      %dma_wait3A_824 = arith.constant 0 : i32
      %dma_wait3A_825 = arith.constant 0 : i32
      %dma_wait3A_826 = tpu.memref_slice %arg22[%dma_wait3A_824, %dma_wait3A_825] : memref<10112x64xf32, #tpu.memory_space<vmem_shared>> -> memref<10112x64xf32, #tpu.memory_space<vmem_shared>>
      tpu.wait_indirect_dma semaphore(%arg19 : memref<!tpu.dma_semaphore, #tpu.memory_space<semaphore_mem>>) src(%arg11 : memref<125x64xf32, #tpu.memory_space<vmem>>) dst(%dma_wait3A_826 : memref<10112x64xf32, #tpu.memory_space<vmem_shared>>)
      %jit3A_827 = arith.constant 16 : i32
      %div3A_828 = arith.divsi %add3A_762, %jit3A_827 : i32
      %sign3A_829 = arith.constant 0 : i32
      %sign3A_830 = arith.cmpi sgt, %add3A_762, %sign3A_829 : i32
      %sign3A_831 = arith.extui %sign3A_830 : i1 to i32
      %sign3A_832 = arith.constant 0 : i32
      %sign3A_833 = arith.cmpi slt, %add3A_762, %sign3A_832 : i32
      %sign3A_834 = arith.extui %sign3A_833 : i1 to i32
      %sign3A_835 = arith.subi %sign3A_831, %sign3A_834 : i32
      %sign3A_836 = arith.constant 0 : i32
      %sign3A_837 = arith.cmpi sgt, %jit3A_827, %sign3A_836 : i32
      %sign3A_838 = arith.extui %sign3A_837 : i1 to i32
      %sign3A_839 = arith.constant 0 : i32
      %sign3A_840 = arith.cmpi slt, %jit3A_827, %sign3A_839 : i32
      %sign3A_841 = arith.extui %sign3A_840 : i1 to i32
      %sign3A_842 = arith.subi %sign3A_838, %sign3A_841 : i32
      %ne3A_843 = arith.cmpi ne, %sign3A_835, %sign3A_842 : i32
      %rem3A_844 = arith.remsi %add3A_762, %jit3A_827 : i32
      %ne3A_845 = arith.constant 0 : i32
      %ne3A_846 = arith.cmpi ne, %rem3A_844, %ne3A_845 : i32
      %and3A_847 = arith.andi %ne3A_843, %ne3A_846 : i1
      %sub3A_848 = arith.constant 1 : i32
      %sub3A_849 = arith.subi %div3A_828, %sub3A_848 : i32
      %select_n3A_850 = arith.select %and3A_847, %sub3A_849, %div3A_828 : i32
      %jit3A_851 = arith.constant 2 : i32
      %eq3A_852 = arith.constant 0 : i32
      %eq3A_853 = arith.cmpi eq, %jit3A_851, %eq3A_852 : i32
      %jit3A_854 = arith.constant 1 : i32
      %select_n3A_855 = arith.select %eq3A_853, %jit3A_854, %jit3A_851 : i32
      %rem3A_856 = arith.remsi %select_n3A_850, %select_n3A_855 : i32
      %ne3A_857 = arith.constant 0 : i32
      %ne3A_858 = arith.cmpi ne, %rem3A_856, %ne3A_857 : i32
      %lt3A_859 = arith.constant 0 : i32
      %lt3A_860 = arith.cmpi slt, %rem3A_856, %lt3A_859 : i32
      %lt3A_861 = arith.constant 0 : i32
      %lt3A_862 = arith.cmpi slt, %select_n3A_855, %lt3A_861 : i32
      %ne3A_863 = arith.xori %lt3A_860, %lt3A_862 : i1
      %and3A_864 = arith.andi %ne3A_863, %ne3A_858 : i1
      %add3A_865 = arith.addi %rem3A_856, %select_n3A_855 : i32
      %select_n3A_866 = arith.select %and3A_864, %add3A_865, %rem3A_856 : i32
      %jit3A_867 = arith.constant 16 : i32
      %eq3A_868 = arith.constant 0 : i32
      %eq3A_869 = arith.cmpi eq, %jit3A_867, %eq3A_868 : i32
      %jit3A_870 = arith.constant 1 : i32
      %select_n3A_871 = arith.select %eq3A_869, %jit3A_870, %jit3A_867 : i32
      %rem3A_872 = arith.remsi %add3A_762, %select_n3A_871 : i32
      %ne3A_873 = arith.constant 0 : i32
      %ne3A_874 = arith.cmpi ne, %rem3A_872, %ne3A_873 : i32
      %lt3A_875 = arith.constant 0 : i32
      %lt3A_876 = arith.cmpi slt, %rem3A_872, %lt3A_875 : i32
      %lt3A_877 = arith.constant 0 : i32
      %lt3A_878 = arith.cmpi slt, %select_n3A_871, %lt3A_877 : i32
      %ne3A_879 = arith.xori %lt3A_876, %lt3A_878 : i1
      %and3A_880 = arith.andi %ne3A_879, %ne3A_874 : i1
      %add3A_881 = arith.addi %rem3A_872, %select_n3A_871 : i32
      %select_n3A_882 = arith.select %and3A_880, %add3A_881, %rem3A_872 : i32
      %dma_start3A_883 = arith.constant 0 : i32
      %dma_start3A_884 = tpu.memref_slice %arg7[%select_n3A_866, %select_n3A_882, %dma_start3A_883] : memref<2x16x125xi32, #tpu.memory_space<vmem>> -> memref<1x1x125xi32, #tpu.memory_space<vmem>>
      %dma_start3A_885 = tpu.memref_squeeze %dma_start3A_884 : memref<1x1x125xi32, #tpu.memory_space<vmem>> -> memref<125xi32, #tpu.memory_space<vmem>>
      %dma_start3A_886 = arith.constant 0 : i32
      %dma_start3A_887 = arith.constant 0 : i32
      %dma_start3A_888 = tpu.memref_slice %arg2[%arg0, %dma_start3A_886, %dma_start3A_887] : memref<2x10000x64xf32, #tpu.memory_space<hbm>> -> memref<1x10000x64xf32, #tpu.memory_space<hbm>>
      %dma_start3A_889 = tpu.memref_squeeze %dma_start3A_888 : memref<1x10000x64xf32, #tpu.memory_space<hbm>> -> memref<10000x64xf32, #tpu.memory_space<hbm>>
      %dma_start3A_890 = arith.constant 0 : i32
      %dma_start3A_891 = arith.constant 0 : i32
      %dma_start3A_892 = tpu.memref_slice %dma_start3A_889[%dma_start3A_890, %dma_start3A_891] : memref<10000x64xf32, #tpu.memory_space<hbm>> -> memref<10000x64xf32, #tpu.memory_space<hbm>>
      tpu.enqueue_indirect_dma source(%dma_start3A_892 : memref<10000x64xf32, #tpu.memory_space<hbm>>) target(%arg11 : memref<125x64xf32, #tpu.memory_space<vmem>>) offsets(%dma_start3A_885 : memref<125xi32, #tpu.memory_space<vmem>>) semaphore(%arg15 : memref<!tpu.dma_semaphore, #tpu.memory_space<semaphore_mem>>)
      %sub3A_893 = arith.constant 2 : i32
      %sub3A_894 = arith.subi %add3A_762, %sub3A_893 : i32
      %jit3A_895 = arith.constant 16 : i32
      %div3A_896 = arith.divsi %sub3A_894, %jit3A_895 : i32
      %sign3A_897 = arith.constant 0 : i32
      %sign3A_898 = arith.cmpi sgt, %sub3A_894, %sign3A_897 : i32
      %sign3A_899 = arith.extui %sign3A_898 : i1 to i32
      %sign3A_900 = arith.constant 0 : i32
      %sign3A_901 = arith.cmpi slt, %sub3A_894, %sign3A_900 : i32
      %sign3A_902 = arith.extui %sign3A_901 : i1 to i32
      %sign3A_903 = arith.subi %sign3A_899, %sign3A_902 : i32
      %sign3A_904 = arith.constant 0 : i32
      %sign3A_905 = arith.cmpi sgt, %jit3A_895, %sign3A_904 : i32
      %sign3A_906 = arith.extui %sign3A_905 : i1 to i32
      %sign3A_907 = arith.constant 0 : i32
      %sign3A_908 = arith.cmpi slt, %jit3A_895, %sign3A_907 : i32
      %sign3A_909 = arith.extui %sign3A_908 : i1 to i32
      %sign3A_910 = arith.subi %sign3A_906, %sign3A_909 : i32
      %ne3A_911 = arith.cmpi ne, %sign3A_903, %sign3A_910 : i32
      %rem3A_912 = arith.remsi %sub3A_894, %jit3A_895 : i32
      %ne3A_913 = arith.constant 0 : i32
      %ne3A_914 = arith.cmpi ne, %rem3A_912, %ne3A_913 : i32
      %and3A_915 = arith.andi %ne3A_911, %ne3A_914 : i1
      %sub3A_916 = arith.constant 1 : i32
      %sub3A_917 = arith.subi %div3A_896, %sub3A_916 : i32
      %select_n3A_918 = arith.select %and3A_915, %sub3A_917, %div3A_896 : i32
      %jit3A_919 = arith.constant 2 : i32
      %eq3A_920 = arith.constant 0 : i32
      %eq3A_921 = arith.cmpi eq, %jit3A_919, %eq3A_920 : i32
      %jit3A_922 = arith.constant 1 : i32
      %select_n3A_923 = arith.select %eq3A_921, %jit3A_922, %jit3A_919 : i32
      %rem3A_924 = arith.remsi %select_n3A_918, %select_n3A_923 : i32
      %ne3A_925 = arith.constant 0 : i32
      %ne3A_926 = arith.cmpi ne, %rem3A_924, %ne3A_925 : i32
      %lt3A_927 = arith.constant 0 : i32
      %lt3A_928 = arith.cmpi slt, %rem3A_924, %lt3A_927 : i32
      %lt3A_929 = arith.constant 0 : i32
      %lt3A_930 = arith.cmpi slt, %select_n3A_923, %lt3A_929 : i32
      %ne3A_931 = arith.xori %lt3A_928, %lt3A_930 : i1
      %and3A_932 = arith.andi %ne3A_931, %ne3A_926 : i1
      %add3A_933 = arith.addi %rem3A_924, %select_n3A_923 : i32
      %select_n3A_934 = arith.select %and3A_932, %add3A_933, %rem3A_924 : i32
      %jit3A_935 = arith.constant 16 : i32
      %eq3A_936 = arith.constant 0 : i32
      %eq3A_937 = arith.cmpi eq, %jit3A_935, %eq3A_936 : i32
      %jit3A_938 = arith.constant 1 : i32
      %select_n3A_939 = arith.select %eq3A_937, %jit3A_938, %jit3A_935 : i32
      %rem3A_940 = arith.remsi %sub3A_894, %select_n3A_939 : i32
      %ne3A_941 = arith.constant 0 : i32
      %ne3A_942 = arith.cmpi ne, %rem3A_940, %ne3A_941 : i32
      %lt3A_943 = arith.constant 0 : i32
      %lt3A_944 = arith.cmpi slt, %rem3A_940, %lt3A_943 : i32
      %lt3A_945 = arith.constant 0 : i32
      %lt3A_946 = arith.cmpi slt, %select_n3A_939, %lt3A_945 : i32
      %ne3A_947 = arith.xori %lt3A_944, %lt3A_946 : i1
      %and3A_948 = arith.andi %ne3A_947, %ne3A_942 : i1
      %add3A_949 = arith.addi %rem3A_940, %select_n3A_939 : i32
      %select_n3A_950 = arith.select %and3A_948, %add3A_949, %rem3A_940 : i32
      %dma_wait3A_951 = arith.constant 0 : i32
      %dma_wait3A_952 = tpu.memref_slice %arg7[%select_n3A_934, %select_n3A_950, %dma_wait3A_951] : memref<2x16x125xi32, #tpu.memory_space<vmem>> -> memref<1x1x125xi32, #tpu.memory_space<vmem>>
      %dma_wait3A_953 = tpu.memref_squeeze %dma_wait3A_952 : memref<1x1x125xi32, #tpu.memory_space<vmem>> -> memref<125xi32, #tpu.memory_space<vmem>>
      %dma_wait3A_954 = arith.constant 0 : i32
      %dma_wait3A_955 = arith.constant 0 : i32
      %dma_wait3A_956 = tpu.memref_slice %arg2[%arg0, %dma_wait3A_954, %dma_wait3A_955] : memref<2x10000x64xf32, #tpu.memory_space<hbm>> -> memref<1x10000x64xf32, #tpu.memory_space<hbm>>
      %dma_wait3A_957 = tpu.memref_squeeze %dma_wait3A_956 : memref<1x10000x64xf32, #tpu.memory_space<hbm>> -> memref<10000x64xf32, #tpu.memory_space<hbm>>
      %dma_wait3A_958 = arith.constant 0 : i32
      %dma_wait3A_959 = arith.constant 0 : i32
      %dma_wait3A_960 = tpu.memref_slice %dma_wait3A_957[%dma_wait3A_958, %dma_wait3A_959] : memref<10000x64xf32, #tpu.memory_space<hbm>> -> memref<10000x64xf32, #tpu.memory_space<hbm>>
      tpu.wait_indirect_dma semaphore(%arg13 : memref<!tpu.dma_semaphore, #tpu.memory_space<semaphore_mem>>) src(%dma_wait3A_960 : memref<10000x64xf32, #tpu.memory_space<hbm>>) dst(%arg9 : memref<125x64xf32, #tpu.memory_space<vmem>>)
      %sub3A_961 = arith.constant 2 : i32
      %sub3A_962 = arith.subi %add3A_762, %sub3A_961 : i32
      %jit3A_963 = arith.constant 16 : i32
      %div3A_964 = arith.divsi %sub3A_962, %jit3A_963 : i32
      %sign3A_965 = arith.constant 0 : i32
      %sign3A_966 = arith.cmpi sgt, %sub3A_962, %sign3A_965 : i32
      %sign3A_967 = arith.extui %sign3A_966 : i1 to i32
      %sign3A_968 = arith.constant 0 : i32
      %sign3A_969 = arith.cmpi slt, %sub3A_962, %sign3A_968 : i32
      %sign3A_970 = arith.extui %sign3A_969 : i1 to i32
      %sign3A_971 = arith.subi %sign3A_967, %sign3A_970 : i32
      %sign3A_972 = arith.constant 0 : i32
      %sign3A_973 = arith.cmpi sgt, %jit3A_963, %sign3A_972 : i32
      %sign3A_974 = arith.extui %sign3A_973 : i1 to i32
      %sign3A_975 = arith.constant 0 : i32
      %sign3A_976 = arith.cmpi slt, %jit3A_963, %sign3A_975 : i32
      %sign3A_977 = arith.extui %sign3A_976 : i1 to i32
      %sign3A_978 = arith.subi %sign3A_974, %sign3A_977 : i32
      %ne3A_979 = arith.cmpi ne, %sign3A_971, %sign3A_978 : i32
      %rem3A_980 = arith.remsi %sub3A_962, %jit3A_963 : i32
      %ne3A_981 = arith.constant 0 : i32
      %ne3A_982 = arith.cmpi ne, %rem3A_980, %ne3A_981 : i32
      %and3A_983 = arith.andi %ne3A_979, %ne3A_982 : i1
      %sub3A_984 = arith.constant 1 : i32
      %sub3A_985 = arith.subi %div3A_964, %sub3A_984 : i32
      %select_n3A_986 = arith.select %and3A_983, %sub3A_985, %div3A_964 : i32
      %jit3A_987 = arith.constant 2 : i32
      %eq3A_988 = arith.constant 0 : i32
      %eq3A_989 = arith.cmpi eq, %jit3A_987, %eq3A_988 : i32
      %jit3A_990 = arith.constant 1 : i32
      %select_n3A_991 = arith.select %eq3A_989, %jit3A_990, %jit3A_987 : i32
      %rem3A_992 = arith.remsi %select_n3A_986, %select_n3A_991 : i32
      %ne3A_993 = arith.constant 0 : i32
      %ne3A_994 = arith.cmpi ne, %rem3A_992, %ne3A_993 : i32
      %lt3A_995 = arith.constant 0 : i32
      %lt3A_996 = arith.cmpi slt, %rem3A_992, %lt3A_995 : i32
      %lt3A_997 = arith.constant 0 : i32
      %lt3A_998 = arith.cmpi slt, %select_n3A_991, %lt3A_997 : i32
      %ne3A_999 = arith.xori %lt3A_996, %lt3A_998 : i1
      %and3A_1000 = arith.andi %ne3A_999, %ne3A_994 : i1
      %add3A_1001 = arith.addi %rem3A_992, %select_n3A_991 : i32
      %select_n3A_1002 = arith.select %and3A_1000, %add3A_1001, %rem3A_992 : i32
      %jit3A_1003 = arith.constant 16 : i32
      %eq3A_1004 = arith.constant 0 : i32
      %eq3A_1005 = arith.cmpi eq, %jit3A_1003, %eq3A_1004 : i32
      %jit3A_1006 = arith.constant 1 : i32
      %select_n3A_1007 = arith.select %eq3A_1005, %jit3A_1006, %jit3A_1003 : i32
      %rem3A_1008 = arith.remsi %sub3A_962, %select_n3A_1007 : i32
      %ne3A_1009 = arith.constant 0 : i32
      %ne3A_1010 = arith.cmpi ne, %rem3A_1008, %ne3A_1009 : i32
      %lt3A_1011 = arith.constant 0 : i32
      %lt3A_1012 = arith.cmpi slt, %rem3A_1008, %lt3A_1011 : i32
      %lt3A_1013 = arith.constant 0 : i32
      %lt3A_1014 = arith.cmpi slt, %select_n3A_1007, %lt3A_1013 : i32
      %ne3A_1015 = arith.xori %lt3A_1012, %lt3A_1014 : i1
      %and3A_1016 = arith.andi %ne3A_1015, %ne3A_1010 : i1
      %add3A_1017 = arith.addi %rem3A_1008, %select_n3A_1007 : i32
      %select_n3A_1018 = arith.select %and3A_1016, %add3A_1017, %rem3A_1008 : i32
      %dma_start3A_1019 = arith.constant 0 : i32
      %dma_start3A_1020 = tpu.memref_slice %arg8[%select_n3A_1002, %select_n3A_1018, %dma_start3A_1019] : memref<2x16x125xi32, #tpu.memory_space<vmem>> -> memref<1x1x125xi32, #tpu.memory_space<vmem>>
      %dma_start3A_1021 = tpu.memref_squeeze %dma_start3A_1020 : memref<1x1x125xi32, #tpu.memory_space<vmem>> -> memref<125xi32, #tpu.memory_space<vmem>>
      %dma_start3A_1022 = arith.constant 0 : i32
      %dma_start3A_1023 = arith.constant 0 : i32
      %dma_start3A_1024 = tpu.memref_slice %arg22[%dma_start3A_1022, %dma_start3A_1023] : memref<10112x64xf32, #tpu.memory_space<vmem_shared>> -> memref<10112x64xf32, #tpu.memory_space<vmem_shared>>
      tpu.enqueue_indirect_dma source(%arg9 : memref<125x64xf32, #tpu.memory_space<vmem>>) target(%dma_start3A_1024 : memref<10112x64xf32, #tpu.memory_space<vmem_shared>>) offsets(%dma_start3A_1021 : memref<125xi32, #tpu.memory_space<vmem>>) semaphore(%arg17 : memref<!tpu.dma_semaphore, #tpu.memory_space<semaphore_mem>>) {add = true}
      %add3A_1025 = arith.constant 3 : i32
      %add3A_1026 = arith.addi %add3A_173, %add3A_1025 : i32
      %sub3A_1027 = arith.constant 4 : i32
      %sub3A_1028 = arith.subi %add3A_1026, %sub3A_1027 : i32
      %jit3A_1029 = arith.constant 16 : i32
      %div3A_1030 = arith.divsi %sub3A_1028, %jit3A_1029 : i32
      %sign3A_1031 = arith.constant 0 : i32
      %sign3A_1032 = arith.cmpi sgt, %sub3A_1028, %sign3A_1031 : i32
      %sign3A_1033 = arith.extui %sign3A_1032 : i1 to i32
      %sign3A_1034 = arith.constant 0 : i32
      %sign3A_1035 = arith.cmpi slt, %sub3A_1028, %sign3A_1034 : i32
      %sign3A_1036 = arith.extui %sign3A_1035 : i1 to i32
      %sign3A_1037 = arith.subi %sign3A_1033, %sign3A_1036 : i32
      %sign3A_1038 = arith.constant 0 : i32
      %sign3A_1039 = arith.cmpi sgt, %jit3A_1029, %sign3A_1038 : i32
      %sign3A_1040 = arith.extui %sign3A_1039 : i1 to i32
      %sign3A_1041 = arith.constant 0 : i32
      %sign3A_1042 = arith.cmpi slt, %jit3A_1029, %sign3A_1041 : i32
      %sign3A_1043 = arith.extui %sign3A_1042 : i1 to i32
      %sign3A_1044 = arith.subi %sign3A_1040, %sign3A_1043 : i32
      %ne3A_1045 = arith.cmpi ne, %sign3A_1037, %sign3A_1044 : i32
      %rem3A_1046 = arith.remsi %sub3A_1028, %jit3A_1029 : i32
      %ne3A_1047 = arith.constant 0 : i32
      %ne3A_1048 = arith.cmpi ne, %rem3A_1046, %ne3A_1047 : i32
      %and3A_1049 = arith.andi %ne3A_1045, %ne3A_1048 : i1
      %sub3A_1050 = arith.constant 1 : i32
      %sub3A_1051 = arith.subi %div3A_1030, %sub3A_1050 : i32
      %select_n3A_1052 = arith.select %and3A_1049, %sub3A_1051, %div3A_1030 : i32
      %jit3A_1053 = arith.constant 2 : i32
      %eq3A_1054 = arith.constant 0 : i32
      %eq3A_1055 = arith.cmpi eq, %jit3A_1053, %eq3A_1054 : i32
      %jit3A_1056 = arith.constant 1 : i32
      %select_n3A_1057 = arith.select %eq3A_1055, %jit3A_1056, %jit3A_1053 : i32
      %rem3A_1058 = arith.remsi %select_n3A_1052, %select_n3A_1057 : i32
      %ne3A_1059 = arith.constant 0 : i32
      %ne3A_1060 = arith.cmpi ne, %rem3A_1058, %ne3A_1059 : i32
      %lt3A_1061 = arith.constant 0 : i32
      %lt3A_1062 = arith.cmpi slt, %rem3A_1058, %lt3A_1061 : i32
      %lt3A_1063 = arith.constant 0 : i32
      %lt3A_1064 = arith.cmpi slt, %select_n3A_1057, %lt3A_1063 : i32
      %ne3A_1065 = arith.xori %lt3A_1062, %lt3A_1064 : i1
      %and3A_1066 = arith.andi %ne3A_1065, %ne3A_1060 : i1
      %add3A_1067 = arith.addi %rem3A_1058, %select_n3A_1057 : i32
      %select_n3A_1068 = arith.select %and3A_1066, %add3A_1067, %rem3A_1058 : i32
      %jit3A_1069 = arith.constant 16 : i32
      %eq3A_1070 = arith.constant 0 : i32
      %eq3A_1071 = arith.cmpi eq, %jit3A_1069, %eq3A_1070 : i32
      %jit3A_1072 = arith.constant 1 : i32
      %select_n3A_1073 = arith.select %eq3A_1071, %jit3A_1072, %jit3A_1069 : i32
      %rem3A_1074 = arith.remsi %sub3A_1028, %select_n3A_1073 : i32
      %ne3A_1075 = arith.constant 0 : i32
      %ne3A_1076 = arith.cmpi ne, %rem3A_1074, %ne3A_1075 : i32
      %lt3A_1077 = arith.constant 0 : i32
      %lt3A_1078 = arith.cmpi slt, %rem3A_1074, %lt3A_1077 : i32
      %lt3A_1079 = arith.constant 0 : i32
      %lt3A_1080 = arith.cmpi slt, %select_n3A_1073, %lt3A_1079 : i32
      %ne3A_1081 = arith.xori %lt3A_1078, %lt3A_1080 : i1
      %and3A_1082 = arith.andi %ne3A_1081, %ne3A_1076 : i1
      %add3A_1083 = arith.addi %rem3A_1074, %select_n3A_1073 : i32
      %select_n3A_1084 = arith.select %and3A_1082, %add3A_1083, %rem3A_1074 : i32
      %dma_wait3A_1085 = arith.constant 0 : i32
      %dma_wait3A_1086 = tpu.memref_slice %arg8[%select_n3A_1068, %select_n3A_1084, %dma_wait3A_1085] : memref<2x16x125xi32, #tpu.memory_space<vmem>> -> memref<1x1x125xi32, #tpu.memory_space<vmem>>
      %dma_wait3A_1087 = tpu.memref_squeeze %dma_wait3A_1086 : memref<1x1x125xi32, #tpu.memory_space<vmem>> -> memref<125xi32, #tpu.memory_space<vmem>>
      %dma_wait3A_1088 = arith.constant 0 : i32
      %dma_wait3A_1089 = arith.constant 0 : i32
      %dma_wait3A_1090 = tpu.memref_slice %arg22[%dma_wait3A_1088, %dma_wait3A_1089] : memref<10112x64xf32, #tpu.memory_space<vmem_shared>> -> memref<10112x64xf32, #tpu.memory_space<vmem_shared>>
      tpu.wait_indirect_dma semaphore(%arg20 : memref<!tpu.dma_semaphore, #tpu.memory_space<semaphore_mem>>) src(%arg12 : memref<125x64xf32, #tpu.memory_space<vmem>>) dst(%dma_wait3A_1090 : memref<10112x64xf32, #tpu.memory_space<vmem_shared>>)
      %jit3A_1091 = arith.constant 16 : i32
      %div3A_1092 = arith.divsi %add3A_1026, %jit3A_1091 : i32
      %sign3A_1093 = arith.constant 0 : i32
      %sign3A_1094 = arith.cmpi sgt, %add3A_1026, %sign3A_1093 : i32
      %sign3A_1095 = arith.extui %sign3A_1094 : i1 to i32
      %sign3A_1096 = arith.constant 0 : i32
      %sign3A_1097 = arith.cmpi slt, %add3A_1026, %sign3A_1096 : i32
      %sign3A_1098 = arith.extui %sign3A_1097 : i1 to i32
      %sign3A_1099 = arith.subi %sign3A_1095, %sign3A_1098 : i32
      %sign3A_1100 = arith.constant 0 : i32
      %sign3A_1101 = arith.cmpi sgt, %jit3A_1091, %sign3A_1100 : i32
      %sign3A_1102 = arith.extui %sign3A_1101 : i1 to i32
      %sign3A_1103 = arith.constant 0 : i32
      %sign3A_1104 = arith.cmpi slt, %jit3A_1091, %sign3A_1103 : i32
      %sign3A_1105 = arith.extui %sign3A_1104 : i1 to i32
      %sign3A_1106 = arith.subi %sign3A_1102, %sign3A_1105 : i32
      %ne3A_1107 = arith.cmpi ne, %sign3A_1099, %sign3A_1106 : i32
      %rem3A_1108 = arith.remsi %add3A_1026, %jit3A_1091 : i32
      %ne3A_1109 = arith.constant 0 : i32
      %ne3A_1110 = arith.cmpi ne, %rem3A_1108, %ne3A_1109 : i32
      %and3A_1111 = arith.andi %ne3A_1107, %ne3A_1110 : i1
      %sub3A_1112 = arith.constant 1 : i32
      %sub3A_1113 = arith.subi %div3A_1092, %sub3A_1112 : i32
      %select_n3A_1114 = arith.select %and3A_1111, %sub3A_1113, %div3A_1092 : i32
      %jit3A_1115 = arith.constant 2 : i32
      %eq3A_1116 = arith.constant 0 : i32
      %eq3A_1117 = arith.cmpi eq, %jit3A_1115, %eq3A_1116 : i32
      %jit3A_1118 = arith.constant 1 : i32
      %select_n3A_1119 = arith.select %eq3A_1117, %jit3A_1118, %jit3A_1115 : i32
      %rem3A_1120 = arith.remsi %select_n3A_1114, %select_n3A_1119 : i32
      %ne3A_1121 = arith.constant 0 : i32
      %ne3A_1122 = arith.cmpi ne, %rem3A_1120, %ne3A_1121 : i32
      %lt3A_1123 = arith.constant 0 : i32
      %lt3A_1124 = arith.cmpi slt, %rem3A_1120, %lt3A_1123 : i32
      %lt3A_1125 = arith.constant 0 : i32
      %lt3A_1126 = arith.cmpi slt, %select_n3A_1119, %lt3A_1125 : i32
      %ne3A_1127 = arith.xori %lt3A_1124, %lt3A_1126 : i1
      %and3A_1128 = arith.andi %ne3A_1127, %ne3A_1122 : i1
      %add3A_1129 = arith.addi %rem3A_1120, %select_n3A_1119 : i32
      %select_n3A_1130 = arith.select %and3A_1128, %add3A_1129, %rem3A_1120 : i32
      %jit3A_1131 = arith.constant 16 : i32
      %eq3A_1132 = arith.constant 0 : i32
      %eq3A_1133 = arith.cmpi eq, %jit3A_1131, %eq3A_1132 : i32
      %jit3A_1134 = arith.constant 1 : i32
      %select_n3A_1135 = arith.select %eq3A_1133, %jit3A_1134, %jit3A_1131 : i32
      %rem3A_1136 = arith.remsi %add3A_1026, %select_n3A_1135 : i32
      %ne3A_1137 = arith.constant 0 : i32
      %ne3A_1138 = arith.cmpi ne, %rem3A_1136, %ne3A_1137 : i32
      %lt3A_1139 = arith.constant 0 : i32
      %lt3A_1140 = arith.cmpi slt, %rem3A_1136, %lt3A_1139 : i32
      %lt3A_1141 = arith.constant 0 : i32
      %lt3A_1142 = arith.cmpi slt, %select_n3A_1135, %lt3A_1141 : i32
      %ne3A_1143 = arith.xori %lt3A_1140, %lt3A_1142 : i1
      %and3A_1144 = arith.andi %ne3A_1143, %ne3A_1138 : i1
      %add3A_1145 = arith.addi %rem3A_1136, %select_n3A_1135 : i32
      %select_n3A_1146 = arith.select %and3A_1144, %add3A_1145, %rem3A_1136 : i32
      %dma_start3A_1147 = arith.constant 0 : i32
      %dma_start3A_1148 = tpu.memref_slice %arg7[%select_n3A_1130, %select_n3A_1146, %dma_start3A_1147] : memref<2x16x125xi32, #tpu.memory_space<vmem>> -> memref<1x1x125xi32, #tpu.memory_space<vmem>>
      %dma_start3A_1149 = tpu.memref_squeeze %dma_start3A_1148 : memref<1x1x125xi32, #tpu.memory_space<vmem>> -> memref<125xi32, #tpu.memory_space<vmem>>
      %dma_start3A_1150 = arith.constant 0 : i32
      %dma_start3A_1151 = arith.constant 0 : i32
      %dma_start3A_1152 = tpu.memref_slice %arg2[%arg0, %dma_start3A_1150, %dma_start3A_1151] : memref<2x10000x64xf32, #tpu.memory_space<hbm>> -> memref<1x10000x64xf32, #tpu.memory_space<hbm>>
      %dma_start3A_1153 = tpu.memref_squeeze %dma_start3A_1152 : memref<1x10000x64xf32, #tpu.memory_space<hbm>> -> memref<10000x64xf32, #tpu.memory_space<hbm>>
      %dma_start3A_1154 = arith.constant 0 : i32
      %dma_start3A_1155 = arith.constant 0 : i32
      %dma_start3A_1156 = tpu.memref_slice %dma_start3A_1153[%dma_start3A_1154, %dma_start3A_1155] : memref<10000x64xf32, #tpu.memory_space<hbm>> -> memref<10000x64xf32, #tpu.memory_space<hbm>>
      tpu.enqueue_indirect_dma source(%dma_start3A_1156 : memref<10000x64xf32, #tpu.memory_space<hbm>>) target(%arg12 : memref<125x64xf32, #tpu.memory_space<vmem>>) offsets(%dma_start3A_1149 : memref<125xi32, #tpu.memory_space<vmem>>) semaphore(%arg16 : memref<!tpu.dma_semaphore, #tpu.memory_space<semaphore_mem>>)
      %sub3A_1157 = arith.constant 2 : i32
      %sub3A_1158 = arith.subi %add3A_1026, %sub3A_1157 : i32
      %jit3A_1159 = arith.constant 16 : i32
      %div3A_1160 = arith.divsi %sub3A_1158, %jit3A_1159 : i32
      %sign3A_1161 = arith.constant 0 : i32
      %sign3A_1162 = arith.cmpi sgt, %sub3A_1158, %sign3A_1161 : i32
      %sign3A_1163 = arith.extui %sign3A_1162 : i1 to i32
      %sign3A_1164 = arith.constant 0 : i32
      %sign3A_1165 = arith.cmpi slt, %sub3A_1158, %sign3A_1164 : i32
      %sign3A_1166 = arith.extui %sign3A_1165 : i1 to i32
      %sign3A_1167 = arith.subi %sign3A_1163, %sign3A_1166 : i32
      %sign3A_1168 = arith.constant 0 : i32
      %sign3A_1169 = arith.cmpi sgt, %jit3A_1159, %sign3A_1168 : i32
      %sign3A_1170 = arith.extui %sign3A_1169 : i1 to i32
      %sign3A_1171 = arith.constant 0 : i32
      %sign3A_1172 = arith.cmpi slt, %jit3A_1159, %sign3A_1171 : i32
      %sign3A_1173 = arith.extui %sign3A_1172 : i1 to i32
      %sign3A_1174 = arith.subi %sign3A_1170, %sign3A_1173 : i32
      %ne3A_1175 = arith.cmpi ne, %sign3A_1167, %sign3A_1174 : i32
      %rem3A_1176 = arith.remsi %sub3A_1158, %jit3A_1159 : i32
      %ne3A_1177 = arith.constant 0 : i32
      %ne3A_1178 = arith.cmpi ne, %rem3A_1176, %ne3A_1177 : i32
      %and3A_1179 = arith.andi %ne3A_1175, %ne3A_1178 : i1
      %sub3A_1180 = arith.constant 1 : i32
      %sub3A_1181 = arith.subi %div3A_1160, %sub3A_1180 : i32
      %select_n3A_1182 = arith.select %and3A_1179, %sub3A_1181, %div3A_1160 : i32
      %jit3A_1183 = arith.constant 2 : i32
      %eq3A_1184 = arith.constant 0 : i32
      %eq3A_1185 = arith.cmpi eq, %jit3A_1183, %eq3A_1184 : i32
      %jit3A_1186 = arith.constant 1 : i32
      %select_n3A_1187 = arith.select %eq3A_1185, %jit3A_1186, %jit3A_1183 : i32
      %rem3A_1188 = arith.remsi %select_n3A_1182, %select_n3A_1187 : i32
      %ne3A_1189 = arith.constant 0 : i32
      %ne3A_1190 = arith.cmpi ne, %rem3A_1188, %ne3A_1189 : i32
      %lt3A_1191 = arith.constant 0 : i32
      %lt3A_1192 = arith.cmpi slt, %rem3A_1188, %lt3A_1191 : i32
      %lt3A_1193 = arith.constant 0 : i32
      %lt3A_1194 = arith.cmpi slt, %select_n3A_1187, %lt3A_1193 : i32
      %ne3A_1195 = arith.xori %lt3A_1192, %lt3A_1194 : i1
      %and3A_1196 = arith.andi %ne3A_1195, %ne3A_1190 : i1
      %add3A_1197 = arith.addi %rem3A_1188, %select_n3A_1187 : i32
      %select_n3A_1198 = arith.select %and3A_1196, %add3A_1197, %rem3A_1188 : i32
      %jit3A_1199 = arith.constant 16 : i32
      %eq3A_1200 = arith.constant 0 : i32
      %eq3A_1201 = arith.cmpi eq, %jit3A_1199, %eq3A_1200 : i32
      %jit3A_1202 = arith.constant 1 : i32
      %select_n3A_1203 = arith.select %eq3A_1201, %jit3A_1202, %jit3A_1199 : i32
      %rem3A_1204 = arith.remsi %sub3A_1158, %select_n3A_1203 : i32
      %ne3A_1205 = arith.constant 0 : i32
      %ne3A_1206 = arith.cmpi ne, %rem3A_1204, %ne3A_1205 : i32
      %lt3A_1207 = arith.constant 0 : i32
      %lt3A_1208 = arith.cmpi slt, %rem3A_1204, %lt3A_1207 : i32
      %lt3A_1209 = arith.constant 0 : i32
      %lt3A_1210 = arith.cmpi slt, %select_n3A_1203, %lt3A_1209 : i32
      %ne3A_1211 = arith.xori %lt3A_1208, %lt3A_1210 : i1
      %and3A_1212 = arith.andi %ne3A_1211, %ne3A_1206 : i1
      %add3A_1213 = arith.addi %rem3A_1204, %select_n3A_1203 : i32
      %select_n3A_1214 = arith.select %and3A_1212, %add3A_1213, %rem3A_1204 : i32
      %dma_wait3A_1215 = arith.constant 0 : i32
      %dma_wait3A_1216 = tpu.memref_slice %arg7[%select_n3A_1198, %select_n3A_1214, %dma_wait3A_1215] : memref<2x16x125xi32, #tpu.memory_space<vmem>> -> memref<1x1x125xi32, #tpu.memory_space<vmem>>
      %dma_wait3A_1217 = tpu.memref_squeeze %dma_wait3A_1216 : memref<1x1x125xi32, #tpu.memory_space<vmem>> -> memref<125xi32, #tpu.memory_space<vmem>>
      %dma_wait3A_1218 = arith.constant 0 : i32
      %dma_wait3A_1219 = arith.constant 0 : i32
      %dma_wait3A_1220 = tpu.memref_slice %arg2[%arg0, %dma_wait3A_1218, %dma_wait3A_1219] : memref<2x10000x64xf32, #tpu.memory_space<hbm>> -> memref<1x10000x64xf32, #tpu.memory_space<hbm>>
      %dma_wait3A_1221 = tpu.memref_squeeze %dma_wait3A_1220 : memref<1x10000x64xf32, #tpu.memory_space<hbm>> -> memref<10000x64xf32, #tpu.memory_space<hbm>>
      %dma_wait3A_1222 = arith.constant 0 : i32
      %dma_wait3A_1223 = arith.constant 0 : i32
      %dma_wait3A_1224 = tpu.memref_slice %dma_wait3A_1221[%dma_wait3A_1222, %dma_wait3A_1223] : memref<10000x64xf32, #tpu.memory_space<hbm>> -> memref<10000x64xf32, #tpu.memory_space<hbm>>
      tpu.wait_indirect_dma semaphore(%arg14 : memref<!tpu.dma_semaphore, #tpu.memory_space<semaphore_mem>>) src(%dma_wait3A_1224 : memref<10000x64xf32, #tpu.memory_space<hbm>>) dst(%arg10 : memref<125x64xf32, #tpu.memory_space<vmem>>)
      %sub3A_1225 = arith.constant 2 : i32
      %sub3A_1226 = arith.subi %add3A_1026, %sub3A_1225 : i32
      %jit3A_1227 = arith.constant 16 : i32
      %div3A_1228 = arith.divsi %sub3A_1226, %jit3A_1227 : i32
      %sign3A_1229 = arith.constant 0 : i32
      %sign3A_1230 = arith.cmpi sgt, %sub3A_1226, %sign3A_1229 : i32
      %sign3A_1231 = arith.extui %sign3A_1230 : i1 to i32
      %sign3A_1232 = arith.constant 0 : i32
      %sign3A_1233 = arith.cmpi slt, %sub3A_1226, %sign3A_1232 : i32
      %sign3A_1234 = arith.extui %sign3A_1233 : i1 to i32
      %sign3A_1235 = arith.subi %sign3A_1231, %sign3A_1234 : i32
      %sign3A_1236 = arith.constant 0 : i32
      %sign3A_1237 = arith.cmpi sgt, %jit3A_1227, %sign3A_1236 : i32
      %sign3A_1238 = arith.extui %sign3A_1237 : i1 to i32
      %sign3A_1239 = arith.constant 0 : i32
      %sign3A_1240 = arith.cmpi slt, %jit3A_1227, %sign3A_1239 : i32
      %sign3A_1241 = arith.extui %sign3A_1240 : i1 to i32
      %sign3A_1242 = arith.subi %sign3A_1238, %sign3A_1241 : i32
      %ne3A_1243 = arith.cmpi ne, %sign3A_1235, %sign3A_1242 : i32
      %rem3A_1244 = arith.remsi %sub3A_1226, %jit3A_1227 : i32
      %ne3A_1245 = arith.constant 0 : i32
      %ne3A_1246 = arith.cmpi ne, %rem3A_1244, %ne3A_1245 : i32
      %and3A_1247 = arith.andi %ne3A_1243, %ne3A_1246 : i1
      %sub3A_1248 = arith.constant 1 : i32
      %sub3A_1249 = arith.subi %div3A_1228, %sub3A_1248 : i32
      %select_n3A_1250 = arith.select %and3A_1247, %sub3A_1249, %div3A_1228 : i32
      %jit3A_1251 = arith.constant 2 : i32
      %eq3A_1252 = arith.constant 0 : i32
      %eq3A_1253 = arith.cmpi eq, %jit3A_1251, %eq3A_1252 : i32
      %jit3A_1254 = arith.constant 1 : i32
      %select_n3A_1255 = arith.select %eq3A_1253, %jit3A_1254, %jit3A_1251 : i32
      %rem3A_1256 = arith.remsi %select_n3A_1250, %select_n3A_1255 : i32
      %ne3A_1257 = arith.constant 0 : i32
      %ne3A_1258 = arith.cmpi ne, %rem3A_1256, %ne3A_1257 : i32
      %lt3A_1259 = arith.constant 0 : i32
      %lt3A_1260 = arith.cmpi slt, %rem3A_1256, %lt3A_1259 : i32
      %lt3A_1261 = arith.constant 0 : i32
      %lt3A_1262 = arith.cmpi slt, %select_n3A_1255, %lt3A_1261 : i32
      %ne3A_1263 = arith.xori %lt3A_1260, %lt3A_1262 : i1
      %and3A_1264 = arith.andi %ne3A_1263, %ne3A_1258 : i1
      %add3A_1265 = arith.addi %rem3A_1256, %select_n3A_1255 : i32
      %select_n3A_1266 = arith.select %and3A_1264, %add3A_1265, %rem3A_1256 : i32
      %jit3A_1267 = arith.constant 16 : i32
      %eq3A_1268 = arith.constant 0 : i32
      %eq3A_1269 = arith.cmpi eq, %jit3A_1267, %eq3A_1268 : i32
      %jit3A_1270 = arith.constant 1 : i32
      %select_n3A_1271 = arith.select %eq3A_1269, %jit3A_1270, %jit3A_1267 : i32
      %rem3A_1272 = arith.remsi %sub3A_1226, %select_n3A_1271 : i32
      %ne3A_1273 = arith.constant 0 : i32
      %ne3A_1274 = arith.cmpi ne, %rem3A_1272, %ne3A_1273 : i32
      %lt3A_1275 = arith.constant 0 : i32
      %lt3A_1276 = arith.cmpi slt, %rem3A_1272, %lt3A_1275 : i32
      %lt3A_1277 = arith.constant 0 : i32
      %lt3A_1278 = arith.cmpi slt, %select_n3A_1271, %lt3A_1277 : i32
      %ne3A_1279 = arith.xori %lt3A_1276, %lt3A_1278 : i1
      %and3A_1280 = arith.andi %ne3A_1279, %ne3A_1274 : i1
      %add3A_1281 = arith.addi %rem3A_1272, %select_n3A_1271 : i32
      %select_n3A_1282 = arith.select %and3A_1280, %add3A_1281, %rem3A_1272 : i32
      %dma_start3A_1283 = arith.constant 0 : i32
      %dma_start3A_1284 = tpu.memref_slice %arg8[%select_n3A_1266, %select_n3A_1282, %dma_start3A_1283] : memref<2x16x125xi32, #tpu.memory_space<vmem>> -> memref<1x1x125xi32, #tpu.memory_space<vmem>>
      %dma_start3A_1285 = tpu.memref_squeeze %dma_start3A_1284 : memref<1x1x125xi32, #tpu.memory_space<vmem>> -> memref<125xi32, #tpu.memory_space<vmem>>
      %dma_start3A_1286 = arith.constant 0 : i32
      %dma_start3A_1287 = arith.constant 0 : i32
      %dma_start3A_1288 = tpu.memref_slice %arg22[%dma_start3A_1286, %dma_start3A_1287] : memref<10112x64xf32, #tpu.memory_space<vmem_shared>> -> memref<10112x64xf32, #tpu.memory_space<vmem_shared>>
      tpu.enqueue_indirect_dma source(%arg10 : memref<125x64xf32, #tpu.memory_space<vmem>>) target(%dma_start3A_1288 : memref<10112x64xf32, #tpu.memory_space<vmem_shared>>) offsets(%dma_start3A_1285 : memref<125xi32, #tpu.memory_space<vmem>>) semaphore(%arg18 : memref<!tpu.dma_semaphore, #tpu.memory_space<semaphore_mem>>) {add = true}
    }
    %scan3A_95 = arith.constant 39 : i32
    %dma_wait3A_96 = arith.constant 1 : i32
    %dma_wait3A_97 = arith.constant 14 : i32
    %dma_wait3A_98 = arith.constant 0 : i32
    %dma_wait3A_99 = tpu.memref_slice %arg7[%dma_wait3A_96, %dma_wait3A_97, %dma_wait3A_98] : memref<2x16x125xi32, #tpu.memory_space<vmem>> -> memref<1x1x125xi32, #tpu.memory_space<vmem>>
    %dma_wait3A_100 = tpu.memref_squeeze %dma_wait3A_99 : memref<1x1x125xi32, #tpu.memory_space<vmem>> -> memref<125xi32, #tpu.memory_space<vmem>>
    %dma_wait3A_101 = arith.constant 0 : i32
    %dma_wait3A_102 = arith.constant 0 : i32
    %dma_wait3A_103 = tpu.memref_slice %arg2[%arg0, %dma_wait3A_101, %dma_wait3A_102] : memref<2x10000x64xf32, #tpu.memory_space<hbm>> -> memref<1x10000x64xf32, #tpu.memory_space<hbm>>
    %dma_wait3A_104 = tpu.memref_squeeze %dma_wait3A_103 : memref<1x10000x64xf32, #tpu.memory_space<hbm>> -> memref<10000x64xf32, #tpu.memory_space<hbm>>
    %dma_wait3A_105 = arith.constant 0 : i32
    %dma_wait3A_106 = arith.constant 0 : i32
    %dma_wait3A_107 = tpu.memref_slice %dma_wait3A_104[%dma_wait3A_105, %dma_wait3A_106] : memref<10000x64xf32, #tpu.memory_space<hbm>> -> memref<10000x64xf32, #tpu.memory_space<hbm>>
    tpu.wait_indirect_dma semaphore(%arg15 : memref<!tpu.dma_semaphore, #tpu.memory_space<semaphore_mem>>) src(%dma_wait3A_107 : memref<10000x64xf32, #tpu.memory_space<hbm>>) dst(%arg11 : memref<125x64xf32, #tpu.memory_space<vmem>>)
    %dma_start3A_108 = arith.constant 1 : i32
    %dma_start3A_109 = arith.constant 14 : i32
    %dma_start3A_110 = arith.constant 0 : i32
    %dma_start3A_111 = tpu.memref_slice %arg8[%dma_start3A_108, %dma_start3A_109, %dma_start3A_110] : memref<2x16x125xi32, #tpu.memory_space<vmem>> -> memref<1x1x125xi32, #tpu.memory_space<vmem>>
    %dma_start3A_112 = tpu.memref_squeeze %dma_start3A_111 : memref<1x1x125xi32, #tpu.memory_space<vmem>> -> memref<125xi32, #tpu.memory_space<vmem>>
    %dma_start3A_113 = arith.constant 0 : i32
    %dma_start3A_114 = arith.constant 0 : i32
    %dma_start3A_115 = tpu.memref_slice %arg22[%dma_start3A_113, %dma_start3A_114] : memref<10112x64xf32, #tpu.memory_space<vmem_shared>> -> memref<10112x64xf32, #tpu.memory_space<vmem_shared>>
    tpu.enqueue_indirect_dma source(%arg11 : memref<125x64xf32, #tpu.memory_space<vmem>>) target(%dma_start3A_115 : memref<10112x64xf32, #tpu.memory_space<vmem_shared>>) offsets(%dma_start3A_112 : memref<125xi32, #tpu.memory_space<vmem>>) semaphore(%arg19 : memref<!tpu.dma_semaphore, #tpu.memory_space<semaphore_mem>>) {add = true}
    %dma_wait3A_116 = arith.constant 1 : i32
    %dma_wait3A_117 = arith.constant 15 : i32
    %dma_wait3A_118 = arith.constant 0 : i32
    %dma_wait3A_119 = tpu.memref_slice %arg7[%dma_wait3A_116, %dma_wait3A_117, %dma_wait3A_118] : memref<2x16x125xi32, #tpu.memory_space<vmem>> -> memref<1x1x125xi32, #tpu.memory_space<vmem>>
    %dma_wait3A_120 = tpu.memref_squeeze %dma_wait3A_119 : memref<1x1x125xi32, #tpu.memory_space<vmem>> -> memref<125xi32, #tpu.memory_space<vmem>>
    %dma_wait3A_121 = arith.constant 0 : i32
    %dma_wait3A_122 = arith.constant 0 : i32
    %dma_wait3A_123 = tpu.memref_slice %arg2[%arg0, %dma_wait3A_121, %dma_wait3A_122] : memref<2x10000x64xf32, #tpu.memory_space<hbm>> -> memref<1x10000x64xf32, #tpu.memory_space<hbm>>
    %dma_wait3A_124 = tpu.memref_squeeze %dma_wait3A_123 : memref<1x10000x64xf32, #tpu.memory_space<hbm>> -> memref<10000x64xf32, #tpu.memory_space<hbm>>
    %dma_wait3A_125 = arith.constant 0 : i32
    %dma_wait3A_126 = arith.constant 0 : i32
    %dma_wait3A_127 = tpu.memref_slice %dma_wait3A_124[%dma_wait3A_125, %dma_wait3A_126] : memref<10000x64xf32, #tpu.memory_space<hbm>> -> memref<10000x64xf32, #tpu.memory_space<hbm>>
    tpu.wait_indirect_dma semaphore(%arg16 : memref<!tpu.dma_semaphore, #tpu.memory_space<semaphore_mem>>) src(%dma_wait3A_127 : memref<10000x64xf32, #tpu.memory_space<hbm>>) dst(%arg12 : memref<125x64xf32, #tpu.memory_space<vmem>>)
    %dma_start3A_128 = arith.constant 1 : i32
    %dma_start3A_129 = arith.constant 15 : i32
    %dma_start3A_130 = arith.constant 0 : i32
    %dma_start3A_131 = tpu.memref_slice %arg8[%dma_start3A_128, %dma_start3A_129, %dma_start3A_130] : memref<2x16x125xi32, #tpu.memory_space<vmem>> -> memref<1x1x125xi32, #tpu.memory_space<vmem>>
    %dma_start3A_132 = tpu.memref_squeeze %dma_start3A_131 : memref<1x1x125xi32, #tpu.memory_space<vmem>> -> memref<125xi32, #tpu.memory_space<vmem>>
    %dma_start3A_133 = arith.constant 0 : i32
    %dma_start3A_134 = arith.constant 0 : i32
    %dma_start3A_135 = tpu.memref_slice %arg22[%dma_start3A_133, %dma_start3A_134] : memref<10112x64xf32, #tpu.memory_space<vmem_shared>> -> memref<10112x64xf32, #tpu.memory_space<vmem_shared>>
    tpu.enqueue_indirect_dma source(%arg12 : memref<125x64xf32, #tpu.memory_space<vmem>>) target(%dma_start3A_135 : memref<10112x64xf32, #tpu.memory_space<vmem_shared>>) offsets(%dma_start3A_132 : memref<125xi32, #tpu.memory_space<vmem>>) semaphore(%arg20 : memref<!tpu.dma_semaphore, #tpu.memory_space<semaphore_mem>>) {add = true}
    %dma_wait3A_136 = arith.constant 1 : i32
    %dma_wait3A_137 = arith.constant 12 : i32
    %dma_wait3A_138 = arith.constant 0 : i32
    %dma_wait3A_139 = tpu.memref_slice %arg8[%dma_wait3A_136, %dma_wait3A_137, %dma_wait3A_138] : memref<2x16x125xi32, #tpu.memory_space<vmem>> -> memref<1x1x125xi32, #tpu.memory_space<vmem>>
    %dma_wait3A_140 = tpu.memref_squeeze %dma_wait3A_139 : memref<1x1x125xi32, #tpu.memory_space<vmem>> -> memref<125xi32, #tpu.memory_space<vmem>>
    %dma_wait3A_141 = arith.constant 0 : i32
    %dma_wait3A_142 = arith.constant 0 : i32
    %dma_wait3A_143 = tpu.memref_slice %arg22[%dma_wait3A_141, %dma_wait3A_142] : memref<10112x64xf32, #tpu.memory_space<vmem_shared>> -> memref<10112x64xf32, #tpu.memory_space<vmem_shared>>
    tpu.wait_indirect_dma semaphore(%arg17 : memref<!tpu.dma_semaphore, #tpu.memory_space<semaphore_mem>>) src(%arg9 : memref<125x64xf32, #tpu.memory_space<vmem>>) dst(%dma_wait3A_143 : memref<10112x64xf32, #tpu.memory_space<vmem_shared>>)
    %dma_wait3A_144 = arith.constant 1 : i32
    %dma_wait3A_145 = arith.constant 13 : i32
    %dma_wait3A_146 = arith.constant 0 : i32
    %dma_wait3A_147 = tpu.memref_slice %arg8[%dma_wait3A_144, %dma_wait3A_145, %dma_wait3A_146] : memref<2x16x125xi32, #tpu.memory_space<vmem>> -> memref<1x1x125xi32, #tpu.memory_space<vmem>>
    %dma_wait3A_148 = tpu.memref_squeeze %dma_wait3A_147 : memref<1x1x125xi32, #tpu.memory_space<vmem>> -> memref<125xi32, #tpu.memory_space<vmem>>
    %dma_wait3A_149 = arith.constant 0 : i32
    %dma_wait3A_150 = arith.constant 0 : i32
    %dma_wait3A_151 = tpu.memref_slice %arg22[%dma_wait3A_149, %dma_wait3A_150] : memref<10112x64xf32, #tpu.memory_space<vmem_shared>> -> memref<10112x64xf32, #tpu.memory_space<vmem_shared>>
    tpu.wait_indirect_dma semaphore(%arg18 : memref<!tpu.dma_semaphore, #tpu.memory_space<semaphore_mem>>) src(%arg10 : memref<125x64xf32, #tpu.memory_space<vmem>>) dst(%dma_wait3A_151 : memref<10112x64xf32, #tpu.memory_space<vmem_shared>>)
    %dma_wait3A_152 = arith.constant 1 : i32
    %dma_wait3A_153 = arith.constant 14 : i32
    %dma_wait3A_154 = arith.constant 0 : i32
    %dma_wait3A_155 = tpu.memref_slice %arg8[%dma_wait3A_152, %dma_wait3A_153, %dma_wait3A_154] : memref<2x16x125xi32, #tpu.memory_space<vmem>> -> memref<1x1x125xi32, #tpu.memory_space<vmem>>
    %dma_wait3A_156 = tpu.memref_squeeze %dma_wait3A_155 : memref<1x1x125xi32, #tpu.memory_space<vmem>> -> memref<125xi32, #tpu.memory_space<vmem>>
    %dma_wait3A_157 = arith.constant 0 : i32
    %dma_wait3A_158 = arith.constant 0 : i32
    %dma_wait3A_159 = tpu.memref_slice %arg22[%dma_wait3A_157, %dma_wait3A_158] : memref<10112x64xf32, #tpu.memory_space<vmem_shared>> -> memref<10112x64xf32, #tpu.memory_space<vmem_shared>>
    tpu.wait_indirect_dma semaphore(%arg19 : memref<!tpu.dma_semaphore, #tpu.memory_space<semaphore_mem>>) src(%arg11 : memref<125x64xf32, #tpu.memory_space<vmem>>) dst(%dma_wait3A_159 : memref<10112x64xf32, #tpu.memory_space<vmem_shared>>)
    %dma_wait3A_160 = arith.constant 1 : i32
    %dma_wait3A_161 = arith.constant 15 : i32
    %dma_wait3A_162 = arith.constant 0 : i32
    %dma_wait3A_163 = tpu.memref_slice %arg8[%dma_wait3A_160, %dma_wait3A_161, %dma_wait3A_162] : memref<2x16x125xi32, #tpu.memory_space<vmem>> -> memref<1x1x125xi32, #tpu.memory_space<vmem>>
    %dma_wait3A_164 = tpu.memref_squeeze %dma_wait3A_163 : memref<1x1x125xi32, #tpu.memory_space<vmem>> -> memref<125xi32, #tpu.memory_space<vmem>>
    %dma_wait3A_165 = arith.constant 0 : i32
    %dma_wait3A_166 = arith.constant 0 : i32
    %dma_wait3A_167 = tpu.memref_slice %arg22[%dma_wait3A_165, %dma_wait3A_166] : memref<10112x64xf32, #tpu.memory_space<vmem_shared>> -> memref<10112x64xf32, #tpu.memory_space<vmem_shared>>
    tpu.wait_indirect_dma semaphore(%arg20 : memref<!tpu.dma_semaphore, #tpu.memory_space<semaphore_mem>>) src(%arg12 : memref<125x64xf32, #tpu.memory_space<vmem>>) dst(%dma_wait3A_167 : memref<10112x64xf32, #tpu.memory_space<vmem_shared>>)
    %barrier3A_168 = arith.constant 0 : index
    tpu.barrier barrier_id(%barrier3A_168)
    "tpu.region"() ({
      %run_scoped3A_169 = tpu.sem_alloc : memref<!tpu.dma_semaphore, #tpu.memory_space<semaphore_mem>>
      %dma_start3A_170 = arith.constant 0 : i32
      %dma_start3A_171 = arith.constant 0 : i32
      %dma_start3A_172 = tpu.memref_slice %arg6[%arg0, %dma_start3A_170, %dma_start3A_171] : memref<2x10112x64xf32, #tpu.memory_space<hbm>> -> memref<1x10112x64xf32, #tpu.memory_space<hbm>>
      %dma_start3A_173 = tpu.memref_squeeze %dma_start3A_172 : memref<1x10112x64xf32, #tpu.memory_space<hbm>> -> memref<10112x64xf32, #tpu.memory_space<hbm>>
      %dma_start3A_174 = arith.constant 0 : i32
      %dma_start3A_175 = tpu.memref_slice %dma_start3A_173[%mul3A_2, %dma_start3A_174] : memref<10112x64xf32, #tpu.memory_space<hbm>> -> memref<632x64xf32, #tpu.memory_space<hbm>>
      %dma_start3A_176 = arith.constant 0 : i32
      %dma_start3A_177 = tpu.memref_slice %arg22[%mul3A_2, %dma_start3A_176] : memref<10112x64xf32, #tpu.memory_space<vmem_shared>> -> memref<632x64xf32, #tpu.memory_space<vmem_shared>>
      tpu.enqueue_dma source(%dma_start3A_177 : memref<632x64xf32, #tpu.memory_space<vmem_shared>>) target(%dma_start3A_175 : memref<632x64xf32, #tpu.memory_space<hbm>>) target_semaphore(%run_scoped3A_169 : memref<!tpu.dma_semaphore, #tpu.memory_space<semaphore_mem>>)
      %dma_wait3A_178 = arith.constant 0 : i32
      %dma_wait3A_179 = arith.constant 0 : i32
      %dma_wait3A_180 = tpu.memref_slice %arg6[%arg0, %dma_wait3A_178, %dma_wait3A_179] : memref<2x10112x64xf32, #tpu.memory_space<hbm>> -> memref<1x10112x64xf32, #tpu.memory_space<hbm>>
      %dma_wait3A_181 = tpu.memref_squeeze %dma_wait3A_180 : memref<1x10112x64xf32, #tpu.memory_space<hbm>> -> memref<10112x64xf32, #tpu.memory_space<hbm>>
      %dma_wait3A_182 = arith.constant 0 : i32
      %dma_wait3A_183 = tpu.memref_slice %dma_wait3A_181[%mul3A_2, %dma_wait3A_182] : memref<10112x64xf32, #tpu.memory_space<hbm>> -> memref<632x64xf32, #tpu.memory_space<hbm>>
      %dma_wait3A_184 = arith.constant 0 : i32
      %dma_wait3A_185 = tpu.memref_slice %arg22[%mul3A_2, %dma_wait3A_184] : memref<10112x64xf32, #tpu.memory_space<vmem_shared>> -> memref<632x64xf32, #tpu.memory_space<vmem_shared>>
      tpu.wait_dma2 semaphore(%run_scoped3A_169 : memref<!tpu.dma_semaphore, #tpu.memory_space<semaphore_mem>>) src(%dma_wait3A_185 : memref<632x64xf32, #tpu.memory_space<vmem_shared>>) dst(%dma_wait3A_183 : memref<632x64xf32, #tpu.memory_space<hbm>>)
      tpu.yield
    }) : () -> ()
    return
  }
}

#map = affine_map<(d0, d1) -> (0)>
module attributes {stable_mosaic.version = 14 : i64} {
  func.func @body(%arg0: i32, %arg1: i32, %arg2: memref<320000xi32, #tpu.memory_space<hbm>>, %arg3: memref<161792xf32, #tpu.memory_space<hbm>>, %arg4: memref<20000xi32, #tpu.memory_space<vmem>>, %arg5: memref<10112xf32, #tpu.memory_space<vmem>>) attributes {dimension_semantics = [#tpu.dimension_semantics<core_parallel>, #tpu.dimension_semantics<subcore_parallel>], iteration_bounds = array<i64: 1, 16>, scalar_prefetch = 0 : i64, scratch_operands = 2 : i64, tpu.core_type = #tpu.core_type<sc_vector_subcore>, window_params = [{transform_indices = #map}, {transform_indices = #map}]} {
    %mul3A = arith.constant 16 : i32
    %mul3A_0 = arith.muli %arg0, %mul3A : i32
    %add3A = arith.addi %mul3A_0, %arg1 : i32
    %mul3A_1 = arith.constant 20000 : i32
    %mul3A_2 = arith.muli %add3A, %mul3A_1 : i32
    "tpu.region"() ({
      %run_scoped3A = tpu.sem_alloc : memref<!tpu.dma_semaphore, #tpu.memory_space<semaphore_mem>>
      %dma_start3A = tpu.memref_slice %arg2[%mul3A_2] : memref<320000xi32, #tpu.memory_space<hbm>> -> memref<20000xi32, #tpu.memory_space<hbm>>
      %dma_start3A_19 = tpu.memref_slice %arg2[%mul3A_2] : memref<320000xi32, #tpu.memory_space<hbm>> -> memref<20000xi32, #tpu.memory_space<hbm>>
      tpu.enqueue_dma source(%dma_start3A_19 : memref<20000xi32, #tpu.memory_space<hbm>>) target(%arg4 : memref<20000xi32, #tpu.memory_space<vmem>>) target_semaphore(%run_scoped3A : memref<!tpu.dma_semaphore, #tpu.memory_space<semaphore_mem>>)
      %dma_wait3A = tpu.memref_slice %arg2[%mul3A_2] : memref<320000xi32, #tpu.memory_space<hbm>> -> memref<20000xi32, #tpu.memory_space<hbm>>
      %dma_wait3A_20 = tpu.memref_slice %arg2[%mul3A_2] : memref<320000xi32, #tpu.memory_space<hbm>> -> memref<20000xi32, #tpu.memory_space<hbm>>
      tpu.wait_dma2 semaphore(%run_scoped3A : memref<!tpu.dma_semaphore, #tpu.memory_space<semaphore_mem>>) src(%dma_wait3A_20 : memref<20000xi32, #tpu.memory_space<hbm>>) dst(%arg4 : memref<20000xi32, #tpu.memory_space<vmem>>)
      tpu.yield
    }) : () -> ()
    %broadcast_in_dim3A = arith.constant 0.000000e+00 : f32
    %broadcast_in_dim3A_3 = vector.broadcast %broadcast_in_dim3A : f32 to vector<16xf32>
    %scan3A = arith.constant 0 : i32
    %scan3A_4 = arith.constant 0 : i32
    %scan3A_5 = arith.constant 632 : i32
    %scan3A_6 = arith.addi %scan3A_4, %scan3A_5 : i32
    %scan3A_7 = arith.constant 1 : i32
    scf.for %scan3A_19 = %scan3A_4 to %scan3A_6 step %scan3A_7  : i32 {
      %mul3A_20 = arith.constant 16 : i32
      %mul3A_21 = arith.muli %scan3A_19, %mul3A_20 : i32
      %swap3A = arith.index_cast %mul3A_21 : i32 to index
      %swap3A_22 = tpu.vector_load %arg5[%swap3A] {strides = array<i32>} : memref<10112xf32, #tpu.memory_space<vmem>>, vector<16xf32>,
      tpu.vector_store %arg5[%swap3A], %broadcast_in_dim3A_3 {strides = array<i32>} : memref<10112xf32, #tpu.memory_space<vmem>>, vector<16xf32>,
    }
    %scan3A_8 = arith.constant 632 : i32
    %broadcast_in_dim3A_9 = arith.constant 1.000000e+00 : f32
    %broadcast_in_dim3A_10 = vector.broadcast %broadcast_in_dim3A_9 : f32 to vector<16xf32>
    %scan3A_11 = arith.constant 0 : i32
    %scan3A_12 = arith.constant 0 : i32
    %scan3A_13 = arith.constant 1250 : i32
    %scan3A_14 = arith.addi %scan3A_12, %scan3A_13 : i32
    %scan3A_15 = arith.constant 1 : i32
    scf.for %scan3A_19 = %scan3A_12 to %scan3A_14 step %scan3A_15  : i32 {
      %mul3A_20 = arith.constant 16 : i32
      %mul3A_21 = arith.muli %scan3A_19, %mul3A_20 : i32
      %get3A = arith.index_cast %mul3A_21 : i32 to index
      %get3A_22 = tpu.vector_load %arg4[%get3A] {strides = array<i32>} : memref<20000xi32, #tpu.memory_space<vmem>>, vector<16xi32>,
      tpu.vector_store_idx %arg5[%get3A_22], %broadcast_in_dim3A_10 {add = true} : memref<10112xf32, #tpu.memory_space<vmem>>[vector<16xi32>], vector<16xf32>,
    }
    %scan3A_16 = arith.constant 1250 : i32
    %mul3A_17 = arith.constant 10112 : i32
    %mul3A_18 = arith.muli %add3A, %mul3A_17 : i32
    "tpu.region"() ({
      %run_scoped3A = tpu.sem_alloc : memref<!tpu.dma_semaphore, #tpu.memory_space<semaphore_mem>>
      %dma_start3A = tpu.memref_slice %arg3[%mul3A_18] : memref<161792xf32, #tpu.memory_space<hbm>> -> memref<10112xf32, #tpu.memory_space<hbm>>
      %dma_start3A_19 = tpu.memref_slice %arg3[%mul3A_18] : memref<161792xf32, #tpu.memory_space<hbm>> -> memref<10112xf32, #tpu.memory_space<hbm>>
      tpu.enqueue_dma source(%arg5 : memref<10112xf32, #tpu.memory_space<vmem>>) target(%dma_start3A_19 : memref<10112xf32, #tpu.memory_space<hbm>>) target_semaphore(%run_scoped3A : memref<!tpu.dma_semaphore, #tpu.memory_space<semaphore_mem>>)
      %dma_wait3A = tpu.memref_slice %arg3[%mul3A_18] : memref<161792xf32, #tpu.memory_space<hbm>> -> memref<10112xf32, #tpu.memory_space<hbm>>
      %dma_wait3A_20 = tpu.memref_slice %arg3[%mul3A_18] : memref<161792xf32, #tpu.memory_space<hbm>> -> memref<10112xf32, #tpu.memory_space<hbm>>
      tpu.wait_dma2 semaphore(%run_scoped3A : memref<!tpu.dma_semaphore, #tpu.memory_space<semaphore_mem>>) src(%arg5 : memref<10112xf32, #tpu.memory_space<vmem>>) dst(%dma_wait3A_20 : memref<10112xf32, #tpu.memory_space<hbm>>)
      tpu.yield
    }) : () -> ()
    return
  }
}

#map = affine_map<(d0, d1) -> (0, 0, 0)>
#map1 = affine_map<(d0, d1) -> (0, 0)>
module attributes {stable_mosaic.version = 14 : i64} {
  func.func @body(%arg0: i32, %arg1: i32, %arg2: memref<2x10000x64xf32, #tpu.memory_space<hbm>>, %arg3: memref<2560x125xi32, #tpu.memory_space<hbm>>, %arg4: memref<2560x125xi32, #tpu.memory_space<hbm>>, %arg5: memref<10112x64xf32, #tpu.memory_space<hbm>>, %arg6: memref<2x10112x64xf32, #tpu.memory_space<hbm>>, %arg7: memref<2x16x125xi32, #tpu.memory_space<vmem>>, %arg8: memref<2x16x125xi32, #tpu.memory_space<vmem>>, %arg9: memref<125x64xf32, #tpu.memory_space<vmem>>, %arg10: memref<125x64xf32, #tpu.memory_space<vmem>>, %arg11: memref<125x64xf32, #tpu.memory_space<vmem>>, %arg12: memref<125x64xf32, #tpu.memory_space<vmem>>, %arg13: memref<!tpu.dma_semaphore, #tpu.memory_space<semaphore_mem>>, %arg14: memref<!tpu.dma_semaphore, #tpu.memory_space<semaphore_mem>>, %arg15: memref<!tpu.dma_semaphore, #tpu.memory_space<semaphore_mem>>, %arg16: memref<!tpu.dma_semaphore, #tpu.memory_space<semaphore_mem>>, %arg17: memref<!tpu.dma_semaphore, #tpu.memory_space<semaphore_mem>>, %arg18: memref<!tpu.dma_semaphore, #tpu.memory_space<semaphore_mem>>, %arg19: memref<!tpu.dma_semaphore, #tpu.memory_space<semaphore_mem>>, %arg20: memref<!tpu.dma_semaphore, #tpu.memory_space<semaphore_mem>>, %arg21: memref<!tpu.dma_semaphore, #tpu.memory_space<semaphore_mem>>, %arg22: memref<10112x64xf32, #tpu.memory_space<vmem_shared>>) attributes {dimension_semantics = [#tpu.dimension_semantics<core_parallel>, #tpu.dimension_semantics<subcore_parallel>], iteration_bounds = array<i64: 2, 16>, scalar_prefetch = 0 : i64, scratch_operands = 16 : i64, tpu.core_type = #tpu.core_type<sc_vector_subcore>, window_params = [{transform_indices = #map}, {transform_indices = #map1}, {transform_indices = #map1}, {transform_indices = #map1}, {transform_indices = #map}]} {
    %mul3A = arith.constant 160 : i32
    %mul3A_0 = arith.muli %arg1, %mul3A : i32
    %mul3A_1 = arith.constant 632 : i32
    %mul3A_2 = arith.muli %arg1, %mul3A_1 : i32
    "tpu.region"() ({
      %run_scoped3A_169 = tpu.sem_alloc : memref<!tpu.dma_semaphore, #tpu.memory_space<semaphore_mem>>
      %dma_start3A_170 = arith.constant 0 : i32
      %dma_start3A_171 = tpu.memref_slice %arg22[%mul3A_2, %dma_start3A_170] : memref<10112x64xf32, #tpu.memory_space<vmem_shared>> -> memref<632x64xf32, #tpu.memory_space<vmem_shared>>
      %dma_start3A_172 = arith.constant 0 : i32
      %dma_start3A_173 = tpu.memref_slice %arg5[%mul3A_2, %dma_start3A_172] : memref<10112x64xf32, #tpu.memory_space<hbm>> -> memref<632x64xf32, #tpu.memory_space<hbm>>
      tpu.enqueue_dma source(%dma_start3A_173 : memref<632x64xf32, #tpu.memory_space<hbm>>) target(%dma_start3A_171 : memref<632x64xf32, #tpu.memory_space<vmem_shared>>) target_semaphore(%run_scoped3A_169 : memref<!tpu.dma_semaphore, #tpu.memory_space<semaphore_mem>>)
      %dma_wait3A_174 = arith.constant 0 : i32
      %dma_wait3A_175 = tpu.memref_slice %arg22[%mul3A_2, %dma_wait3A_174] : memref<10112x64xf32, #tpu.memory_space<vmem_shared>> -> memref<632x64xf32, #tpu.memory_space<vmem_shared>>
      %dma_wait3A_176 = arith.constant 0 : i32
      %dma_wait3A_177 = tpu.memref_slice %arg5[%mul3A_2, %dma_wait3A_176] : memref<10112x64xf32, #tpu.memory_space<hbm>> -> memref<632x64xf32, #tpu.memory_space<hbm>>
      tpu.wait_dma2 semaphore(%run_scoped3A_169 : memref<!tpu.dma_semaphore, #tpu.memory_space<semaphore_mem>>) src(%dma_wait3A_177 : memref<632x64xf32, #tpu.memory_space<hbm>>) dst(%dma_wait3A_175 : memref<632x64xf32, #tpu.memory_space<vmem_shared>>)
      tpu.yield
    }) : () -> ()
    %barrier3A = arith.constant 0 : index
    tpu.barrier barrier_id(%barrier3A)
    %add3A = arith.constant 0 : i32
    %add3A_3 = arith.addi %mul3A_0, %add3A : i32
    %run_scoped3A = arith.constant 0 : i32
    "tpu.region"() ({
      %run_scoped3A_169 = tpu.sem_alloc : memref<!tpu.dma_semaphore, #tpu.memory_space<semaphore_mem>>
      %dma_start3A_170 = arith.constant 0 : i32
      %dma_start3A_171 = arith.constant 0 : i32
      %dma_start3A_172 = tpu.memref_slice %arg7[%run_scoped3A, %dma_start3A_170, %dma_start3A_171] : memref<2x16x125xi32, #tpu.memory_space<vmem>> -> memref<1x16x125xi32, #tpu.memory_space<vmem>>
      %dma_start3A_173 = tpu.memref_squeeze %dma_start3A_172 : memref<1x16x125xi32, #tpu.memory_space<vmem>> -> memref<16x125xi32, #tpu.memory_space<vmem>>
      %dma_start3A_174 = arith.constant 0 : i32
      %dma_start3A_175 = tpu.memref_slice %arg3[%add3A_3, %dma_start3A_174] : memref<2560x125xi32, #tpu.memory_space<hbm>> -> memref<16x125xi32, #tpu.memory_space<hbm>>
      %dma_start3A_176 = arith.constant 0 : i32
      %dma_start3A_177 = arith.constant 0 : i32
      %dma_start3A_178 = tpu.memref_slice %arg7[%run_scoped3A, %dma_start3A_176, %dma_start3A_177] : memref<2x16x125xi32, #tpu.memory_space<vmem>> -> memref<1x16x125xi32, #tpu.memory_space<vmem>>
      %dma_start3A_179 = tpu.memref_squeeze %dma_start3A_178 : memref<1x16x125xi32, #tpu.memory_space<vmem>> -> memref<16x125xi32, #tpu.memory_space<vmem>>
      %dma_start3A_180 = arith.constant 0 : i32
      %dma_start3A_181 = tpu.memref_slice %arg3[%add3A_3, %dma_start3A_180] : memref<2560x125xi32, #tpu.memory_space<hbm>> -> memref<16x125xi32, #tpu.memory_space<hbm>>
      tpu.enqueue_dma source(%dma_start3A_181 : memref<16x125xi32, #tpu.memory_space<hbm>>) target(%dma_start3A_179 : memref<16x125xi32, #tpu.memory_space<vmem>>) target_semaphore(%run_scoped3A_169 : memref<!tpu.dma_semaphore, #tpu.memory_space<semaphore_mem>>)
      %dma_wait3A_182 = arith.constant 0 : i32
      %dma_wait3A_183 = arith.constant 0 : i32
      %dma_wait3A_184 = tpu.memref_slice %arg7[%run_scoped3A, %dma_wait3A_182, %dma_wait3A_183] : memref<2x16x125xi32, #tpu.memory_space<vmem>> -> memref<1x16x125xi32, #tpu.memory_space<vmem>>
      %dma_wait3A_185 = tpu.memref_squeeze %dma_wait3A_184 : memref<1x16x125xi32, #tpu.memory_space<vmem>> -> memref<16x125xi32, #tpu.memory_space<vmem>>
      %dma_wait3A_186 = arith.constant 0 : i32
      %dma_wait3A_187 = tpu.memref_slice %arg3[%add3A_3, %dma_wait3A_186] : memref<2560x125xi32, #tpu.memory_space<hbm>> -> memref<16x125xi32, #tpu.memory_space<hbm>>
      %dma_wait3A_188 = arith.constant 0 : i32
      %dma_wait3A_189 = arith.constant 0 : i32
      %dma_wait3A_190 = tpu.memref_slice %arg7[%run_scoped3A, %dma_wait3A_188, %dma_wait3A_189] : memref<2x16x125xi32, #tpu.memory_space<vmem>> -> memref<1x16x125xi32, #tpu.memory_space<vmem>>
      %dma_wait3A_191 = tpu.memref_squeeze %dma_wait3A_190 : memref<1x16x125xi32, #tpu.memory_space<vmem>> -> memref<16x125xi32, #tpu.memory_space<vmem>>
      %dma_wait3A_192 = arith.constant 0 : i32
      %dma_wait3A_193 = tpu.memref_slice %arg3[%add3A_3, %dma_wait3A_192] : memref<2560x125xi32, #tpu.memory_space<hbm>> -> memref<16x125xi32, #tpu.memory_space<hbm>>
      tpu.wait_dma2 semaphore(%run_scoped3A_169 : memref<!tpu.dma_semaphore, #tpu.memory_space<semaphore_mem>>) src(%dma_wait3A_193 : memref<16x125xi32, #tpu.memory_space<hbm>>) dst(%dma_wait3A_191 : memref<16x125xi32, #tpu.memory_space<vmem>>)
      tpu.yield
    }) : () -> ()
    %run_scoped3A_4 = arith.constant 0 : i32
    "tpu.region"() ({
      %run_scoped3A_169 = tpu.sem_alloc : memref<!tpu.dma_semaphore, #tpu.memory_space<semaphore_mem>>
      %dma_start3A_170 = arith.constant 0 : i32
      %dma_start3A_171 = arith.constant 0 : i32
      %dma_start3A_172 = tpu.memref_slice %arg8[%run_scoped3A_4, %dma_start3A_170, %dma_start3A_171] : memref<2x16x125xi32, #tpu.memory_space<vmem>> -> memref<1x16x125xi32, #tpu.memory_space<vmem>>
      %dma_start3A_173 = tpu.memref_squeeze %dma_start3A_172 : memref<1x16x125xi32, #tpu.memory_space<vmem>> -> memref<16x125xi32, #tpu.memory_space<vmem>>
      %dma_start3A_174 = arith.constant 0 : i32
      %dma_start3A_175 = tpu.memref_slice %arg4[%add3A_3, %dma_start3A_174] : memref<2560x125xi32, #tpu.memory_space<hbm>> -> memref<16x125xi32, #tpu.memory_space<hbm>>
      %dma_start3A_176 = arith.constant 0 : i32
      %dma_start3A_177 = arith.constant 0 : i32
      %dma_start3A_178 = tpu.memref_slice %arg8[%run_scoped3A_4, %dma_start3A_176, %dma_start3A_177] : memref<2x16x125xi32, #tpu.memory_space<vmem>> -> memref<1x16x125xi32, #tpu.memory_space<vmem>>
      %dma_start3A_179 = tpu.memref_squeeze %dma_start3A_178 : memref<1x16x125xi32, #tpu.memory_space<vmem>> -> memref<16x125xi32, #tpu.memory_space<vmem>>
      %dma_start3A_180 = arith.constant 0 : i32
      %dma_start3A_181 = tpu.memref_slice %arg4[%add3A_3, %dma_start3A_180] : memref<2560x125xi32, #tpu.memory_space<hbm>> -> memref<16x125xi32, #tpu.memory_space<hbm>>
      tpu.enqueue_dma source(%dma_start3A_181 : memref<16x125xi32, #tpu.memory_space<hbm>>) target(%dma_start3A_179 : memref<16x125xi32, #tpu.memory_space<vmem>>) target_semaphore(%run_scoped3A_169 : memref<!tpu.dma_semaphore, #tpu.memory_space<semaphore_mem>>)
      %dma_wait3A_182 = arith.constant 0 : i32
      %dma_wait3A_183 = arith.constant 0 : i32
      %dma_wait3A_184 = tpu.memref_slice %arg8[%run_scoped3A_4, %dma_wait3A_182, %dma_wait3A_183] : memref<2x16x125xi32, #tpu.memory_space<vmem>> -> memref<1x16x125xi32, #tpu.memory_space<vmem>>
      %dma_wait3A_185 = tpu.memref_squeeze %dma_wait3A_184 : memref<1x16x125xi32, #tpu.memory_space<vmem>> -> memref<16x125xi32, #tpu.memory_space<vmem>>
      %dma_wait3A_186 = arith.constant 0 : i32
      %dma_wait3A_187 = tpu.memref_slice %arg4[%add3A_3, %dma_wait3A_186] : memref<2560x125xi32, #tpu.memory_space<hbm>> -> memref<16x125xi32, #tpu.memory_space<hbm>>
      %dma_wait3A_188 = arith.constant 0 : i32
      %dma_wait3A_189 = arith.constant 0 : i32
      %dma_wait3A_190 = tpu.memref_slice %arg8[%run_scoped3A_4, %dma_wait3A_188, %dma_wait3A_189] : memref<2x16x125xi32, #tpu.memory_space<vmem>> -> memref<1x16x125xi32, #tpu.memory_space<vmem>>
      %dma_wait3A_191 = tpu.memref_squeeze %dma_wait3A_190 : memref<1x16x125xi32, #tpu.memory_space<vmem>> -> memref<16x125xi32, #tpu.memory_space<vmem>>
      %dma_wait3A_192 = arith.constant 0 : i32
      %dma_wait3A_193 = tpu.memref_slice %arg4[%add3A_3, %dma_wait3A_192] : memref<2560x125xi32, #tpu.memory_space<hbm>> -> memref<16x125xi32, #tpu.memory_space<hbm>>
      tpu.wait_dma2 semaphore(%run_scoped3A_169 : memref<!tpu.dma_semaphore, #tpu.memory_space<semaphore_mem>>) src(%dma_wait3A_193 : memref<16x125xi32, #tpu.memory_space<hbm>>) dst(%dma_wait3A_191 : memref<16x125xi32, #tpu.memory_space<vmem>>)
      tpu.yield
    }) : () -> ()
    %dma_start3A = arith.constant 0 : i32
    %dma_start3A_5 = arith.constant 0 : i32
    %dma_start3A_6 = arith.constant 0 : i32
    %dma_start3A_7 = tpu.memref_slice %arg7[%dma_start3A, %dma_start3A_5, %dma_start3A_6] : memref<2x16x125xi32, #tpu.memory_space<vmem>> -> memref<1x1x125xi32, #tpu.memory_space<vmem>>
    %dma_start3A_8 = tpu.memref_squeeze %dma_start3A_7 : memref<1x1x125xi32, #tpu.memory_space<vmem>> -> memref<125xi32, #tpu.memory_space<vmem>>
    %dma_start3A_9 = arith.constant 0 : i32
    %dma_start3A_10 = arith.constant 0 : i32
    %dma_start3A_11 = tpu.memref_slice %arg2[%arg0, %dma_start3A_9, %dma_start3A_10] : memref<2x10000x64xf32, #tpu.memory_space<hbm>> -> memref<1x10000x64xf32, #tpu.memory_space<hbm>>
    %dma_start3A_12 = tpu.memref_squeeze %dma_start3A_11 : memref<1x10000x64xf32, #tpu.memory_space<hbm>> -> memref<10000x64xf32, #tpu.memory_space<hbm>>
    %dma_start3A_13 = arith.constant 0 : i32
    %dma_start3A_14 = arith.constant 0 : i32
    %dma_start3A_15 = tpu.memref_slice %dma_start3A_12[%dma_start3A_13, %dma_start3A_14] : memref<10000x64xf32, #tpu.memory_space<hbm>> -> memref<10000x64xf32, #tpu.memory_space<hbm>>
    tpu.enqueue_indirect_dma source(%dma_start3A_15 : memref<10000x64xf32, #tpu.memory_space<hbm>>) target(%arg9 : memref<125x64xf32, #tpu.memory_space<vmem>>) offsets(%dma_start3A_8 : memref<125xi32, #tpu.memory_space<vmem>>) semaphore(%arg13 : memref<!tpu.dma_semaphore, #tpu.memory_space<semaphore_mem>>)
    %dma_start3A_16 = arith.constant 0 : i32
    %dma_start3A_17 = arith.constant 1 : i32
    %dma_start3A_18 = arith.constant 0 : i32
    %dma_start3A_19 = tpu.memref_slice %arg7[%dma_start3A_16, %dma_start3A_17, %dma_start3A_18] : memref<2x16x125xi32, #tpu.memory_space<vmem>> -> memref<1x1x125xi32, #tpu.memory_space<vmem>>
    %dma_start3A_20 = tpu.memref_squeeze %dma_start3A_19 : memref<1x1x125xi32, #tpu.memory_space<vmem>> -> memref<125xi32, #tpu.memory_space<vmem>>
    %dma_start3A_21 = arith.constant 0 : i32
    %dma_start3A_22 = arith.constant 0 : i32
    %dma_start3A_23 = tpu.memref_slice %arg2[%arg0, %dma_start3A_21, %dma_start3A_22] : memref<2x10000x64xf32, #tpu.memory_space<hbm>> -> memref<1x10000x64xf32, #tpu.memory_space<hbm>>
    %dma_start3A_24 = tpu.memref_squeeze %dma_start3A_23 : memref<1x10000x64xf32, #tpu.memory_space<hbm>> -> memref<10000x64xf32, #tpu.memory_space<hbm>>
    %dma_start3A_25 = arith.constant 0 : i32
    %dma_start3A_26 = arith.constant 0 : i32
    %dma_start3A_27 = tpu.memref_slice %dma_start3A_24[%dma_start3A_25, %dma_start3A_26] : memref<10000x64xf32, #tpu.memory_space<hbm>> -> memref<10000x64xf32, #tpu.memory_space<hbm>>
    tpu.enqueue_indirect_dma source(%dma_start3A_27 : memref<10000x64xf32, #tpu.memory_space<hbm>>) target(%arg10 : memref<125x64xf32, #tpu.memory_space<vmem>>) offsets(%dma_start3A_20 : memref<125xi32, #tpu.memory_space<vmem>>) semaphore(%arg14 : memref<!tpu.dma_semaphore, #tpu.memory_space<semaphore_mem>>)
    %dma_wait3A = arith.constant 0 : i32
    %dma_wait3A_28 = arith.constant 0 : i32
    %dma_wait3A_29 = arith.constant 0 : i32
    %dma_wait3A_30 = tpu.memref_slice %arg7[%dma_wait3A, %dma_wait3A_28, %dma_wait3A_29] : memref<2x16x125xi32, #tpu.memory_space<vmem>> -> memref<1x1x125xi32, #tpu.memory_space<vmem>>
    %dma_wait3A_31 = tpu.memref_squeeze %dma_wait3A_30 : memref<1x1x125xi32, #tpu.memory_space<vmem>> -> memref<125xi32, #tpu.memory_space<vmem>>
    %dma_wait3A_32 = arith.constant 0 : i32
    %dma_wait3A_33 = arith.constant 0 : i32
    %dma_wait3A_34 = tpu.memref_slice %arg2[%arg0, %dma_wait3A_32, %dma_wait3A_33] : memref<2x10000x64xf32, #tpu.memory_space<hbm>> -> memref<1x10000x64xf32, #tpu.memory_space<hbm>>
    %dma_wait3A_35 = tpu.memref_squeeze %dma_wait3A_34 : memref<1x10000x64xf32, #tpu.memory_space<hbm>> -> memref<10000x64xf32, #tpu.memory_space<hbm>>
    %dma_wait3A_36 = arith.constant 0 : i32
    %dma_wait3A_37 = arith.constant 0 : i32
    %dma_wait3A_38 = tpu.memref_slice %dma_wait3A_35[%dma_wait3A_36, %dma_wait3A_37] : memref<10000x64xf32, #tpu.memory_space<hbm>> -> memref<10000x64xf32, #tpu.memory_space<hbm>>
    tpu.wait_indirect_dma semaphore(%arg13 : memref<!tpu.dma_semaphore, #tpu.memory_space<semaphore_mem>>) src(%dma_wait3A_38 : memref<10000x64xf32, #tpu.memory_space<hbm>>) dst(%arg9 : memref<125x64xf32, #tpu.memory_space<vmem>>)
    %dma_start3A_39 = arith.constant 0 : i32
    %dma_start3A_40 = arith.constant 0 : i32
    %dma_start3A_41 = arith.constant 0 : i32
    %dma_start3A_42 = tpu.memref_slice %arg8[%dma_start3A_39, %dma_start3A_40, %dma_start3A_41] : memref<2x16x125xi32, #tpu.memory_space<vmem>> -> memref<1x1x125xi32, #tpu.memory_space<vmem>>
    %dma_start3A_43 = tpu.memref_squeeze %dma_start3A_42 : memref<1x1x125xi32, #tpu.memory_space<vmem>> -> memref<125xi32, #tpu.memory_space<vmem>>
    %dma_start3A_44 = arith.constant 0 : i32
    %dma_start3A_45 = arith.constant 0 : i32
    %dma_start3A_46 = tpu.memref_slice %arg22[%dma_start3A_44, %dma_start3A_45] : memref<10112x64xf32, #tpu.memory_space<vmem_shared>> -> memref<10112x64xf32, #tpu.memory_space<vmem_shared>>
    tpu.enqueue_indirect_dma source(%arg9 : memref<125x64xf32, #tpu.memory_space<vmem>>) target(%dma_start3A_46 : memref<10112x64xf32, #tpu.memory_space<vmem_shared>>) offsets(%dma_start3A_43 : memref<125xi32, #tpu.memory_space<vmem>>) semaphore(%arg17 : memref<!tpu.dma_semaphore, #tpu.memory_space<semaphore_mem>>) {add = true}
    %dma_start3A_47 = arith.constant 0 : i32
    %dma_start3A_48 = arith.constant 2 : i32
    %dma_start3A_49 = arith.constant 0 : i32
    %dma_start3A_50 = tpu.memref_slice %arg7[%dma_start3A_47, %dma_start3A_48, %dma_start3A_49] : memref<2x16x125xi32, #tpu.memory_space<vmem>> -> memref<1x1x125xi32, #tpu.memory_space<vmem>>
    %dma_start3A_51 = tpu.memref_squeeze %dma_start3A_50 : memref<1x1x125xi32, #tpu.memory_space<vmem>> -> memref<125xi32, #tpu.memory_space<vmem>>
    %dma_start3A_52 = arith.constant 0 : i32
    %dma_start3A_53 = arith.constant 0 : i32
    %dma_start3A_54 = tpu.memref_slice %arg2[%arg0, %dma_start3A_52, %dma_start3A_53] : memref<2x10000x64xf32, #tpu.memory_space<hbm>> -> memref<1x10000x64xf32, #tpu.memory_space<hbm>>
    %dma_start3A_55 = tpu.memref_squeeze %dma_start3A_54 : memref<1x10000x64xf32, #tpu.memory_space<hbm>> -> memref<10000x64xf32, #tpu.memory_space<hbm>>
    %dma_start3A_56 = arith.constant 0 : i32
    %dma_start3A_57 = arith.constant 0 : i32
    %dma_start3A_58 = tpu.memref_slice %dma_start3A_55[%dma_start3A_56, %dma_start3A_57] : memref<10000x64xf32, #tpu.memory_space<hbm>> -> memref<10000x64xf32, #tpu.memory_space<hbm>>
    tpu.enqueue_indirect_dma source(%dma_start3A_58 : memref<10000x64xf32, #tpu.memory_space<hbm>>) target(%arg11 : memref<125x64xf32, #tpu.memory_space<vmem>>) offsets(%dma_start3A_51 : memref<125xi32, #tpu.memory_space<vmem>>) semaphore(%arg15 : memref<!tpu.dma_semaphore, #tpu.memory_space<semaphore_mem>>)
    %dma_wait3A_59 = arith.constant 0 : i32
    %dma_wait3A_60 = arith.constant 1 : i32
    %dma_wait3A_61 = arith.constant 0 : i32
    %dma_wait3A_62 = tpu.memref_slice %arg7[%dma_wait3A_59, %dma_wait3A_60, %dma_wait3A_61] : memref<2x16x125xi32, #tpu.memory_space<vmem>> -> memref<1x1x125xi32, #tpu.memory_space<vmem>>
    %dma_wait3A_63 = tpu.memref_squeeze %dma_wait3A_62 : memref<1x1x125xi32, #tpu.memory_space<vmem>> -> memref<125xi32, #tpu.memory_space<vmem>>
    %dma_wait3A_64 = arith.constant 0 : i32
    %dma_wait3A_65 = arith.constant 0 : i32
    %dma_wait3A_66 = tpu.memref_slice %arg2[%arg0, %dma_wait3A_64, %dma_wait3A_65] : memref<2x10000x64xf32, #tpu.memory_space<hbm>> -> memref<1x10000x64xf32, #tpu.memory_space<hbm>>
    %dma_wait3A_67 = tpu.memref_squeeze %dma_wait3A_66 : memref<1x10000x64xf32, #tpu.memory_space<hbm>> -> memref<10000x64xf32, #tpu.memory_space<hbm>>
    %dma_wait3A_68 = arith.constant 0 : i32
    %dma_wait3A_69 = arith.constant 0 : i32
    %dma_wait3A_70 = tpu.memref_slice %dma_wait3A_67[%dma_wait3A_68, %dma_wait3A_69] : memref<10000x64xf32, #tpu.memory_space<hbm>> -> memref<10000x64xf32, #tpu.memory_space<hbm>>
    tpu.wait_indirect_dma semaphore(%arg14 : memref<!tpu.dma_semaphore, #tpu.memory_space<semaphore_mem>>) src(%dma_wait3A_70 : memref<10000x64xf32, #tpu.memory_space<hbm>>) dst(%arg10 : memref<125x64xf32, #tpu.memory_space<vmem>>)
    %dma_start3A_71 = arith.constant 0 : i32
    %dma_start3A_72 = arith.constant 1 : i32
    %dma_start3A_73 = arith.constant 0 : i32
    %dma_start3A_74 = tpu.memref_slice %arg8[%dma_start3A_71, %dma_start3A_72, %dma_start3A_73] : memref<2x16x125xi32, #tpu.memory_space<vmem>> -> memref<1x1x125xi32, #tpu.memory_space<vmem>>
    %dma_start3A_75 = tpu.memref_squeeze %dma_start3A_74 : memref<1x1x125xi32, #tpu.memory_space<vmem>> -> memref<125xi32, #tpu.memory_space<vmem>>
    %dma_start3A_76 = arith.constant 0 : i32
    %dma_start3A_77 = arith.constant 0 : i32
    %dma_start3A_78 = tpu.memref_slice %arg22[%dma_start3A_76, %dma_start3A_77] : memref<10112x64xf32, #tpu.memory_space<vmem_shared>> -> memref<10112x64xf32, #tpu.memory_space<vmem_shared>>
    tpu.enqueue_indirect_dma source(%arg10 : memref<125x64xf32, #tpu.memory_space<vmem>>) target(%dma_start3A_78 : memref<10112x64xf32, #tpu.memory_space<vmem_shared>>) offsets(%dma_start3A_75 : memref<125xi32, #tpu.memory_space<vmem>>) semaphore(%arg18 : memref<!tpu.dma_semaphore, #tpu.memory_space<semaphore_mem>>) {add = true}
    %dma_start3A_79 = arith.constant 0 : i32
    %dma_start3A_80 = arith.constant 3 : i32
    %dma_start3A_81 = arith.constant 0 : i32
    %dma_start3A_82 = tpu.memref_slice %arg7[%dma_start3A_79, %dma_start3A_80, %dma_start3A_81] : memref<2x16x125xi32, #tpu.memory_space<vmem>> -> memref<1x1x125xi32, #tpu.memory_space<vmem>>
    %dma_start3A_83 = tpu.memref_squeeze %dma_start3A_82 : memref<1x1x125xi32, #tpu.memory_space<vmem>> -> memref<125xi32, #tpu.memory_space<vmem>>
    %dma_start3A_84 = arith.constant 0 : i32
    %dma_start3A_85 = arith.constant 0 : i32
    %dma_start3A_86 = tpu.memref_slice %arg2[%arg0, %dma_start3A_84, %dma_start3A_85] : memref<2x10000x64xf32, #tpu.memory_space<hbm>> -> memref<1x10000x64xf32, #tpu.memory_space<hbm>>
    %dma_start3A_87 = tpu.memref_squeeze %dma_start3A_86 : memref<1x10000x64xf32, #tpu.memory_space<hbm>> -> memref<10000x64xf32, #tpu.memory_space<hbm>>
    %dma_start3A_88 = arith.constant 0 : i32
    %dma_start3A_89 = arith.constant 0 : i32
    %dma_start3A_90 = tpu.memref_slice %dma_start3A_87[%dma_start3A_88, %dma_start3A_89] : memref<10000x64xf32, #tpu.memory_space<hbm>> -> memref<10000x64xf32, #tpu.memory_space<hbm>>
    tpu.enqueue_indirect_dma source(%dma_start3A_90 : memref<10000x64xf32, #tpu.memory_space<hbm>>) target(%arg12 : memref<125x64xf32, #tpu.memory_space<vmem>>) offsets(%dma_start3A_83 : memref<125xi32, #tpu.memory_space<vmem>>) semaphore(%arg16 : memref<!tpu.dma_semaphore, #tpu.memory_space<semaphore_mem>>)
    %scan3A = arith.constant 0 : i32
    %scan3A_91 = arith.constant 0 : i32
    %scan3A_92 = arith.constant 39 : i32
    %scan3A_93 = arith.addi %scan3A_91, %scan3A_92 : i32
    %scan3A_94 = arith.constant 1 : i32
    scf.for %scan3A_169 = %scan3A_91 to %scan3A_93 step %scan3A_94  : i32 {
      %mul3A_170 = arith.constant 4 : i32
      %mul3A_171 = arith.muli %mul3A_170, %scan3A_169 : i32
      %add3A_172 = arith.constant 4 : i32
      %add3A_173 = arith.addi %mul3A_171, %add3A_172 : i32
      %jit3A = arith.constant 16 : i32
      %div3A = arith.divsi %add3A_173, %jit3A : i32
      %sign3A = arith.constant 0 : i32
      %sign3A_174 = arith.cmpi sgt, %add3A_173, %sign3A : i32
      %sign3A_175 = arith.extui %sign3A_174 : i1 to i32
      %sign3A_176 = arith.constant 0 : i32
      %sign3A_177 = arith.cmpi slt, %add3A_173, %sign3A_176 : i32
      %sign3A_178 = arith.extui %sign3A_177 : i1 to i32
      %sign3A_179 = arith.subi %sign3A_175, %sign3A_178 : i32
      %sign3A_180 = arith.constant 0 : i32
      %sign3A_181 = arith.cmpi sgt, %jit3A, %sign3A_180 : i32
      %sign3A_182 = arith.extui %sign3A_181 : i1 to i32
      %sign3A_183 = arith.constant 0 : i32
      %sign3A_184 = arith.cmpi slt, %jit3A, %sign3A_183 : i32
      %sign3A_185 = arith.extui %sign3A_184 : i1 to i32
      %sign3A_186 = arith.subi %sign3A_182, %sign3A_185 : i32
      %ne3A = arith.cmpi ne, %sign3A_179, %sign3A_186 : i32
      %rem3A = arith.remsi %add3A_173, %jit3A : i32
      %ne3A_187 = arith.constant 0 : i32
      %ne3A_188 = arith.cmpi ne, %rem3A, %ne3A_187 : i32
      %and3A = arith.andi %ne3A, %ne3A_188 : i1
      %sub3A = arith.constant 1 : i32
      %sub3A_189 = arith.subi %div3A, %sub3A : i32
      %select_n3A = arith.select %and3A, %sub3A_189, %div3A : i32
      %jit3A_190 = arith.constant 16 : i32
      %eq3A = arith.constant 0 : i32
      %eq3A_191 = arith.cmpi eq, %jit3A_190, %eq3A : i32
      %jit3A_192 = arith.constant 1 : i32
      %select_n3A_193 = arith.select %eq3A_191, %jit3A_192, %jit3A_190 : i32
      %rem3A_194 = arith.remsi %add3A_173, %select_n3A_193 : i32
      %ne3A_195 = arith.constant 0 : i32
      %ne3A_196 = arith.cmpi ne, %rem3A_194, %ne3A_195 : i32
      %lt3A = arith.constant 0 : i32
      %lt3A_197 = arith.cmpi slt, %rem3A_194, %lt3A : i32
      %lt3A_198 = arith.constant 0 : i32
      %lt3A_199 = arith.cmpi slt, %select_n3A_193, %lt3A_198 : i32
      %ne3A_200 = arith.xori %lt3A_197, %lt3A_199 : i1
      %and3A_201 = arith.andi %ne3A_200, %ne3A_196 : i1
      %add3A_202 = arith.addi %rem3A_194, %select_n3A_193 : i32
      %select_n3A_203 = arith.select %and3A_201, %add3A_202, %rem3A_194 : i32
      %eq3A_204 = arith.constant 0 : i32
      %eq3A_205 = arith.cmpi eq, %select_n3A_203, %eq3A_204 : i32
      %convert_element_type3A = arith.extui %eq3A_205 : i1 to i32
      %cond3A = arith.constant 0 : i32
      %cond3A_206 = arith.cmpi ne, %convert_element_type3A, %cond3A : i32
      scf.if %cond3A_206 {
        %mul3A_1289 = arith.constant 16 : i32
        %mul3A_1290 = arith.muli %select_n3A, %mul3A_1289 : i32
        %add3A_1291 = arith.addi %mul3A_0, %mul3A_1290 : i32
        %jit3A_1292 = arith.constant 2 : i32
        %eq3A_1293 = arith.constant 0 : i32
        %eq3A_1294 = arith.cmpi eq, %jit3A_1292, %eq3A_1293 : i32
        %jit3A_1295 = arith.constant 1 : i32
        %select_n3A_1296 = arith.select %eq3A_1294, %jit3A_1295, %jit3A_1292 : i32
        %rem3A_1297 = arith.remsi %select_n3A, %select_n3A_1296 : i32
        %ne3A_1298 = arith.constant 0 : i32
        %ne3A_1299 = arith.cmpi ne, %rem3A_1297, %ne3A_1298 : i32
        %lt3A_1300 = arith.constant 0 : i32
        %lt3A_1301 = arith.cmpi slt, %rem3A_1297, %lt3A_1300 : i32
        %lt3A_1302 = arith.constant 0 : i32
        %lt3A_1303 = arith.cmpi slt, %select_n3A_1296, %lt3A_1302 : i32
        %ne3A_1304 = arith.xori %lt3A_1301, %lt3A_1303 : i1
        %and3A_1305 = arith.andi %ne3A_1304, %ne3A_1299 : i1
        %add3A_1306 = arith.addi %rem3A_1297, %select_n3A_1296 : i32
        %select_n3A_1307 = arith.select %and3A_1305, %add3A_1306, %rem3A_1297 : i32
        %dma_wait3A_1308 = arith.constant 0 : i32
        %dma_wait3A_1309 = arith.constant 0 : i32
        %dma_wait3A_1310 = tpu.memref_slice %arg7[%select_n3A_1307, %dma_wait3A_1308, %dma_wait3A_1309] : memref<2x16x125xi32, #tpu.memory_space<vmem>> -> memref<1x16x125xi32, #tpu.memory_space<vmem>>
        %dma_wait3A_1311 = tpu.memref_squeeze %dma_wait3A_1310 : memref<1x16x125xi32, #tpu.memory_space<vmem>> -> memref<16x125xi32, #tpu.memory_space<vmem>>
        %dma_wait3A_1312 = arith.constant 0 : i32
        %dma_wait3A_1313 = tpu.memref_slice %arg3[%add3A_1291, %dma_wait3A_1312] : memref<2560x125xi32, #tpu.memory_space<hbm>> -> memref<16x125xi32, #tpu.memory_space<hbm>>
        %dma_wait3A_1314 = arith.constant 0 : i32
        %dma_wait3A_1315 = arith.constant 0 : i32
        %dma_wait3A_1316 = tpu.memref_slice %arg7[%select_n3A_1307, %dma_wait3A_1314, %dma_wait3A_1315] : memref<2x16x125xi32, #tpu.memory_space<vmem>> -> memref<1x16x125xi32, #tpu.memory_space<vmem>>
        %dma_wait3A_1317 = tpu.memref_squeeze %dma_wait3A_1316 : memref<1x16x125xi32, #tpu.memory_space<vmem>> -> memref<16x125xi32, #tpu.memory_space<vmem>>
        %dma_wait3A_1318 = arith.constant 0 : i32
        %dma_wait3A_1319 = tpu.memref_slice %arg3[%add3A_1291, %dma_wait3A_1318] : memref<2560x125xi32, #tpu.memory_space<hbm>> -> memref<16x125xi32, #tpu.memory_space<hbm>>
        tpu.wait_dma2 semaphore(%arg21 : memref<!tpu.dma_semaphore, #tpu.memory_space<semaphore_mem>>) src(%dma_wait3A_1319 : memref<16x125xi32, #tpu.memory_space<hbm>>) dst(%dma_wait3A_1317 : memref<16x125xi32, #tpu.memory_space<vmem>>)
        %dma_wait3A_1320 = arith.constant 0 : i32
        %dma_wait3A_1321 = arith.constant 0 : i32
        %dma_wait3A_1322 = tpu.memref_slice %arg8[%select_n3A_1307, %dma_wait3A_1320, %dma_wait3A_1321] : memref<2x16x125xi32, #tpu.memory_space<vmem>> -> memref<1x16x125xi32, #tpu.memory_space<vmem>>
        %dma_wait3A_1323 = tpu.memref_squeeze %dma_wait3A_1322 : memref<1x16x125xi32, #tpu.memory_space<vmem>> -> memref<16x125xi32, #tpu.memory_space<vmem>>
        %dma_wait3A_1324 = arith.constant 0 : i32
        %dma_wait3A_1325 = tpu.memref_slice %arg4[%add3A_1291, %dma_wait3A_1324] : memref<2560x125xi32, #tpu.memory_space<hbm>> -> memref<16x125xi32, #tpu.memory_space<hbm>>
        %dma_wait3A_1326 = arith.constant 0 : i32
        %dma_wait3A_1327 = arith.constant 0 : i32
        %dma_wait3A_1328 = tpu.memref_slice %arg8[%select_n3A_1307, %dma_wait3A_1326, %dma_wait3A_1327] : memref<2x16x125xi32, #tpu.memory_space<vmem>> -> memref<1x16x125xi32, #tpu.memory_space<vmem>>
        %dma_wait3A_1329 = tpu.memref_squeeze %dma_wait3A_1328 : memref<1x16x125xi32, #tpu.memory_space<vmem>> -> memref<16x125xi32, #tpu.memory_space<vmem>>
        %dma_wait3A_1330 = arith.constant 0 : i32
        %dma_wait3A_1331 = tpu.memref_slice %arg4[%add3A_1291, %dma_wait3A_1330] : memref<2560x125xi32, #tpu.memory_space<hbm>> -> memref<16x125xi32, #tpu.memory_space<hbm>>
        tpu.wait_dma2 semaphore(%arg21 : memref<!tpu.dma_semaphore, #tpu.memory_space<semaphore_mem>>) src(%dma_wait3A_1331 : memref<16x125xi32, #tpu.memory_space<hbm>>) dst(%dma_wait3A_1329 : memref<16x125xi32, #tpu.memory_space<vmem>>)
      } else {
      }
      %jit3A_207 = arith.constant 16 : i32
      %eq3A_208 = arith.constant 0 : i32
      %eq3A_209 = arith.cmpi eq, %jit3A_207, %eq3A_208 : i32
      %jit3A_210 = arith.constant 1 : i32
      %select_n3A_211 = arith.select %eq3A_209, %jit3A_210, %jit3A_207 : i32
      %rem3A_212 = arith.remsi %add3A_173, %select_n3A_211 : i32
      %ne3A_213 = arith.constant 0 : i32
      %ne3A_214 = arith.cmpi ne, %rem3A_212, %ne3A_213 : i32
      %lt3A_215 = arith.constant 0 : i32
      %lt3A_216 = arith.cmpi slt, %rem3A_212, %lt3A_215 : i32
      %lt3A_217 = arith.constant 0 : i32
      %lt3A_218 = arith.cmpi slt, %select_n3A_211, %lt3A_217 : i32
      %ne3A_219 = arith.xori %lt3A_216, %lt3A_218 : i1
      %and3A_220 = arith.andi %ne3A_219, %ne3A_214 : i1
      %add3A_221 = arith.addi %rem3A_212, %select_n3A_211 : i32
      %select_n3A_222 = arith.select %and3A_220, %add3A_221, %rem3A_212 : i32
      %eq3A_223 = arith.constant 4 : i32
      %eq3A_224 = arith.cmpi eq, %select_n3A_222, %eq3A_223 : i32
      %add3A_225 = arith.constant 1 : i32
      %add3A_226 = arith.addi %select_n3A, %add3A_225 : i32
      %lt3A_227 = arith.constant 10 : i32
      %lt3A_228 = arith.cmpi slt, %add3A_226, %lt3A_227 : i32
      %and3A_229 = arith.andi %eq3A_224, %lt3A_228 : i1
      %convert_element_type3A_230 = arith.extui %and3A_229 : i1 to i32
      %cond3A_231 = arith.constant 0 : i32
      %cond3A_232 = arith.cmpi ne, %convert_element_type3A_230, %cond3A_231 : i32
      scf.if %cond3A_232 {
        %add3A_1289 = arith.constant 1 : i32
        %add3A_1290 = arith.addi %select_n3A, %add3A_1289 : i32
        %mul3A_1291 = arith.constant 16 : i32
        %mul3A_1292 = arith.muli %add3A_1290, %mul3A_1291 : i32
        %add3A_1293 = arith.addi %mul3A_0, %mul3A_1292 : i32
        %jit3A_1294 = arith.constant 2 : i32
        %eq3A_1295 = arith.constant 0 : i32
        %eq3A_1296 = arith.cmpi eq, %jit3A_1294, %eq3A_1295 : i32
        %jit3A_1297 = arith.constant 1 : i32
        %select_n3A_1298 = arith.select %eq3A_1296, %jit3A_1297, %jit3A_1294 : i32
        %rem3A_1299 = arith.remsi %add3A_1290, %select_n3A_1298 : i32
        %ne3A_1300 = arith.constant 0 : i32
        %ne3A_1301 = arith.cmpi ne, %rem3A_1299, %ne3A_1300 : i32
        %lt3A_1302 = arith.constant 0 : i32
        %lt3A_1303 = arith.cmpi slt, %rem3A_1299, %lt3A_1302 : i32
        %lt3A_1304 = arith.constant 0 : i32
        %lt3A_1305 = arith.cmpi slt, %select_n3A_1298, %lt3A_1304 : i32
        %ne3A_1306 = arith.xori %lt3A_1303, %lt3A_1305 : i1
        %and3A_1307 = arith.andi %ne3A_1306, %ne3A_1301 : i1
        %add3A_1308 = arith.addi %rem3A_1299, %select_n3A_1298 : i32
        %select_n3A_1309 = arith.select %and3A_1307, %add3A_1308, %rem3A_1299 : i32
        %dma_start3A_1310 = arith.constant 0 : i32
        %dma_start3A_1311 = arith.constant 0 : i32
        %dma_start3A_1312 = tpu.memref_slice %arg7[%select_n3A_1309, %dma_start3A_1310, %dma_start3A_1311] : memref<2x16x125xi32, #tpu.memory_space<vmem>> -> memref<1x16x125xi32, #tpu.memory_space<vmem>>
        %dma_start3A_1313 = tpu.memref_squeeze %dma_start3A_1312 : memref<1x16x125xi32, #tpu.memory_space<vmem>> -> memref<16x125xi32, #tpu.memory_space<vmem>>
        %dma_start3A_1314 = arith.constant 0 : i32
        %dma_start3A_1315 = tpu.memref_slice %arg3[%add3A_1293, %dma_start3A_1314] : memref<2560x125xi32, #tpu.memory_space<hbm>> -> memref<16x125xi32, #tpu.memory_space<hbm>>
        %dma_start3A_1316 = arith.constant 0 : i32
        %dma_start3A_1317 = arith.constant 0 : i32
        %dma_start3A_1318 = tpu.memref_slice %arg7[%select_n3A_1309, %dma_start3A_1316, %dma_start3A_1317] : memref<2x16x125xi32, #tpu.memory_space<vmem>> -> memref<1x16x125xi32, #tpu.memory_space<vmem>>
        %dma_start3A_1319 = tpu.memref_squeeze %dma_start3A_1318 : memref<1x16x125xi32, #tpu.memory_space<vmem>> -> memref<16x125xi32, #tpu.memory_space<vmem>>
        %dma_start3A_1320 = arith.constant 0 : i32
        %dma_start3A_1321 = tpu.memref_slice %arg3[%add3A_1293, %dma_start3A_1320] : memref<2560x125xi32, #tpu.memory_space<hbm>> -> memref<16x125xi32, #tpu.memory_space<hbm>>
        tpu.enqueue_dma source(%dma_start3A_1321 : memref<16x125xi32, #tpu.memory_space<hbm>>) target(%dma_start3A_1319 : memref<16x125xi32, #tpu.memory_space<vmem>>) target_semaphore(%arg21 : memref<!tpu.dma_semaphore, #tpu.memory_space<semaphore_mem>>)
        %dma_start3A_1322 = arith.constant 0 : i32
        %dma_start3A_1323 = arith.constant 0 : i32
        %dma_start3A_1324 = tpu.memref_slice %arg8[%select_n3A_1309, %dma_start3A_1322, %dma_start3A_1323] : memref<2x16x125xi32, #tpu.memory_space<vmem>> -> memref<1x16x125xi32, #tpu.memory_space<vmem>>
        %dma_start3A_1325 = tpu.memref_squeeze %dma_start3A_1324 : memref<1x16x125xi32, #tpu.memory_space<vmem>> -> memref<16x125xi32, #tpu.memory_space<vmem>>
        %dma_start3A_1326 = arith.constant 0 : i32
        %dma_start3A_1327 = tpu.memref_slice %arg4[%add3A_1293, %dma_start3A_1326] : memref<2560x125xi32, #tpu.memory_space<hbm>> -> memref<16x125xi32, #tpu.memory_space<hbm>>
        %dma_start3A_1328 = arith.constant 0 : i32
        %dma_start3A_1329 = arith.constant 0 : i32
        %dma_start3A_1330 = tpu.memref_slice %arg8[%select_n3A_1309, %dma_start3A_1328, %dma_start3A_1329] : memref<2x16x125xi32, #tpu.memory_space<vmem>> -> memref<1x16x125xi32, #tpu.memory_space<vmem>>
        %dma_start3A_1331 = tpu.memref_squeeze %dma_start3A_1330 : memref<1x16x125xi32, #tpu.memory_space<vmem>> -> memref<16x125xi32, #tpu.memory_space<vmem>>
        %dma_start3A_1332 = arith.constant 0 : i32
        %dma_start3A_1333 = tpu.memref_slice %arg4[%add3A_1293, %dma_start3A_1332] : memref<2560x125xi32, #tpu.memory_space<hbm>> -> memref<16x125xi32, #tpu.memory_space<hbm>>
        tpu.enqueue_dma source(%dma_start3A_1333 : memref<16x125xi32, #tpu.memory_space<hbm>>) target(%dma_start3A_1331 : memref<16x125xi32, #tpu.memory_space<vmem>>) target_semaphore(%arg21 : memref<!tpu.dma_semaphore, #tpu.memory_space<semaphore_mem>>)
      } else {
      }
      %add3A_233 = arith.constant 0 : i32
      %add3A_234 = arith.addi %add3A_173, %add3A_233 : i32
      %sub3A_235 = arith.constant 4 : i32
      %sub3A_236 = arith.subi %add3A_234, %sub3A_235 : i32
      %jit3A_237 = arith.constant 16 : i32
      %div3A_238 = arith.divsi %sub3A_236, %jit3A_237 : i32
      %sign3A_239 = arith.constant 0 : i32
      %sign3A_240 = arith.cmpi sgt, %sub3A_236, %sign3A_239 : i32
      %sign3A_241 = arith.extui %sign3A_240 : i1 to i32
      %sign3A_242 = arith.constant 0 : i32
      %sign3A_243 = arith.cmpi slt, %sub3A_236, %sign3A_242 : i32
      %sign3A_244 = arith.extui %sign3A_243 : i1 to i32
      %sign3A_245 = arith.subi %sign3A_241, %sign3A_244 : i32
      %sign3A_246 = arith.constant 0 : i32
      %sign3A_247 = arith.cmpi sgt, %jit3A_237, %sign3A_246 : i32
      %sign3A_248 = arith.extui %sign3A_247 : i1 to i32
      %sign3A_249 = arith.constant 0 : i32
      %sign3A_250 = arith.cmpi slt, %jit3A_237, %sign3A_249 : i32
      %sign3A_251 = arith.extui %sign3A_250 : i1 to i32
      %sign3A_252 = arith.subi %sign3A_248, %sign3A_251 : i32
      %ne3A_253 = arith.cmpi ne, %sign3A_245, %sign3A_252 : i32
      %rem3A_254 = arith.remsi %sub3A_236, %jit3A_237 : i32
      %ne3A_255 = arith.constant 0 : i32
      %ne3A_256 = arith.cmpi ne, %rem3A_254, %ne3A_255 : i32
      %and3A_257 = arith.andi %ne3A_253, %ne3A_256 : i1
      %sub3A_258 = arith.constant 1 : i32
      %sub3A_259 = arith.subi %div3A_238, %sub3A_258 : i32
      %select_n3A_260 = arith.select %and3A_257, %sub3A_259, %div3A_238 : i32
      %jit3A_261 = arith.constant 2 : i32
      %eq3A_262 = arith.constant 0 : i32
      %eq3A_263 = arith.cmpi eq, %jit3A_261, %eq3A_262 : i32
      %jit3A_264 = arith.constant 1 : i32
      %select_n3A_265 = arith.select %eq3A_263, %jit3A_264, %jit3A_261 : i32
      %rem3A_266 = arith.remsi %select_n3A_260, %select_n3A_265 : i32
      %ne3A_267 = arith.constant 0 : i32
      %ne3A_268 = arith.cmpi ne, %rem3A_266, %ne3A_267 : i32
      %lt3A_269 = arith.constant 0 : i32
      %lt3A_270 = arith.cmpi slt, %rem3A_266, %lt3A_269 : i32
      %lt3A_271 = arith.constant 0 : i32
      %lt3A_272 = arith.cmpi slt, %select_n3A_265, %lt3A_271 : i32
      %ne3A_273 = arith.xori %lt3A_270, %lt3A_272 : i1
      %and3A_274 = arith.andi %ne3A_273, %ne3A_268 : i1
      %add3A_275 = arith.addi %rem3A_266, %select_n3A_265 : i32
      %select_n3A_276 = arith.select %and3A_274, %add3A_275, %rem3A_266 : i32
      %jit3A_277 = arith.constant 16 : i32
      %eq3A_278 = arith.constant 0 : i32
      %eq3A_279 = arith.cmpi eq, %jit3A_277, %eq3A_278 : i32
      %jit3A_280 = arith.constant 1 : i32
      %select_n3A_281 = arith.select %eq3A_279, %jit3A_280, %jit3A_277 : i32
      %rem3A_282 = arith.remsi %sub3A_236, %select_n3A_281 : i32
      %ne3A_283 = arith.constant 0 : i32
      %ne3A_284 = arith.cmpi ne, %rem3A_282, %ne3A_283 : i32
      %lt3A_285 = arith.constant 0 : i32
      %lt3A_286 = arith.cmpi slt, %rem3A_282, %lt3A_285 : i32
      %lt3A_287 = arith.constant 0 : i32
      %lt3A_288 = arith.cmpi slt, %select_n3A_281, %lt3A_287 : i32
      %ne3A_289 = arith.xori %lt3A_286, %lt3A_288 : i1
      %and3A_290 = arith.andi %ne3A_289, %ne3A_284 : i1
      %add3A_291 = arith.addi %rem3A_282, %select_n3A_281 : i32
      %select_n3A_292 = arith.select %and3A_290, %add3A_291, %rem3A_282 : i32
      %dma_wait3A_293 = arith.constant 0 : i32
      %dma_wait3A_294 = tpu.memref_slice %arg8[%select_n3A_276, %select_n3A_292, %dma_wait3A_293] : memref<2x16x125xi32, #tpu.memory_space<vmem>> -> memref<1x1x125xi32, #tpu.memory_space<vmem>>
      %dma_wait3A_295 = tpu.memref_squeeze %dma_wait3A_294 : memref<1x1x125xi32, #tpu.memory_space<vmem>> -> memref<125xi32, #tpu.memory_space<vmem>>
      %dma_wait3A_296 = arith.constant 0 : i32
      %dma_wait3A_297 = arith.constant 0 : i32
      %dma_wait3A_298 = tpu.memref_slice %arg22[%dma_wait3A_296, %dma_wait3A_297] : memref<10112x64xf32, #tpu.memory_space<vmem_shared>> -> memref<10112x64xf32, #tpu.memory_space<vmem_shared>>
      tpu.wait_indirect_dma semaphore(%arg17 : memref<!tpu.dma_semaphore, #tpu.memory_space<semaphore_mem>>) src(%arg9 : memref<125x64xf32, #tpu.memory_space<vmem>>) dst(%dma_wait3A_298 : memref<10112x64xf32, #tpu.memory_space<vmem_shared>>)
      %jit3A_299 = arith.constant 16 : i32
      %div3A_300 = arith.divsi %add3A_234, %jit3A_299 : i32
      %sign3A_301 = arith.constant 0 : i32
      %sign3A_302 = arith.cmpi sgt, %add3A_234, %sign3A_301 : i32
      %sign3A_303 = arith.extui %sign3A_302 : i1 to i32
      %sign3A_304 = arith.constant 0 : i32
      %sign3A_305 = arith.cmpi slt, %add3A_234, %sign3A_304 : i32
      %sign3A_306 = arith.extui %sign3A_305 : i1 to i32
      %sign3A_307 = arith.subi %sign3A_303, %sign3A_306 : i32
      %sign3A_308 = arith.constant 0 : i32
      %sign3A_309 = arith.cmpi sgt, %jit3A_299, %sign3A_308 : i32
      %sign3A_310 = arith.extui %sign3A_309 : i1 to i32
      %sign3A_311 = arith.constant 0 : i32
      %sign3A_312 = arith.cmpi slt, %jit3A_299, %sign3A_311 : i32
      %sign3A_313 = arith.extui %sign3A_312 : i1 to i32
      %sign3A_314 = arith.subi %sign3A_310, %sign3A_313 : i32
      %ne3A_315 = arith.cmpi ne, %sign3A_307, %sign3A_314 : i32
      %rem3A_316 = arith.remsi %add3A_234, %jit3A_299 : i32
      %ne3A_317 = arith.constant 0 : i32
      %ne3A_318 = arith.cmpi ne, %rem3A_316, %ne3A_317 : i32
      %and3A_319 = arith.andi %ne3A_315, %ne3A_318 : i1
      %sub3A_320 = arith.constant 1 : i32
      %sub3A_321 = arith.subi %div3A_300, %sub3A_320 : i32
      %select_n3A_322 = arith.select %and3A_319, %sub3A_321, %div3A_300 : i32
      %jit3A_323 = arith.constant 2 : i32
      %eq3A_324 = arith.constant 0 : i32
      %eq3A_325 = arith.cmpi eq, %jit3A_323, %eq3A_324 : i32
      %jit3A_326 = arith.constant 1 : i32
      %select_n3A_327 = arith.select %eq3A_325, %jit3A_326, %jit3A_323 : i32
      %rem3A_328 = arith.remsi %select_n3A_322, %select_n3A_327 : i32
      %ne3A_329 = arith.constant 0 : i32
      %ne3A_330 = arith.cmpi ne, %rem3A_328, %ne3A_329 : i32
      %lt3A_331 = arith.constant 0 : i32
      %lt3A_332 = arith.cmpi slt, %rem3A_328, %lt3A_331 : i32
      %lt3A_333 = arith.constant 0 : i32
      %lt3A_334 = arith.cmpi slt, %select_n3A_327, %lt3A_333 : i32
      %ne3A_335 = arith.xori %lt3A_332, %lt3A_334 : i1
      %and3A_336 = arith.andi %ne3A_335, %ne3A_330 : i1
      %add3A_337 = arith.addi %rem3A_328, %select_n3A_327 : i32
      %select_n3A_338 = arith.select %and3A_336, %add3A_337, %rem3A_328 : i32
      %jit3A_339 = arith.constant 16 : i32
      %eq3A_340 = arith.constant 0 : i32
      %eq3A_341 = arith.cmpi eq, %jit3A_339, %eq3A_340 : i32
      %jit3A_342 = arith.constant 1 : i32
      %select_n3A_343 = arith.select %eq3A_341, %jit3A_342, %jit3A_339 : i32
      %rem3A_344 = arith.remsi %add3A_234, %select_n3A_343 : i32
      %ne3A_345 = arith.constant 0 : i32
      %ne3A_346 = arith.cmpi ne, %rem3A_344, %ne3A_345 : i32
      %lt3A_347 = arith.constant 0 : i32
      %lt3A_348 = arith.cmpi slt, %rem3A_344, %lt3A_347 : i32
      %lt3A_349 = arith.constant 0 : i32
      %lt3A_350 = arith.cmpi slt, %select_n3A_343, %lt3A_349 : i32
      %ne3A_351 = arith.xori %lt3A_348, %lt3A_350 : i1
      %and3A_352 = arith.andi %ne3A_351, %ne3A_346 : i1
      %add3A_353 = arith.addi %rem3A_344, %select_n3A_343 : i32
      %select_n3A_354 = arith.select %and3A_352, %add3A_353, %rem3A_344 : i32
      %dma_start3A_355 = arith.constant 0 : i32
      %dma_start3A_356 = tpu.memref_slice %arg7[%select_n3A_338, %select_n3A_354, %dma_start3A_355] : memref<2x16x125xi32, #tpu.memory_space<vmem>> -> memref<1x1x125xi32, #tpu.memory_space<vmem>>
      %dma_start3A_357 = tpu.memref_squeeze %dma_start3A_356 : memref<1x1x125xi32, #tpu.memory_space<vmem>> -> memref<125xi32, #tpu.memory_space<vmem>>
      %dma_start3A_358 = arith.constant 0 : i32
      %dma_start3A_359 = arith.constant 0 : i32
      %dma_start3A_360 = tpu.memref_slice %arg2[%arg0, %dma_start3A_358, %dma_start3A_359] : memref<2x10000x64xf32, #tpu.memory_space<hbm>> -> memref<1x10000x64xf32, #tpu.memory_space<hbm>>
      %dma_start3A_361 = tpu.memref_squeeze %dma_start3A_360 : memref<1x10000x64xf32, #tpu.memory_space<hbm>> -> memref<10000x64xf32, #tpu.memory_space<hbm>>
      %dma_start3A_362 = arith.constant 0 : i32
      %dma_start3A_363 = arith.constant 0 : i32
      %dma_start3A_364 = tpu.memref_slice %dma_start3A_361[%dma_start3A_362, %dma_start3A_363] : memref<10000x64xf32, #tpu.memory_space<hbm>> -> memref<10000x64xf32, #tpu.memory_space<hbm>>
      tpu.enqueue_indirect_dma source(%dma_start3A_364 : memref<10000x64xf32, #tpu.memory_space<hbm>>) target(%arg9 : memref<125x64xf32, #tpu.memory_space<vmem>>) offsets(%dma_start3A_357 : memref<125xi32, #tpu.memory_space<vmem>>) semaphore(%arg13 : memref<!tpu.dma_semaphore, #tpu.memory_space<semaphore_mem>>)
      %sub3A_365 = arith.constant 2 : i32
      %sub3A_366 = arith.subi %add3A_234, %sub3A_365 : i32
      %jit3A_367 = arith.constant 16 : i32
      %div3A_368 = arith.divsi %sub3A_366, %jit3A_367 : i32
      %sign3A_369 = arith.constant 0 : i32
      %sign3A_370 = arith.cmpi sgt, %sub3A_366, %sign3A_369 : i32
      %sign3A_371 = arith.extui %sign3A_370 : i1 to i32
      %sign3A_372 = arith.constant 0 : i32
      %sign3A_373 = arith.cmpi slt, %sub3A_366, %sign3A_372 : i32
      %sign3A_374 = arith.extui %sign3A_373 : i1 to i32
      %sign3A_375 = arith.subi %sign3A_371, %sign3A_374 : i32
      %sign3A_376 = arith.constant 0 : i32
      %sign3A_377 = arith.cmpi sgt, %jit3A_367, %sign3A_376 : i32
      %sign3A_378 = arith.extui %sign3A_377 : i1 to i32
      %sign3A_379 = arith.constant 0 : i32
      %sign3A_380 = arith.cmpi slt, %jit3A_367, %sign3A_379 : i32
      %sign3A_381 = arith.extui %sign3A_380 : i1 to i32
      %sign3A_382 = arith.subi %sign3A_378, %sign3A_381 : i32
      %ne3A_383 = arith.cmpi ne, %sign3A_375, %sign3A_382 : i32
      %rem3A_384 = arith.remsi %sub3A_366, %jit3A_367 : i32
      %ne3A_385 = arith.constant 0 : i32
      %ne3A_386 = arith.cmpi ne, %rem3A_384, %ne3A_385 : i32
      %and3A_387 = arith.andi %ne3A_383, %ne3A_386 : i1
      %sub3A_388 = arith.constant 1 : i32
      %sub3A_389 = arith.subi %div3A_368, %sub3A_388 : i32
      %select_n3A_390 = arith.select %and3A_387, %sub3A_389, %div3A_368 : i32
      %jit3A_391 = arith.constant 2 : i32
      %eq3A_392 = arith.constant 0 : i32
      %eq3A_393 = arith.cmpi eq, %jit3A_391, %eq3A_392 : i32
      %jit3A_394 = arith.constant 1 : i32
      %select_n3A_395 = arith.select %eq3A_393, %jit3A_394, %jit3A_391 : i32
      %rem3A_396 = arith.remsi %select_n3A_390, %select_n3A_395 : i32
      %ne3A_397 = arith.constant 0 : i32
      %ne3A_398 = arith.cmpi ne, %rem3A_396, %ne3A_397 : i32
      %lt3A_399 = arith.constant 0 : i32
      %lt3A_400 = arith.cmpi slt, %rem3A_396, %lt3A_399 : i32
      %lt3A_401 = arith.constant 0 : i32
      %lt3A_402 = arith.cmpi slt, %select_n3A_395, %lt3A_401 : i32
      %ne3A_403 = arith.xori %lt3A_400, %lt3A_402 : i1
      %and3A_404 = arith.andi %ne3A_403, %ne3A_398 : i1
      %add3A_405 = arith.addi %rem3A_396, %select_n3A_395 : i32
      %select_n3A_406 = arith.select %and3A_404, %add3A_405, %rem3A_396 : i32
      %jit3A_407 = arith.constant 16 : i32
      %eq3A_408 = arith.constant 0 : i32
      %eq3A_409 = arith.cmpi eq, %jit3A_407, %eq3A_408 : i32
      %jit3A_410 = arith.constant 1 : i32
      %select_n3A_411 = arith.select %eq3A_409, %jit3A_410, %jit3A_407 : i32
      %rem3A_412 = arith.remsi %sub3A_366, %select_n3A_411 : i32
      %ne3A_413 = arith.constant 0 : i32
      %ne3A_414 = arith.cmpi ne, %rem3A_412, %ne3A_413 : i32
      %lt3A_415 = arith.constant 0 : i32
      %lt3A_416 = arith.cmpi slt, %rem3A_412, %lt3A_415 : i32
      %lt3A_417 = arith.constant 0 : i32
      %lt3A_418 = arith.cmpi slt, %select_n3A_411, %lt3A_417 : i32
      %ne3A_419 = arith.xori %lt3A_416, %lt3A_418 : i1
      %and3A_420 = arith.andi %ne3A_419, %ne3A_414 : i1
      %add3A_421 = arith.addi %rem3A_412, %select_n3A_411 : i32
      %select_n3A_422 = arith.select %and3A_420, %add3A_421, %rem3A_412 : i32
      %dma_wait3A_423 = arith.constant 0 : i32
      %dma_wait3A_424 = tpu.memref_slice %arg7[%select_n3A_406, %select_n3A_422, %dma_wait3A_423] : memref<2x16x125xi32, #tpu.memory_space<vmem>> -> memref<1x1x125xi32, #tpu.memory_space<vmem>>
      %dma_wait3A_425 = tpu.memref_squeeze %dma_wait3A_424 : memref<1x1x125xi32, #tpu.memory_space<vmem>> -> memref<125xi32, #tpu.memory_space<vmem>>
      %dma_wait3A_426 = arith.constant 0 : i32
      %dma_wait3A_427 = arith.constant 0 : i32
      %dma_wait3A_428 = tpu.memref_slice %arg2[%arg0, %dma_wait3A_426, %dma_wait3A_427] : memref<2x10000x64xf32, #tpu.memory_space<hbm>> -> memref<1x10000x64xf32, #tpu.memory_space<hbm>>
      %dma_wait3A_429 = tpu.memref_squeeze %dma_wait3A_428 : memref<1x10000x64xf32, #tpu.memory_space<hbm>> -> memref<10000x64xf32, #tpu.memory_space<hbm>>
      %dma_wait3A_430 = arith.constant 0 : i32
      %dma_wait3A_431 = arith.constant 0 : i32
      %dma_wait3A_432 = tpu.memref_slice %dma_wait3A_429[%dma_wait3A_430, %dma_wait3A_431] : memref<10000x64xf32, #tpu.memory_space<hbm>> -> memref<10000x64xf32, #tpu.memory_space<hbm>>
      tpu.wait_indirect_dma semaphore(%arg15 : memref<!tpu.dma_semaphore, #tpu.memory_space<semaphore_mem>>) src(%dma_wait3A_432 : memref<10000x64xf32, #tpu.memory_space<hbm>>) dst(%arg11 : memref<125x64xf32, #tpu.memory_space<vmem>>)
      %sub3A_433 = arith.constant 2 : i32
      %sub3A_434 = arith.subi %add3A_234, %sub3A_433 : i32
      %jit3A_435 = arith.constant 16 : i32
      %div3A_436 = arith.divsi %sub3A_434, %jit3A_435 : i32
      %sign3A_437 = arith.constant 0 : i32
      %sign3A_438 = arith.cmpi sgt, %sub3A_434, %sign3A_437 : i32
      %sign3A_439 = arith.extui %sign3A_438 : i1 to i32
      %sign3A_440 = arith.constant 0 : i32
      %sign3A_441 = arith.cmpi slt, %sub3A_434, %sign3A_440 : i32
      %sign3A_442 = arith.extui %sign3A_441 : i1 to i32
      %sign3A_443 = arith.subi %sign3A_439, %sign3A_442 : i32
      %sign3A_444 = arith.constant 0 : i32
      %sign3A_445 = arith.cmpi sgt, %jit3A_435, %sign3A_444 : i32
      %sign3A_446 = arith.extui %sign3A_445 : i1 to i32
      %sign3A_447 = arith.constant 0 : i32
      %sign3A_448 = arith.cmpi slt, %jit3A_435, %sign3A_447 : i32
      %sign3A_449 = arith.extui %sign3A_448 : i1 to i32
      %sign3A_450 = arith.subi %sign3A_446, %sign3A_449 : i32
      %ne3A_451 = arith.cmpi ne, %sign3A_443, %sign3A_450 : i32
      %rem3A_452 = arith.remsi %sub3A_434, %jit3A_435 : i32
      %ne3A_453 = arith.constant 0 : i32
      %ne3A_454 = arith.cmpi ne, %rem3A_452, %ne3A_453 : i32
      %and3A_455 = arith.andi %ne3A_451, %ne3A_454 : i1
      %sub3A_456 = arith.constant 1 : i32
      %sub3A_457 = arith.subi %div3A_436, %sub3A_456 : i32
      %select_n3A_458 = arith.select %and3A_455, %sub3A_457, %div3A_436 : i32
      %jit3A_459 = arith.constant 2 : i32
      %eq3A_460 = arith.constant 0 : i32
      %eq3A_461 = arith.cmpi eq, %jit3A_459, %eq3A_460 : i32
      %jit3A_462 = arith.constant 1 : i32
      %select_n3A_463 = arith.select %eq3A_461, %jit3A_462, %jit3A_459 : i32
      %rem3A_464 = arith.remsi %select_n3A_458, %select_n3A_463 : i32
      %ne3A_465 = arith.constant 0 : i32
      %ne3A_466 = arith.cmpi ne, %rem3A_464, %ne3A_465 : i32
      %lt3A_467 = arith.constant 0 : i32
      %lt3A_468 = arith.cmpi slt, %rem3A_464, %lt3A_467 : i32
      %lt3A_469 = arith.constant 0 : i32
      %lt3A_470 = arith.cmpi slt, %select_n3A_463, %lt3A_469 : i32
      %ne3A_471 = arith.xori %lt3A_468, %lt3A_470 : i1
      %and3A_472 = arith.andi %ne3A_471, %ne3A_466 : i1
      %add3A_473 = arith.addi %rem3A_464, %select_n3A_463 : i32
      %select_n3A_474 = arith.select %and3A_472, %add3A_473, %rem3A_464 : i32
      %jit3A_475 = arith.constant 16 : i32
      %eq3A_476 = arith.constant 0 : i32
      %eq3A_477 = arith.cmpi eq, %jit3A_475, %eq3A_476 : i32
      %jit3A_478 = arith.constant 1 : i32
      %select_n3A_479 = arith.select %eq3A_477, %jit3A_478, %jit3A_475 : i32
      %rem3A_480 = arith.remsi %sub3A_434, %select_n3A_479 : i32
      %ne3A_481 = arith.constant 0 : i32
      %ne3A_482 = arith.cmpi ne, %rem3A_480, %ne3A_481 : i32
      %lt3A_483 = arith.constant 0 : i32
      %lt3A_484 = arith.cmpi slt, %rem3A_480, %lt3A_483 : i32
      %lt3A_485 = arith.constant 0 : i32
      %lt3A_486 = arith.cmpi slt, %select_n3A_479, %lt3A_485 : i32
      %ne3A_487 = arith.xori %lt3A_484, %lt3A_486 : i1
      %and3A_488 = arith.andi %ne3A_487, %ne3A_482 : i1
      %add3A_489 = arith.addi %rem3A_480, %select_n3A_479 : i32
      %select_n3A_490 = arith.select %and3A_488, %add3A_489, %rem3A_480 : i32
      %dma_start3A_491 = arith.constant 0 : i32
      %dma_start3A_492 = tpu.memref_slice %arg8[%select_n3A_474, %select_n3A_490, %dma_start3A_491] : memref<2x16x125xi32, #tpu.memory_space<vmem>> -> memref<1x1x125xi32, #tpu.memory_space<vmem>>
      %dma_start3A_493 = tpu.memref_squeeze %dma_start3A_492 : memref<1x1x125xi32, #tpu.memory_space<vmem>> -> memref<125xi32, #tpu.memory_space<vmem>>
      %dma_start3A_494 = arith.constant 0 : i32
      %dma_start3A_495 = arith.constant 0 : i32
      %dma_start3A_496 = tpu.memref_slice %arg22[%dma_start3A_494, %dma_start3A_495] : memref<10112x64xf32, #tpu.memory_space<vmem_shared>> -> memref<10112x64xf32, #tpu.memory_space<vmem_shared>>
      tpu.enqueue_indirect_dma source(%arg11 : memref<125x64xf32, #tpu.memory_space<vmem>>) target(%dma_start3A_496 : memref<10112x64xf32, #tpu.memory_space<vmem_shared>>) offsets(%dma_start3A_493 : memref<125xi32, #tpu.memory_space<vmem>>) semaphore(%arg19 : memref<!tpu.dma_semaphore, #tpu.memory_space<semaphore_mem>>) {add = true}
      %add3A_497 = arith.constant 1 : i32
      %add3A_498 = arith.addi %add3A_173, %add3A_497 : i32
      %sub3A_499 = arith.constant 4 : i32
      %sub3A_500 = arith.subi %add3A_498, %sub3A_499 : i32
      %jit3A_501 = arith.constant 16 : i32
      %div3A_502 = arith.divsi %sub3A_500, %jit3A_501 : i32
      %sign3A_503 = arith.constant 0 : i32
      %sign3A_504 = arith.cmpi sgt, %sub3A_500, %sign3A_503 : i32
      %sign3A_505 = arith.extui %sign3A_504 : i1 to i32
      %sign3A_506 = arith.constant 0 : i32
      %sign3A_507 = arith.cmpi slt, %sub3A_500, %sign3A_506 : i32
      %sign3A_508 = arith.extui %sign3A_507 : i1 to i32
      %sign3A_509 = arith.subi %sign3A_505, %sign3A_508 : i32
      %sign3A_510 = arith.constant 0 : i32
      %sign3A_511 = arith.cmpi sgt, %jit3A_501, %sign3A_510 : i32
      %sign3A_512 = arith.extui %sign3A_511 : i1 to i32
      %sign3A_513 = arith.constant 0 : i32
      %sign3A_514 = arith.cmpi slt, %jit3A_501, %sign3A_513 : i32
      %sign3A_515 = arith.extui %sign3A_514 : i1 to i32
      %sign3A_516 = arith.subi %sign3A_512, %sign3A_515 : i32
      %ne3A_517 = arith.cmpi ne, %sign3A_509, %sign3A_516 : i32
      %rem3A_518 = arith.remsi %sub3A_500, %jit3A_501 : i32
      %ne3A_519 = arith.constant 0 : i32
      %ne3A_520 = arith.cmpi ne, %rem3A_518, %ne3A_519 : i32
      %and3A_521 = arith.andi %ne3A_517, %ne3A_520 : i1
      %sub3A_522 = arith.constant 1 : i32
      %sub3A_523 = arith.subi %div3A_502, %sub3A_522 : i32
      %select_n3A_524 = arith.select %and3A_521, %sub3A_523, %div3A_502 : i32
      %jit3A_525 = arith.constant 2 : i32
      %eq3A_526 = arith.constant 0 : i32
      %eq3A_527 = arith.cmpi eq, %jit3A_525, %eq3A_526 : i32
      %jit3A_528 = arith.constant 1 : i32
      %select_n3A_529 = arith.select %eq3A_527, %jit3A_528, %jit3A_525 : i32
      %rem3A_530 = arith.remsi %select_n3A_524, %select_n3A_529 : i32
      %ne3A_531 = arith.constant 0 : i32
      %ne3A_532 = arith.cmpi ne, %rem3A_530, %ne3A_531 : i32
      %lt3A_533 = arith.constant 0 : i32
      %lt3A_534 = arith.cmpi slt, %rem3A_530, %lt3A_533 : i32
      %lt3A_535 = arith.constant 0 : i32
      %lt3A_536 = arith.cmpi slt, %select_n3A_529, %lt3A_535 : i32
      %ne3A_537 = arith.xori %lt3A_534, %lt3A_536 : i1
      %and3A_538 = arith.andi %ne3A_537, %ne3A_532 : i1
      %add3A_539 = arith.addi %rem3A_530, %select_n3A_529 : i32
      %select_n3A_540 = arith.select %and3A_538, %add3A_539, %rem3A_530 : i32
      %jit3A_541 = arith.constant 16 : i32
      %eq3A_542 = arith.constant 0 : i32
      %eq3A_543 = arith.cmpi eq, %jit3A_541, %eq3A_542 : i32
      %jit3A_544 = arith.constant 1 : i32
      %select_n3A_545 = arith.select %eq3A_543, %jit3A_544, %jit3A_541 : i32
      %rem3A_546 = arith.remsi %sub3A_500, %select_n3A_545 : i32
      %ne3A_547 = arith.constant 0 : i32
      %ne3A_548 = arith.cmpi ne, %rem3A_546, %ne3A_547 : i32
      %lt3A_549 = arith.constant 0 : i32
      %lt3A_550 = arith.cmpi slt, %rem3A_546, %lt3A_549 : i32
      %lt3A_551 = arith.constant 0 : i32
      %lt3A_552 = arith.cmpi slt, %select_n3A_545, %lt3A_551 : i32
      %ne3A_553 = arith.xori %lt3A_550, %lt3A_552 : i1
      %and3A_554 = arith.andi %ne3A_553, %ne3A_548 : i1
      %add3A_555 = arith.addi %rem3A_546, %select_n3A_545 : i32
      %select_n3A_556 = arith.select %and3A_554, %add3A_555, %rem3A_546 : i32
      %dma_wait3A_557 = arith.constant 0 : i32
      %dma_wait3A_558 = tpu.memref_slice %arg8[%select_n3A_540, %select_n3A_556, %dma_wait3A_557] : memref<2x16x125xi32, #tpu.memory_space<vmem>> -> memref<1x1x125xi32, #tpu.memory_space<vmem>>
      %dma_wait3A_559 = tpu.memref_squeeze %dma_wait3A_558 : memref<1x1x125xi32, #tpu.memory_space<vmem>> -> memref<125xi32, #tpu.memory_space<vmem>>
      %dma_wait3A_560 = arith.constant 0 : i32
      %dma_wait3A_561 = arith.constant 0 : i32
      %dma_wait3A_562 = tpu.memref_slice %arg22[%dma_wait3A_560, %dma_wait3A_561] : memref<10112x64xf32, #tpu.memory_space<vmem_shared>> -> memref<10112x64xf32, #tpu.memory_space<vmem_shared>>
      tpu.wait_indirect_dma semaphore(%arg18 : memref<!tpu.dma_semaphore, #tpu.memory_space<semaphore_mem>>) src(%arg10 : memref<125x64xf32, #tpu.memory_space<vmem>>) dst(%dma_wait3A_562 : memref<10112x64xf32, #tpu.memory_space<vmem_shared>>)
      %jit3A_563 = arith.constant 16 : i32
      %div3A_564 = arith.divsi %add3A_498, %jit3A_563 : i32
      %sign3A_565 = arith.constant 0 : i32
      %sign3A_566 = arith.cmpi sgt, %add3A_498, %sign3A_565 : i32
      %sign3A_567 = arith.extui %sign3A_566 : i1 to i32
      %sign3A_568 = arith.constant 0 : i32
      %sign3A_569 = arith.cmpi slt, %add3A_498, %sign3A_568 : i32
      %sign3A_570 = arith.extui %sign3A_569 : i1 to i32
      %sign3A_571 = arith.subi %sign3A_567, %sign3A_570 : i32
      %sign3A_572 = arith.constant 0 : i32
      %sign3A_573 = arith.cmpi sgt, %jit3A_563, %sign3A_572 : i32
      %sign3A_574 = arith.extui %sign3A_573 : i1 to i32
      %sign3A_575 = arith.constant 0 : i32
      %sign3A_576 = arith.cmpi slt, %jit3A_563, %sign3A_575 : i32
      %sign3A_577 = arith.extui %sign3A_576 : i1 to i32
      %sign3A_578 = arith.subi %sign3A_574, %sign3A_577 : i32
      %ne3A_579 = arith.cmpi ne, %sign3A_571, %sign3A_578 : i32
      %rem3A_580 = arith.remsi %add3A_498, %jit3A_563 : i32
      %ne3A_581 = arith.constant 0 : i32
      %ne3A_582 = arith.cmpi ne, %rem3A_580, %ne3A_581 : i32
      %and3A_583 = arith.andi %ne3A_579, %ne3A_582 : i1
      %sub3A_584 = arith.constant 1 : i32
      %sub3A_585 = arith.subi %div3A_564, %sub3A_584 : i32
      %select_n3A_586 = arith.select %and3A_583, %sub3A_585, %div3A_564 : i32
      %jit3A_587 = arith.constant 2 : i32
      %eq3A_588 = arith.constant 0 : i32
      %eq3A_589 = arith.cmpi eq, %jit3A_587, %eq3A_588 : i32
      %jit3A_590 = arith.constant 1 : i32
      %select_n3A_591 = arith.select %eq3A_589, %jit3A_590, %jit3A_587 : i32
      %rem3A_592 = arith.remsi %select_n3A_586, %select_n3A_591 : i32
      %ne3A_593 = arith.constant 0 : i32
      %ne3A_594 = arith.cmpi ne, %rem3A_592, %ne3A_593 : i32
      %lt3A_595 = arith.constant 0 : i32
      %lt3A_596 = arith.cmpi slt, %rem3A_592, %lt3A_595 : i32
      %lt3A_597 = arith.constant 0 : i32
      %lt3A_598 = arith.cmpi slt, %select_n3A_591, %lt3A_597 : i32
      %ne3A_599 = arith.xori %lt3A_596, %lt3A_598 : i1
      %and3A_600 = arith.andi %ne3A_599, %ne3A_594 : i1
      %add3A_601 = arith.addi %rem3A_592, %select_n3A_591 : i32
      %select_n3A_602 = arith.select %and3A_600, %add3A_601, %rem3A_592 : i32
      %jit3A_603 = arith.constant 16 : i32
      %eq3A_604 = arith.constant 0 : i32
      %eq3A_605 = arith.cmpi eq, %jit3A_603, %eq3A_604 : i32
      %jit3A_606 = arith.constant 1 : i32
      %select_n3A_607 = arith.select %eq3A_605, %jit3A_606, %jit3A_603 : i32
      %rem3A_608 = arith.remsi %add3A_498, %select_n3A_607 : i32
      %ne3A_609 = arith.constant 0 : i32
      %ne3A_610 = arith.cmpi ne, %rem3A_608, %ne3A_609 : i32
      %lt3A_611 = arith.constant 0 : i32
      %lt3A_612 = arith.cmpi slt, %rem3A_608, %lt3A_611 : i32
      %lt3A_613 = arith.constant 0 : i32
      %lt3A_614 = arith.cmpi slt, %select_n3A_607, %lt3A_613 : i32
      %ne3A_615 = arith.xori %lt3A_612, %lt3A_614 : i1
      %and3A_616 = arith.andi %ne3A_615, %ne3A_610 : i1
      %add3A_617 = arith.addi %rem3A_608, %select_n3A_607 : i32
      %select_n3A_618 = arith.select %and3A_616, %add3A_617, %rem3A_608 : i32
      %dma_start3A_619 = arith.constant 0 : i32
      %dma_start3A_620 = tpu.memref_slice %arg7[%select_n3A_602, %select_n3A_618, %dma_start3A_619] : memref<2x16x125xi32, #tpu.memory_space<vmem>> -> memref<1x1x125xi32, #tpu.memory_space<vmem>>
      %dma_start3A_621 = tpu.memref_squeeze %dma_start3A_620 : memref<1x1x125xi32, #tpu.memory_space<vmem>> -> memref<125xi32, #tpu.memory_space<vmem>>
      %dma_start3A_622 = arith.constant 0 : i32
      %dma_start3A_623 = arith.constant 0 : i32
      %dma_start3A_624 = tpu.memref_slice %arg2[%arg0, %dma_start3A_622, %dma_start3A_623] : memref<2x10000x64xf32, #tpu.memory_space<hbm>> -> memref<1x10000x64xf32, #tpu.memory_space<hbm>>
      %dma_start3A_625 = tpu.memref_squeeze %dma_start3A_624 : memref<1x10000x64xf32, #tpu.memory_space<hbm>> -> memref<10000x64xf32, #tpu.memory_space<hbm>>
      %dma_start3A_626 = arith.constant 0 : i32
      %dma_start3A_627 = arith.constant 0 : i32
      %dma_start3A_628 = tpu.memref_slice %dma_start3A_625[%dma_start3A_626, %dma_start3A_627] : memref<10000x64xf32, #tpu.memory_space<hbm>> -> memref<10000x64xf32, #tpu.memory_space<hbm>>
      tpu.enqueue_indirect_dma source(%dma_start3A_628 : memref<10000x64xf32, #tpu.memory_space<hbm>>) target(%arg10 : memref<125x64xf32, #tpu.memory_space<vmem>>) offsets(%dma_start3A_621 : memref<125xi32, #tpu.memory_space<vmem>>) semaphore(%arg14 : memref<!tpu.dma_semaphore, #tpu.memory_space<semaphore_mem>>)
      %sub3A_629 = arith.constant 2 : i32
      %sub3A_630 = arith.subi %add3A_498, %sub3A_629 : i32
      %jit3A_631 = arith.constant 16 : i32
      %div3A_632 = arith.divsi %sub3A_630, %jit3A_631 : i32
      %sign3A_633 = arith.constant 0 : i32
      %sign3A_634 = arith.cmpi sgt, %sub3A_630, %sign3A_633 : i32
      %sign3A_635 = arith.extui %sign3A_634 : i1 to i32
      %sign3A_636 = arith.constant 0 : i32
      %sign3A_637 = arith.cmpi slt, %sub3A_630, %sign3A_636 : i32
      %sign3A_638 = arith.extui %sign3A_637 : i1 to i32
      %sign3A_639 = arith.subi %sign3A_635, %sign3A_638 : i32
      %sign3A_640 = arith.constant 0 : i32
      %sign3A_641 = arith.cmpi sgt, %jit3A_631, %sign3A_640 : i32
      %sign3A_642 = arith.extui %sign3A_641 : i1 to i32
      %sign3A_643 = arith.constant 0 : i32
      %sign3A_644 = arith.cmpi slt, %jit3A_631, %sign3A_643 : i32
      %sign3A_645 = arith.extui %sign3A_644 : i1 to i32
      %sign3A_646 = arith.subi %sign3A_642, %sign3A_645 : i32
      %ne3A_647 = arith.cmpi ne, %sign3A_639, %sign3A_646 : i32
      %rem3A_648 = arith.remsi %sub3A_630, %jit3A_631 : i32
      %ne3A_649 = arith.constant 0 : i32
      %ne3A_650 = arith.cmpi ne, %rem3A_648, %ne3A_649 : i32
      %and3A_651 = arith.andi %ne3A_647, %ne3A_650 : i1
      %sub3A_652 = arith.constant 1 : i32
      %sub3A_653 = arith.subi %div3A_632, %sub3A_652 : i32
      %select_n3A_654 = arith.select %and3A_651, %sub3A_653, %div3A_632 : i32
      %jit3A_655 = arith.constant 2 : i32
      %eq3A_656 = arith.constant 0 : i32
      %eq3A_657 = arith.cmpi eq, %jit3A_655, %eq3A_656 : i32
      %jit3A_658 = arith.constant 1 : i32
      %select_n3A_659 = arith.select %eq3A_657, %jit3A_658, %jit3A_655 : i32
      %rem3A_660 = arith.remsi %select_n3A_654, %select_n3A_659 : i32
      %ne3A_661 = arith.constant 0 : i32
      %ne3A_662 = arith.cmpi ne, %rem3A_660, %ne3A_661 : i32
      %lt3A_663 = arith.constant 0 : i32
      %lt3A_664 = arith.cmpi slt, %rem3A_660, %lt3A_663 : i32
      %lt3A_665 = arith.constant 0 : i32
      %lt3A_666 = arith.cmpi slt, %select_n3A_659, %lt3A_665 : i32
      %ne3A_667 = arith.xori %lt3A_664, %lt3A_666 : i1
      %and3A_668 = arith.andi %ne3A_667, %ne3A_662 : i1
      %add3A_669 = arith.addi %rem3A_660, %select_n3A_659 : i32
      %select_n3A_670 = arith.select %and3A_668, %add3A_669, %rem3A_660 : i32
      %jit3A_671 = arith.constant 16 : i32
      %eq3A_672 = arith.constant 0 : i32
      %eq3A_673 = arith.cmpi eq, %jit3A_671, %eq3A_672 : i32
      %jit3A_674 = arith.constant 1 : i32
      %select_n3A_675 = arith.select %eq3A_673, %jit3A_674, %jit3A_671 : i32
      %rem3A_676 = arith.remsi %sub3A_630, %select_n3A_675 : i32
      %ne3A_677 = arith.constant 0 : i32
      %ne3A_678 = arith.cmpi ne, %rem3A_676, %ne3A_677 : i32
      %lt3A_679 = arith.constant 0 : i32
      %lt3A_680 = arith.cmpi slt, %rem3A_676, %lt3A_679 : i32
      %lt3A_681 = arith.constant 0 : i32
      %lt3A_682 = arith.cmpi slt, %select_n3A_675, %lt3A_681 : i32
      %ne3A_683 = arith.xori %lt3A_680, %lt3A_682 : i1
      %and3A_684 = arith.andi %ne3A_683, %ne3A_678 : i1
      %add3A_685 = arith.addi %rem3A_676, %select_n3A_675 : i32
      %select_n3A_686 = arith.select %and3A_684, %add3A_685, %rem3A_676 : i32
      %dma_wait3A_687 = arith.constant 0 : i32
      %dma_wait3A_688 = tpu.memref_slice %arg7[%select_n3A_670, %select_n3A_686, %dma_wait3A_687] : memref<2x16x125xi32, #tpu.memory_space<vmem>> -> memref<1x1x125xi32, #tpu.memory_space<vmem>>
      %dma_wait3A_689 = tpu.memref_squeeze %dma_wait3A_688 : memref<1x1x125xi32, #tpu.memory_space<vmem>> -> memref<125xi32, #tpu.memory_space<vmem>>
      %dma_wait3A_690 = arith.constant 0 : i32
      %dma_wait3A_691 = arith.constant 0 : i32
      %dma_wait3A_692 = tpu.memref_slice %arg2[%arg0, %dma_wait3A_690, %dma_wait3A_691] : memref<2x10000x64xf32, #tpu.memory_space<hbm>> -> memref<1x10000x64xf32, #tpu.memory_space<hbm>>
      %dma_wait3A_693 = tpu.memref_squeeze %dma_wait3A_692 : memref<1x10000x64xf32, #tpu.memory_space<hbm>> -> memref<10000x64xf32, #tpu.memory_space<hbm>>
      %dma_wait3A_694 = arith.constant 0 : i32
      %dma_wait3A_695 = arith.constant 0 : i32
      %dma_wait3A_696 = tpu.memref_slice %dma_wait3A_693[%dma_wait3A_694, %dma_wait3A_695] : memref<10000x64xf32, #tpu.memory_space<hbm>> -> memref<10000x64xf32, #tpu.memory_space<hbm>>
      tpu.wait_indirect_dma semaphore(%arg16 : memref<!tpu.dma_semaphore, #tpu.memory_space<semaphore_mem>>) src(%dma_wait3A_696 : memref<10000x64xf32, #tpu.memory_space<hbm>>) dst(%arg12 : memref<125x64xf32, #tpu.memory_space<vmem>>)
      %sub3A_697 = arith.constant 2 : i32
      %sub3A_698 = arith.subi %add3A_498, %sub3A_697 : i32
      %jit3A_699 = arith.constant 16 : i32
      %div3A_700 = arith.divsi %sub3A_698, %jit3A_699 : i32
      %sign3A_701 = arith.constant 0 : i32
      %sign3A_702 = arith.cmpi sgt, %sub3A_698, %sign3A_701 : i32
      %sign3A_703 = arith.extui %sign3A_702 : i1 to i32
      %sign3A_704 = arith.constant 0 : i32
      %sign3A_705 = arith.cmpi slt, %sub3A_698, %sign3A_704 : i32
      %sign3A_706 = arith.extui %sign3A_705 : i1 to i32
      %sign3A_707 = arith.subi %sign3A_703, %sign3A_706 : i32
      %sign3A_708 = arith.constant 0 : i32
      %sign3A_709 = arith.cmpi sgt, %jit3A_699, %sign3A_708 : i32
      %sign3A_710 = arith.extui %sign3A_709 : i1 to i32
      %sign3A_711 = arith.constant 0 : i32
      %sign3A_712 = arith.cmpi slt, %jit3A_699, %sign3A_711 : i32
      %sign3A_713 = arith.extui %sign3A_712 : i1 to i32
      %sign3A_714 = arith.subi %sign3A_710, %sign3A_713 : i32
      %ne3A_715 = arith.cmpi ne, %sign3A_707, %sign3A_714 : i32
      %rem3A_716 = arith.remsi %sub3A_698, %jit3A_699 : i32
      %ne3A_717 = arith.constant 0 : i32
      %ne3A_718 = arith.cmpi ne, %rem3A_716, %ne3A_717 : i32
      %and3A_719 = arith.andi %ne3A_715, %ne3A_718 : i1
      %sub3A_720 = arith.constant 1 : i32
      %sub3A_721 = arith.subi %div3A_700, %sub3A_720 : i32
      %select_n3A_722 = arith.select %and3A_719, %sub3A_721, %div3A_700 : i32
      %jit3A_723 = arith.constant 2 : i32
      %eq3A_724 = arith.constant 0 : i32
      %eq3A_725 = arith.cmpi eq, %jit3A_723, %eq3A_724 : i32
      %jit3A_726 = arith.constant 1 : i32
      %select_n3A_727 = arith.select %eq3A_725, %jit3A_726, %jit3A_723 : i32
      %rem3A_728 = arith.remsi %select_n3A_722, %select_n3A_727 : i32
      %ne3A_729 = arith.constant 0 : i32
      %ne3A_730 = arith.cmpi ne, %rem3A_728, %ne3A_729 : i32
      %lt3A_731 = arith.constant 0 : i32
      %lt3A_732 = arith.cmpi slt, %rem3A_728, %lt3A_731 : i32
      %lt3A_733 = arith.constant 0 : i32
      %lt3A_734 = arith.cmpi slt, %select_n3A_727, %lt3A_733 : i32
      %ne3A_735 = arith.xori %lt3A_732, %lt3A_734 : i1
      %and3A_736 = arith.andi %ne3A_735, %ne3A_730 : i1
      %add3A_737 = arith.addi %rem3A_728, %select_n3A_727 : i32
      %select_n3A_738 = arith.select %and3A_736, %add3A_737, %rem3A_728 : i32
      %jit3A_739 = arith.constant 16 : i32
      %eq3A_740 = arith.constant 0 : i32
      %eq3A_741 = arith.cmpi eq, %jit3A_739, %eq3A_740 : i32
      %jit3A_742 = arith.constant 1 : i32
      %select_n3A_743 = arith.select %eq3A_741, %jit3A_742, %jit3A_739 : i32
      %rem3A_744 = arith.remsi %sub3A_698, %select_n3A_743 : i32
      %ne3A_745 = arith.constant 0 : i32
      %ne3A_746 = arith.cmpi ne, %rem3A_744, %ne3A_745 : i32
      %lt3A_747 = arith.constant 0 : i32
      %lt3A_748 = arith.cmpi slt, %rem3A_744, %lt3A_747 : i32
      %lt3A_749 = arith.constant 0 : i32
      %lt3A_750 = arith.cmpi slt, %select_n3A_743, %lt3A_749 : i32
      %ne3A_751 = arith.xori %lt3A_748, %lt3A_750 : i1
      %and3A_752 = arith.andi %ne3A_751, %ne3A_746 : i1
      %add3A_753 = arith.addi %rem3A_744, %select_n3A_743 : i32
      %select_n3A_754 = arith.select %and3A_752, %add3A_753, %rem3A_744 : i32
      %dma_start3A_755 = arith.constant 0 : i32
      %dma_start3A_756 = tpu.memref_slice %arg8[%select_n3A_738, %select_n3A_754, %dma_start3A_755] : memref<2x16x125xi32, #tpu.memory_space<vmem>> -> memref<1x1x125xi32, #tpu.memory_space<vmem>>
      %dma_start3A_757 = tpu.memref_squeeze %dma_start3A_756 : memref<1x1x125xi32, #tpu.memory_space<vmem>> -> memref<125xi32, #tpu.memory_space<vmem>>
      %dma_start3A_758 = arith.constant 0 : i32
      %dma_start3A_759 = arith.constant 0 : i32
      %dma_start3A_760 = tpu.memref_slice %arg22[%dma_start3A_758, %dma_start3A_759] : memref<10112x64xf32, #tpu.memory_space<vmem_shared>> -> memref<10112x64xf32, #tpu.memory_space<vmem_shared>>
      tpu.enqueue_indirect_dma source(%arg12 : memref<125x64xf32, #tpu.memory_space<vmem>>) target(%dma_start3A_760 : memref<10112x64xf32, #tpu.memory_space<vmem_shared>>) offsets(%dma_start3A_757 : memref<125xi32, #tpu.memory_space<vmem>>) semaphore(%arg20 : memref<!tpu.dma_semaphore, #tpu.memory_space<semaphore_mem>>) {add = true}
      %add3A_761 = arith.constant 2 : i32
      %add3A_762 = arith.addi %add3A_173, %add3A_761 : i32
      %sub3A_763 = arith.constant 4 : i32
      %sub3A_764 = arith.subi %add3A_762, %sub3A_763 : i32
      %jit3A_765 = arith.constant 16 : i32
      %div3A_766 = arith.divsi %sub3A_764, %jit3A_765 : i32
      %sign3A_767 = arith.constant 0 : i32
      %sign3A_768 = arith.cmpi sgt, %sub3A_764, %sign3A_767 : i32
      %sign3A_769 = arith.extui %sign3A_768 : i1 to i32
      %sign3A_770 = arith.constant 0 : i32
      %sign3A_771 = arith.cmpi slt, %sub3A_764, %sign3A_770 : i32
      %sign3A_772 = arith.extui %sign3A_771 : i1 to i32
      %sign3A_773 = arith.subi %sign3A_769, %sign3A_772 : i32
      %sign3A_774 = arith.constant 0 : i32
      %sign3A_775 = arith.cmpi sgt, %jit3A_765, %sign3A_774 : i32
      %sign3A_776 = arith.extui %sign3A_775 : i1 to i32
      %sign3A_777 = arith.constant 0 : i32
      %sign3A_778 = arith.cmpi slt, %jit3A_765, %sign3A_777 : i32
      %sign3A_779 = arith.extui %sign3A_778 : i1 to i32
      %sign3A_780 = arith.subi %sign3A_776, %sign3A_779 : i32
      %ne3A_781 = arith.cmpi ne, %sign3A_773, %sign3A_780 : i32
      %rem3A_782 = arith.remsi %sub3A_764, %jit3A_765 : i32
      %ne3A_783 = arith.constant 0 : i32
      %ne3A_784 = arith.cmpi ne, %rem3A_782, %ne3A_783 : i32
      %and3A_785 = arith.andi %ne3A_781, %ne3A_784 : i1
      %sub3A_786 = arith.constant 1 : i32
      %sub3A_787 = arith.subi %div3A_766, %sub3A_786 : i32
      %select_n3A_788 = arith.select %and3A_785, %sub3A_787, %div3A_766 : i32
      %jit3A_789 = arith.constant 2 : i32
      %eq3A_790 = arith.constant 0 : i32
      %eq3A_791 = arith.cmpi eq, %jit3A_789, %eq3A_790 : i32
      %jit3A_792 = arith.constant 1 : i32
      %select_n3A_793 = arith.select %eq3A_791, %jit3A_792, %jit3A_789 : i32
      %rem3A_794 = arith.remsi %select_n3A_788, %select_n3A_793 : i32
      %ne3A_795 = arith.constant 0 : i32
      %ne3A_796 = arith.cmpi ne, %rem3A_794, %ne3A_795 : i32
      %lt3A_797 = arith.constant 0 : i32
      %lt3A_798 = arith.cmpi slt, %rem3A_794, %lt3A_797 : i32
      %lt3A_799 = arith.constant 0 : i32
      %lt3A_800 = arith.cmpi slt, %select_n3A_793, %lt3A_799 : i32
      %ne3A_801 = arith.xori %lt3A_798, %lt3A_800 : i1
      %and3A_802 = arith.andi %ne3A_801, %ne3A_796 : i1
      %add3A_803 = arith.addi %rem3A_794, %select_n3A_793 : i32
      %select_n3A_804 = arith.select %and3A_802, %add3A_803, %rem3A_794 : i32
      %jit3A_805 = arith.constant 16 : i32
      %eq3A_806 = arith.constant 0 : i32
      %eq3A_807 = arith.cmpi eq, %jit3A_805, %eq3A_806 : i32
      %jit3A_808 = arith.constant 1 : i32
      %select_n3A_809 = arith.select %eq3A_807, %jit3A_808, %jit3A_805 : i32
      %rem3A_810 = arith.remsi %sub3A_764, %select_n3A_809 : i32
      %ne3A_811 = arith.constant 0 : i32
      %ne3A_812 = arith.cmpi ne, %rem3A_810, %ne3A_811 : i32
      %lt3A_813 = arith.constant 0 : i32
      %lt3A_814 = arith.cmpi slt, %rem3A_810, %lt3A_813 : i32
      %lt3A_815 = arith.constant 0 : i32
      %lt3A_816 = arith.cmpi slt, %select_n3A_809, %lt3A_815 : i32
      %ne3A_817 = arith.xori %lt3A_814, %lt3A_816 : i1
      %and3A_818 = arith.andi %ne3A_817, %ne3A_812 : i1
      %add3A_819 = arith.addi %rem3A_810, %select_n3A_809 : i32
      %select_n3A_820 = arith.select %and3A_818, %add3A_819, %rem3A_810 : i32
      %dma_wait3A_821 = arith.constant 0 : i32
      %dma_wait3A_822 = tpu.memref_slice %arg8[%select_n3A_804, %select_n3A_820, %dma_wait3A_821] : memref<2x16x125xi32, #tpu.memory_space<vmem>> -> memref<1x1x125xi32, #tpu.memory_space<vmem>>
      %dma_wait3A_823 = tpu.memref_squeeze %dma_wait3A_822 : memref<1x1x125xi32, #tpu.memory_space<vmem>> -> memref<125xi32, #tpu.memory_space<vmem>>
      %dma_wait3A_824 = arith.constant 0 : i32
      %dma_wait3A_825 = arith.constant 0 : i32
      %dma_wait3A_826 = tpu.memref_slice %arg22[%dma_wait3A_824, %dma_wait3A_825] : memref<10112x64xf32, #tpu.memory_space<vmem_shared>> -> memref<10112x64xf32, #tpu.memory_space<vmem_shared>>
      tpu.wait_indirect_dma semaphore(%arg19 : memref<!tpu.dma_semaphore, #tpu.memory_space<semaphore_mem>>) src(%arg11 : memref<125x64xf32, #tpu.memory_space<vmem>>) dst(%dma_wait3A_826 : memref<10112x64xf32, #tpu.memory_space<vmem_shared>>)
      %jit3A_827 = arith.constant 16 : i32
      %div3A_828 = arith.divsi %add3A_762, %jit3A_827 : i32
      %sign3A_829 = arith.constant 0 : i32
      %sign3A_830 = arith.cmpi sgt, %add3A_762, %sign3A_829 : i32
      %sign3A_831 = arith.extui %sign3A_830 : i1 to i32
      %sign3A_832 = arith.constant 0 : i32
      %sign3A_833 = arith.cmpi slt, %add3A_762, %sign3A_832 : i32
      %sign3A_834 = arith.extui %sign3A_833 : i1 to i32
      %sign3A_835 = arith.subi %sign3A_831, %sign3A_834 : i32
      %sign3A_836 = arith.constant 0 : i32
      %sign3A_837 = arith.cmpi sgt, %jit3A_827, %sign3A_836 : i32
      %sign3A_838 = arith.extui %sign3A_837 : i1 to i32
      %sign3A_839 = arith.constant 0 : i32
      %sign3A_840 = arith.cmpi slt, %jit3A_827, %sign3A_839 : i32
      %sign3A_841 = arith.extui %sign3A_840 : i1 to i32
      %sign3A_842 = arith.subi %sign3A_838, %sign3A_841 : i32
      %ne3A_843 = arith.cmpi ne, %sign3A_835, %sign3A_842 : i32
      %rem3A_844 = arith.remsi %add3A_762, %jit3A_827 : i32
      %ne3A_845 = arith.constant 0 : i32
      %ne3A_846 = arith.cmpi ne, %rem3A_844, %ne3A_845 : i32
      %and3A_847 = arith.andi %ne3A_843, %ne3A_846 : i1
      %sub3A_848 = arith.constant 1 : i32
      %sub3A_849 = arith.subi %div3A_828, %sub3A_848 : i32
      %select_n3A_850 = arith.select %and3A_847, %sub3A_849, %div3A_828 : i32
      %jit3A_851 = arith.constant 2 : i32
      %eq3A_852 = arith.constant 0 : i32
      %eq3A_853 = arith.cmpi eq, %jit3A_851, %eq3A_852 : i32
      %jit3A_854 = arith.constant 1 : i32
      %select_n3A_855 = arith.select %eq3A_853, %jit3A_854, %jit3A_851 : i32
      %rem3A_856 = arith.remsi %select_n3A_850, %select_n3A_855 : i32
      %ne3A_857 = arith.constant 0 : i32
      %ne3A_858 = arith.cmpi ne, %rem3A_856, %ne3A_857 : i32
      %lt3A_859 = arith.constant 0 : i32
      %lt3A_860 = arith.cmpi slt, %rem3A_856, %lt3A_859 : i32
      %lt3A_861 = arith.constant 0 : i32
      %lt3A_862 = arith.cmpi slt, %select_n3A_855, %lt3A_861 : i32
      %ne3A_863 = arith.xori %lt3A_860, %lt3A_862 : i1
      %and3A_864 = arith.andi %ne3A_863, %ne3A_858 : i1
      %add3A_865 = arith.addi %rem3A_856, %select_n3A_855 : i32
      %select_n3A_866 = arith.select %and3A_864, %add3A_865, %rem3A_856 : i32
      %jit3A_867 = arith.constant 16 : i32
      %eq3A_868 = arith.constant 0 : i32
      %eq3A_869 = arith.cmpi eq, %jit3A_867, %eq3A_868 : i32
      %jit3A_870 = arith.constant 1 : i32
      %select_n3A_871 = arith.select %eq3A_869, %jit3A_870, %jit3A_867 : i32
      %rem3A_872 = arith.remsi %add3A_762, %select_n3A_871 : i32
      %ne3A_873 = arith.constant 0 : i32
      %ne3A_874 = arith.cmpi ne, %rem3A_872, %ne3A_873 : i32
      %lt3A_875 = arith.constant 0 : i32
      %lt3A_876 = arith.cmpi slt, %rem3A_872, %lt3A_875 : i32
      %lt3A_877 = arith.constant 0 : i32
      %lt3A_878 = arith.cmpi slt, %select_n3A_871, %lt3A_877 : i32
      %ne3A_879 = arith.xori %lt3A_876, %lt3A_878 : i1
      %and3A_880 = arith.andi %ne3A_879, %ne3A_874 : i1
      %add3A_881 = arith.addi %rem3A_872, %select_n3A_871 : i32
      %select_n3A_882 = arith.select %and3A_880, %add3A_881, %rem3A_872 : i32
      %dma_start3A_883 = arith.constant 0 : i32
      %dma_start3A_884 = tpu.memref_slice %arg7[%select_n3A_866, %select_n3A_882, %dma_start3A_883] : memref<2x16x125xi32, #tpu.memory_space<vmem>> -> memref<1x1x125xi32, #tpu.memory_space<vmem>>
      %dma_start3A_885 = tpu.memref_squeeze %dma_start3A_884 : memref<1x1x125xi32, #tpu.memory_space<vmem>> -> memref<125xi32, #tpu.memory_space<vmem>>
      %dma_start3A_886 = arith.constant 0 : i32
      %dma_start3A_887 = arith.constant 0 : i32
      %dma_start3A_888 = tpu.memref_slice %arg2[%arg0, %dma_start3A_886, %dma_start3A_887] : memref<2x10000x64xf32, #tpu.memory_space<hbm>> -> memref<1x10000x64xf32, #tpu.memory_space<hbm>>
      %dma_start3A_889 = tpu.memref_squeeze %dma_start3A_888 : memref<1x10000x64xf32, #tpu.memory_space<hbm>> -> memref<10000x64xf32, #tpu.memory_space<hbm>>
      %dma_start3A_890 = arith.constant 0 : i32
      %dma_start3A_891 = arith.constant 0 : i32
      %dma_start3A_892 = tpu.memref_slice %dma_start3A_889[%dma_start3A_890, %dma_start3A_891] : memref<10000x64xf32, #tpu.memory_space<hbm>> -> memref<10000x64xf32, #tpu.memory_space<hbm>>
      tpu.enqueue_indirect_dma source(%dma_start3A_892 : memref<10000x64xf32, #tpu.memory_space<hbm>>) target(%arg11 : memref<125x64xf32, #tpu.memory_space<vmem>>) offsets(%dma_start3A_885 : memref<125xi32, #tpu.memory_space<vmem>>) semaphore(%arg15 : memref<!tpu.dma_semaphore, #tpu.memory_space<semaphore_mem>>)
      %sub3A_893 = arith.constant 2 : i32
      %sub3A_894 = arith.subi %add3A_762, %sub3A_893 : i32
      %jit3A_895 = arith.constant 16 : i32
      %div3A_896 = arith.divsi %sub3A_894, %jit3A_895 : i32
      %sign3A_897 = arith.constant 0 : i32
      %sign3A_898 = arith.cmpi sgt, %sub3A_894, %sign3A_897 : i32
      %sign3A_899 = arith.extui %sign3A_898 : i1 to i32
      %sign3A_900 = arith.constant 0 : i32
      %sign3A_901 = arith.cmpi slt, %sub3A_894, %sign3A_900 : i32
      %sign3A_902 = arith.extui %sign3A_901 : i1 to i32
      %sign3A_903 = arith.subi %sign3A_899, %sign3A_902 : i32
      %sign3A_904 = arith.constant 0 : i32
      %sign3A_905 = arith.cmpi sgt, %jit3A_895, %sign3A_904 : i32
      %sign3A_906 = arith.extui %sign3A_905 : i1 to i32
      %sign3A_907 = arith.constant 0 : i32
      %sign3A_908 = arith.cmpi slt, %jit3A_895, %sign3A_907 : i32
      %sign3A_909 = arith.extui %sign3A_908 : i1 to i32
      %sign3A_910 = arith.subi %sign3A_906, %sign3A_909 : i32
      %ne3A_911 = arith.cmpi ne, %sign3A_903, %sign3A_910 : i32
      %rem3A_912 = arith.remsi %sub3A_894, %jit3A_895 : i32
      %ne3A_913 = arith.constant 0 : i32
      %ne3A_914 = arith.cmpi ne, %rem3A_912, %ne3A_913 : i32
      %and3A_915 = arith.andi %ne3A_911, %ne3A_914 : i1
      %sub3A_916 = arith.constant 1 : i32
      %sub3A_917 = arith.subi %div3A_896, %sub3A_916 : i32
      %select_n3A_918 = arith.select %and3A_915, %sub3A_917, %div3A_896 : i32
      %jit3A_919 = arith.constant 2 : i32
      %eq3A_920 = arith.constant 0 : i32
      %eq3A_921 = arith.cmpi eq, %jit3A_919, %eq3A_920 : i32
      %jit3A_922 = arith.constant 1 : i32
      %select_n3A_923 = arith.select %eq3A_921, %jit3A_922, %jit3A_919 : i32
      %rem3A_924 = arith.remsi %select_n3A_918, %select_n3A_923 : i32
      %ne3A_925 = arith.constant 0 : i32
      %ne3A_926 = arith.cmpi ne, %rem3A_924, %ne3A_925 : i32
      %lt3A_927 = arith.constant 0 : i32
      %lt3A_928 = arith.cmpi slt, %rem3A_924, %lt3A_927 : i32
      %lt3A_929 = arith.constant 0 : i32
      %lt3A_930 = arith.cmpi slt, %select_n3A_923, %lt3A_929 : i32
      %ne3A_931 = arith.xori %lt3A_928, %lt3A_930 : i1
      %and3A_932 = arith.andi %ne3A_931, %ne3A_926 : i1
      %add3A_933 = arith.addi %rem3A_924, %select_n3A_923 : i32
      %select_n3A_934 = arith.select %and3A_932, %add3A_933, %rem3A_924 : i32
      %jit3A_935 = arith.constant 16 : i32
      %eq3A_936 = arith.constant 0 : i32
      %eq3A_937 = arith.cmpi eq, %jit3A_935, %eq3A_936 : i32
      %jit3A_938 = arith.constant 1 : i32
      %select_n3A_939 = arith.select %eq3A_937, %jit3A_938, %jit3A_935 : i32
      %rem3A_940 = arith.remsi %sub3A_894, %select_n3A_939 : i32
      %ne3A_941 = arith.constant 0 : i32
      %ne3A_942 = arith.cmpi ne, %rem3A_940, %ne3A_941 : i32
      %lt3A_943 = arith.constant 0 : i32
      %lt3A_944 = arith.cmpi slt, %rem3A_940, %lt3A_943 : i32
      %lt3A_945 = arith.constant 0 : i32
      %lt3A_946 = arith.cmpi slt, %select_n3A_939, %lt3A_945 : i32
      %ne3A_947 = arith.xori %lt3A_944, %lt3A_946 : i1
      %and3A_948 = arith.andi %ne3A_947, %ne3A_942 : i1
      %add3A_949 = arith.addi %rem3A_940, %select_n3A_939 : i32
      %select_n3A_950 = arith.select %and3A_948, %add3A_949, %rem3A_940 : i32
      %dma_wait3A_951 = arith.constant 0 : i32
      %dma_wait3A_952 = tpu.memref_slice %arg7[%select_n3A_934, %select_n3A_950, %dma_wait3A_951] : memref<2x16x125xi32, #tpu.memory_space<vmem>> -> memref<1x1x125xi32, #tpu.memory_space<vmem>>
      %dma_wait3A_953 = tpu.memref_squeeze %dma_wait3A_952 : memref<1x1x125xi32, #tpu.memory_space<vmem>> -> memref<125xi32, #tpu.memory_space<vmem>>
      %dma_wait3A_954 = arith.constant 0 : i32
      %dma_wait3A_955 = arith.constant 0 : i32
      %dma_wait3A_956 = tpu.memref_slice %arg2[%arg0, %dma_wait3A_954, %dma_wait3A_955] : memref<2x10000x64xf32, #tpu.memory_space<hbm>> -> memref<1x10000x64xf32, #tpu.memory_space<hbm>>
      %dma_wait3A_957 = tpu.memref_squeeze %dma_wait3A_956 : memref<1x10000x64xf32, #tpu.memory_space<hbm>> -> memref<10000x64xf32, #tpu.memory_space<hbm>>
      %dma_wait3A_958 = arith.constant 0 : i32
      %dma_wait3A_959 = arith.constant 0 : i32
      %dma_wait3A_960 = tpu.memref_slice %dma_wait3A_957[%dma_wait3A_958, %dma_wait3A_959] : memref<10000x64xf32, #tpu.memory_space<hbm>> -> memref<10000x64xf32, #tpu.memory_space<hbm>>
      tpu.wait_indirect_dma semaphore(%arg13 : memref<!tpu.dma_semaphore, #tpu.memory_space<semaphore_mem>>) src(%dma_wait3A_960 : memref<10000x64xf32, #tpu.memory_space<hbm>>) dst(%arg9 : memref<125x64xf32, #tpu.memory_space<vmem>>)
      %sub3A_961 = arith.constant 2 : i32
      %sub3A_962 = arith.subi %add3A_762, %sub3A_961 : i32
      %jit3A_963 = arith.constant 16 : i32
      %div3A_964 = arith.divsi %sub3A_962, %jit3A_963 : i32
      %sign3A_965 = arith.constant 0 : i32
      %sign3A_966 = arith.cmpi sgt, %sub3A_962, %sign3A_965 : i32
      %sign3A_967 = arith.extui %sign3A_966 : i1 to i32
      %sign3A_968 = arith.constant 0 : i32
      %sign3A_969 = arith.cmpi slt, %sub3A_962, %sign3A_968 : i32
      %sign3A_970 = arith.extui %sign3A_969 : i1 to i32
      %sign3A_971 = arith.subi %sign3A_967, %sign3A_970 : i32
      %sign3A_972 = arith.constant 0 : i32
      %sign3A_973 = arith.cmpi sgt, %jit3A_963, %sign3A_972 : i32
      %sign3A_974 = arith.extui %sign3A_973 : i1 to i32
      %sign3A_975 = arith.constant 0 : i32
      %sign3A_976 = arith.cmpi slt, %jit3A_963, %sign3A_975 : i32
      %sign3A_977 = arith.extui %sign3A_976 : i1 to i32
      %sign3A_978 = arith.subi %sign3A_974, %sign3A_977 : i32
      %ne3A_979 = arith.cmpi ne, %sign3A_971, %sign3A_978 : i32
      %rem3A_980 = arith.remsi %sub3A_962, %jit3A_963 : i32
      %ne3A_981 = arith.constant 0 : i32
      %ne3A_982 = arith.cmpi ne, %rem3A_980, %ne3A_981 : i32
      %and3A_983 = arith.andi %ne3A_979, %ne3A_982 : i1
      %sub3A_984 = arith.constant 1 : i32
      %sub3A_985 = arith.subi %div3A_964, %sub3A_984 : i32
      %select_n3A_986 = arith.select %and3A_983, %sub3A_985, %div3A_964 : i32
      %jit3A_987 = arith.constant 2 : i32
      %eq3A_988 = arith.constant 0 : i32
      %eq3A_989 = arith.cmpi eq, %jit3A_987, %eq3A_988 : i32
      %jit3A_990 = arith.constant 1 : i32
      %select_n3A_991 = arith.select %eq3A_989, %jit3A_990, %jit3A_987 : i32
      %rem3A_992 = arith.remsi %select_n3A_986, %select_n3A_991 : i32
      %ne3A_993 = arith.constant 0 : i32
      %ne3A_994 = arith.cmpi ne, %rem3A_992, %ne3A_993 : i32
      %lt3A_995 = arith.constant 0 : i32
      %lt3A_996 = arith.cmpi slt, %rem3A_992, %lt3A_995 : i32
      %lt3A_997 = arith.constant 0 : i32
      %lt3A_998 = arith.cmpi slt, %select_n3A_991, %lt3A_997 : i32
      %ne3A_999 = arith.xori %lt3A_996, %lt3A_998 : i1
      %and3A_1000 = arith.andi %ne3A_999, %ne3A_994 : i1
      %add3A_1001 = arith.addi %rem3A_992, %select_n3A_991 : i32
      %select_n3A_1002 = arith.select %and3A_1000, %add3A_1001, %rem3A_992 : i32
      %jit3A_1003 = arith.constant 16 : i32
      %eq3A_1004 = arith.constant 0 : i32
      %eq3A_1005 = arith.cmpi eq, %jit3A_1003, %eq3A_1004 : i32
      %jit3A_1006 = arith.constant 1 : i32
      %select_n3A_1007 = arith.select %eq3A_1005, %jit3A_1006, %jit3A_1003 : i32
      %rem3A_1008 = arith.remsi %sub3A_962, %select_n3A_1007 : i32
      %ne3A_1009 = arith.constant 0 : i32
      %ne3A_1010 = arith.cmpi ne, %rem3A_1008, %ne3A_1009 : i32
      %lt3A_1011 = arith.constant 0 : i32
      %lt3A_1012 = arith.cmpi slt, %rem3A_1008, %lt3A_1011 : i32
      %lt3A_1013 = arith.constant 0 : i32
      %lt3A_1014 = arith.cmpi slt, %select_n3A_1007, %lt3A_1013 : i32
      %ne3A_1015 = arith.xori %lt3A_1012, %lt3A_1014 : i1
      %and3A_1016 = arith.andi %ne3A_1015, %ne3A_1010 : i1
      %add3A_1017 = arith.addi %rem3A_1008, %select_n3A_1007 : i32
      %select_n3A_1018 = arith.select %and3A_1016, %add3A_1017, %rem3A_1008 : i32
      %dma_start3A_1019 = arith.constant 0 : i32
      %dma_start3A_1020 = tpu.memref_slice %arg8[%select_n3A_1002, %select_n3A_1018, %dma_start3A_1019] : memref<2x16x125xi32, #tpu.memory_space<vmem>> -> memref<1x1x125xi32, #tpu.memory_space<vmem>>
      %dma_start3A_1021 = tpu.memref_squeeze %dma_start3A_1020 : memref<1x1x125xi32, #tpu.memory_space<vmem>> -> memref<125xi32, #tpu.memory_space<vmem>>
      %dma_start3A_1022 = arith.constant 0 : i32
      %dma_start3A_1023 = arith.constant 0 : i32
      %dma_start3A_1024 = tpu.memref_slice %arg22[%dma_start3A_1022, %dma_start3A_1023] : memref<10112x64xf32, #tpu.memory_space<vmem_shared>> -> memref<10112x64xf32, #tpu.memory_space<vmem_shared>>
      tpu.enqueue_indirect_dma source(%arg9 : memref<125x64xf32, #tpu.memory_space<vmem>>) target(%dma_start3A_1024 : memref<10112x64xf32, #tpu.memory_space<vmem_shared>>) offsets(%dma_start3A_1021 : memref<125xi32, #tpu.memory_space<vmem>>) semaphore(%arg17 : memref<!tpu.dma_semaphore, #tpu.memory_space<semaphore_mem>>) {add = true}
      %add3A_1025 = arith.constant 3 : i32
      %add3A_1026 = arith.addi %add3A_173, %add3A_1025 : i32
      %sub3A_1027 = arith.constant 4 : i32
      %sub3A_1028 = arith.subi %add3A_1026, %sub3A_1027 : i32
      %jit3A_1029 = arith.constant 16 : i32
      %div3A_1030 = arith.divsi %sub3A_1028, %jit3A_1029 : i32
      %sign3A_1031 = arith.constant 0 : i32
      %sign3A_1032 = arith.cmpi sgt, %sub3A_1028, %sign3A_1031 : i32
      %sign3A_1033 = arith.extui %sign3A_1032 : i1 to i32
      %sign3A_1034 = arith.constant 0 : i32
      %sign3A_1035 = arith.cmpi slt, %sub3A_1028, %sign3A_1034 : i32
      %sign3A_1036 = arith.extui %sign3A_1035 : i1 to i32
      %sign3A_1037 = arith.subi %sign3A_1033, %sign3A_1036 : i32
      %sign3A_1038 = arith.constant 0 : i32
      %sign3A_1039 = arith.cmpi sgt, %jit3A_1029, %sign3A_1038 : i32
      %sign3A_1040 = arith.extui %sign3A_1039 : i1 to i32
      %sign3A_1041 = arith.constant 0 : i32
      %sign3A_1042 = arith.cmpi slt, %jit3A_1029, %sign3A_1041 : i32
      %sign3A_1043 = arith.extui %sign3A_1042 : i1 to i32
      %sign3A_1044 = arith.subi %sign3A_1040, %sign3A_1043 : i32
      %ne3A_1045 = arith.cmpi ne, %sign3A_1037, %sign3A_1044 : i32
      %rem3A_1046 = arith.remsi %sub3A_1028, %jit3A_1029 : i32
      %ne3A_1047 = arith.constant 0 : i32
      %ne3A_1048 = arith.cmpi ne, %rem3A_1046, %ne3A_1047 : i32
      %and3A_1049 = arith.andi %ne3A_1045, %ne3A_1048 : i1
      %sub3A_1050 = arith.constant 1 : i32
      %sub3A_1051 = arith.subi %div3A_1030, %sub3A_1050 : i32
      %select_n3A_1052 = arith.select %and3A_1049, %sub3A_1051, %div3A_1030 : i32
      %jit3A_1053 = arith.constant 2 : i32
      %eq3A_1054 = arith.constant 0 : i32
      %eq3A_1055 = arith.cmpi eq, %jit3A_1053, %eq3A_1054 : i32
      %jit3A_1056 = arith.constant 1 : i32
      %select_n3A_1057 = arith.select %eq3A_1055, %jit3A_1056, %jit3A_1053 : i32
      %rem3A_1058 = arith.remsi %select_n3A_1052, %select_n3A_1057 : i32
      %ne3A_1059 = arith.constant 0 : i32
      %ne3A_1060 = arith.cmpi ne, %rem3A_1058, %ne3A_1059 : i32
      %lt3A_1061 = arith.constant 0 : i32
      %lt3A_1062 = arith.cmpi slt, %rem3A_1058, %lt3A_1061 : i32
      %lt3A_1063 = arith.constant 0 : i32
      %lt3A_1064 = arith.cmpi slt, %select_n3A_1057, %lt3A_1063 : i32
      %ne3A_1065 = arith.xori %lt3A_1062, %lt3A_1064 : i1
      %and3A_1066 = arith.andi %ne3A_1065, %ne3A_1060 : i1
      %add3A_1067 = arith.addi %rem3A_1058, %select_n3A_1057 : i32
      %select_n3A_1068 = arith.select %and3A_1066, %add3A_1067, %rem3A_1058 : i32
      %jit3A_1069 = arith.constant 16 : i32
      %eq3A_1070 = arith.constant 0 : i32
      %eq3A_1071 = arith.cmpi eq, %jit3A_1069, %eq3A_1070 : i32
      %jit3A_1072 = arith.constant 1 : i32
      %select_n3A_1073 = arith.select %eq3A_1071, %jit3A_1072, %jit3A_1069 : i32
      %rem3A_1074 = arith.remsi %sub3A_1028, %select_n3A_1073 : i32
      %ne3A_1075 = arith.constant 0 : i32
      %ne3A_1076 = arith.cmpi ne, %rem3A_1074, %ne3A_1075 : i32
      %lt3A_1077 = arith.constant 0 : i32
      %lt3A_1078 = arith.cmpi slt, %rem3A_1074, %lt3A_1077 : i32
      %lt3A_1079 = arith.constant 0 : i32
      %lt3A_1080 = arith.cmpi slt, %select_n3A_1073, %lt3A_1079 : i32
      %ne3A_1081 = arith.xori %lt3A_1078, %lt3A_1080 : i1
      %and3A_1082 = arith.andi %ne3A_1081, %ne3A_1076 : i1
      %add3A_1083 = arith.addi %rem3A_1074, %select_n3A_1073 : i32
      %select_n3A_1084 = arith.select %and3A_1082, %add3A_1083, %rem3A_1074 : i32
      %dma_wait3A_1085 = arith.constant 0 : i32
      %dma_wait3A_1086 = tpu.memref_slice %arg8[%select_n3A_1068, %select_n3A_1084, %dma_wait3A_1085] : memref<2x16x125xi32, #tpu.memory_space<vmem>> -> memref<1x1x125xi32, #tpu.memory_space<vmem>>
      %dma_wait3A_1087 = tpu.memref_squeeze %dma_wait3A_1086 : memref<1x1x125xi32, #tpu.memory_space<vmem>> -> memref<125xi32, #tpu.memory_space<vmem>>
      %dma_wait3A_1088 = arith.constant 0 : i32
      %dma_wait3A_1089 = arith.constant 0 : i32
      %dma_wait3A_1090 = tpu.memref_slice %arg22[%dma_wait3A_1088, %dma_wait3A_1089] : memref<10112x64xf32, #tpu.memory_space<vmem_shared>> -> memref<10112x64xf32, #tpu.memory_space<vmem_shared>>
      tpu.wait_indirect_dma semaphore(%arg20 : memref<!tpu.dma_semaphore, #tpu.memory_space<semaphore_mem>>) src(%arg12 : memref<125x64xf32, #tpu.memory_space<vmem>>) dst(%dma_wait3A_1090 : memref<10112x64xf32, #tpu.memory_space<vmem_shared>>)
      %jit3A_1091 = arith.constant 16 : i32
      %div3A_1092 = arith.divsi %add3A_1026, %jit3A_1091 : i32
      %sign3A_1093 = arith.constant 0 : i32
      %sign3A_1094 = arith.cmpi sgt, %add3A_1026, %sign3A_1093 : i32
      %sign3A_1095 = arith.extui %sign3A_1094 : i1 to i32
      %sign3A_1096 = arith.constant 0 : i32
      %sign3A_1097 = arith.cmpi slt, %add3A_1026, %sign3A_1096 : i32
      %sign3A_1098 = arith.extui %sign3A_1097 : i1 to i32
      %sign3A_1099 = arith.subi %sign3A_1095, %sign3A_1098 : i32
      %sign3A_1100 = arith.constant 0 : i32
      %sign3A_1101 = arith.cmpi sgt, %jit3A_1091, %sign3A_1100 : i32
      %sign3A_1102 = arith.extui %sign3A_1101 : i1 to i32
      %sign3A_1103 = arith.constant 0 : i32
      %sign3A_1104 = arith.cmpi slt, %jit3A_1091, %sign3A_1103 : i32
      %sign3A_1105 = arith.extui %sign3A_1104 : i1 to i32
      %sign3A_1106 = arith.subi %sign3A_1102, %sign3A_1105 : i32
      %ne3A_1107 = arith.cmpi ne, %sign3A_1099, %sign3A_1106 : i32
      %rem3A_1108 = arith.remsi %add3A_1026, %jit3A_1091 : i32
      %ne3A_1109 = arith.constant 0 : i32
      %ne3A_1110 = arith.cmpi ne, %rem3A_1108, %ne3A_1109 : i32
      %and3A_1111 = arith.andi %ne3A_1107, %ne3A_1110 : i1
      %sub3A_1112 = arith.constant 1 : i32
      %sub3A_1113 = arith.subi %div3A_1092, %sub3A_1112 : i32
      %select_n3A_1114 = arith.select %and3A_1111, %sub3A_1113, %div3A_1092 : i32
      %jit3A_1115 = arith.constant 2 : i32
      %eq3A_1116 = arith.constant 0 : i32
      %eq3A_1117 = arith.cmpi eq, %jit3A_1115, %eq3A_1116 : i32
      %jit3A_1118 = arith.constant 1 : i32
      %select_n3A_1119 = arith.select %eq3A_1117, %jit3A_1118, %jit3A_1115 : i32
      %rem3A_1120 = arith.remsi %select_n3A_1114, %select_n3A_1119 : i32
      %ne3A_1121 = arith.constant 0 : i32
      %ne3A_1122 = arith.cmpi ne, %rem3A_1120, %ne3A_1121 : i32
      %lt3A_1123 = arith.constant 0 : i32
      %lt3A_1124 = arith.cmpi slt, %rem3A_1120, %lt3A_1123 : i32
      %lt3A_1125 = arith.constant 0 : i32
      %lt3A_1126 = arith.cmpi slt, %select_n3A_1119, %lt3A_1125 : i32
      %ne3A_1127 = arith.xori %lt3A_1124, %lt3A_1126 : i1
      %and3A_1128 = arith.andi %ne3A_1127, %ne3A_1122 : i1
      %add3A_1129 = arith.addi %rem3A_1120, %select_n3A_1119 : i32
      %select_n3A_1130 = arith.select %and3A_1128, %add3A_1129, %rem3A_1120 : i32
      %jit3A_1131 = arith.constant 16 : i32
      %eq3A_1132 = arith.constant 0 : i32
      %eq3A_1133 = arith.cmpi eq, %jit3A_1131, %eq3A_1132 : i32
      %jit3A_1134 = arith.constant 1 : i32
      %select_n3A_1135 = arith.select %eq3A_1133, %jit3A_1134, %jit3A_1131 : i32
      %rem3A_1136 = arith.remsi %add3A_1026, %select_n3A_1135 : i32
      %ne3A_1137 = arith.constant 0 : i32
      %ne3A_1138 = arith.cmpi ne, %rem3A_1136, %ne3A_1137 : i32
      %lt3A_1139 = arith.constant 0 : i32
      %lt3A_1140 = arith.cmpi slt, %rem3A_1136, %lt3A_1139 : i32
      %lt3A_1141 = arith.constant 0 : i32
      %lt3A_1142 = arith.cmpi slt, %select_n3A_1135, %lt3A_1141 : i32
      %ne3A_1143 = arith.xori %lt3A_1140, %lt3A_1142 : i1
      %and3A_1144 = arith.andi %ne3A_1143, %ne3A_1138 : i1
      %add3A_1145 = arith.addi %rem3A_1136, %select_n3A_1135 : i32
      %select_n3A_1146 = arith.select %and3A_1144, %add3A_1145, %rem3A_1136 : i32
      %dma_start3A_1147 = arith.constant 0 : i32
      %dma_start3A_1148 = tpu.memref_slice %arg7[%select_n3A_1130, %select_n3A_1146, %dma_start3A_1147] : memref<2x16x125xi32, #tpu.memory_space<vmem>> -> memref<1x1x125xi32, #tpu.memory_space<vmem>>
      %dma_start3A_1149 = tpu.memref_squeeze %dma_start3A_1148 : memref<1x1x125xi32, #tpu.memory_space<vmem>> -> memref<125xi32, #tpu.memory_space<vmem>>
      %dma_start3A_1150 = arith.constant 0 : i32
      %dma_start3A_1151 = arith.constant 0 : i32
      %dma_start3A_1152 = tpu.memref_slice %arg2[%arg0, %dma_start3A_1150, %dma_start3A_1151] : memref<2x10000x64xf32, #tpu.memory_space<hbm>> -> memref<1x10000x64xf32, #tpu.memory_space<hbm>>
      %dma_start3A_1153 = tpu.memref_squeeze %dma_start3A_1152 : memref<1x10000x64xf32, #tpu.memory_space<hbm>> -> memref<10000x64xf32, #tpu.memory_space<hbm>>
      %dma_start3A_1154 = arith.constant 0 : i32
      %dma_start3A_1155 = arith.constant 0 : i32
      %dma_start3A_1156 = tpu.memref_slice %dma_start3A_1153[%dma_start3A_1154, %dma_start3A_1155] : memref<10000x64xf32, #tpu.memory_space<hbm>> -> memref<10000x64xf32, #tpu.memory_space<hbm>>
      tpu.enqueue_indirect_dma source(%dma_start3A_1156 : memref<10000x64xf32, #tpu.memory_space<hbm>>) target(%arg12 : memref<125x64xf32, #tpu.memory_space<vmem>>) offsets(%dma_start3A_1149 : memref<125xi32, #tpu.memory_space<vmem>>) semaphore(%arg16 : memref<!tpu.dma_semaphore, #tpu.memory_space<semaphore_mem>>)
      %sub3A_1157 = arith.constant 2 : i32
      %sub3A_1158 = arith.subi %add3A_1026, %sub3A_1157 : i32
      %jit3A_1159 = arith.constant 16 : i32
      %div3A_1160 = arith.divsi %sub3A_1158, %jit3A_1159 : i32
      %sign3A_1161 = arith.constant 0 : i32
      %sign3A_1162 = arith.cmpi sgt, %sub3A_1158, %sign3A_1161 : i32
      %sign3A_1163 = arith.extui %sign3A_1162 : i1 to i32
      %sign3A_1164 = arith.constant 0 : i32
      %sign3A_1165 = arith.cmpi slt, %sub3A_1158, %sign3A_1164 : i32
      %sign3A_1166 = arith.extui %sign3A_1165 : i1 to i32
      %sign3A_1167 = arith.subi %sign3A_1163, %sign3A_1166 : i32
      %sign3A_1168 = arith.constant 0 : i32
      %sign3A_1169 = arith.cmpi sgt, %jit3A_1159, %sign3A_1168 : i32
      %sign3A_1170 = arith.extui %sign3A_1169 : i1 to i32
      %sign3A_1171 = arith.constant 0 : i32
      %sign3A_1172 = arith.cmpi slt, %jit3A_1159, %sign3A_1171 : i32
      %sign3A_1173 = arith.extui %sign3A_1172 : i1 to i32
      %sign3A_1174 = arith.subi %sign3A_1170, %sign3A_1173 : i32
      %ne3A_1175 = arith.cmpi ne, %sign3A_1167, %sign3A_1174 : i32
      %rem3A_1176 = arith.remsi %sub3A_1158, %jit3A_1159 : i32
      %ne3A_1177 = arith.constant 0 : i32
      %ne3A_1178 = arith.cmpi ne, %rem3A_1176, %ne3A_1177 : i32
      %and3A_1179 = arith.andi %ne3A_1175, %ne3A_1178 : i1
      %sub3A_1180 = arith.constant 1 : i32
      %sub3A_1181 = arith.subi %div3A_1160, %sub3A_1180 : i32
      %select_n3A_1182 = arith.select %and3A_1179, %sub3A_1181, %div3A_1160 : i32
      %jit3A_1183 = arith.constant 2 : i32
      %eq3A_1184 = arith.constant 0 : i32
      %eq3A_1185 = arith.cmpi eq, %jit3A_1183, %eq3A_1184 : i32
      %jit3A_1186 = arith.constant 1 : i32
      %select_n3A_1187 = arith.select %eq3A_1185, %jit3A_1186, %jit3A_1183 : i32
      %rem3A_1188 = arith.remsi %select_n3A_1182, %select_n3A_1187 : i32
      %ne3A_1189 = arith.constant 0 : i32
      %ne3A_1190 = arith.cmpi ne, %rem3A_1188, %ne3A_1189 : i32
      %lt3A_1191 = arith.constant 0 : i32
      %lt3A_1192 = arith.cmpi slt, %rem3A_1188, %lt3A_1191 : i32
      %lt3A_1193 = arith.constant 0 : i32
      %lt3A_1194 = arith.cmpi slt, %select_n3A_1187, %lt3A_1193 : i32
      %ne3A_1195 = arith.xori %lt3A_1192, %lt3A_1194 : i1
      %and3A_1196 = arith.andi %ne3A_1195, %ne3A_1190 : i1
      %add3A_1197 = arith.addi %rem3A_1188, %select_n3A_1187 : i32
      %select_n3A_1198 = arith.select %and3A_1196, %add3A_1197, %rem3A_1188 : i32
      %jit3A_1199 = arith.constant 16 : i32
      %eq3A_1200 = arith.constant 0 : i32
      %eq3A_1201 = arith.cmpi eq, %jit3A_1199, %eq3A_1200 : i32
      %jit3A_1202 = arith.constant 1 : i32
      %select_n3A_1203 = arith.select %eq3A_1201, %jit3A_1202, %jit3A_1199 : i32
      %rem3A_1204 = arith.remsi %sub3A_1158, %select_n3A_1203 : i32
      %ne3A_1205 = arith.constant 0 : i32
      %ne3A_1206 = arith.cmpi ne, %rem3A_1204, %ne3A_1205 : i32
      %lt3A_1207 = arith.constant 0 : i32
      %lt3A_1208 = arith.cmpi slt, %rem3A_1204, %lt3A_1207 : i32
      %lt3A_1209 = arith.constant 0 : i32
      %lt3A_1210 = arith.cmpi slt, %select_n3A_1203, %lt3A_1209 : i32
      %ne3A_1211 = arith.xori %lt3A_1208, %lt3A_1210 : i1
      %and3A_1212 = arith.andi %ne3A_1211, %ne3A_1206 : i1
      %add3A_1213 = arith.addi %rem3A_1204, %select_n3A_1203 : i32
      %select_n3A_1214 = arith.select %and3A_1212, %add3A_1213, %rem3A_1204 : i32
      %dma_wait3A_1215 = arith.constant 0 : i32
      %dma_wait3A_1216 = tpu.memref_slice %arg7[%select_n3A_1198, %select_n3A_1214, %dma_wait3A_1215] : memref<2x16x125xi32, #tpu.memory_space<vmem>> -> memref<1x1x125xi32, #tpu.memory_space<vmem>>
      %dma_wait3A_1217 = tpu.memref_squeeze %dma_wait3A_1216 : memref<1x1x125xi32, #tpu.memory_space<vmem>> -> memref<125xi32, #tpu.memory_space<vmem>>
      %dma_wait3A_1218 = arith.constant 0 : i32
      %dma_wait3A_1219 = arith.constant 0 : i32
      %dma_wait3A_1220 = tpu.memref_slice %arg2[%arg0, %dma_wait3A_1218, %dma_wait3A_1219] : memref<2x10000x64xf32, #tpu.memory_space<hbm>> -> memref<1x10000x64xf32, #tpu.memory_space<hbm>>
      %dma_wait3A_1221 = tpu.memref_squeeze %dma_wait3A_1220 : memref<1x10000x64xf32, #tpu.memory_space<hbm>> -> memref<10000x64xf32, #tpu.memory_space<hbm>>
      %dma_wait3A_1222 = arith.constant 0 : i32
      %dma_wait3A_1223 = arith.constant 0 : i32
      %dma_wait3A_1224 = tpu.memref_slice %dma_wait3A_1221[%dma_wait3A_1222, %dma_wait3A_1223] : memref<10000x64xf32, #tpu.memory_space<hbm>> -> memref<10000x64xf32, #tpu.memory_space<hbm>>
      tpu.wait_indirect_dma semaphore(%arg14 : memref<!tpu.dma_semaphore, #tpu.memory_space<semaphore_mem>>) src(%dma_wait3A_1224 : memref<10000x64xf32, #tpu.memory_space<hbm>>) dst(%arg10 : memref<125x64xf32, #tpu.memory_space<vmem>>)
      %sub3A_1225 = arith.constant 2 : i32
      %sub3A_1226 = arith.subi %add3A_1026, %sub3A_1225 : i32
      %jit3A_1227 = arith.constant 16 : i32
      %div3A_1228 = arith.divsi %sub3A_1226, %jit3A_1227 : i32
      %sign3A_1229 = arith.constant 0 : i32
      %sign3A_1230 = arith.cmpi sgt, %sub3A_1226, %sign3A_1229 : i32
      %sign3A_1231 = arith.extui %sign3A_1230 : i1 to i32
      %sign3A_1232 = arith.constant 0 : i32
      %sign3A_1233 = arith.cmpi slt, %sub3A_1226, %sign3A_1232 : i32
      %sign3A_1234 = arith.extui %sign3A_1233 : i1 to i32
      %sign3A_1235 = arith.subi %sign3A_1231, %sign3A_1234 : i32
      %sign3A_1236 = arith.constant 0 : i32
      %sign3A_1237 = arith.cmpi sgt, %jit3A_1227, %sign3A_1236 : i32
      %sign3A_1238 = arith.extui %sign3A_1237 : i1 to i32
      %sign3A_1239 = arith.constant 0 : i32
      %sign3A_1240 = arith.cmpi slt, %jit3A_1227, %sign3A_1239 : i32
      %sign3A_1241 = arith.extui %sign3A_1240 : i1 to i32
      %sign3A_1242 = arith.subi %sign3A_1238, %sign3A_1241 : i32
      %ne3A_1243 = arith.cmpi ne, %sign3A_1235, %sign3A_1242 : i32
      %rem3A_1244 = arith.remsi %sub3A_1226, %jit3A_1227 : i32
      %ne3A_1245 = arith.constant 0 : i32
      %ne3A_1246 = arith.cmpi ne, %rem3A_1244, %ne3A_1245 : i32
      %and3A_1247 = arith.andi %ne3A_1243, %ne3A_1246 : i1
      %sub3A_1248 = arith.constant 1 : i32
      %sub3A_1249 = arith.subi %div3A_1228, %sub3A_1248 : i32
      %select_n3A_1250 = arith.select %and3A_1247, %sub3A_1249, %div3A_1228 : i32
      %jit3A_1251 = arith.constant 2 : i32
      %eq3A_1252 = arith.constant 0 : i32
      %eq3A_1253 = arith.cmpi eq, %jit3A_1251, %eq3A_1252 : i32
      %jit3A_1254 = arith.constant 1 : i32
      %select_n3A_1255 = arith.select %eq3A_1253, %jit3A_1254, %jit3A_1251 : i32
      %rem3A_1256 = arith.remsi %select_n3A_1250, %select_n3A_1255 : i32
      %ne3A_1257 = arith.constant 0 : i32
      %ne3A_1258 = arith.cmpi ne, %rem3A_1256, %ne3A_1257 : i32
      %lt3A_1259 = arith.constant 0 : i32
      %lt3A_1260 = arith.cmpi slt, %rem3A_1256, %lt3A_1259 : i32
      %lt3A_1261 = arith.constant 0 : i32
      %lt3A_1262 = arith.cmpi slt, %select_n3A_1255, %lt3A_1261 : i32
      %ne3A_1263 = arith.xori %lt3A_1260, %lt3A_1262 : i1
      %and3A_1264 = arith.andi %ne3A_1263, %ne3A_1258 : i1
      %add3A_1265 = arith.addi %rem3A_1256, %select_n3A_1255 : i32
      %select_n3A_1266 = arith.select %and3A_1264, %add3A_1265, %rem3A_1256 : i32
      %jit3A_1267 = arith.constant 16 : i32
      %eq3A_1268 = arith.constant 0 : i32
      %eq3A_1269 = arith.cmpi eq, %jit3A_1267, %eq3A_1268 : i32
      %jit3A_1270 = arith.constant 1 : i32
      %select_n3A_1271 = arith.select %eq3A_1269, %jit3A_1270, %jit3A_1267 : i32
      %rem3A_1272 = arith.remsi %sub3A_1226, %select_n3A_1271 : i32
      %ne3A_1273 = arith.constant 0 : i32
      %ne3A_1274 = arith.cmpi ne, %rem3A_1272, %ne3A_1273 : i32
      %lt3A_1275 = arith.constant 0 : i32
      %lt3A_1276 = arith.cmpi slt, %rem3A_1272, %lt3A_1275 : i32
      %lt3A_1277 = arith.constant 0 : i32
      %lt3A_1278 = arith.cmpi slt, %select_n3A_1271, %lt3A_1277 : i32
      %ne3A_1279 = arith.xori %lt3A_1276, %lt3A_1278 : i1
      %and3A_1280 = arith.andi %ne3A_1279, %ne3A_1274 : i1
      %add3A_1281 = arith.addi %rem3A_1272, %select_n3A_1271 : i32
      %select_n3A_1282 = arith.select %and3A_1280, %add3A_1281, %rem3A_1272 : i32
      %dma_start3A_1283 = arith.constant 0 : i32
      %dma_start3A_1284 = tpu.memref_slice %arg8[%select_n3A_1266, %select_n3A_1282, %dma_start3A_1283] : memref<2x16x125xi32, #tpu.memory_space<vmem>> -> memref<1x1x125xi32, #tpu.memory_space<vmem>>
      %dma_start3A_1285 = tpu.memref_squeeze %dma_start3A_1284 : memref<1x1x125xi32, #tpu.memory_space<vmem>> -> memref<125xi32, #tpu.memory_space<vmem>>
      %dma_start3A_1286 = arith.constant 0 : i32
      %dma_start3A_1287 = arith.constant 0 : i32
      %dma_start3A_1288 = tpu.memref_slice %arg22[%dma_start3A_1286, %dma_start3A_1287] : memref<10112x64xf32, #tpu.memory_space<vmem_shared>> -> memref<10112x64xf32, #tpu.memory_space<vmem_shared>>
      tpu.enqueue_indirect_dma source(%arg10 : memref<125x64xf32, #tpu.memory_space<vmem>>) target(%dma_start3A_1288 : memref<10112x64xf32, #tpu.memory_space<vmem_shared>>) offsets(%dma_start3A_1285 : memref<125xi32, #tpu.memory_space<vmem>>) semaphore(%arg18 : memref<!tpu.dma_semaphore, #tpu.memory_space<semaphore_mem>>) {add = true}
    }
    %scan3A_95 = arith.constant 39 : i32
    %dma_wait3A_96 = arith.constant 1 : i32
    %dma_wait3A_97 = arith.constant 14 : i32
    %dma_wait3A_98 = arith.constant 0 : i32
    %dma_wait3A_99 = tpu.memref_slice %arg7[%dma_wait3A_96, %dma_wait3A_97, %dma_wait3A_98] : memref<2x16x125xi32, #tpu.memory_space<vmem>> -> memref<1x1x125xi32, #tpu.memory_space<vmem>>
    %dma_wait3A_100 = tpu.memref_squeeze %dma_wait3A_99 : memref<1x1x125xi32, #tpu.memory_space<vmem>> -> memref<125xi32, #tpu.memory_space<vmem>>
    %dma_wait3A_101 = arith.constant 0 : i32
    %dma_wait3A_102 = arith.constant 0 : i32
    %dma_wait3A_103 = tpu.memref_slice %arg2[%arg0, %dma_wait3A_101, %dma_wait3A_102] : memref<2x10000x64xf32, #tpu.memory_space<hbm>> -> memref<1x10000x64xf32, #tpu.memory_space<hbm>>
    %dma_wait3A_104 = tpu.memref_squeeze %dma_wait3A_103 : memref<1x10000x64xf32, #tpu.memory_space<hbm>> -> memref<10000x64xf32, #tpu.memory_space<hbm>>
    %dma_wait3A_105 = arith.constant 0 : i32
    %dma_wait3A_106 = arith.constant 0 : i32
    %dma_wait3A_107 = tpu.memref_slice %dma_wait3A_104[%dma_wait3A_105, %dma_wait3A_106] : memref<10000x64xf32, #tpu.memory_space<hbm>> -> memref<10000x64xf32, #tpu.memory_space<hbm>>
    tpu.wait_indirect_dma semaphore(%arg15 : memref<!tpu.dma_semaphore, #tpu.memory_space<semaphore_mem>>) src(%dma_wait3A_107 : memref<10000x64xf32, #tpu.memory_space<hbm>>) dst(%arg11 : memref<125x64xf32, #tpu.memory_space<vmem>>)
    %dma_start3A_108 = arith.constant 1 : i32
    %dma_start3A_109 = arith.constant 14 : i32
    %dma_start3A_110 = arith.constant 0 : i32
    %dma_start3A_111 = tpu.memref_slice %arg8[%dma_start3A_108, %dma_start3A_109, %dma_start3A_110] : memref<2x16x125xi32, #tpu.memory_space<vmem>> -> memref<1x1x125xi32, #tpu.memory_space<vmem>>
    %dma_start3A_112 = tpu.memref_squeeze %dma_start3A_111 : memref<1x1x125xi32, #tpu.memory_space<vmem>> -> memref<125xi32, #tpu.memory_space<vmem>>
    %dma_start3A_113 = arith.constant 0 : i32
    %dma_start3A_114 = arith.constant 0 : i32
    %dma_start3A_115 = tpu.memref_slice %arg22[%dma_start3A_113, %dma_start3A_114] : memref<10112x64xf32, #tpu.memory_space<vmem_shared>> -> memref<10112x64xf32, #tpu.memory_space<vmem_shared>>
    tpu.enqueue_indirect_dma source(%arg11 : memref<125x64xf32, #tpu.memory_space<vmem>>) target(%dma_start3A_115 : memref<10112x64xf32, #tpu.memory_space<vmem_shared>>) offsets(%dma_start3A_112 : memref<125xi32, #tpu.memory_space<vmem>>) semaphore(%arg19 : memref<!tpu.dma_semaphore, #tpu.memory_space<semaphore_mem>>) {add = true}
    %dma_wait3A_116 = arith.constant 1 : i32
    %dma_wait3A_117 = arith.constant 15 : i32
    %dma_wait3A_118 = arith.constant 0 : i32
    %dma_wait3A_119 = tpu.memref_slice %arg7[%dma_wait3A_116, %dma_wait3A_117, %dma_wait3A_118] : memref<2x16x125xi32, #tpu.memory_space<vmem>> -> memref<1x1x125xi32, #tpu.memory_space<vmem>>
    %dma_wait3A_120 = tpu.memref_squeeze %dma_wait3A_119 : memref<1x1x125xi32, #tpu.memory_space<vmem>> -> memref<125xi32, #tpu.memory_space<vmem>>
    %dma_wait3A_121 = arith.constant 0 : i32
    %dma_wait3A_122 = arith.constant 0 : i32
    %dma_wait3A_123 = tpu.memref_slice %arg2[%arg0, %dma_wait3A_121, %dma_wait3A_122] : memref<2x10000x64xf32, #tpu.memory_space<hbm>> -> memref<1x10000x64xf32, #tpu.memory_space<hbm>>
    %dma_wait3A_124 = tpu.memref_squeeze %dma_wait3A_123 : memref<1x10000x64xf32, #tpu.memory_space<hbm>> -> memref<10000x64xf32, #tpu.memory_space<hbm>>
    %dma_wait3A_125 = arith.constant 0 : i32
    %dma_wait3A_126 = arith.constant 0 : i32
    %dma_wait3A_127 = tpu.memref_slice %dma_wait3A_124[%dma_wait3A_125, %dma_wait3A_126] : memref<10000x64xf32, #tpu.memory_space<hbm>> -> memref<10000x64xf32, #tpu.memory_space<hbm>>
    tpu.wait_indirect_dma semaphore(%arg16 : memref<!tpu.dma_semaphore, #tpu.memory_space<semaphore_mem>>) src(%dma_wait3A_127 : memref<10000x64xf32, #tpu.memory_space<hbm>>) dst(%arg12 : memref<125x64xf32, #tpu.memory_space<vmem>>)
    %dma_start3A_128 = arith.constant 1 : i32
    %dma_start3A_129 = arith.constant 15 : i32
    %dma_start3A_130 = arith.constant 0 : i32
    %dma_start3A_131 = tpu.memref_slice %arg8[%dma_start3A_128, %dma_start3A_129, %dma_start3A_130] : memref<2x16x125xi32, #tpu.memory_space<vmem>> -> memref<1x1x125xi32, #tpu.memory_space<vmem>>
    %dma_start3A_132 = tpu.memref_squeeze %dma_start3A_131 : memref<1x1x125xi32, #tpu.memory_space<vmem>> -> memref<125xi32, #tpu.memory_space<vmem>>
    %dma_start3A_133 = arith.constant 0 : i32
    %dma_start3A_134 = arith.constant 0 : i32
    %dma_start3A_135 = tpu.memref_slice %arg22[%dma_start3A_133, %dma_start3A_134] : memref<10112x64xf32, #tpu.memory_space<vmem_shared>> -> memref<10112x64xf32, #tpu.memory_space<vmem_shared>>
    tpu.enqueue_indirect_dma source(%arg12 : memref<125x64xf32, #tpu.memory_space<vmem>>) target(%dma_start3A_135 : memref<10112x64xf32, #tpu.memory_space<vmem_shared>>) offsets(%dma_start3A_132 : memref<125xi32, #tpu.memory_space<vmem>>) semaphore(%arg20 : memref<!tpu.dma_semaphore, #tpu.memory_space<semaphore_mem>>) {add = true}
    %dma_wait3A_136 = arith.constant 1 : i32
    %dma_wait3A_137 = arith.constant 12 : i32
    %dma_wait3A_138 = arith.constant 0 : i32
    %dma_wait3A_139 = tpu.memref_slice %arg8[%dma_wait3A_136, %dma_wait3A_137, %dma_wait3A_138] : memref<2x16x125xi32, #tpu.memory_space<vmem>> -> memref<1x1x125xi32, #tpu.memory_space<vmem>>
    %dma_wait3A_140 = tpu.memref_squeeze %dma_wait3A_139 : memref<1x1x125xi32, #tpu.memory_space<vmem>> -> memref<125xi32, #tpu.memory_space<vmem>>
    %dma_wait3A_141 = arith.constant 0 : i32
    %dma_wait3A_142 = arith.constant 0 : i32
    %dma_wait3A_143 = tpu.memref_slice %arg22[%dma_wait3A_141, %dma_wait3A_142] : memref<10112x64xf32, #tpu.memory_space<vmem_shared>> -> memref<10112x64xf32, #tpu.memory_space<vmem_shared>>
    tpu.wait_indirect_dma semaphore(%arg17 : memref<!tpu.dma_semaphore, #tpu.memory_space<semaphore_mem>>) src(%arg9 : memref<125x64xf32, #tpu.memory_space<vmem>>) dst(%dma_wait3A_143 : memref<10112x64xf32, #tpu.memory_space<vmem_shared>>)
    %dma_wait3A_144 = arith.constant 1 : i32
    %dma_wait3A_145 = arith.constant 13 : i32
    %dma_wait3A_146 = arith.constant 0 : i32
    %dma_wait3A_147 = tpu.memref_slice %arg8[%dma_wait3A_144, %dma_wait3A_145, %dma_wait3A_146] : memref<2x16x125xi32, #tpu.memory_space<vmem>> -> memref<1x1x125xi32, #tpu.memory_space<vmem>>
    %dma_wait3A_148 = tpu.memref_squeeze %dma_wait3A_147 : memref<1x1x125xi32, #tpu.memory_space<vmem>> -> memref<125xi32, #tpu.memory_space<vmem>>
    %dma_wait3A_149 = arith.constant 0 : i32
    %dma_wait3A_150 = arith.constant 0 : i32
    %dma_wait3A_151 = tpu.memref_slice %arg22[%dma_wait3A_149, %dma_wait3A_150] : memref<10112x64xf32, #tpu.memory_space<vmem_shared>> -> memref<10112x64xf32, #tpu.memory_space<vmem_shared>>
    tpu.wait_indirect_dma semaphore(%arg18 : memref<!tpu.dma_semaphore, #tpu.memory_space<semaphore_mem>>) src(%arg10 : memref<125x64xf32, #tpu.memory_space<vmem>>) dst(%dma_wait3A_151 : memref<10112x64xf32, #tpu.memory_space<vmem_shared>>)
    %dma_wait3A_152 = arith.constant 1 : i32
    %dma_wait3A_153 = arith.constant 14 : i32
    %dma_wait3A_154 = arith.constant 0 : i32
    %dma_wait3A_155 = tpu.memref_slice %arg8[%dma_wait3A_152, %dma_wait3A_153, %dma_wait3A_154] : memref<2x16x125xi32, #tpu.memory_space<vmem>> -> memref<1x1x125xi32, #tpu.memory_space<vmem>>
    %dma_wait3A_156 = tpu.memref_squeeze %dma_wait3A_155 : memref<1x1x125xi32, #tpu.memory_space<vmem>> -> memref<125xi32, #tpu.memory_space<vmem>>
    %dma_wait3A_157 = arith.constant 0 : i32
    %dma_wait3A_158 = arith.constant 0 : i32
    %dma_wait3A_159 = tpu.memref_slice %arg22[%dma_wait3A_157, %dma_wait3A_158] : memref<10112x64xf32, #tpu.memory_space<vmem_shared>> -> memref<10112x64xf32, #tpu.memory_space<vmem_shared>>
    tpu.wait_indirect_dma semaphore(%arg19 : memref<!tpu.dma_semaphore, #tpu.memory_space<semaphore_mem>>) src(%arg11 : memref<125x64xf32, #tpu.memory_space<vmem>>) dst(%dma_wait3A_159 : memref<10112x64xf32, #tpu.memory_space<vmem_shared>>)
    %dma_wait3A_160 = arith.constant 1 : i32
    %dma_wait3A_161 = arith.constant 15 : i32
    %dma_wait3A_162 = arith.constant 0 : i32
    %dma_wait3A_163 = tpu.memref_slice %arg8[%dma_wait3A_160, %dma_wait3A_161, %dma_wait3A_162] : memref<2x16x125xi32, #tpu.memory_space<vmem>> -> memref<1x1x125xi32, #tpu.memory_space<vmem>>
    %dma_wait3A_164 = tpu.memref_squeeze %dma_wait3A_163 : memref<1x1x125xi32, #tpu.memory_space<vmem>> -> memref<125xi32, #tpu.memory_space<vmem>>
    %dma_wait3A_165 = arith.constant 0 : i32
    %dma_wait3A_166 = arith.constant 0 : i32
    %dma_wait3A_167 = tpu.memref_slice %arg22[%dma_wait3A_165, %dma_wait3A_166] : memref<10112x64xf32, #tpu.memory_space<vmem_shared>> -> memref<10112x64xf32, #tpu.memory_space<vmem_shared>>
    tpu.wait_indirect_dma semaphore(%arg20 : memref<!tpu.dma_semaphore, #tpu.memory_space<semaphore_mem>>) src(%arg12 : memref<125x64xf32, #tpu.memory_space<vmem>>) dst(%dma_wait3A_167 : memref<10112x64xf32, #tpu.memory_space<vmem_shared>>)
    %barrier3A_168 = arith.constant 0 : index
    tpu.barrier barrier_id(%barrier3A_168)
    "tpu.region"() ({
      %run_scoped3A_169 = tpu.sem_alloc : memref<!tpu.dma_semaphore, #tpu.memory_space<semaphore_mem>>
      %dma_start3A_170 = arith.constant 0 : i32
      %dma_start3A_171 = arith.constant 0 : i32
      %dma_start3A_172 = tpu.memref_slice %arg6[%arg0, %dma_start3A_170, %dma_start3A_171] : memref<2x10112x64xf32, #tpu.memory_space<hbm>> -> memref<1x10112x64xf32, #tpu.memory_space<hbm>>
      %dma_start3A_173 = tpu.memref_squeeze %dma_start3A_172 : memref<1x10112x64xf32, #tpu.memory_space<hbm>> -> memref<10112x64xf32, #tpu.memory_space<hbm>>
      %dma_start3A_174 = arith.constant 0 : i32
      %dma_start3A_175 = tpu.memref_slice %dma_start3A_173[%mul3A_2, %dma_start3A_174] : memref<10112x64xf32, #tpu.memory_space<hbm>> -> memref<632x64xf32, #tpu.memory_space<hbm>>
      %dma_start3A_176 = arith.constant 0 : i32
      %dma_start3A_177 = tpu.memref_slice %arg22[%mul3A_2, %dma_start3A_176] : memref<10112x64xf32, #tpu.memory_space<vmem_shared>> -> memref<632x64xf32, #tpu.memory_space<vmem_shared>>
      tpu.enqueue_dma source(%dma_start3A_177 : memref<632x64xf32, #tpu.memory_space<vmem_shared>>) target(%dma_start3A_175 : memref<632x64xf32, #tpu.memory_space<hbm>>) target_semaphore(%run_scoped3A_169 : memref<!tpu.dma_semaphore, #tpu.memory_space<semaphore_mem>>)
      %dma_wait3A_178 = arith.constant 0 : i32
      %dma_wait3A_179 = arith.constant 0 : i32
      %dma_wait3A_180 = tpu.memref_slice %arg6[%arg0, %dma_wait3A_178, %dma_wait3A_179] : memref<2x10112x64xf32, #tpu.memory_space<hbm>> -> memref<1x10112x64xf32, #tpu.memory_space<hbm>>
      %dma_wait3A_181 = tpu.memref_squeeze %dma_wait3A_180 : memref<1x10112x64xf32, #tpu.memory_space<hbm>> -> memref<10112x64xf32, #tpu.memory_space<hbm>>
      %dma_wait3A_182 = arith.constant 0 : i32
      %dma_wait3A_183 = tpu.memref_slice %dma_wait3A_181[%mul3A_2, %dma_wait3A_182] : memref<10112x64xf32, #tpu.memory_space<hbm>> -> memref<632x64xf32, #tpu.memory_space<hbm>>
      %dma_wait3A_184 = arith.constant 0 : i32
      %dma_wait3A_185 = tpu.memref_slice %arg22[%mul3A_2, %dma_wait3A_184] : memref<10112x64xf32, #tpu.memory_space<vmem_shared>> -> memref<632x64xf32, #tpu.memory_space<vmem_shared>>
      tpu.wait_dma2 semaphore(%run_scoped3A_169 : memref<!tpu.dma_semaphore, #tpu.memory_space<semaphore_mem>>) src(%dma_wait3A_185 : memref<632x64xf32, #tpu.memory_space<vmem_shared>>) dst(%dma_wait3A_183 : memref<632x64xf32, #tpu.memory_space<hbm>>)
      tpu.yield
    }) : () -> ()
    return
  }
}

module attributes {stable_mosaic.version = 14 : i64} {
  func.func @body(%arg0: i32, %arg1: memref<2x2000x64xf32, #tpu.memory_space<vmem>>, %arg2: memref<2000x16xf32, #tpu.memory_space<vmem>>, %arg3: memref<2000x128xf32, #tpu.memory_space<vmem>>, %arg4: memref<2x64x128xf32, #tpu.memory_space<vmem>>, %arg5: memref<1x128xf32, #tpu.memory_space<vmem>>, %arg6: memref<128x128xf32, #tpu.memory_space<vmem>>, %arg7: memref<2000x128xf32, #tpu.memory_space<vmem>>) attributes {dimension_semantics = [#tpu.dimension_semantics<arbitrary>], iteration_bounds = array<i64: 5>, scalar_prefetch = 0 : i64, scratch_operands = 0 : i64, tpu.core_type = #tpu.core_type<tc>, window_params = [{transform_indices = @transform_0, window_bounds = array<i64: 2, 2000, 64>}, {transform_indices = @transform_1, window_bounds = array<i64: 2000, 16>}, {transform_indices = @transform_2, window_bounds = array<i64: 2000, 128>}, {pipeline_mode = #tpu.pipeline_mode<synchronous>, transform_indices = @transform_3, window_bounds = array<i64: 2, 64, 128>}, {pipeline_mode = #tpu.pipeline_mode<synchronous>, transform_indices = @transform_4, window_bounds = array<i64: 1, 128>}, {pipeline_mode = #tpu.pipeline_mode<synchronous>, transform_indices = @transform_5, window_bounds = array<i64: 128, 128>}, {transform_indices = @transform_6, window_bounds = array<i64: 2000, 128>}]} {
    %get3A = arith.constant 0 : index
    %get3A_0 = arith.constant 0 : index
    %get3A_1 = vector.load %arg2[%get3A, %get3A_0] : memref<2000x16xf32, #tpu.memory_space<vmem>>, vector<2000x16xf32>
    %reduce_sum3A = arith.constant dense<0.000000e+00> : vector<2000xf32>
    %reduce_sum3A_2 = vector.multi_reduction <add>, %get3A_1, %reduce_sum3A [1] : vector<2000x16xf32> to vector<2000xf32>
    %broadcast_in_dim3A = vector.shape_cast %reduce_sum3A_2 : vector<2000xf32> to vector<2000x1xf32>
    %max3A = arith.constant 1.000000e+00 : f32
    %max3A_3 = vector.broadcast %max3A : f32 to vector<2000x1xf32>
    %max3A_4 = arith.maximumf %broadcast_in_dim3A, %max3A_3 : vector<2000x1xf32>
    %div3A = arith.constant 1.000000e+00 : f32
    %div3A_5 = vector.broadcast %div3A : f32 to vector<2000x1xf32>
    %div3A_6 = arith.divf %div3A_5, %max3A_4 : vector<2000x1xf32>
    %get3A_7 = arith.constant 0 : index
    %get3A_8 = arith.constant 0 : index
    %get3A_9 = arith.constant 0 : index
    %get3A_10 = vector.load %arg1[%get3A_7, %get3A_8, %get3A_9] : memref<2x2000x64xf32, #tpu.memory_space<vmem>>, vector<1x2000x64xf32>
    %get3A_11 = vector.shape_cast %get3A_10 : vector<1x2000x64xf32> to vector<2000x64xf32>
    %mul3A = vector.broadcast %div3A_6 : vector<2000x1xf32> to vector<2000x64xf32>
    %mul3A_12 = arith.mulf %get3A_11, %mul3A : vector<2000x64xf32>
    %get3A_13 = arith.constant 0 : index
    %get3A_14 = arith.constant 0 : index
    %get3A_15 = arith.constant 0 : index
    %get3A_16 = vector.load %arg4[%get3A_13, %get3A_14, %get3A_15] : memref<2x64x128xf32, #tpu.memory_space<vmem>>, vector<1x64x128xf32>
    %get3A_17 = vector.shape_cast %get3A_16 : vector<1x64x128xf32> to vector<64x128xf32>
    %dot_general3A = arith.constant dense<0.000000e+00> : vector<2000x128xf32>
    %dot_general3A_18 = tpu.matmul %mul3A_12, %get3A_17, %dot_general3A {dimension_numbers = #tpu.dot_dimension_numbers<[1], [0], [0], [1], [0, 0, 1, 1], [], []>, transpose_lhs_hint = false} : vector<2000x64xf32>, vector<64x128xf32>, vector<2000x128xf32> -> vector<2000x128xf32>
    %get3A_19 = arith.constant 1 : index
    %get3A_20 = arith.constant 0 : index
    %get3A_21 = arith.constant 0 : index
    %get3A_22 = vector.load %arg1[%get3A_19, %get3A_20, %get3A_21] : memref<2x2000x64xf32, #tpu.memory_space<vmem>>, vector<1x2000x64xf32>
    %get3A_23 = vector.shape_cast %get3A_22 : vector<1x2000x64xf32> to vector<2000x64xf32>
    %mul3A_24 = vector.broadcast %div3A_6 : vector<2000x1xf32> to vector<2000x64xf32>
    %mul3A_25 = arith.mulf %get3A_23, %mul3A_24 : vector<2000x64xf32>
    %get3A_26 = arith.constant 1 : index
    %get3A_27 = arith.constant 0 : index
    %get3A_28 = arith.constant 0 : index
    %get3A_29 = vector.load %arg4[%get3A_26, %get3A_27, %get3A_28] : memref<2x64x128xf32, #tpu.memory_space<vmem>>, vector<1x64x128xf32>
    %get3A_30 = vector.shape_cast %get3A_29 : vector<1x64x128xf32> to vector<64x128xf32>
    %dot_general3A_31 = arith.constant dense<0.000000e+00> : vector<2000x128xf32>
    %dot_general3A_32 = tpu.matmul %mul3A_25, %get3A_30, %dot_general3A_31 {dimension_numbers = #tpu.dot_dimension_numbers<[1], [0], [0], [1], [0, 0, 1, 1], [], []>, transpose_lhs_hint = false} : vector<2000x64xf32>, vector<64x128xf32>, vector<2000x128xf32> -> vector<2000x128xf32>
    %add3A = arith.addf %dot_general3A_18, %dot_general3A_32 : vector<2000x128xf32>
    %get3A_33 = arith.constant 0 : index
    %get3A_34 = arith.constant 0 : index
    %get3A_35 = vector.load %arg3[%get3A_33, %get3A_34] : memref<2000x128xf32, #tpu.memory_space<vmem>>, vector<2000x128xf32>
    %get3A_36 = arith.constant 0 : index
    %get3A_37 = arith.constant 0 : index
    %get3A_38 = vector.load %arg6[%get3A_36, %get3A_37] : memref<128x128xf32, #tpu.memory_space<vmem>>, vector<128x128xf32>
    %dot_general3A_39 = arith.constant dense<0.000000e+00> : vector<2000x128xf32>
    %dot_general3A_40 = tpu.matmul %get3A_35, %get3A_38, %dot_general3A_39 {dimension_numbers = #tpu.dot_dimension_numbers<[1], [0], [0], [1], [0, 0, 1, 1], [], []>, transpose_lhs_hint = false} : vector<2000x128xf32>, vector<128x128xf32>, vector<2000x128xf32> -> vector<2000x128xf32>
    %add3A_41 = arith.addf %add3A, %dot_general3A_40 : vector<2000x128xf32>
    %get3A_42 = arith.constant 0 : index
    %get3A_43 = arith.constant 0 : index
    %get3A_44 = vector.load %arg5[%get3A_42, %get3A_43] : memref<1x128xf32, #tpu.memory_space<vmem>>, vector<1x128xf32>
    %add3A_45 = vector.broadcast %get3A_44 : vector<1x128xf32> to vector<2000x128xf32>
    %add3A_46 = arith.addf %add3A_41, %add3A_45 : vector<2000x128xf32>
    %max3A_47 = arith.constant 0.000000e+00 : f32
    %max3A_48 = vector.broadcast %max3A_47 : f32 to vector<2000x128xf32>
    %max3A_49 = arith.maximumf %add3A_46, %max3A_48 : vector<2000x128xf32>
    %swap3A = arith.constant 0 : index
    %swap3A_50 = arith.constant 0 : index
    %swap3A_51 = vector.load %arg7[%swap3A, %swap3A_50] : memref<2000x128xf32, #tpu.memory_space<vmem>>, vector<2000x128xf32>
    tpu.vector_store %arg7[%swap3A, %swap3A_50], %max3A_49 {strides = array<i32>} : memref<2000x128xf32, #tpu.memory_space<vmem>>, vector<2000x128xf32>,
    return
  }
  func.func @transform_0(%arg0: i32) -> (i32, i32, i32) {
    %c0_i32 = arith.constant 0 : i32
    %c0_i32_0 = arith.constant 0 : i32
    %c0_i32_1 = arith.constant 0 : i32
    return %c0_i32, %arg0, %c0_i32_0 : i32, i32, i32
  }
  func.func @transform_1(%arg0: i32) -> (i32, i32) {
    %c0_i32 = arith.constant 0 : i32
    %c0_i32_0 = arith.constant 0 : i32
    return %arg0, %c0_i32 : i32, i32
  }
  func.func @transform_2(%arg0: i32) -> (i32, i32) {
    %c0_i32 = arith.constant 0 : i32
    %c0_i32_0 = arith.constant 0 : i32
    return %arg0, %c0_i32 : i32, i32
  }
  func.func @transform_3(%arg0: i32) -> (i32, i32, i32) {
    %c0_i32 = arith.constant 0 : i32
    %c0_i32_0 = arith.constant 0 : i32
    %c0_i32_1 = arith.constant 0 : i32
    %c0_i32_2 = arith.constant 0 : i32
    return %c0_i32, %c0_i32_0, %c0_i32_1 : i32, i32, i32
  }
  func.func @transform_4(%arg0: i32) -> (i32, i32) {
    %c0_i32 = arith.constant 0 : i32
    %c0_i32_0 = arith.constant 0 : i32
    %c0_i32_1 = arith.constant 0 : i32
    return %c0_i32, %c0_i32_0 : i32, i32
  }
  func.func @transform_5(%arg0: i32) -> (i32, i32) {
    %c0_i32 = arith.constant 0 : i32
    %c0_i32_0 = arith.constant 0 : i32
    %c0_i32_1 = arith.constant 0 : i32
    return %c0_i32, %c0_i32_0 : i32, i32
  }
  func.func @transform_6(%arg0: i32) -> (i32, i32) {
    %c0_i32 = arith.constant 0 : i32
    %c0_i32_0 = arith.constant 0 : i32
    return %arg0, %c0_i32 : i32, i32
  }
}

module attributes {stable_mosaic.version = 14 : i64} {
  func.func @body(%arg0: i32, %arg1: memref<2x2000x64xf32, #tpu.memory_space<vmem>>, %arg2: memref<2000x16xf32, #tpu.memory_space<vmem>>, %arg3: memref<2000x128xf32, #tpu.memory_space<vmem>>, %arg4: memref<2x64x128xf32, #tpu.memory_space<vmem>>, %arg5: memref<1x128xf32, #tpu.memory_space<vmem>>, %arg6: memref<128x128xf32, #tpu.memory_space<vmem>>, %arg7: memref<2000x128xf32, #tpu.memory_space<vmem>>) attributes {dimension_semantics = [#tpu.dimension_semantics<arbitrary>], iteration_bounds = array<i64: 5>, scalar_prefetch = 0 : i64, scratch_operands = 0 : i64, tpu.core_type = #tpu.core_type<tc>, window_params = [{transform_indices = @transform_0, window_bounds = array<i64: 2, 2000, 64>}, {transform_indices = @transform_1, window_bounds = array<i64: 2000, 16>}, {transform_indices = @transform_2, window_bounds = array<i64: 2000, 128>}, {pipeline_mode = #tpu.pipeline_mode<synchronous>, transform_indices = @transform_3, window_bounds = array<i64: 2, 64, 128>}, {pipeline_mode = #tpu.pipeline_mode<synchronous>, transform_indices = @transform_4, window_bounds = array<i64: 1, 128>}, {pipeline_mode = #tpu.pipeline_mode<synchronous>, transform_indices = @transform_5, window_bounds = array<i64: 128, 128>}, {transform_indices = @transform_6, window_bounds = array<i64: 2000, 128>}]} {
    %get3A = arith.constant 0 : index
    %get3A_0 = arith.constant 0 : index
    %get3A_1 = vector.load %arg2[%get3A, %get3A_0] : memref<2000x16xf32, #tpu.memory_space<vmem>>, vector<2000x16xf32>
    %reduce_sum3A = arith.constant dense<0.000000e+00> : vector<2000xf32>
    %reduce_sum3A_2 = vector.multi_reduction <add>, %get3A_1, %reduce_sum3A [1] : vector<2000x16xf32> to vector<2000xf32>
    %broadcast_in_dim3A = vector.shape_cast %reduce_sum3A_2 : vector<2000xf32> to vector<2000x1xf32>
    %max3A = arith.constant 1.000000e+00 : f32
    %max3A_3 = vector.broadcast %max3A : f32 to vector<2000x1xf32>
    %max3A_4 = arith.maximumf %broadcast_in_dim3A, %max3A_3 : vector<2000x1xf32>
    %div3A = arith.constant 1.000000e+00 : f32
    %div3A_5 = vector.broadcast %div3A : f32 to vector<2000x1xf32>
    %div3A_6 = arith.divf %div3A_5, %max3A_4 : vector<2000x1xf32>
    %get3A_7 = arith.constant 0 : index
    %get3A_8 = arith.constant 0 : index
    %get3A_9 = arith.constant 0 : index
    %get3A_10 = vector.load %arg1[%get3A_7, %get3A_8, %get3A_9] : memref<2x2000x64xf32, #tpu.memory_space<vmem>>, vector<1x2000x64xf32>
    %get3A_11 = vector.shape_cast %get3A_10 : vector<1x2000x64xf32> to vector<2000x64xf32>
    %mul3A = vector.broadcast %div3A_6 : vector<2000x1xf32> to vector<2000x64xf32>
    %mul3A_12 = arith.mulf %get3A_11, %mul3A : vector<2000x64xf32>
    %get3A_13 = arith.constant 0 : index
    %get3A_14 = arith.constant 0 : index
    %get3A_15 = arith.constant 0 : index
    %get3A_16 = vector.load %arg4[%get3A_13, %get3A_14, %get3A_15] : memref<2x64x128xf32, #tpu.memory_space<vmem>>, vector<1x64x128xf32>
    %get3A_17 = vector.shape_cast %get3A_16 : vector<1x64x128xf32> to vector<64x128xf32>
    %dot_general3A = arith.constant dense<0.000000e+00> : vector<2000x128xf32>
    %dot_general3A_18 = tpu.matmul %mul3A_12, %get3A_17, %dot_general3A {dimension_numbers = #tpu.dot_dimension_numbers<[1], [0], [0], [1], [0, 0, 1, 1], [], []>, transpose_lhs_hint = false} : vector<2000x64xf32>, vector<64x128xf32>, vector<2000x128xf32> -> vector<2000x128xf32>
    %get3A_19 = arith.constant 1 : index
    %get3A_20 = arith.constant 0 : index
    %get3A_21 = arith.constant 0 : index
    %get3A_22 = vector.load %arg1[%get3A_19, %get3A_20, %get3A_21] : memref<2x2000x64xf32, #tpu.memory_space<vmem>>, vector<1x2000x64xf32>
    %get3A_23 = vector.shape_cast %get3A_22 : vector<1x2000x64xf32> to vector<2000x64xf32>
    %mul3A_24 = vector.broadcast %div3A_6 : vector<2000x1xf32> to vector<2000x64xf32>
    %mul3A_25 = arith.mulf %get3A_23, %mul3A_24 : vector<2000x64xf32>
    %get3A_26 = arith.constant 1 : index
    %get3A_27 = arith.constant 0 : index
    %get3A_28 = arith.constant 0 : index
    %get3A_29 = vector.load %arg4[%get3A_26, %get3A_27, %get3A_28] : memref<2x64x128xf32, #tpu.memory_space<vmem>>, vector<1x64x128xf32>
    %get3A_30 = vector.shape_cast %get3A_29 : vector<1x64x128xf32> to vector<64x128xf32>
    %dot_general3A_31 = arith.constant dense<0.000000e+00> : vector<2000x128xf32>
    %dot_general3A_32 = tpu.matmul %mul3A_25, %get3A_30, %dot_general3A_31 {dimension_numbers = #tpu.dot_dimension_numbers<[1], [0], [0], [1], [0, 0, 1, 1], [], []>, transpose_lhs_hint = false} : vector<2000x64xf32>, vector<64x128xf32>, vector<2000x128xf32> -> vector<2000x128xf32>
    %add3A = arith.addf %dot_general3A_18, %dot_general3A_32 : vector<2000x128xf32>
    %get3A_33 = arith.constant 0 : index
    %get3A_34 = arith.constant 0 : index
    %get3A_35 = vector.load %arg3[%get3A_33, %get3A_34] : memref<2000x128xf32, #tpu.memory_space<vmem>>, vector<2000x128xf32>
    %get3A_36 = arith.constant 0 : index
    %get3A_37 = arith.constant 0 : index
    %get3A_38 = vector.load %arg6[%get3A_36, %get3A_37] : memref<128x128xf32, #tpu.memory_space<vmem>>, vector<128x128xf32>
    %dot_general3A_39 = arith.constant dense<0.000000e+00> : vector<2000x128xf32>
    %dot_general3A_40 = tpu.matmul %get3A_35, %get3A_38, %dot_general3A_39 {dimension_numbers = #tpu.dot_dimension_numbers<[1], [0], [0], [1], [0, 0, 1, 1], [], []>, transpose_lhs_hint = false} : vector<2000x128xf32>, vector<128x128xf32>, vector<2000x128xf32> -> vector<2000x128xf32>
    %add3A_41 = arith.addf %add3A, %dot_general3A_40 : vector<2000x128xf32>
    %get3A_42 = arith.constant 0 : index
    %get3A_43 = arith.constant 0 : index
    %get3A_44 = vector.load %arg5[%get3A_42, %get3A_43] : memref<1x128xf32, #tpu.memory_space<vmem>>, vector<1x128xf32>
    %add3A_45 = vector.broadcast %get3A_44 : vector<1x128xf32> to vector<2000x128xf32>
    %add3A_46 = arith.addf %add3A_41, %add3A_45 : vector<2000x128xf32>
    %swap3A = arith.constant 0 : index
    %swap3A_47 = arith.constant 0 : index
    %swap3A_48 = vector.load %arg7[%swap3A, %swap3A_47] : memref<2000x128xf32, #tpu.memory_space<vmem>>, vector<2000x128xf32>
    tpu.vector_store %arg7[%swap3A, %swap3A_47], %add3A_46 {strides = array<i32>} : memref<2000x128xf32, #tpu.memory_space<vmem>>, vector<2000x128xf32>,
    return
  }
  func.func @transform_0(%arg0: i32) -> (i32, i32, i32) {
    %c0_i32 = arith.constant 0 : i32
    %c0_i32_0 = arith.constant 0 : i32
    %c0_i32_1 = arith.constant 0 : i32
    return %c0_i32, %arg0, %c0_i32_0 : i32, i32, i32
  }
  func.func @transform_1(%arg0: i32) -> (i32, i32) {
    %c0_i32 = arith.constant 0 : i32
    %c0_i32_0 = arith.constant 0 : i32
    return %arg0, %c0_i32 : i32, i32
  }
  func.func @transform_2(%arg0: i32) -> (i32, i32) {
    %c0_i32 = arith.constant 0 : i32
    %c0_i32_0 = arith.constant 0 : i32
    return %arg0, %c0_i32 : i32, i32
  }
  func.func @transform_3(%arg0: i32) -> (i32, i32, i32) {
    %c0_i32 = arith.constant 0 : i32
    %c0_i32_0 = arith.constant 0 : i32
    %c0_i32_1 = arith.constant 0 : i32
    %c0_i32_2 = arith.constant 0 : i32
    return %c0_i32, %c0_i32_0, %c0_i32_1 : i32, i32, i32
  }
  func.func @transform_4(%arg0: i32) -> (i32, i32) {
    %c0_i32 = arith.constant 0 : i32
    %c0_i32_0 = arith.constant 0 : i32
    %c0_i32_1 = arith.constant 0 : i32
    return %c0_i32, %c0_i32_0 : i32, i32
  }
  func.func @transform_5(%arg0: i32) -> (i32, i32) {
    %c0_i32 = arith.constant 0 : i32
    %c0_i32_0 = arith.constant 0 : i32
    %c0_i32_1 = arith.constant 0 : i32
    return %c0_i32, %c0_i32_0 : i32, i32
  }
  func.func @transform_6(%arg0: i32) -> (i32, i32) {
    %c0_i32 = arith.constant 0 : i32
    %c0_i32_0 = arith.constant 0 : i32
    return %arg0, %c0_i32 : i32, i32
  }
}

</mosaic_0001>

<sc_bundles>
// kernel: kernel.10.cloned.1.call-start
scs
__scs_entry_jumppad:
0x0: {  	(pc) =	sbr.rel $0x88, $3  }
0x1: {  	(tag) =	ssettag $0x0;
	lr =	simm.s32 $0x1  }
0x2: {  	[smem:$0x3F99] =	sst lr;
	_ =	strace $0xD0000000  }
0x3: {  	_ = 	snop  }
0x4: {  	_ = 	snop  }
0x5: {  	_ = 	snop  }
0x6: {  	_ = 	snop  }
0x7: {  	_ = 	snop  }
__scs_overlays_trampoline_lowered:
0x8: {  	[smem:$0x3FA8] =	sst s0  }
0x9: {  	[smem:$0x3FA9] =	sst s1  }
0xa: {  	[smem:$0x3FAA] =	sst s2  }
0xb: {  	[smem:$0x3FAB] =	sst s3  }
0xc: {  	[smem:$0x3FAC] =	sst s4  }
0xd: {  	[smem:$0x3FAD] =	sst s5  }
0xe: {  	[smem:$0x3FAE] =	sst s6  }
0xf: {  	[smem:$0x3FAF] =	sst s7  }
0x10: {  	[smem:$0x3FB0] =	sst s8  }
0x11: {  	[smem:$0x3FB1] =	sst s9;
	s0 =	simm.s32 @!p0 $0x0  }
0x12: {  	s1 =	sld [smem:$0x3F97];
	s0 =	simm.s32 @p0 $0x1  }
0x13: {  	[smem:$0x3FB2] =	sst s0;
	s0 =	simm.s32 @!p1 $0x0  }
0x14: {  	s2 =	sld [smem:$0x3F96];
	s0 =	simm.s32 @p1 $0x1  }
0x15: {  	[smem:$0x3FB3] =	sst s0;
	s0 =	simm.s32 @!p2 $0x0  }
0x16: {  	s3 =	sld [smem:$0x3FDB];
	s0 =	simm.s32 @p2 $0x1  }
0x17: {  	s4 =	simm.s32 $0x1BF5;
	[smem:$0x3FB5] =	sst s0  }
0x18: {  	s0 =	sld [smem:$0x3F98];
	_ =	swait.ge [sflag:s4], $0x0  }
0x19: {  	s7 =	sld [smem:$0x3F99]  }
0x1a: {  	s8 =	sadd.s32 $0xFFFFE003, lr  }
0x1b: {  	s9 =	sadd.s32 $0xFFFFFEF7, lr;
	s5 =	simm.s32 $0xFFFFFFFF;
	p2 =	slt.u32 s8, $0xFFFFF086  }
0x1c: {  	p1 =	slt.u32 s9, $0xF7A;
	s5 =	simm.s32 @!p2 $0x0  }
0x1d: {  	s5 =	simm.s32 @p1 $0x1;
	p0 =	seq.s32 s7, s2  }
0x1e: {  	s7 =	smul.u32 @!p0 $0xF7A, s2;
	p2 =	seq.s32 @!p0 s5, $0x0  }
0x1f: {  	s9 =	smul.u32 $0xF7A, s1;
	s8 =	simm.s32 @!p0 $0x1BF5;
	p2 =	por !p2, p0  }
0x20: {  	[sflag:s8] =	ssyncset.s32 @!p0 $0xFFFFF086;
	s6 =	sadd.s32 @!p0 s3, s7;
	s7 =	simm.s32 @!p0 $0x108  }
0x21: {  	s3 =	sadd.s32 s3, s9;
	s6 =	sadd.s32 @!p0 $0x88, s6;
	s7 =	simm.s32 @p2 $0x1082  }
0x22: {  	[simem:s7], [sflag:s8] =	dma.local @!p0 [hbm:s6], $0xF7A  }
0x23: {  	s9 =	sor.u32 $0xD0000000, s2;
	s6 =	simm.s32 $0x108;
	_ =	swait.ge @!p0 [sflag:s8], $0x0  }
0x24: {  	s3 =	sadd.s32 $0x88, s3;
	s6 =	simm.s32 @!p1 $0x1082;
	[sflag:s4] =	ssyncset.s32 $0xFFFFF086  }
0x25: {  	[simem:s6], [sflag:s4] =	dma.local [hbm:s3], $0xF7A  }
0x26: {  	[smem:$0x3F99] =	sst s1;
	(tag) =	ssettag s2;
	_ =	strace s9  }
0x27: {  	s1 =	sld [smem:$0x3FA9]  }
0x28: {  	s2 =	sld [smem:$0x3FAA]  }
0x29: {  	s4 =	sld [smem:$0x3FAC]  }
0x2a: {  	p0 =	seq.s32 s5, $0x0;
	s5 =	sld [smem:$0x3FAD]  }
0x2b: {  	s6 =	sld [smem:$0x3FAE]  }
0x2c: {  	s7 =	sld [smem:$0x3FAF]  }
0x2d: {  	s3 =	simm.s32 $0x108;
	s8 =	sld [smem:$0x3FB0]  }
0x2e: {  	s3 =	simm.s32 @!p0 $0x1082;
	s9 =	sld [smem:$0x3FB1]  }
0x2f: {  	lr =	sadd.s32 s0, s3;
	s0 =	sld [smem:$0x3FA8]  }
0x30: {  	s3 =	sld [smem:$0x3FAB]  }
0x31: {  	[smem:$0x3FB4] =	sst s10  }
0x32: {  	s10 =	sld [smem:$0x3FB2];
	_ =	sdelay $0x3  }
0x33: {  	p0 =	seq.s32 s10, $0x1;
	s10 =	sld [smem:$0x3FB4];
	_ =	sdelay $0x3  }
0x34: {  	[smem:$0x3FB4] =	sst s10  }
0x35: {  	s10 =	sld [smem:$0x3FB3];
	_ =	sdelay $0x3  }
0x36: {  	p1 =	seq.s32 s10, $0x1;
	s10 =	sld [smem:$0x3FB4];
	_ =	sdelay $0x3  }
0x37: {  	[smem:$0x3FB4] =	sst s10  }
0x38: {  	s10 =	sld [smem:$0x3FB5]  }
0x39: {  	_ = 	snop;
	(pc) =	sbr.ind lr, $3  }
0x3a: {  	_ = 	snop  }
0x3b: {  	_ = 	snop  }
0x3c: {  	p2 =	seq.s32 s10, $0x1;
	s10 =	sld [smem:$0x3FB4]  }
0x3d: {  	_ =	shalt  }
0x3e: {  	_ =	shalt  }
0x3f: {  	_ =	shalt  }
0x40: {  	_ =	shalt  }
0x41: {  	_ =	shalt  }
0x42: {  	_ =	shalt  }
0x43: {  	_ =	shalt  }
0x44: {  	_ =	shalt  }
0x45: {  	_ =	shalt  }
0x46: {  	_ =	shalt  }
0x47: {  	_ =	shalt  }
0x48: {  	_ =	shalt  }
0x49: {  	_ =	shalt  }
0x4a: {  	_ =	shalt  }
0x4b: {  	_ =	shalt  }
0x4c: {  	_ =	shalt  }
0x4d: {  	_ =	shalt  }
0x4e: {  	_ =	shalt  }
0x4f: {  	_ =	shalt  }
0x50: {  	_ =	shalt  }
0x51: {  	_ =	shalt  }
0x52: {  	_ =	shalt  }
0x53: {  	_ =	shalt  }
0x54: {  	_ =	shalt  }
0x55: {  	_ =	shalt  }
0x56: {  	_ =	shalt  }
0x57: {  	_ =	shalt  }
0x58: {  	_ =	shalt  }
0x59: {  	_ =	shalt  }
0x5a: {  	_ =	shalt  }
0x5b: {  	_ =	shalt  }
0x5c: {  	_ =	shalt  }
0x5d: {  	_ =	shalt  }
0x5e: {  	_ =	shalt  }
0x5f: {  	_ =	shalt  }
0x60: {  	_ =	shalt  }
0x61: {  	_ =	shalt  }
0x62: {  	_ =	shalt  }
0x63: {  	_ =	shalt  }
0x64: {  	_ =	shalt  }
0x65: {  	_ =	shalt  }
0x66: {  	_ =	shalt  }
0x67: {  	_ =	shalt  }
0x68: {  	_ =	shalt  }
0x69: {  	_ =	shalt  }
0x6a: {  	_ =	shalt  }
0x6b: {  	_ =	shalt  }
0x6c: {  	_ =	shalt  }
0x6d: {  	_ =	shalt  }
0x6e: {  	_ =	shalt  }
0x6f: {  	_ =	shalt  }
0x70: {  	_ =	shalt  }
0x71: {  	_ =	shalt  }
0x72: {  	_ =	shalt  }
0x73: {  	_ =	shalt  }
0x74: {  	_ =	shalt  }
0x75: {  	_ =	shalt  }
0x76: {  	_ =	shalt  }
0x77: {  	_ =	shalt  }
0x78: {  	_ =	shalt  }
0x79: {  	_ =	shalt  }
0x7a: {  	_ =	shalt  }
0x7b: {  	_ =	shalt  }
0x7c: {  	_ =	shalt  }
0x7d: {  	_ =	shalt  }
0x7e: {  	_ =	shalt  }
0x7f: {  	_ =	shalt  }
0x80: {  	_ =	shalt  }
0x81: {  	_ =	shalt  }
0x82: {  	_ =	shalt  }
0x83: {  	_ =	shalt  }
0x84: {  	_ =	shalt  }
0x85: {  	_ =	shalt  }
0x86: {  	_ =	shalt  }
0x87: {  	_ =	shalt  }
.Lfunc_end0:
.L_simem_size_0:
called_computation.1_lowered:
.L_overlay_start_0:
0x88: {  	s2 =	sld [smem:$0x3FD9]  }
0x89: {  	s3 =	sld [smem:$0x3FFE];
	_ =	sdelay $0x1  }
0x8a: {  	s1 =	srdreg.scid  }
0x8b: {  	s0 =	sand.u32 $0x1, s1  }
0x8c: {  	s17 =	sshll.u32 s0, $0xA;
	s2 =	sadd.s32 s3, s2  }
0x8d: {  	s2 =	sadd.s32 s2, s17  }
0x8e: {  	[smem:$0x3FC0] =	sst s2  }
0x8f: {  	_ = 	snop  }
0x90: {  	s18 =	sld [smem:$0x3FD0];
	(tm) =	ssettm $0x1  }
0x91: {  	s19 =	sld [smem:$0x3FFB];
	_ =	sdelay $0x3  }
0x92: {  	_ =	strace s19  }
0x93: {  	s2 =	sld [smem:$0x3FFC];
	_ =	sdelay $0x3  }
0x94: {  	_ =	strace s2  }
0x95: {  	s2 =	sld [smem:$0x3FFD];
	_ =	sdelay $0x3  }
0x96: {  	_ =	strace s2  }
0x97: {  	_ =	strace $0x8FFFFFFF  }
0x98: {  	s20 =	sld [smem:$0x3FDB];
	_ =	sdelay $0x1  }
0x99: {  	s4 =	simm.s32 $_scs_section_size  }
0x9a: {  	s5 =	simm.s32 $_size__tile_overlayer_lowered;
	s6 =	simm.s32 $_tile_overlayer_lowered  }
0x9b: {  	s7 =	simm.s32 $0x1BFF;
	s21 =	sshll.u32 s6, $0x1;
	s4 =	sadd.s32 s4, s20  }
0x9c: {  	s22 =	simm.s32 $0x0;
	s5 =	sshll.u32 s5, $0x1;
	s6 =	sadd.s32 s21, s4  }
0x9d: {  	[timem:s22], [sflag:s7] =	dma.local [hbm:s6], s5  }
0x9e: {  	_ =	swait.ge [sflag:s7], s5  }
0x9f: {  	s5 =	ssub.s32 $0x0, s5;
	[sflag:s7] =	ssyncset.done $0x0  }
0xa0: {  	[sflag:s7] =	ssyncadd.s32 s5;
	_ =	sdelay $0x1  }
0xa1: {  	s23 =	simm.s32 $0x1B8B  }
0xa2: {  	_ =	swait.ge [sflag:s23], $0x1  }
0xa3: {  	[sflag:s23] =	ssyncset.done $0x0  }
0xa4: {  	[sflag:s23] =	ssyncadd.s32 $0xFFFFFFFF  }
0xa5: {  	s5 =	sld [smem:$0x0]  }
0xa6: {  	s6 =	sand.u32 $0xFFFFFFFE, s1  }
0xa7: {  	p0 =	sne.s32 s1, s6  }
0xa8: {  	s6 =	sshll.u32 @p0 s6, $0xE  }
0xa9: {  	s6 =	sadd.s32 @p0 $0x11B8D, s6;
	s7 =	sshll.u32 @p0 s5, $0x11  }
0xaa: {  	s6 =	sor.u32 @p0 s7, s6  }
0xab: {  	[sflag:s6] =	ssyncadd.remote.s32 @p0 $0x1;
	_ =	sdelay $0x1  }
0xac: {  	s6 =	simm.s32 @p0 $0x1B8D  }
0xad: {  	_ =	swait.eq @p0 [sflag:s6], $0x1  }
0xae: {  	[sflag:s6] =	ssyncadd.s32 @p0 $0xFFFFFFFF  }
0xaf: {  	s7 =	sshll.u32 @!p0 s1, $0xE  }
0xb0: {  	s7 =	sor.u32 @!p0 $0x4000, s7;
	s6 =	simm.s32 @!p0 $0x1B8D  }
0xb1: {  	s5 =	sshll.u32 @!p0 s5, $0x11;
	s7 =	sadd.s32 @!p0 $0x11B8D, s7;
	_ =	swait.eq @!p0 [sflag:s6], $0x1  }
0xb2: {  	s5 =	sor.u32 @!p0 s5, s7;
	[sflag:s6] =	ssyncadd.s32 @!p0 $0xFFFFFFFF  }
0xb3: {  	s25 =	simm.s32 $0x1B8E;
	s24 =	sld [smem:$0x3FFE];
	[sflag:s5] =	ssyncadd.remote.s32 @!p0 $0x1  }
0xb4: {  	s26 =	simm.s32 $execute0_lowered;
	[smem:$0x3FD2] =	sst s25  }
0xb5: {  	s6 =	sshll.u32 s26, $0x1;
	_ =	strace $0x80000049;
	[dreg:$0x1] =	wrdreg $0xFFFFFFFF  }
0xb6: {  	s28 =	simm.s32 $_size_execute0_lowered;
	s4 =	sadd.s32 s4, s6;
	[dreg:$0x0] =	wrdreg $0x0  }
0xb7: {  	s6 =	sshll.u32 s28, $0x1;
	[dreg:$0x2] =	wrdreg s4  }
0xb8: {  	[dreg:$0x3] =	wrdreg s6  }
0xb9: {  	[dreg:$0x4] =	wrdreg $0xC0  }
0xba: {  	_ =	task [dreg:s22], $0x5FFFF  }
0xbb: {  	[dreg:$0x1] =	wrdreg $0xFFFFFFFF  }
0xbc: {  	[dreg:$0x0] =	wrdreg $0x60  }
0xbd: {  	[dreg:$0x2] =	wrdreg s18  }
0xbe: {  	[dreg:$0x3] =	wrdreg s24  }
0xbf: {  	[dreg:$0x4] =	wrdreg $0x9D000  }
0xc0: {  	[dreg:$0x5] =	wrdreg $0xA  }
0xc1: {  	_ =	task.clear_ibuf [dreg:s22], $0x6FFFF;
	_ =	strace $0x90000049  }
0xc2: {  	s29 =	simm.s32 $0xA;
	_ =	strace $0x8000004B  }
0xc3: {  	_ =	swait.ge [sflag:s29], $0x1  }
0xc4: {  	[sflag:s29] =	ssyncadd.s32 $0xFFFFFFFF  }
0xc5: {  	_ =	strace $0x9000004B  }
0xc6: {  	_ =	sfence  }
0xc7: {  	s30 =	sld [smem:$0x0];
	_ =	sdelay $0x2  }
0xc8: {  	s31 =	sshll.u32 s1, $0xD;
	s1 =	sshrl.u32 s1, $0x2  }
0xc9: {  	s4 =	sand.u32 $0x4000, s31;
	s1 =	sadd.s32 s1, s30  }
0xca: {  	s0 =	sor.u32 s4, s0;
	s1 =	sshll.u32 s1, $0x11  }
0xcb: {  	s0 =	sor.u32 s1, s0  }
0xcc: {  	s0 =	sadd.s32 $0x8F2B, s0  }
0xcd: {  	[sflag:s0] =	ssyncadd.remote.s32 $0x1  }
0xce: {  	_ =	sfence.sel $0xFFFF  }
0xcf: {  	[dreg:$0x0] =	wrdreg $0xFFFFFFFF;
	(pc) =	sbr.abs _section_cstart, $3  }
0xd0: {  	[dreg:$0x1] =	wrdreg $0xFFFFFFFF  }
0xd1: {  	_ =	task.clear_ibuf [dreg:s22], $0x2FFFF;
	_ =	strace $0x9FFFFFFF  }
0xd2: {  	(tm) =	ssettm $0x7FFFFFFF  }
0xd3: {  	_ =	shalt  }
tec
execute0_lowered:
.L_overlay_start_1:
0x0: {  	(tag) =	ssettag $0x1  }
0x1: {  	s0 =	rddreg [dreg:$0x0]  }
0x2: {  	s1 =	rddreg [dreg:$0x1]  }
0x3: {  	s2 =	rddreg [dreg:$0x2];
	s3 =	simm.s32 $0x0  }
0x4: {  	s17 =	stileid.u32;
	s5 =	srdreg.scid;
	s15 =	simm.s32 $0x7D  }
0x5: {  	s16 =	simm.s32 $0x2000;
	s28 =	simm.s32 $0x5;
	s29 =	simm.s32 $0x3  }
0x6: {  	s30 =	simm.s32 $0x6;
	s31 =	simm.s32 $0x4;
	s6 =	smul.u32 $0x9E00, s17  }
0x7: {  	[smem:$0x7FF] =	sst s3;
	s4 =	sadd.s32 $0x10C00, s1;
	s19 =	smul.u32 $0xA00, s17  }
0x8: {  	s7 =	sand.u32 $0x1, s5;
	s5 =	sadd.s32 $0x1AC00, s1;
	s22 =	smul.u32 $0x5000, s17  }
0x9: {  	s20 =	sshll.u32 s17, $0x6;
	_ =	strace $0x8000004A;
	s9 =	smul.u32 $0x13C00, s7  }
0xa: {  	s10 =	ssub.s32 $0x2, s7;
	s13 =	smul.u32 $0x13880, s7;
	s7 =	sor.u32 $0x1C0A, s20  }
0xb: {  	s8 =	sshrl.u32 s6, $0x3;
	s12 =	sshrl.u32 s10, $0x1;
	s6 =	sadd.s32 s6, s2  }
0xc: {  	s23 =	sadd.s32 s4, s19;
	s24 =	sadd.s32 s5, s19;
	[dreg:$0x4] =	wrdreg s22  }
0xd: {  	s19 =	simm.s32 $0x1;
	s22 =	simm.s32 $0x2;
	[dreg:$0x9] =	wrdreg s7  }
0xe: {  	s11 =	sadd.s32 s8, s1;
	s1 =	sadd.s32 s9, s1;
	[dreg:$0x6] =	wrdreg s23  }
0xf: {  	s18 =	ssub.s32 s10, s12;
	[dreg:$0x7] =	wrdreg s24;
	s10 =	sadd.s32 s0, s13  }
0x10: {  	s6 =	sshrl.u32 s6, $0x3;
	s13 =	simm.s32 $0xA;
	s23 =	simm.s32 $0x0  }
0x11: {  	s21 =	sadd.s32 $0x24C00, s11;
	s25 =	sadd.s32 $0x38800, s1;
	s26 =	smax.u32 s18, $0x1  }
0x12: {  	s18 =	simm.s32 $0x3F40;
	s1 =	simm.s32 $0x8;
	[dreg:$0x5] =	wrdreg s21  }
0x13: {  	[dreg:$0x8] =	wrdreg s26;
	s21 =	simm.s32 $0x5E80;
	s0 =	sadd.s32 s8, s25  }
0x14: {  	s26 =	simm.s32 $0x7DC0;
	[dreg:$0xa] =	wrdreg s0;
	s0 =	simm.s32 $0x7  }
.LBB2_1:
0x15: {  	s3 =	rddreg [dreg:$0x5]  }
0x16: {  	[spmem:s6], [sflag:s7] =	dma.local [hbm:s3], $0x13C0  }
0x17: {  	_ =	swait.ge [sflag:s13], $0x13C0  }
0x18: {  	[sflag:s13] =	ssyncset.done $0x0  }
0x19: {  	[sflag:s13] =	ssyncadd.s32 $0xFFFFEC40  }
0x1a: {  	[bflag:$0x0] =	sbarrier.arrive $0xFFFF  }
0x1b: {  	s3 =	simm.s32 $0x0;
	s8 =	rddreg [dreg:$0x6]  }
0x1c: {  	[tilespmem:s3], [sflag:$0xA] =	stream.linear.gather [hbm4b:s8+s3], $0x800, $0x38;
	[tilespmem:$0x13B00] =	vst v63  }
0x1d: {  	_ =	swait.ge [sflag:s13], $0x800  }
0x1e: {  	[sflag:s13] =	ssyncset.done $0x0  }
0x1f: {  	s11 =	simm.s32 $0x1000;
	s9 =	rddreg [dreg:$0x7];
	[sflag:s13] =	ssyncadd.s32 $0xFFFFF800  }
0x20: {  	[tilespmem:s11], [sflag:$0xA] =	stream.linear.gather [hbm4b:s9+s3], $0x800, $0x38;
	[tilespmem:$0x13B00] =	vst v63  }
0x21: {  	_ =	swait.ge [sflag:s13], $0x800  }
0x22: {  	[sflag:s13] =	ssyncset.done $0x0  }
0x23: {  	[sflag:s13] =	ssyncadd.s32 $0xFFFFF800  }
0x24: {  	[tilespmem:s16], [sflag:$0x1] =	stream.indirect.gather [hbm4b:s10+s15], $0x40, s3, s15, $0xb8;
	[tilespmem:$0x13B00] =	vst v63  }
0x25: {  	s12 =	smov.u32 s6;
	s14 =	simm.s32 $0x80;
	s6 =	sand.u32 $0xC, s31  }
0x26: {  	[tilespmem:s18], [sflag:$0x2] =	stream.indirect.gather [hbm4b:s10+s15], $0x40, s14, s15, $0xb8;
	[tilespmem:$0x13B00] =	vst v63  }
0x27: {  	p0 =	sne.s32 s6, $0x0;
	_ =	swait.ge [sflag:s19], $0x1F40  }
0x28: {  	p1 =	por @p0 $0x0, $0x0;
	[sflag:s19] =	ssyncset.done $0x0  }
0x29: {  	p2 =	por p1, !p0;
	[sflag:s19] =	ssyncadd.s32 $0xFFFFE0C0  }
0x2a: {  	[spmem:s2] =	stream.indirect.scatter.add.f32 [tilespmem:s16], [sflag:$0x5], $0x40, s11, s15, $0xb8;
	[tilespmem:$0x13B00] =	vst v63  }
0x2b: {  	s17 =	simm.s32 $0x100;
	p2 =	sne.s32 @!p2 s6, $0x4  }
0x2c: {  	[tilespmem:s21], [sflag:$0x3] =	stream.indirect.gather [hbm4b:s10+s15], $0x40, s17, s15, $0xb8;
	[tilespmem:$0x13B00] =	vst v63  }
0x2d: {  	p1 =	por @p0 p2, p1;
	_ =	swait.ge [sflag:s22], $0x1F40  }
0x2e: {  	p1 =	por p1, !p0;
	[sflag:s22] =	ssyncset.done $0x0;
	s8 =	rddreg [dreg:$0x4]  }
0x2f: {  	s20 =	simm.s32 $0x1080;
	[sflag:s22] =	ssyncadd.s32 $0xFFFFE0C0;
	s8 =	sadd.s32 @!p1 $0x800, s8  }
0x30: {  	[spmem:s2] =	stream.indirect.scatter.add.f32 [tilespmem:s18], [sflag:$0x6], $0x40, s20, s15, $0xb8;
	[tilespmem:$0x13B00] =	vst v63  }
0x31: {  	s24 =	simm.s32 $0x180;
	s9 =	simm.s32 @!p1 $0x800;
	s8 =	sshrl.u32 @!p1 s8, $0x3  }
0x32: {  	[tilespmem:s26], [sflag:$0x4] =	stream.indirect.gather [hbm4b:s10+s15], $0x40, s24, s15, $0xb8;
	[tilespmem:$0x13B00] =	vst v63  }
0x33: {  	s9 =	sand.u32 @!p1 $0x800, s9;
	s17 =	simm.s32 @!p1 $0x0;
	s14 =	sadd.s32 @!p1 s4, s8  }
0x34: {  	[tilespmem:s9], [sflag:$0x9] =	stream.linear.gather @!p1 [hbm4b:s14+s17], $0x800, $0x38;
	[tilespmem:$0x13B00] =	vst v63  }
0x35: {  	s8 =	sadd.s32 @!p1 s5, s8;
	s9 =	sor.u32 @!p1 $0x1000, s9;
	s14 =	simm.s32 @!p0 $0x9  }
0x36: {  	[tilespmem:s9], [sflag:$0x9] =	stream.linear.gather @!p1 [hbm4b:s8+s17], $0x800, $0x38;
	[tilespmem:$0x13B00] =	vst v63  }
0x37: {  	_ =	swait.ge @!p0 [sflag:s14], $0x800  }
0x38: {  	[sflag:s14] =	ssyncset.done @!p0 $0x0  }
0x39: {  	[sflag:s14] =	ssyncadd.s32 @!p0 $0xFFFFF800  }
0x3a: {  	_ =	swait.ge @!p0 [sflag:s14], $0x800  }
0x3b: {  	[sflag:s14] =	ssyncset.done @!p0 $0x0  }
0x3c: {  	[sflag:s14] =	ssyncadd.s32 @!p0 $0xFFFFF800  }
0x3d: {  	s25 =	simm.s32 $0x0;
	_ =	swait.ge [sflag:s28], $0x1F40  }
0x3e: {  	s6 =	sshll.u32 s6, $0x7;
	s8 =	sand.u32 $0x800, s25;
	[sflag:s28] =	ssyncset.done $0x0  }
0x3f: {  	s8 =	sor.u32 s6, s8;
	[sflag:s28] =	ssyncadd.s32 $0xFFFFE0C0  }
0x40: {  	[tilespmem:s16], [sflag:$0x1] =	stream.indirect.gather [hbm4b:s10+s15], $0x40, s8, s15, $0xb8;
	[tilespmem:$0x13B00] =	vst v63  }
0x41: {  	_ =	swait.ge [sflag:s29], $0x1F40  }
0x42: {  	s3 =	sand.u32 $0xE00, s3;
	[sflag:s29] =	ssyncset.done $0x0  }
0x43: {  	s7 =	sor.u32 $0x1100, s3;
	[sflag:s29] =	ssyncadd.s32 $0xFFFFE0C0  }
0x44: {  	[spmem:s2] =	stream.indirect.scatter.add.f32 [tilespmem:s21], [sflag:$0x7], $0x40, s7, s15, $0xb8;
	[tilespmem:$0x13B00] =	vst v63  }
0x45: {  	_ =	swait.ge [sflag:s30], $0x1F40  }
0x46: {  	s11 =	simm.s32 $0x280;
	[sflag:s30] =	ssyncset.done $0x0  }
0x47: {  	s9 =	sand.u32 $0xE80, s11;
	[sflag:s30] =	ssyncadd.s32 $0xFFFFE0C0  }
0x48: {  	[tilespmem:s18], [sflag:$0x2] =	stream.indirect.gather [hbm4b:s10+s15], $0x40, s9, s15, $0xb8;
	[tilespmem:$0x13B00] =	vst v63  }
0x49: {  	_ =	swait.ge [sflag:s31], $0x1F40  }
0x4a: {  	[sflag:s31] =	ssyncset.done $0x0  }
0x4b: {  	s6 =	sor.u32 $0x1180, s3;
	[sflag:s31] =	ssyncadd.s32 $0xFFFFE0C0  }
0x4c: {  	[spmem:s2] =	stream.indirect.scatter.add.f32 [tilespmem:s26], [sflag:$0x8], $0x40, s6, s15, $0xb8;
	[tilespmem:$0x13B00] =	vst v63  }
0x4d: {  	s20 =	simm.s32 $0x8;
	_ =	swait.ge [sflag:s0], $0x1F40  }
0x4e: {  	s25 =	sand.u32 $0xC, s20;
	s14 =	simm.s32 $0x300;
	[sflag:s0] =	ssyncset.done $0x0  }
0x4f: {  	p0 =	sne.s32 s25, $0x0;
	s6 =	sand.u32 $0xF00, s14;
	[sflag:s0] =	ssyncadd.s32 $0xFFFFE0C0  }
0x50: {  	[tilespmem:s21], [sflag:$0x3] =	stream.indirect.gather [hbm4b:s10+s15], $0x40, s6, s15, $0xb8;
	[tilespmem:$0x13B00] =	vst v63  }
0x51: {  	p1 =	por @p0 $0x0, $0x0;
	_ =	swait.ge [sflag:s19], $0x1F40  }
0x52: {  	s24 =	simm.s32 $0x380;
	p2 =	por p1, !p0;
	[sflag:s19] =	ssyncset.done $0x0  }
0x53: {  	p2 =	sne.s32 @!p2 s25, $0x4;
	s8 =	sor.u32 $0x1000, s8;
	[sflag:s19] =	ssyncadd.s32 $0xFFFFE0C0  }
0x54: {  	[spmem:s2] =	stream.indirect.scatter.add.f32 [tilespmem:s16], [sflag:$0x5], $0x40, s8, s15, $0xb8;
	[tilespmem:$0x13B00] =	vst v63  }
0x55: {  	s17 =	simm.s32 $0xC;
	p2 =	por @p0 p2, p1;
	_ =	swait.ge [sflag:s1], $0x1F40  }
0x56: {  	s14 =	sand.u32 $0xF80, s24;
	s6 =	simm.s32 $0x1;
	[sflag:s1] =	ssyncset.done $0x0  }
0x57: {  	s8 =	sshll.u32 s25, $0x7;
	s25 =	simm.s32 $0x200;
	[sflag:s1] =	ssyncadd.s32 $0xFFFFE0C0  }
.LBB2_2:
0x58: {  	[tilespmem:s26], [sflag:$0x4] =	stream.indirect.gather [hbm4b:s10+s15], $0x40, s14, s15, $0xb8;
	[tilespmem:$0x13B00] =	vst v63  }
0x59: {  	s20 =	sshrl.u32 s20, $0x4;
	p2 =	por p2, !p0  }
0x5a: {  	s7 =	smov.u32 s17;
	_ =	swait.ge [sflag:s22], $0x1F40;
	s24 =	sshll.u32 @!p2 s20, $0xB  }
0x5b: {  	s9 =	sor.u32 $0x1000, s9;
	s11 =	rddreg [dreg:$0x4];
	s24 =	sadd.s32 @!p2 $0x800, s24  }
0x5c: {  	s3 =	sshll.u32 s20, $0xB;
	[sflag:s22] =	ssyncset.done $0x0;
	s11 =	sadd.s32 @!p2 s11, s24  }
0x5d: {  	s20 =	smov.u32 s7;
	[sflag:s22] =	ssyncadd.s32 $0xFFFFE0C0;
	s11 =	sshrl.u32 @!p2 s11, $0x3  }
0x5e: {  	[spmem:s2] =	stream.indirect.scatter.add.f32 [tilespmem:s18], [sflag:$0x6], $0x40, s9, s15, $0xb8;
	[tilespmem:$0x13B00] =	vst v63  }
0x5f: {  	s7 =	simm.s32 @!p2 $0x0;
	s14 =	sand.u32 @!p2 $0x800, s24;
	s9 =	sadd.s32 @!p2 s4, s11  }
0x60: {  	[tilespmem:s14], [sflag:$0x9] =	stream.linear.gather @!p2 [hbm4b:s9+s7], $0x800, $0x38;
	[tilespmem:$0x13B00] =	vst v63  }
0x61: {  	s24 =	sor.u32 @!p2 $0x1000, s14;
	s11 =	sadd.s32 @!p2 s5, s11;
	s9 =	simm.s32 @!p0 $0x9  }
0x62: {  	[tilespmem:s24], [sflag:$0x9] =	stream.linear.gather @!p2 [hbm4b:s11+s7], $0x800, $0x38;
	[tilespmem:$0x13B00] =	vst v63  }
0x63: {  	_ =	swait.ge @!p0 [sflag:s9], $0x800  }
0x64: {  	[sflag:s9] =	ssyncset.done @!p0 $0x0  }
0x65: {  	[sflag:s9] =	ssyncadd.s32 @!p0 $0xFFFFF800  }
0x66: {  	_ =	swait.ge @!p0 [sflag:s9], $0x800  }
0x67: {  	[sflag:s9] =	ssyncset.done @!p0 $0x0  }
0x68: {  	[sflag:s9] =	ssyncadd.s32 @!p0 $0xFFFFF800  }
0x69: {  	_ =	swait.ge [sflag:s28], $0x1F40  }
0x6a: {  	s3 =	sand.u32 $0x800, s3;
	[sflag:s28] =	ssyncset.done $0x0  }
0x6b: {  	s3 =	sor.u32 s8, s3;
	[sflag:s28] =	ssyncadd.s32 $0xFFFFE0C0  }
0x6c: {  	[tilespmem:s16], [sflag:$0x1] =	stream.indirect.gather [hbm4b:s10+s15], $0x40, s3, s15, $0xb8;
	[tilespmem:$0x13B00] =	vst v63  }
0x6d: {  	_ =	swait.ge [sflag:s29], $0x1F40  }
0x6e: {  	s24 =	sand.u32 $0xE00, s25;
	[sflag:s29] =	ssyncset.done $0x0  }
0x6f: {  	s9 =	sor.u32 $0x1100, s24;
	[sflag:s29] =	ssyncadd.s32 $0xFFFFE0C0  }
0x70: {  	[spmem:s2] =	stream.indirect.scatter.add.f32 [tilespmem:s21], [sflag:$0x7], $0x40, s9, s15, $0xb8;
	[tilespmem:$0x13B00] =	vst v63  }
0x71: {  	_ =	swait.ge [sflag:s30], $0x1F40  }
0x72: {  	s11 =	sadd.s32 $0x280, s25;
	[sflag:s30] =	ssyncset.done $0x0  }
0x73: {  	s9 =	sand.u32 $0xE80, s11;
	[sflag:s30] =	ssyncadd.s32 $0xFFFFE0C0  }
0x74: {  	[tilespmem:s18], [sflag:$0x2] =	stream.indirect.gather [hbm4b:s10+s15], $0x40, s9, s15, $0xb8;
	[tilespmem:$0x13B00] =	vst v63  }
0x75: {  	_ =	swait.ge [sflag:s31], $0x1F40  }
0x76: {  	[sflag:s31] =	ssyncset.done $0x0  }
0x77: {  	s7 =	sor.u32 $0x1180, s24;
	[sflag:s31] =	ssyncadd.s32 $0xFFFFE0C0  }
0x78: {  	[spmem:s2] =	stream.indirect.scatter.add.f32 [tilespmem:s26], [sflag:$0x8], $0x40, s7, s15, $0xb8;
	[tilespmem:$0x13B00] =	vst v63  }
0x79: {  	s17 =	sadd.s32 $0x4, s17;
	_ =	swait.ge [sflag:s0], $0x1F40  }
0x7a: {  	s6 =	sadd.s32 $0x1, s6;
	s14 =	sadd.s32 $0x300, s25;
	[sflag:s0] =	ssyncset.done $0x0  }
0x7b: {  	p1 =	sne.s32 s17, $0xA0;
	s7 =	sand.u32 $0xF00, s14;
	[sflag:s0] =	ssyncadd.s32 $0xFFFFE0C0  }
0x7c: {  	[tilespmem:s21], [sflag:$0x3] =	stream.indirect.gather [hbm4b:s10+s15], $0x40, s7, s15, $0xb8;
	[tilespmem:$0x13B00] =	vst v63  }
0x7d: {  	s24 =	sadd.s32 $0x380, s25;
	s7 =	sand.u32 $0xC, s20;
	_ =	swait.ge [sflag:s19], $0x1F40  }
0x7e: {  	s3 =	sor.u32 $0x1000, s3;
	p0 =	sne.s32 s7, $0x0;
	[sflag:s19] =	ssyncset.done $0x0  }
.Ltmp0:
0x7f: {  	p2 =	sgt.u32 @p0 s6, $0x22;
	[sflag:s19] =	ssyncadd.s32 $0xFFFFE0C0;
	(pc) =	sbr.rel @p1 .LBB2_2-.Ltmp0, $4  }
0x80: {  	[spmem:s2] =	stream.indirect.scatter.add.f32 [tilespmem:s16], [sflag:$0x5], $0x40, s3, s15, $0xb8;
	[tilespmem:$0x13B00] =	vst v63  }
0x81: {  	s25 =	sadd.s32 $0x200, s25;
	p3 =	por p2, !p0;
	_ =	swait.ge [sflag:s1], $0x1F40  }
0x82: {  	s14 =	sand.u32 $0xF80, s24;
	p3 =	sne.s32 @!p3 s7, $0x4;
	[sflag:s1] =	ssyncset.done $0x0  }
0x83: {  	s8 =	sshll.u32 s7, $0x7;
	p2 =	por @p0 p3, p2;
	[sflag:s1] =	ssyncadd.s32 $0xFFFFE0C0  }
0x84: {  	[tilespmem:s26], [sflag:$0x4] =	stream.indirect.gather [hbm4b:s10+s15], $0x40, s14, s15, $0xb8;
	[tilespmem:$0x13B00] =	vst v63  }
0x85: {  	s3 =	sshrl.u32 s20, $0x4;
	p1 =	por p2, !p0  }
0x86: {  	_ =	swait.ge [sflag:s22], $0x1F40;
	s7 =	sshll.u32 @!p1 s3, $0xB  }
0x87: {  	s6 =	rddreg [dreg:$0x4];
	s7 =	sadd.s32 @!p1 $0x800, s7  }
0x88: {  	[sflag:s22] =	ssyncset.done $0x0;
	s6 =	sadd.s32 @!p1 s6, s7  }
0x89: {  	s9 =	sor.u32 $0x1000, s9;
	[sflag:s22] =	ssyncadd.s32 $0xFFFFE0C0;
	s6 =	sshrl.u32 @!p1 s6, $0x3  }
0x8a: {  	[spmem:s2] =	stream.indirect.scatter.add.f32 [tilespmem:s18], [sflag:$0x6], $0x40, s9, s15, $0xb8;
	[tilespmem:$0x13B00] =	vst v63  }
0x8b: {  	s11 =	simm.s32 @!p1 $0x0;
	s7 =	sand.u32 @!p1 $0x800, s7;
	s9 =	sadd.s32 @!p1 s4, s6  }
0x8c: {  	[tilespmem:s7], [sflag:$0x9] =	stream.linear.gather @!p1 [hbm4b:s9+s11], $0x800, $0x38;
	[tilespmem:$0x13B00] =	vst v63  }
0x8d: {  	s6 =	sadd.s32 @!p1 s5, s6;
	s7 =	sor.u32 @!p1 $0x1000, s7  }
0x8e: {  	[tilespmem:s7], [sflag:$0x9] =	stream.linear.gather @!p1 [hbm4b:s6+s11], $0x800, $0x38;
	[tilespmem:$0x13B00] =	vst v63  }
0x8f: {  	s6 =	simm.s32 @!p0 $0x9  }
0x90: {  	_ =	swait.ge @!p0 [sflag:s6], $0x800  }
0x91: {  	[sflag:s6] =	ssyncset.done @!p0 $0x0  }
0x92: {  	[sflag:s6] =	ssyncadd.s32 @!p0 $0xFFFFF800  }
0x93: {  	_ =	swait.ge @!p0 [sflag:s6], $0x800  }
0x94: {  	[sflag:s6] =	ssyncset.done @!p0 $0x0  }
0x95: {  	[sflag:s6] =	ssyncadd.s32 @!p0 $0xFFFFF800  }
0x96: {  	s3 =	sshll.u32 s3, $0xB;
	_ =	swait.ge [sflag:s28], $0x1F40  }
0x97: {  	s3 =	sand.u32 $0x800, s3;
	[sflag:s28] =	ssyncset.done $0x0  }
0x98: {  	s3 =	sor.u32 s8, s3;
	[sflag:s28] =	ssyncadd.s32 $0xFFFFE0C0  }
0x99: {  	[tilespmem:s16], [sflag:$0x1] =	stream.indirect.gather [hbm4b:s10+s15], $0x40, s3, s15, $0xb8;
	[tilespmem:$0x13B00] =	vst v63  }
0x9a: {  	_ =	swait.ge [sflag:s29], $0x1F40  }
0x9b: {  	s20 =	sand.u32 $0xE00, s25;
	[sflag:s29] =	ssyncset.done $0x0  }
0x9c: {  	s24 =	sor.u32 $0x1100, s20;
	[sflag:s29] =	ssyncadd.s32 $0xFFFFE0C0  }
0x9d: {  	[spmem:s2] =	stream.indirect.scatter.add.f32 [tilespmem:s21], [sflag:$0x7], $0x40, s24, s15, $0xb8;
	[tilespmem:$0x13B00] =	vst v63  }
0x9e: {  	_ =	swait.ge [sflag:s30], $0x1F40  }
0x9f: {  	s8 =	sadd.s32 $0x280, s25;
	[sflag:s30] =	ssyncset.done $0x0  }
0xa0: {  	s7 =	sand.u32 $0xE80, s8;
	[sflag:s30] =	ssyncadd.s32 $0xFFFFE0C0  }
0xa1: {  	[tilespmem:s18], [sflag:$0x2] =	stream.indirect.gather [hbm4b:s10+s15], $0x40, s7, s15, $0xb8;
	[tilespmem:$0x13B00] =	vst v63  }
0xa2: {  	_ =	swait.ge [sflag:s31], $0x1F40  }
0xa3: {  	[sflag:s31] =	ssyncset.done $0x0  }
0xa4: {  	s6 =	sor.u32 $0x1180, s20;
	[sflag:s31] =	ssyncadd.s32 $0xFFFFE0C0  }
0xa5: {  	[spmem:s2] =	stream.indirect.scatter.add.f32 [tilespmem:s26], [sflag:$0x8], $0x40, s6, s15, $0xb8;
	[tilespmem:$0x13B00] =	vst v63  }
0xa6: {  	_ =	swait.ge [sflag:s0], $0x1F40  }
0xa7: {  	s9 =	sadd.s32 $0x300, s25;
	[sflag:s0] =	ssyncset.done $0x0  }
0xa8: {  	s6 =	sand.u32 $0xF00, s9;
	[sflag:s0] =	ssyncadd.s32 $0xFFFFE0C0  }
0xa9: {  	[tilespmem:s21], [sflag:$0x3] =	stream.indirect.gather [hbm4b:s10+s15], $0x40, s6, s15, $0xb8;
	[tilespmem:$0x13B00] =	vst v63  }
0xaa: {  	_ =	swait.ge [sflag:s19], $0x1F40  }
0xab: {  	[sflag:s19] =	ssyncset.done $0x0  }
0xac: {  	s3 =	sor.u32 $0x1000, s3;
	[sflag:s19] =	ssyncadd.s32 $0xFFFFE0C0  }
0xad: {  	[spmem:s2] =	stream.indirect.scatter.add.f32 [tilespmem:s16], [sflag:$0x5], $0x40, s3, s15, $0xb8;
	[tilespmem:$0x13B00] =	vst v63  }
0xae: {  	_ =	swait.ge [sflag:s1], $0x1F40  }
0xaf: {  	s11 =	sadd.s32 $0x380, s25;
	[sflag:s1] =	ssyncset.done $0x0  }
0xb0: {  	s3 =	sand.u32 $0xF80, s11;
	[sflag:s1] =	ssyncadd.s32 $0xFFFFE0C0  }
0xb1: {  	[tilespmem:s26], [sflag:$0x4] =	stream.indirect.gather [hbm4b:s10+s15], $0x40, s3, s15, $0xb8;
	[tilespmem:$0x13B00] =	vst v63  }
0xb2: {  	_ =	swait.ge [sflag:s22], $0x1F40  }
0xb3: {  	[sflag:s22] =	ssyncset.done $0x0  }
0xb4: {  	s14 =	sor.u32 $0x1000, s7;
	[sflag:s22] =	ssyncadd.s32 $0xFFFFE0C0  }
0xb5: {  	[spmem:s2] =	stream.indirect.scatter.add.f32 [tilespmem:s18], [sflag:$0x6], $0x40, s14, s15, $0xb8;
	[tilespmem:$0x13B00] =	vst v63  }
0xb6: {  	_ =	swait.ge [sflag:s29], $0x1F40  }
0xb7: {  	[sflag:s29] =	ssyncset.done $0x0  }
0xb8: {  	s17 =	simm.s32 $0x1F00;
	[sflag:s29] =	ssyncadd.s32 $0xFFFFE0C0  }
0xb9: {  	[spmem:s2] =	stream.indirect.scatter.add.f32 [tilespmem:s21], [sflag:$0x7], $0x40, s17, s15, $0xb8;
	[tilespmem:$0x13B00] =	vst v63  }
0xba: {  	_ =	swait.ge [sflag:s31], $0x1F40  }
0xbb: {  	[sflag:s31] =	ssyncset.done $0x0  }
0xbc: {  	s20 =	simm.s32 $0x1F80;
	[sflag:s31] =	ssyncadd.s32 $0xFFFFE0C0  }
0xbd: {  	[spmem:s2] =	stream.indirect.scatter.add.f32 [tilespmem:s26], [sflag:$0x8], $0x40, s20, s15, $0xb8;
	[tilespmem:$0x13B00] =	vst v63  }
0xbe: {  	_ =	swait.ge [sflag:s28], $0x1F40  }
0xbf: {  	[sflag:s28] =	ssyncset.done $0x0  }
0xc0: {  	[sflag:s28] =	ssyncadd.s32 $0xFFFFE0C0  }
0xc1: {  	_ =	swait.ge [sflag:s30], $0x1F40  }
0xc2: {  	[sflag:s30] =	ssyncset.done $0x0  }
0xc3: {  	[sflag:s30] =	ssyncadd.s32 $0xFFFFE0C0  }
0xc4: {  	_ =	swait.ge [sflag:s0], $0x1F40  }
0xc5: {  	[sflag:s0] =	ssyncset.done $0x0  }
0xc6: {  	[sflag:s0] =	ssyncadd.s32 $0xFFFFE0C0  }
0xc7: {  	_ =	swait.ge [sflag:s1], $0x1F40  }
0xc8: {  	[sflag:s1] =	ssyncset.done $0x0  }
0xc9: {  	[sflag:s1] =	ssyncadd.s32 $0xFFFFE0C0  }
0xca: {  	[bflag:$0x0] =	sbarrier.arrive $0xFFFF  }
0xcb: {  	s7 =	rddreg [dreg:$0x9]  }
0xcc: {  	s24 =	rddreg [dreg:$0xa]  }
0xcd: {  	[hbm:s24], [sflag:s7] =	dma.local [spmem:s12], $0x13C0  }
0xce: {  	_ =	swait.ge [sflag:s13], $0x13C0  }
0xcf: {  	s23 =	sadd.s32 $0x1, s23;
	s25 =	rddreg [dreg:$0x8]  }
0xd0: {  	p0 =	sne.s32 s23, s25  }
.Ltmp1:
0xd1: {  	_ = 	snop;
	(pc) =	sbr.rel @p0 .LBB2_1-.Ltmp1, $3  }
0xd2: {  	_ =	sdelay $0x1  }
0xd3: {  	[sflag:s13] =	ssyncset.done $0x0  }
0xd4: {  	s6 =	smov.u32 s12;
	[sflag:s13] =	ssyncadd.s32 $0xFFFFEC40  }
0xd5: {  	_ =	sfence.sel $0x180000  }
0xd6: {  	[bflag:$0x0] =	sbarrier.arrive $0xFFFF  }
0xd7: {  	_ =	strace $0x9000004A  }
0xd8: {  	s0 =	stileid.u32;
	[bflag:$0x2] =	sbarrier.arrive $0xFFFF  }
0xd9: {  	p0 =	sne.s32 s0, $0x0;
	s0 =	rddreg [dreg:$0x3]  }
0xda: {  	s0 =	sadd.s32 @!p0 $0x100000, s0  }
0xdb: {  	[sflag:s0] =	ssyncadd.tile.s32 @!p0 $0x1;
	_ =	shalt  }
.Lfunc_end2:
_tile_overlayer_lowered:
.L_overlay_start_2:
0xdc: {  	(tag) =	ssettag $0x2  }
0xdd: {  	s0 =	rddreg [dreg:$0x0];
	s2 =	stileid.u32  }
0xde: {  	s1 =	rddreg [dreg:$0x1];
	p0 =	sne.s32 s2, $0x0  }
0xdf: {  	s3 =	rddreg [dreg:$0x2];
	[bflag:$0x3] =	sbarrier.arrive $0xFFFF;
	s2 =	simm.s32 @!p0 $0x1C0A  }
0xe0: {  	[timem:s3], [sflag:s2] =	dma.local @!p0 [hbm:s0], s1  }
0xe1: {  	s0 =	simm.s32 @!p0 $0xA  }
0xe2: {  	_ =	swait.ge @!p0 [sflag:s0], s1  }
0xe3: {  	s1 =	ssub.s32 @!p0 $0x0, s1;
	[sflag:s0] =	ssyncset.done @!p0 $0x0  }
0xe4: {  	[sflag:s0] =	ssyncadd.s32 @!p0 s1  }
0xe5: {  	[bflag:$0x3] =	sbarrier.arrive $0xFFFF  }
0xe6: {  	_ =	shalt  }

// kernel: kernel.13.cloned.1.call-start
scs
__scs_entry_jumppad:
0x0: {  	(pc) =	sbr.rel $0x88, $3  }
0x1: {  	(tag) =	ssettag $0x0;
	lr =	simm.s32 $0x1  }
0x2: {  	[smem:$0x3F99] =	sst lr;
	_ =	strace $0xD0000000  }
0x3: {  	_ = 	snop  }
0x4: {  	_ = 	snop  }
0x5: {  	_ = 	snop  }
0x6: {  	_ = 	snop  }
0x7: {  	_ = 	snop  }
__scs_overlays_trampoline_lowered:
0x8: {  	[smem:$0x3FA8] =	sst s0  }
0x9: {  	[smem:$0x3FA9] =	sst s1  }
0xa: {  	[smem:$0x3FAA] =	sst s2  }
0xb: {  	[smem:$0x3FAB] =	sst s3  }
0xc: {  	[smem:$0x3FAC] =	sst s4  }
0xd: {  	[smem:$0x3FAD] =	sst s5  }
0xe: {  	[smem:$0x3FAE] =	sst s6  }
0xf: {  	[smem:$0x3FAF] =	sst s7  }
0x10: {  	[smem:$0x3FB0] =	sst s8  }
0x11: {  	[smem:$0x3FB1] =	sst s9;
	s0 =	simm.s32 @!p0 $0x0  }
0x12: {  	s1 =	sld [smem:$0x3F97];
	s0 =	simm.s32 @p0 $0x1  }
0x13: {  	[smem:$0x3FB2] =	sst s0;
	s0 =	simm.s32 @!p1 $0x0  }
0x14: {  	s2 =	sld [smem:$0x3F96];
	s0 =	simm.s32 @p1 $0x1  }
0x15: {  	[smem:$0x3FB3] =	sst s0;
	s0 =	simm.s32 @!p2 $0x0  }
0x16: {  	s3 =	sld [smem:$0x3FDB];
	s0 =	simm.s32 @p2 $0x1  }
0x17: {  	s4 =	simm.s32 $0x1BF5;
	[smem:$0x3FB5] =	sst s0  }
0x18: {  	s0 =	sld [smem:$0x3F98];
	_ =	swait.ge [sflag:s4], $0x0  }
0x19: {  	s7 =	sld [smem:$0x3F99]  }
0x1a: {  	s8 =	sadd.s32 $0xFFFFE003, lr  }
0x1b: {  	s9 =	sadd.s32 $0xFFFFFEF7, lr;
	s5 =	simm.s32 $0xFFFFFFFF;
	p2 =	slt.u32 s8, $0xFFFFF086  }
0x1c: {  	p1 =	slt.u32 s9, $0xF7A;
	s5 =	simm.s32 @!p2 $0x0  }
0x1d: {  	s5 =	simm.s32 @p1 $0x1;
	p0 =	seq.s32 s7, s2  }
0x1e: {  	s7 =	smul.u32 @!p0 $0xF7A, s2;
	p2 =	seq.s32 @!p0 s5, $0x0  }
0x1f: {  	s9 =	smul.u32 $0xF7A, s1;
	s8 =	simm.s32 @!p0 $0x1BF5;
	p2 =	por !p2, p0  }
0x20: {  	[sflag:s8] =	ssyncset.s32 @!p0 $0xFFFFF086;
	s6 =	sadd.s32 @!p0 s3, s7;
	s7 =	simm.s32 @!p0 $0x108  }
0x21: {  	s3 =	sadd.s32 s3, s9;
	s6 =	sadd.s32 @!p0 $0x88, s6;
	s7 =	simm.s32 @p2 $0x1082  }
0x22: {  	[simem:s7], [sflag:s8] =	dma.local @!p0 [hbm:s6], $0xF7A  }
0x23: {  	s9 =	sor.u32 $0xD0000000, s2;
	s6 =	simm.s32 $0x108;
	_ =	swait.ge @!p0 [sflag:s8], $0x0  }
0x24: {  	s3 =	sadd.s32 $0x88, s3;
	s6 =	simm.s32 @!p1 $0x1082;
	[sflag:s4] =	ssyncset.s32 $0xFFFFF086  }
0x25: {  	[simem:s6], [sflag:s4] =	dma.local [hbm:s3], $0xF7A  }
0x26: {  	[smem:$0x3F99] =	sst s1;
	(tag) =	ssettag s2;
	_ =	strace s9  }
0x27: {  	s1 =	sld [smem:$0x3FA9]  }
0x28: {  	s2 =	sld [smem:$0x3FAA]  }
0x29: {  	s4 =	sld [smem:$0x3FAC]  }
0x2a: {  	p0 =	seq.s32 s5, $0x0;
	s5 =	sld [smem:$0x3FAD]  }
0x2b: {  	s6 =	sld [smem:$0x3FAE]  }
0x2c: {  	s7 =	sld [smem:$0x3FAF]  }
0x2d: {  	s3 =	simm.s32 $0x108;
	s8 =	sld [smem:$0x3FB0]  }
0x2e: {  	s3 =	simm.s32 @!p0 $0x1082;
	s9 =	sld [smem:$0x3FB1]  }
0x2f: {  	lr =	sadd.s32 s0, s3;
	s0 =	sld [smem:$0x3FA8]  }
0x30: {  	s3 =	sld [smem:$0x3FAB]  }
0x31: {  	[smem:$0x3FB4] =	sst s10  }
0x32: {  	s10 =	sld [smem:$0x3FB2];
	_ =	sdelay $0x3  }
0x33: {  	p0 =	seq.s32 s10, $0x1;
	s10 =	sld [smem:$0x3FB4];
	_ =	sdelay $0x3  }
0x34: {  	[smem:$0x3FB4] =	sst s10  }
0x35: {  	s10 =	sld [smem:$0x3FB3];
	_ =	sdelay $0x3  }
0x36: {  	p1 =	seq.s32 s10, $0x1;
	s10 =	sld [smem:$0x3FB4];
	_ =	sdelay $0x3  }
0x37: {  	[smem:$0x3FB4] =	sst s10  }
0x38: {  	s10 =	sld [smem:$0x3FB5]  }
0x39: {  	_ = 	snop;
	(pc) =	sbr.ind lr, $3  }
0x3a: {  	_ = 	snop  }
0x3b: {  	_ = 	snop  }
0x3c: {  	p2 =	seq.s32 s10, $0x1;
	s10 =	sld [smem:$0x3FB4]  }
0x3d: {  	_ =	shalt  }
0x3e: {  	_ =	shalt  }
0x3f: {  	_ =	shalt  }
0x40: {  	_ =	shalt  }
0x41: {  	_ =	shalt  }
0x42: {  	_ =	shalt  }
0x43: {  	_ =	shalt  }
0x44: {  	_ =	shalt  }
0x45: {  	_ =	shalt  }
0x46: {  	_ =	shalt  }
0x47: {  	_ =	shalt  }
0x48: {  	_ =	shalt  }
0x49: {  	_ =	shalt  }
0x4a: {  	_ =	shalt  }
0x4b: {  	_ =	shalt  }
0x4c: {  	_ =	shalt  }
0x4d: {  	_ =	shalt  }
0x4e: {  	_ =	shalt  }
0x4f: {  	_ =	shalt  }
0x50: {  	_ =	shalt  }
0x51: {  	_ =	shalt  }
0x52: {  	_ =	shalt  }
0x53: {  	_ =	shalt  }
0x54: {  	_ =	shalt  }
0x55: {  	_ =	shalt  }
0x56: {  	_ =	shalt  }
0x57: {  	_ =	shalt  }
0x58: {  	_ =	shalt  }
0x59: {  	_ =	shalt  }
0x5a: {  	_ =	shalt  }
0x5b: {  	_ =	shalt  }
0x5c: {  	_ =	shalt  }
0x5d: {  	_ =	shalt  }
0x5e: {  	_ =	shalt  }
0x5f: {  	_ =	shalt  }
0x60: {  	_ =	shalt  }
0x61: {  	_ =	shalt  }
0x62: {  	_ =	shalt  }
0x63: {  	_ =	shalt  }
0x64: {  	_ =	shalt  }
0x65: {  	_ =	shalt  }
0x66: {  	_ =	shalt  }
0x67: {  	_ =	shalt  }
0x68: {  	_ =	shalt  }
0x69: {  	_ =	shalt  }
0x6a: {  	_ =	shalt  }
0x6b: {  	_ =	shalt  }
0x6c: {  	_ =	shalt  }
0x6d: {  	_ =	shalt  }
0x6e: {  	_ =	shalt  }
0x6f: {  	_ =	shalt  }
0x70: {  	_ =	shalt  }
0x71: {  	_ =	shalt  }
0x72: {  	_ =	shalt  }
0x73: {  	_ =	shalt  }
0x74: {  	_ =	shalt  }
0x75: {  	_ =	shalt  }
0x76: {  	_ =	shalt  }
0x77: {  	_ =	shalt  }
0x78: {  	_ =	shalt  }
0x79: {  	_ =	shalt  }
0x7a: {  	_ =	shalt  }
0x7b: {  	_ =	shalt  }
0x7c: {  	_ =	shalt  }
0x7d: {  	_ =	shalt  }
0x7e: {  	_ =	shalt  }
0x7f: {  	_ =	shalt  }
0x80: {  	_ =	shalt  }
0x81: {  	_ =	shalt  }
0x82: {  	_ =	shalt  }
0x83: {  	_ =	shalt  }
0x84: {  	_ =	shalt  }
0x85: {  	_ =	shalt  }
0x86: {  	_ =	shalt  }
0x87: {  	_ =	shalt  }
.Lfunc_end0:
.L_simem_size_0:
called_computation.2_lowered:
.L_overlay_start_0:
0x88: {  	s2 =	sld [smem:$0x3FD9]  }
0x89: {  	s3 =	sld [smem:$0x3FFE];
	_ =	sdelay $0x1  }
0x8a: {  	s1 =	srdreg.scid  }
0x8b: {  	s0 =	sand.u32 $0x1, s1  }
0x8c: {  	s17 =	sshll.u32 s0, $0xA;
	s2 =	sadd.s32 s3, s2  }
0x8d: {  	s2 =	sadd.s32 s2, s17  }
0x8e: {  	[smem:$0x3FC0] =	sst s2  }
0x8f: {  	_ = 	snop  }
0x90: {  	s2 =	sld [smem:$0x3FD0];
	(tm) =	ssettm $0x1  }
0x91: {  	s18 =	sld [smem:$0x3FFB];
	_ =	sdelay $0x3  }
0x92: {  	_ =	strace s18  }
0x93: {  	s3 =	sld [smem:$0x3FFC];
	_ =	sdelay $0x3  }
0x94: {  	_ =	strace s3  }
0x95: {  	s3 =	sld [smem:$0x3FFD];
	_ =	sdelay $0x3  }
0x96: {  	_ =	strace s3  }
0x97: {  	_ =	strace $0x8FFFFFFF  }
0x98: {  	s19 =	sld [smem:$0x3FDB];
	_ =	sdelay $0x1  }
0x99: {  	s4 =	simm.s32 $_scs_section_size  }
0x9a: {  	s5 =	simm.s32 $_size__tile_overlayer_lowered;
	s6 =	simm.s32 $_tile_overlayer_lowered  }
0x9b: {  	s22 =	simm.s32 $0x1BFF;
	s21 =	sshll.u32 s6, $0x1;
	s3 =	sadd.s32 s4, s19  }
0x9c: {  	s7 =	simm.s32 $0x0;
	s20 =	sshll.u32 s5, $0x1;
	s5 =	sadd.s32 s21, s3  }
0x9d: {  	[timem:s7], [sflag:s22] =	dma.local [hbm:s5], s20  }
0x9e: {  	_ =	swait.ge [sflag:s22], s20  }
0x9f: {  	s4 =	ssub.s32 $0x0, s20;
	[sflag:s22] =	ssyncset.done $0x0  }
0xa0: {  	[sflag:s22] =	ssyncadd.s32 s4;
	_ =	sdelay $0x1  }
0xa1: {  	s23 =	simm.s32 $0x1B8B  }
0xa2: {  	_ =	swait.ge [sflag:s23], $0x1  }
0xa3: {  	[sflag:s23] =	ssyncset.done $0x0  }
0xa4: {  	s25 =	simm.s32 $0x1B8E;
	s24 =	sld [smem:$0x3FFE];
	[sflag:s23] =	ssyncadd.s32 $0xFFFFFFFF  }
0xa5: {  	s26 =	simm.s32 $execute0_lowered;
	[smem:$0x3FD2] =	sst s25  }
0xa6: {  	s5 =	sshll.u32 s26, $0x1;
	_ =	strace $0x8000004C;
	[dreg:$0x1] =	wrdreg $0xFFFFFFFF  }
0xa7: {  	s28 =	simm.s32 $_size_execute0_lowered;
	s3 =	sadd.s32 s3, s5;
	[dreg:$0x0] =	wrdreg $0x0  }
0xa8: {  	s5 =	sshll.u32 s28, $0x1;
	[dreg:$0x2] =	wrdreg s3  }
0xa9: {  	[dreg:$0x3] =	wrdreg s5  }
0xaa: {  	[dreg:$0x4] =	wrdreg $0xC0  }
0xab: {  	_ =	task [dreg:s7], $0x5FFFF  }
0xac: {  	[dreg:$0x1] =	wrdreg $0xFFFFFFFF  }
0xad: {  	[dreg:$0x0] =	wrdreg $0x60  }
0xae: {  	[dreg:$0x2] =	wrdreg s2  }
0xaf: {  	[dreg:$0x3] =	wrdreg s24  }
0xb0: {  	[dreg:$0x4] =	wrdreg $0x9D000  }
0xb1: {  	[dreg:$0x5] =	wrdreg $0x9  }
0xb2: {  	_ =	task.clear_ibuf [dreg:s7], $0x6FFFF;
	_ =	strace $0x9000004C  }
0xb3: {  	s29 =	simm.s32 $0x9;
	_ =	strace $0x8000004E  }
0xb4: {  	_ =	swait.ge [sflag:s29], $0x1  }
0xb5: {  	[sflag:s29] =	ssyncadd.s32 $0xFFFFFFFF  }
0xb6: {  	_ =	strace $0x9000004E  }
0xb7: {  	_ =	sfence  }
0xb8: {  	s30 =	sld [smem:$0x0];
	_ =	sdelay $0x2  }
0xb9: {  	s31 =	sshll.u32 s1, $0xD;
	s1 =	sshrl.u32 s1, $0x2  }
0xba: {  	s3 =	sand.u32 $0x4000, s31;
	s1 =	sadd.s32 s1, s30  }
0xbb: {  	s0 =	sor.u32 s3, s0;
	s1 =	sshll.u32 s1, $0x11  }
0xbc: {  	s0 =	sor.u32 s1, s0  }
0xbd: {  	s0 =	sadd.s32 $0x8F2B, s0  }
0xbe: {  	[sflag:s0] =	ssyncadd.remote.s32 $0x1  }
0xbf: {  	_ =	sfence.sel $0xFFFF  }
0xc0: {  	[dreg:$0x0] =	wrdreg $0xFFFFFFFF;
	(pc) =	sbr.abs _section_cstart, $3  }
0xc1: {  	[dreg:$0x1] =	wrdreg $0xFFFFFFFF  }
0xc2: {  	_ =	task.clear_ibuf [dreg:s7], $0x2FFFF;
	_ =	strace $0x9FFFFFFF  }
0xc3: {  	(tm) =	ssettm $0x7FFFFFFF  }
tec
execute0_lowered:
.L_overlay_start_1:
0x0: {  	(tag) =	ssettag $0x1  }
0x1: {  	s0 =	rddreg [dreg:$0x0]  }
0x2: {  	s1 =	rddreg [dreg:$0x1]  }
0x3: {  	s2 =	rddreg [dreg:$0x2];
	s3 =	simm.s32 $0x0  }
0x4: {  	s17 =	stileid.u32;
	s5 =	srdreg.scid;
	s15 =	simm.s32 $0x7D  }
0x5: {  	s16 =	simm.s32 $0x2000;
	s28 =	simm.s32 $0x5;
	s29 =	simm.s32 $0x3  }
0x6: {  	s30 =	simm.s32 $0x6;
	s31 =	simm.s32 $0x4;
	s6 =	smul.u32 $0x9E00, s17  }
0x7: {  	[smem:$0x7FF] =	sst s3;
	s4 =	sadd.s32 $0x10C00, s1;
	s19 =	smul.u32 $0xA00, s17  }
0x8: {  	s7 =	sand.u32 $0x1, s5;
	s5 =	sadd.s32 $0x1AC00, s1;
	s22 =	smul.u32 $0x5000, s17  }
0x9: {  	s20 =	sshll.u32 s17, $0x6;
	_ =	strace $0x8000004D;
	s9 =	smul.u32 $0x13C00, s7  }
0xa: {  	s10 =	ssub.s32 $0x2, s7;
	s13 =	smul.u32 $0x13880, s7;
	s7 =	sor.u32 $0x1C0A, s20  }
0xb: {  	s8 =	sshrl.u32 s6, $0x3;
	s12 =	sshrl.u32 s10, $0x1;
	s6 =	sadd.s32 s6, s2  }
0xc: {  	s23 =	sadd.s32 s4, s19;
	s24 =	sadd.s32 s5, s19;
	[dreg:$0x4] =	wrdreg s22  }
0xd: {  	s19 =	simm.s32 $0x1;
	s22 =	simm.s32 $0x2;
	[dreg:$0x9] =	wrdreg s7  }
0xe: {  	s11 =	sadd.s32 s8, s1;
	s1 =	sadd.s32 s9, s1;
	[dreg:$0x6] =	wrdreg s23  }
0xf: {  	s18 =	ssub.s32 s10, s12;
	[dreg:$0x7] =	wrdreg s24;
	s10 =	sadd.s32 s0, s13  }
0x10: {  	s6 =	sshrl.u32 s6, $0x3;
	s13 =	simm.s32 $0xA;
	s23 =	simm.s32 $0x0  }
0x11: {  	s21 =	sadd.s32 $0x24C00, s11;
	s25 =	sadd.s32 $0x38800, s1;
	s26 =	smax.u32 s18, $0x1  }
0x12: {  	s18 =	simm.s32 $0x3F40;
	s1 =	simm.s32 $0x8;
	[dreg:$0x5] =	wrdreg s21  }
0x13: {  	[dreg:$0x8] =	wrdreg s26;
	s21 =	simm.s32 $0x5E80;
	s0 =	sadd.s32 s8, s25  }
0x14: {  	s26 =	simm.s32 $0x7DC0;
	[dreg:$0xa] =	wrdreg s0;
	s0 =	simm.s32 $0x7  }
.LBB2_1:
0x15: {  	s3 =	rddreg [dreg:$0x5]  }
0x16: {  	[spmem:s6], [sflag:s7] =	dma.local [hbm:s3], $0x13C0  }
0x17: {  	_ =	swait.ge [sflag:s13], $0x13C0  }
0x18: {  	[sflag:s13] =	ssyncset.done $0x0  }
0x19: {  	[sflag:s13] =	ssyncadd.s32 $0xFFFFEC40  }
0x1a: {  	[bflag:$0x0] =	sbarrier.arrive $0xFFFF  }
0x1b: {  	s3 =	simm.s32 $0x0;
	s8 =	rddreg [dreg:$0x6]  }
0x1c: {  	[tilespmem:s3], [sflag:$0xA] =	stream.linear.gather [hbm4b:s8+s3], $0x800, $0x38;
	[tilespmem:$0x13B00] =	vst v63  }
0x1d: {  	_ =	swait.ge [sflag:s13], $0x800  }
0x1e: {  	[sflag:s13] =	ssyncset.done $0x0  }
0x1f: {  	s11 =	simm.s32 $0x1000;
	s9 =	rddreg [dreg:$0x7];
	[sflag:s13] =	ssyncadd.s32 $0xFFFFF800  }
0x20: {  	[tilespmem:s11], [sflag:$0xA] =	stream.linear.gather [hbm4b:s9+s3], $0x800, $0x38;
	[tilespmem:$0x13B00] =	vst v63  }
0x21: {  	_ =	swait.ge [sflag:s13], $0x800  }
0x22: {  	[sflag:s13] =	ssyncset.done $0x0  }
0x23: {  	[sflag:s13] =	ssyncadd.s32 $0xFFFFF800  }
0x24: {  	[tilespmem:s16], [sflag:$0x1] =	stream.indirect.gather [hbm4b:s10+s15], $0x40, s3, s15, $0xb8;
	[tilespmem:$0x13B00] =	vst v63  }
0x25: {  	s12 =	smov.u32 s6;
	s14 =	simm.s32 $0x80;
	s6 =	sand.u32 $0xC, s31  }
0x26: {  	[tilespmem:s18], [sflag:$0x2] =	stream.indirect.gather [hbm4b:s10+s15], $0x40, s14, s15, $0xb8;
	[tilespmem:$0x13B00] =	vst v63  }
0x27: {  	p0 =	sne.s32 s6, $0x0;
	_ =	swait.ge [sflag:s19], $0x1F40  }
0x28: {  	p1 =	por @p0 $0x0, $0x0;
	[sflag:s19] =	ssyncset.done $0x0  }
0x29: {  	p2 =	por p1, !p0;
	[sflag:s19] =	ssyncadd.s32 $0xFFFFE0C0  }
0x2a: {  	[spmem:s2] =	stream.indirect.scatter.add.f32 [tilespmem:s16], [sflag:$0x5], $0x40, s11, s15, $0xb8;
	[tilespmem:$0x13B00] =	vst v63  }
0x2b: {  	s17 =	simm.s32 $0x100;
	p2 =	sne.s32 @!p2 s6, $0x4  }
0x2c: {  	[tilespmem:s21], [sflag:$0x3] =	stream.indirect.gather [hbm4b:s10+s15], $0x40, s17, s15, $0xb8;
	[tilespmem:$0x13B00] =	vst v63  }
0x2d: {  	p1 =	por @p0 p2, p1;
	_ =	swait.ge [sflag:s22], $0x1F40  }
0x2e: {  	p1 =	por p1, !p0;
	[sflag:s22] =	ssyncset.done $0x0;
	s8 =	rddreg [dreg:$0x4]  }
0x2f: {  	s20 =	simm.s32 $0x1080;
	[sflag:s22] =	ssyncadd.s32 $0xFFFFE0C0;
	s8 =	sadd.s32 @!p1 $0x800, s8  }
0x30: {  	[spmem:s2] =	stream.indirect.scatter.add.f32 [tilespmem:s18], [sflag:$0x6], $0x40, s20, s15, $0xb8;
	[tilespmem:$0x13B00] =	vst v63  }
0x31: {  	s24 =	simm.s32 $0x180;
	s9 =	simm.s32 @!p1 $0x800;
	s8 =	sshrl.u32 @!p1 s8, $0x3  }
0x32: {  	[tilespmem:s26], [sflag:$0x4] =	stream.indirect.gather [hbm4b:s10+s15], $0x40, s24, s15, $0xb8;
	[tilespmem:$0x13B00] =	vst v63  }
0x33: {  	s9 =	sand.u32 @!p1 $0x800, s9;
	s17 =	simm.s32 @!p1 $0x0;
	s14 =	sadd.s32 @!p1 s4, s8  }
0x34: {  	[tilespmem:s9], [sflag:$0x9] =	stream.linear.gather @!p1 [hbm4b:s14+s17], $0x800, $0x38;
	[tilespmem:$0x13B00] =	vst v63  }
0x35: {  	s8 =	sadd.s32 @!p1 s5, s8;
	s9 =	sor.u32 @!p1 $0x1000, s9;
	s14 =	simm.s32 @!p0 $0x9  }
0x36: {  	[tilespmem:s9], [sflag:$0x9] =	stream.linear.gather @!p1 [hbm4b:s8+s17], $0x800, $0x38;
	[tilespmem:$0x13B00] =	vst v63  }
0x37: {  	_ =	swait.ge @!p0 [sflag:s14], $0x800  }
0x38: {  	[sflag:s14] =	ssyncset.done @!p0 $0x0  }
0x39: {  	[sflag:s14] =	ssyncadd.s32 @!p0 $0xFFFFF800  }
0x3a: {  	_ =	swait.ge @!p0 [sflag:s14], $0x800  }
0x3b: {  	[sflag:s14] =	ssyncset.done @!p0 $0x0  }
0x3c: {  	[sflag:s14] =	ssyncadd.s32 @!p0 $0xFFFFF800  }
0x3d: {  	s25 =	simm.s32 $0x0;
	_ =	swait.ge [sflag:s28], $0x1F40  }
0x3e: {  	s6 =	sshll.u32 s6, $0x7;
	s8 =	sand.u32 $0x800, s25;
	[sflag:s28] =	ssyncset.done $0x0  }
0x3f: {  	s8 =	sor.u32 s6, s8;
	[sflag:s28] =	ssyncadd.s32 $0xFFFFE0C0  }
0x40: {  	[tilespmem:s16], [sflag:$0x1] =	stream.indirect.gather [hbm4b:s10+s15], $0x40, s8, s15, $0xb8;
	[tilespmem:$0x13B00] =	vst v63  }
0x41: {  	_ =	swait.ge [sflag:s29], $0x1F40  }
0x42: {  	s3 =	sand.u32 $0xE00, s3;
	[sflag:s29] =	ssyncset.done $0x0  }
0x43: {  	s7 =	sor.u32 $0x1100, s3;
	[sflag:s29] =	ssyncadd.s32 $0xFFFFE0C0  }
0x44: {  	[spmem:s2] =	stream.indirect.scatter.add.f32 [tilespmem:s21], [sflag:$0x7], $0x40, s7, s15, $0xb8;
	[tilespmem:$0x13B00] =	vst v63  }
0x45: {  	_ =	swait.ge [sflag:s30], $0x1F40  }
0x46: {  	s11 =	simm.s32 $0x280;
	[sflag:s30] =	ssyncset.done $0x0  }
0x47: {  	s9 =	sand.u32 $0xE80, s11;
	[sflag:s30] =	ssyncadd.s32 $0xFFFFE0C0  }
0x48: {  	[tilespmem:s18], [sflag:$0x2] =	stream.indirect.gather [hbm4b:s10+s15], $0x40, s9, s15, $0xb8;
	[tilespmem:$0x13B00] =	vst v63  }
0x49: {  	_ =	swait.ge [sflag:s31], $0x1F40  }
0x4a: {  	[sflag:s31] =	ssyncset.done $0x0  }
0x4b: {  	s6 =	sor.u32 $0x1180, s3;
	[sflag:s31] =	ssyncadd.s32 $0xFFFFE0C0  }
0x4c: {  	[spmem:s2] =	stream.indirect.scatter.add.f32 [tilespmem:s26], [sflag:$0x8], $0x40, s6, s15, $0xb8;
	[tilespmem:$0x13B00] =	vst v63  }
0x4d: {  	s20 =	simm.s32 $0x8;
	_ =	swait.ge [sflag:s0], $0x1F40  }
0x4e: {  	s25 =	sand.u32 $0xC, s20;
	s14 =	simm.s32 $0x300;
	[sflag:s0] =	ssyncset.done $0x0  }
0x4f: {  	p0 =	sne.s32 s25, $0x0;
	s6 =	sand.u32 $0xF00, s14;
	[sflag:s0] =	ssyncadd.s32 $0xFFFFE0C0  }
0x50: {  	[tilespmem:s21], [sflag:$0x3] =	stream.indirect.gather [hbm4b:s10+s15], $0x40, s6, s15, $0xb8;
	[tilespmem:$0x13B00] =	vst v63  }
0x51: {  	p1 =	por @p0 $0x0, $0x0;
	_ =	swait.ge [sflag:s19], $0x1F40  }
0x52: {  	s24 =	simm.s32 $0x380;
	p2 =	por p1, !p0;
	[sflag:s19] =	ssyncset.done $0x0  }
0x53: {  	p2 =	sne.s32 @!p2 s25, $0x4;
	s8 =	sor.u32 $0x1000, s8;
	[sflag:s19] =	ssyncadd.s32 $0xFFFFE0C0  }
0x54: {  	[spmem:s2] =	stream.indirect.scatter.add.f32 [tilespmem:s16], [sflag:$0x5], $0x40, s8, s15, $0xb8;
	[tilespmem:$0x13B00] =	vst v63  }
0x55: {  	s17 =	simm.s32 $0xC;
	p2 =	por @p0 p2, p1;
	_ =	swait.ge [sflag:s1], $0x1F40  }
0x56: {  	s14 =	sand.u32 $0xF80, s24;
	s6 =	simm.s32 $0x1;
	[sflag:s1] =	ssyncset.done $0x0  }
0x57: {  	s8 =	sshll.u32 s25, $0x7;
	s25 =	simm.s32 $0x200;
	[sflag:s1] =	ssyncadd.s32 $0xFFFFE0C0  }
.LBB2_2:
0x58: {  	[tilespmem:s26], [sflag:$0x4] =	stream.indirect.gather [hbm4b:s10+s15], $0x40, s14, s15, $0xb8;
	[tilespmem:$0x13B00] =	vst v63  }
0x59: {  	s20 =	sshrl.u32 s20, $0x4;
	p2 =	por p2, !p0  }
0x5a: {  	s7 =	smov.u32 s17;
	_ =	swait.ge [sflag:s22], $0x1F40;
	s24 =	sshll.u32 @!p2 s20, $0xB  }
0x5b: {  	s9 =	sor.u32 $0x1000, s9;
	s11 =	rddreg [dreg:$0x4];
	s24 =	sadd.s32 @!p2 $0x800, s24  }
0x5c: {  	s3 =	sshll.u32 s20, $0xB;
	[sflag:s22] =	ssyncset.done $0x0;
	s11 =	sadd.s32 @!p2 s11, s24  }
0x5d: {  	s20 =	smov.u32 s7;
	[sflag:s22] =	ssyncadd.s32 $0xFFFFE0C0;
	s11 =	sshrl.u32 @!p2 s11, $0x3  }
0x5e: {  	[spmem:s2] =	stream.indirect.scatter.add.f32 [tilespmem:s18], [sflag:$0x6], $0x40, s9, s15, $0xb8;
	[tilespmem:$0x13B00] =	vst v63  }
0x5f: {  	s7 =	simm.s32 @!p2 $0x0;
	s14 =	sand.u32 @!p2 $0x800, s24;
	s9 =	sadd.s32 @!p2 s4, s11  }
0x60: {  	[tilespmem:s14], [sflag:$0x9] =	stream.linear.gather @!p2 [hbm4b:s9+s7], $0x800, $0x38;
	[tilespmem:$0x13B00] =	vst v63  }
0x61: {  	s24 =	sor.u32 @!p2 $0x1000, s14;
	s11 =	sadd.s32 @!p2 s5, s11;
	s9 =	simm.s32 @!p0 $0x9  }
0x62: {  	[tilespmem:s24], [sflag:$0x9] =	stream.linear.gather @!p2 [hbm4b:s11+s7], $0x800, $0x38;
	[tilespmem:$0x13B00] =	vst v63  }
0x63: {  	_ =	swait.ge @!p0 [sflag:s9], $0x800  }
0x64: {  	[sflag:s9] =	ssyncset.done @!p0 $0x0  }
0x65: {  	[sflag:s9] =	ssyncadd.s32 @!p0 $0xFFFFF800  }
0x66: {  	_ =	swait.ge @!p0 [sflag:s9], $0x800  }
0x67: {  	[sflag:s9] =	ssyncset.done @!p0 $0x0  }
0x68: {  	[sflag:s9] =	ssyncadd.s32 @!p0 $0xFFFFF800  }
0x69: {  	_ =	swait.ge [sflag:s28], $0x1F40  }
0x6a: {  	s3 =	sand.u32 $0x800, s3;
	[sflag:s28] =	ssyncset.done $0x0  }
0x6b: {  	s3 =	sor.u32 s8, s3;
	[sflag:s28] =	ssyncadd.s32 $0xFFFFE0C0  }
0x6c: {  	[tilespmem:s16], [sflag:$0x1] =	stream.indirect.gather [hbm4b:s10+s15], $0x40, s3, s15, $0xb8;
	[tilespmem:$0x13B00] =	vst v63  }
0x6d: {  	_ =	swait.ge [sflag:s29], $0x1F40  }
0x6e: {  	s24 =	sand.u32 $0xE00, s25;
	[sflag:s29] =	ssyncset.done $0x0  }
0x6f: {  	s9 =	sor.u32 $0x1100, s24;
	[sflag:s29] =	ssyncadd.s32 $0xFFFFE0C0  }
0x70: {  	[spmem:s2] =	stream.indirect.scatter.add.f32 [tilespmem:s21], [sflag:$0x7], $0x40, s9, s15, $0xb8;
	[tilespmem:$0x13B00] =	vst v63  }
0x71: {  	_ =	swait.ge [sflag:s30], $0x1F40  }
0x72: {  	s11 =	sadd.s32 $0x280, s25;
	[sflag:s30] =	ssyncset.done $0x0  }
0x73: {  	s9 =	sand.u32 $0xE80, s11;
	[sflag:s30] =	ssyncadd.s32 $0xFFFFE0C0  }
0x74: {  	[tilespmem:s18], [sflag:$0x2] =	stream.indirect.gather [hbm4b:s10+s15], $0x40, s9, s15, $0xb8;
	[tilespmem:$0x13B00] =	vst v63  }
0x75: {  	_ =	swait.ge [sflag:s31], $0x1F40  }
0x76: {  	[sflag:s31] =	ssyncset.done $0x0  }
0x77: {  	s7 =	sor.u32 $0x1180, s24;
	[sflag:s31] =	ssyncadd.s32 $0xFFFFE0C0  }
0x78: {  	[spmem:s2] =	stream.indirect.scatter.add.f32 [tilespmem:s26], [sflag:$0x8], $0x40, s7, s15, $0xb8;
	[tilespmem:$0x13B00] =	vst v63  }
0x79: {  	s17 =	sadd.s32 $0x4, s17;
	_ =	swait.ge [sflag:s0], $0x1F40  }
0x7a: {  	s6 =	sadd.s32 $0x1, s6;
	s14 =	sadd.s32 $0x300, s25;
	[sflag:s0] =	ssyncset.done $0x0  }
0x7b: {  	p1 =	sne.s32 s17, $0xA0;
	s7 =	sand.u32 $0xF00, s14;
	[sflag:s0] =	ssyncadd.s32 $0xFFFFE0C0  }
0x7c: {  	[tilespmem:s21], [sflag:$0x3] =	stream.indirect.gather [hbm4b:s10+s15], $0x40, s7, s15, $0xb8;
	[tilespmem:$0x13B00] =	vst v63  }
0x7d: {  	s24 =	sadd.s32 $0x380, s25;
	s7 =	sand.u32 $0xC, s20;
	_ =	swait.ge [sflag:s19], $0x1F40  }
0x7e: {  	s3 =	sor.u32 $0x1000, s3;
	p0 =	sne.s32 s7, $0x0;
	[sflag:s19] =	ssyncset.done $0x0  }
.Ltmp0:
0x7f: {  	p2 =	sgt.u32 @p0 s6, $0x22;
	[sflag:s19] =	ssyncadd.s32 $0xFFFFE0C0;
	(pc) =	sbr.rel @p1 .LBB2_2-.Ltmp0, $4  }
0x80: {  	[spmem:s2] =	stream.indirect.scatter.add.f32 [tilespmem:s16], [sflag:$0x5], $0x40, s3, s15, $0xb8;
	[tilespmem:$0x13B00] =	vst v63  }
0x81: {  	s25 =	sadd.s32 $0x200, s25;
	p3 =	por p2, !p0;
	_ =	swait.ge [sflag:s1], $0x1F40  }
0x82: {  	s14 =	sand.u32 $0xF80, s24;
	p3 =	sne.s32 @!p3 s7, $0x4;
	[sflag:s1] =	ssyncset.done $0x0  }
0x83: {  	s8 =	sshll.u32 s7, $0x7;
	p2 =	por @p0 p3, p2;
	[sflag:s1] =	ssyncadd.s32 $0xFFFFE0C0  }
0x84: {  	[tilespmem:s26], [sflag:$0x4] =	stream.indirect.gather [hbm4b:s10+s15], $0x40, s14, s15, $0xb8;
	[tilespmem:$0x13B00] =	vst v63  }
0x85: {  	s3 =	sshrl.u32 s20, $0x4;
	p1 =	por p2, !p0  }
0x86: {  	_ =	swait.ge [sflag:s22], $0x1F40;
	s7 =	sshll.u32 @!p1 s3, $0xB  }
0x87: {  	s6 =	rddreg [dreg:$0x4];
	s7 =	sadd.s32 @!p1 $0x800, s7  }
0x88: {  	[sflag:s22] =	ssyncset.done $0x0;
	s6 =	sadd.s32 @!p1 s6, s7  }
0x89: {  	s9 =	sor.u32 $0x1000, s9;
	[sflag:s22] =	ssyncadd.s32 $0xFFFFE0C0;
	s6 =	sshrl.u32 @!p1 s6, $0x3  }
0x8a: {  	[spmem:s2] =	stream.indirect.scatter.add.f32 [tilespmem:s18], [sflag:$0x6], $0x40, s9, s15, $0xb8;
	[tilespmem:$0x13B00] =	vst v63  }
0x8b: {  	s11 =	simm.s32 @!p1 $0x0;
	s7 =	sand.u32 @!p1 $0x800, s7;
	s9 =	sadd.s32 @!p1 s4, s6  }
0x8c: {  	[tilespmem:s7], [sflag:$0x9] =	stream.linear.gather @!p1 [hbm4b:s9+s11], $0x800, $0x38;
	[tilespmem:$0x13B00] =	vst v63  }
0x8d: {  	s6 =	sadd.s32 @!p1 s5, s6;
	s7 =	sor.u32 @!p1 $0x1000, s7  }
0x8e: {  	[tilespmem:s7], [sflag:$0x9] =	stream.linear.gather @!p1 [hbm4b:s6+s11], $0x800, $0x38;
	[tilespmem:$0x13B00] =	vst v63  }
0x8f: {  	s6 =	simm.s32 @!p0 $0x9  }
0x90: {  	_ =	swait.ge @!p0 [sflag:s6], $0x800  }
0x91: {  	[sflag:s6] =	ssyncset.done @!p0 $0x0  }
0x92: {  	[sflag:s6] =	ssyncadd.s32 @!p0 $0xFFFFF800  }
0x93: {  	_ =	swait.ge @!p0 [sflag:s6], $0x800  }
0x94: {  	[sflag:s6] =	ssyncset.done @!p0 $0x0  }
0x95: {  	[sflag:s6] =	ssyncadd.s32 @!p0 $0xFFFFF800  }
0x96: {  	s3 =	sshll.u32 s3, $0xB;
	_ =	swait.ge [sflag:s28], $0x1F40  }
0x97: {  	s3 =	sand.u32 $0x800, s3;
	[sflag:s28] =	ssyncset.done $0x0  }
0x98: {  	s3 =	sor.u32 s8, s3;
	[sflag:s28] =	ssyncadd.s32 $0xFFFFE0C0  }
0x99: {  	[tilespmem:s16], [sflag:$0x1] =	stream.indirect.gather [hbm4b:s10+s15], $0x40, s3, s15, $0xb8;
	[tilespmem:$0x13B00] =	vst v63  }
0x9a: {  	_ =	swait.ge [sflag:s29], $0x1F40  }
0x9b: {  	s20 =	sand.u32 $0xE00, s25;
	[sflag:s29] =	ssyncset.done $0x0  }
0x9c: {  	s24 =	sor.u32 $0x1100, s20;
	[sflag:s29] =	ssyncadd.s32 $0xFFFFE0C0  }
0x9d: {  	[spmem:s2] =	stream.indirect.scatter.add.f32 [tilespmem:s21], [sflag:$0x7], $0x40, s24, s15, $0xb8;
	[tilespmem:$0x13B00] =	vst v63  }
0x9e: {  	_ =	swait.ge [sflag:s30], $0x1F40  }
0x9f: {  	s8 =	sadd.s32 $0x280, s25;
	[sflag:s30] =	ssyncset.done $0x0  }
0xa0: {  	s7 =	sand.u32 $0xE80, s8;
	[sflag:s30] =	ssyncadd.s32 $0xFFFFE0C0  }
0xa1: {  	[tilespmem:s18], [sflag:$0x2] =	stream.indirect.gather [hbm4b:s10+s15], $0x40, s7, s15, $0xb8;
	[tilespmem:$0x13B00] =	vst v63  }
0xa2: {  	_ =	swait.ge [sflag:s31], $0x1F40  }
0xa3: {  	[sflag:s31] =	ssyncset.done $0x0  }
0xa4: {  	s6 =	sor.u32 $0x1180, s20;
	[sflag:s31] =	ssyncadd.s32 $0xFFFFE0C0  }
0xa5: {  	[spmem:s2] =	stream.indirect.scatter.add.f32 [tilespmem:s26], [sflag:$0x8], $0x40, s6, s15, $0xb8;
	[tilespmem:$0x13B00] =	vst v63  }
0xa6: {  	_ =	swait.ge [sflag:s0], $0x1F40  }
0xa7: {  	s9 =	sadd.s32 $0x300, s25;
	[sflag:s0] =	ssyncset.done $0x0  }
0xa8: {  	s6 =	sand.u32 $0xF00, s9;
	[sflag:s0] =	ssyncadd.s32 $0xFFFFE0C0  }
0xa9: {  	[tilespmem:s21], [sflag:$0x3] =	stream.indirect.gather [hbm4b:s10+s15], $0x40, s6, s15, $0xb8;
	[tilespmem:$0x13B00] =	vst v63  }
0xaa: {  	_ =	swait.ge [sflag:s19], $0x1F40  }
0xab: {  	[sflag:s19] =	ssyncset.done $0x0  }
0xac: {  	s3 =	sor.u32 $0x1000, s3;
	[sflag:s19] =	ssyncadd.s32 $0xFFFFE0C0  }
0xad: {  	[spmem:s2] =	stream.indirect.scatter.add.f32 [tilespmem:s16], [sflag:$0x5], $0x40, s3, s15, $0xb8;
	[tilespmem:$0x13B00] =	vst v63  }
0xae: {  	_ =	swait.ge [sflag:s1], $0x1F40  }
0xaf: {  	s11 =	sadd.s32 $0x380, s25;
	[sflag:s1] =	ssyncset.done $0x0  }
0xb0: {  	s3 =	sand.u32 $0xF80, s11;
	[sflag:s1] =	ssyncadd.s32 $0xFFFFE0C0  }
0xb1: {  	[tilespmem:s26], [sflag:$0x4] =	stream.indirect.gather [hbm4b:s10+s15], $0x40, s3, s15, $0xb8;
	[tilespmem:$0x13B00] =	vst v63  }
0xb2: {  	_ =	swait.ge [sflag:s22], $0x1F40  }
0xb3: {  	[sflag:s22] =	ssyncset.done $0x0  }
0xb4: {  	s14 =	sor.u32 $0x1000, s7;
	[sflag:s22] =	ssyncadd.s32 $0xFFFFE0C0  }
0xb5: {  	[spmem:s2] =	stream.indirect.scatter.add.f32 [tilespmem:s18], [sflag:$0x6], $0x40, s14, s15, $0xb8;
	[tilespmem:$0x13B00] =	vst v63  }
0xb6: {  	_ =	swait.ge [sflag:s29], $0x1F40  }
0xb7: {  	[sflag:s29] =	ssyncset.done $0x0  }
0xb8: {  	s17 =	simm.s32 $0x1F00;
	[sflag:s29] =	ssyncadd.s32 $0xFFFFE0C0  }
0xb9: {  	[spmem:s2] =	stream.indirect.scatter.add.f32 [tilespmem:s21], [sflag:$0x7], $0x40, s17, s15, $0xb8;
	[tilespmem:$0x13B00] =	vst v63  }
0xba: {  	_ =	swait.ge [sflag:s31], $0x1F40  }
0xbb: {  	[sflag:s31] =	ssyncset.done $0x0  }
0xbc: {  	s20 =	simm.s32 $0x1F80;
	[sflag:s31] =	ssyncadd.s32 $0xFFFFE0C0  }
0xbd: {  	[spmem:s2] =	stream.indirect.scatter.add.f32 [tilespmem:s26], [sflag:$0x8], $0x40, s20, s15, $0xb8;
	[tilespmem:$0x13B00] =	vst v63  }
0xbe: {  	_ =	swait.ge [sflag:s28], $0x1F40  }
0xbf: {  	[sflag:s28] =	ssyncset.done $0x0  }
0xc0: {  	[sflag:s28] =	ssyncadd.s32 $0xFFFFE0C0  }
0xc1: {  	_ =	swait.ge [sflag:s30], $0x1F40  }
0xc2: {  	[sflag:s30] =	ssyncset.done $0x0  }
0xc3: {  	[sflag:s30] =	ssyncadd.s32 $0xFFFFE0C0  }
0xc4: {  	_ =	swait.ge [sflag:s0], $0x1F40  }
0xc5: {  	[sflag:s0] =	ssyncset.done $0x0  }
0xc6: {  	[sflag:s0] =	ssyncadd.s32 $0xFFFFE0C0  }
0xc7: {  	_ =	swait.ge [sflag:s1], $0x1F40  }
0xc8: {  	[sflag:s1] =	ssyncset.done $0x0  }
0xc9: {  	[sflag:s1] =	ssyncadd.s32 $0xFFFFE0C0  }
0xca: {  	[bflag:$0x0] =	sbarrier.arrive $0xFFFF  }
0xcb: {  	s7 =	rddreg [dreg:$0x9]  }
0xcc: {  	s24 =	rddreg [dreg:$0xa]  }
0xcd: {  	[hbm:s24], [sflag:s7] =	dma.local [spmem:s12], $0x13C0  }
0xce: {  	_ =	swait.ge [sflag:s13], $0x13C0  }
0xcf: {  	s23 =	sadd.s32 $0x1, s23;
	s25 =	rddreg [dreg:$0x8]  }
0xd0: {  	p0 =	sne.s32 s23, s25  }
.Ltmp1:
0xd1: {  	_ = 	snop;
	(pc) =	sbr.rel @p0 .LBB2_1-.Ltmp1, $3  }
0xd2: {  	_ =	sdelay $0x1  }
0xd3: {  	[sflag:s13] =	ssyncset.done $0x0  }
0xd4: {  	s6 =	smov.u32 s12;
	[sflag:s13] =	ssyncadd.s32 $0xFFFFEC40  }
0xd5: {  	_ =	sfence.sel $0x180000  }
0xd6: {  	[bflag:$0x0] =	sbarrier.arrive $0xFFFF  }
0xd7: {  	_ =	strace $0x9000004D  }
0xd8: {  	s0 =	stileid.u32;
	[bflag:$0x2] =	sbarrier.arrive $0xFFFF  }
0xd9: {  	p0 =	sne.s32 s0, $0x0;
	s0 =	rddreg [dreg:$0x3]  }
0xda: {  	s0 =	sadd.s32 @!p0 $0x100000, s0  }
0xdb: {  	[sflag:s0] =	ssyncadd.tile.s32 @!p0 $0x1;
	_ =	shalt  }
.Lfunc_end2:
_tile_overlayer_lowered:
.L_overlay_start_2:
0xdc: {  	(tag) =	ssettag $0x2  }
0xdd: {  	s0 =	rddreg [dreg:$0x0];
	s2 =	stileid.u32  }
0xde: {  	s1 =	rddreg [dreg:$0x1];
	p0 =	sne.s32 s2, $0x0  }
0xdf: {  	s3 =	rddreg [dreg:$0x2];
	[bflag:$0x3] =	sbarrier.arrive $0xFFFF;
	s2 =	simm.s32 @!p0 $0x1C0A  }
0xe0: {  	[timem:s3], [sflag:s2] =	dma.local @!p0 [hbm:s0], s1  }
0xe1: {  	s0 =	simm.s32 @!p0 $0xA  }
0xe2: {  	_ =	swait.ge @!p0 [sflag:s0], s1  }
0xe3: {  	s1 =	ssub.s32 @!p0 $0x0, s1;
	[sflag:s0] =	ssyncset.done @!p0 $0x0  }
0xe4: {  	[sflag:s0] =	ssyncadd.s32 @!p0 s1  }
0xe5: {  	[bflag:$0x3] =	sbarrier.arrive $0xFFFF  }
0xe6: {  	_ =	shalt  }

// kernel: kernel.7.cloned.1.call-start
scs
__scs_entry_jumppad:
0x0: {  	(pc) =	sbr.rel $0x88, $3  }
0x1: {  	(tag) =	ssettag $0x0;
	lr =	simm.s32 $0x1  }
0x2: {  	[smem:$0x3F99] =	sst lr;
	_ =	strace $0xD0000000  }
0x3: {  	_ = 	snop  }
0x4: {  	_ = 	snop  }
0x5: {  	_ = 	snop  }
0x6: {  	_ = 	snop  }
0x7: {  	_ = 	snop  }
__scs_overlays_trampoline_lowered:
0x8: {  	[smem:$0x3FA8] =	sst s0  }
0x9: {  	[smem:$0x3FA9] =	sst s1  }
0xa: {  	[smem:$0x3FAA] =	sst s2  }
0xb: {  	[smem:$0x3FAB] =	sst s3  }
0xc: {  	[smem:$0x3FAC] =	sst s4  }
0xd: {  	[smem:$0x3FAD] =	sst s5  }
0xe: {  	[smem:$0x3FAE] =	sst s6  }
0xf: {  	[smem:$0x3FAF] =	sst s7  }
0x10: {  	[smem:$0x3FB0] =	sst s8  }
0x11: {  	[smem:$0x3FB1] =	sst s9;
	s0 =	simm.s32 @!p0 $0x0  }
0x12: {  	s1 =	sld [smem:$0x3F97];
	s0 =	simm.s32 @p0 $0x1  }
0x13: {  	[smem:$0x3FB2] =	sst s0;
	s0 =	simm.s32 @!p1 $0x0  }
0x14: {  	s2 =	sld [smem:$0x3F96];
	s0 =	simm.s32 @p1 $0x1  }
0x15: {  	[smem:$0x3FB3] =	sst s0;
	s0 =	simm.s32 @!p2 $0x0  }
0x16: {  	s3 =	sld [smem:$0x3FDB];
	s0 =	simm.s32 @p2 $0x1  }
0x17: {  	s4 =	simm.s32 $0x1BF5;
	[smem:$0x3FB5] =	sst s0  }
0x18: {  	s0 =	sld [smem:$0x3F98];
	_ =	swait.ge [sflag:s4], $0x0  }
0x19: {  	s7 =	sld [smem:$0x3F99]  }
0x1a: {  	s8 =	sadd.s32 $0xFFFFE003, lr  }
0x1b: {  	s9 =	sadd.s32 $0xFFFFFEF7, lr;
	s5 =	simm.s32 $0xFFFFFFFF;
	p2 =	slt.u32 s8, $0xFFFFF086  }
0x1c: {  	p1 =	slt.u32 s9, $0xF7A;
	s5 =	simm.s32 @!p2 $0x0  }
0x1d: {  	s5 =	simm.s32 @p1 $0x1;
	p0 =	seq.s32 s7, s2  }
0x1e: {  	s7 =	smul.u32 @!p0 $0xF7A, s2;
	p2 =	seq.s32 @!p0 s5, $0x0  }
0x1f: {  	s9 =	smul.u32 $0xF7A, s1;
	s8 =	simm.s32 @!p0 $0x1BF5;
	p2 =	por !p2, p0  }
0x20: {  	[sflag:s8] =	ssyncset.s32 @!p0 $0xFFFFF086;
	s6 =	sadd.s32 @!p0 s3, s7;
	s7 =	simm.s32 @!p0 $0x108  }
0x21: {  	s3 =	sadd.s32 s3, s9;
	s6 =	sadd.s32 @!p0 $0x88, s6;
	s7 =	simm.s32 @p2 $0x1082  }
0x22: {  	[simem:s7], [sflag:s8] =	dma.local @!p0 [hbm:s6], $0xF7A  }
0x23: {  	s9 =	sor.u32 $0xD0000000, s2;
	s6 =	simm.s32 $0x108;
	_ =	swait.ge @!p0 [sflag:s8], $0x0  }
0x24: {  	s3 =	sadd.s32 $0x88, s3;
	s6 =	simm.s32 @!p1 $0x1082;
	[sflag:s4] =	ssyncset.s32 $0xFFFFF086  }
0x25: {  	[simem:s6], [sflag:s4] =	dma.local [hbm:s3], $0xF7A  }
0x26: {  	[smem:$0x3F99] =	sst s1;
	(tag) =	ssettag s2;
	_ =	strace s9  }
0x27: {  	s1 =	sld [smem:$0x3FA9]  }
0x28: {  	s2 =	sld [smem:$0x3FAA]  }
0x29: {  	s4 =	sld [smem:$0x3FAC]  }
0x2a: {  	p0 =	seq.s32 s5, $0x0;
	s5 =	sld [smem:$0x3FAD]  }
0x2b: {  	s6 =	sld [smem:$0x3FAE]  }
0x2c: {  	s7 =	sld [smem:$0x3FAF]  }
0x2d: {  	s3 =	simm.s32 $0x108;
	s8 =	sld [smem:$0x3FB0]  }
0x2e: {  	s3 =	simm.s32 @!p0 $0x1082;
	s9 =	sld [smem:$0x3FB1]  }
0x2f: {  	lr =	sadd.s32 s0, s3;
	s0 =	sld [smem:$0x3FA8]  }
0x30: {  	s3 =	sld [smem:$0x3FAB]  }
0x31: {  	[smem:$0x3FB4] =	sst s10  }
0x32: {  	s10 =	sld [smem:$0x3FB2];
	_ =	sdelay $0x3  }
0x33: {  	p0 =	seq.s32 s10, $0x1;
	s10 =	sld [smem:$0x3FB4];
	_ =	sdelay $0x3  }
0x34: {  	[smem:$0x3FB4] =	sst s10  }
0x35: {  	s10 =	sld [smem:$0x3FB3];
	_ =	sdelay $0x3  }
0x36: {  	p1 =	seq.s32 s10, $0x1;
	s10 =	sld [smem:$0x3FB4];
	_ =	sdelay $0x3  }
0x37: {  	[smem:$0x3FB4] =	sst s10  }
0x38: {  	s10 =	sld [smem:$0x3FB5]  }
0x39: {  	_ = 	snop;
	(pc) =	sbr.ind lr, $3  }
0x3a: {  	_ = 	snop  }
0x3b: {  	_ = 	snop  }
0x3c: {  	p2 =	seq.s32 s10, $0x1;
	s10 =	sld [smem:$0x3FB4]  }
0x3d: {  	_ =	shalt  }
0x3e: {  	_ =	shalt  }
0x3f: {  	_ =	shalt  }
0x40: {  	_ =	shalt  }
0x41: {  	_ =	shalt  }
0x42: {  	_ =	shalt  }
0x43: {  	_ =	shalt  }
0x44: {  	_ =	shalt  }
0x45: {  	_ =	shalt  }
0x46: {  	_ =	shalt  }
0x47: {  	_ =	shalt  }
0x48: {  	_ =	shalt  }
0x49: {  	_ =	shalt  }
0x4a: {  	_ =	shalt  }
0x4b: {  	_ =	shalt  }
0x4c: {  	_ =	shalt  }
0x4d: {  	_ =	shalt  }
0x4e: {  	_ =	shalt  }
0x4f: {  	_ =	shalt  }
0x50: {  	_ =	shalt  }
0x51: {  	_ =	shalt  }
0x52: {  	_ =	shalt  }
0x53: {  	_ =	shalt  }
0x54: {  	_ =	shalt  }
0x55: {  	_ =	shalt  }
0x56: {  	_ =	shalt  }
0x57: {  	_ =	shalt  }
0x58: {  	_ =	shalt  }
0x59: {  	_ =	shalt  }
0x5a: {  	_ =	shalt  }
0x5b: {  	_ =	shalt  }
0x5c: {  	_ =	shalt  }
0x5d: {  	_ =	shalt  }
0x5e: {  	_ =	shalt  }
0x5f: {  	_ =	shalt  }
0x60: {  	_ =	shalt  }
0x61: {  	_ =	shalt  }
0x62: {  	_ =	shalt  }
0x63: {  	_ =	shalt  }
0x64: {  	_ =	shalt  }
0x65: {  	_ =	shalt  }
0x66: {  	_ =	shalt  }
0x67: {  	_ =	shalt  }
0x68: {  	_ =	shalt  }
0x69: {  	_ =	shalt  }
0x6a: {  	_ =	shalt  }
0x6b: {  	_ =	shalt  }
0x6c: {  	_ =	shalt  }
0x6d: {  	_ =	shalt  }
0x6e: {  	_ =	shalt  }
0x6f: {  	_ =	shalt  }
0x70: {  	_ =	shalt  }
0x71: {  	_ =	shalt  }
0x72: {  	_ =	shalt  }
0x73: {  	_ =	shalt  }
0x74: {  	_ =	shalt  }
0x75: {  	_ =	shalt  }
0x76: {  	_ =	shalt  }
0x77: {  	_ =	shalt  }
0x78: {  	_ =	shalt  }
0x79: {  	_ =	shalt  }
0x7a: {  	_ =	shalt  }
0x7b: {  	_ =	shalt  }
0x7c: {  	_ =	shalt  }
0x7d: {  	_ =	shalt  }
0x7e: {  	_ =	shalt  }
0x7f: {  	_ =	shalt  }
0x80: {  	_ =	shalt  }
0x81: {  	_ =	shalt  }
0x82: {  	_ =	shalt  }
0x83: {  	_ =	shalt  }
0x84: {  	_ =	shalt  }
0x85: {  	_ =	shalt  }
0x86: {  	_ =	shalt  }
0x87: {  	_ =	shalt  }
.Lfunc_end0:
.L_simem_size_0:
called_computation_lowered:
.L_overlay_start_0:
0x88: {  	s0 =	sld [smem:$0x3FD9]  }
0x89: {  	s1 =	sld [smem:$0x3FFE];
	_ =	sdelay $0x3  }
0x8a: {  	s0 =	sadd.s32 s1, s0  }
0x8b: {  	[smem:$0x3FC0] =	sst s0  }
0x8c: {  	_ = 	snop  }
0x8d: {  	(tm) =	ssettm $0x1  }
0x8e: {  	s15 =	sld [smem:$0x3FFB];
	_ =	sdelay $0x3  }
0x8f: {  	_ =	strace s15  }
0x90: {  	s0 =	sld [smem:$0x3FFC];
	_ =	sdelay $0x3  }
0x91: {  	_ =	strace s0  }
0x92: {  	s0 =	sld [smem:$0x3FFD];
	_ =	sdelay $0x3  }
0x93: {  	_ =	strace s0  }
0x94: {  	_ =	strace $0x8FFFFFFF  }
0x95: {  	s16 =	sld [smem:$0x3FDB];
	_ =	sdelay $0x1  }
0x96: {  	s17 =	simm.s32 $_scs_section_size  }
0x97: {  	s2 =	simm.s32 $_size__tile_overlayer_lowered;
	s3 =	simm.s32 $_tile_overlayer_lowered  }
0x98: {  	s20 =	simm.s32 $0x1BFF;
	s19 =	sshll.u32 s3, $0x1;
	s0 =	sadd.s32 s17, s16  }
0x99: {  	s4 =	simm.s32 $0x0;
	s18 =	sshll.u32 s2, $0x1;
	s2 =	sadd.s32 s19, s0  }
0x9a: {  	[timem:s4], [sflag:s20] =	dma.local [hbm:s2], s18  }
0x9b: {  	_ =	swait.ge [sflag:s20], s18  }
0x9c: {  	s1 =	ssub.s32 $0x0, s18;
	[sflag:s20] =	ssyncset.done $0x0  }
0x9d: {  	[sflag:s20] =	ssyncadd.s32 s1;
	_ =	sdelay $0x1  }
0x9e: {  	s21 =	simm.s32 $0x1B8B  }
0x9f: {  	_ =	swait.ge [sflag:s21], $0x1  }
0xa0: {  	[sflag:s21] =	ssyncset.done $0x0  }
0xa1: {  	s23 =	simm.s32 $0x1B8E;
	s22 =	sld [smem:$0x3FFE];
	[sflag:s21] =	ssyncadd.s32 $0xFFFFFFFF  }
0xa2: {  	s24 =	simm.s32 $execute0_lowered;
	[smem:$0x3FD2] =	sst s23  }
0xa3: {  	s2 =	sshll.u32 s24, $0x1;
	_ =	strace $0x80000046;
	[dreg:$0x1] =	wrdreg $0xFFFFFFFF  }
0xa4: {  	s25 =	simm.s32 $_size_execute0_lowered;
	s0 =	sadd.s32 s0, s2;
	[dreg:$0x0] =	wrdreg $0x0  }
0xa5: {  	s2 =	sshll.u32 s25, $0x1;
	[dreg:$0x2] =	wrdreg s0  }
0xa6: {  	[dreg:$0x3] =	wrdreg s2  }
0xa7: {  	[dreg:$0x4] =	wrdreg $0xC0  }
0xa8: {  	_ =	task [dreg:s4], $0x5FFFF  }
0xa9: {  	[dreg:$0x1] =	wrdreg $0xFFFFFFFF  }
0xaa: {  	[dreg:$0x0] =	wrdreg $0x60  }
0xab: {  	[dreg:$0x2] =	wrdreg s22  }
0xac: {  	[dreg:$0x3] =	wrdreg $0x9  }
0xad: {  	_ =	task.clear_ibuf [dreg:s4], $0x4FFFF;
	_ =	strace $0x90000046  }
0xae: {  	s26 =	simm.s32 $0x9;
	_ =	strace $0x80000048  }
0xaf: {  	_ =	swait.ge [sflag:s26], $0x1  }
0xb0: {  	[sflag:s26] =	ssyncadd.s32 $0xFFFFFFFF  }
0xb1: {  	_ =	strace $0x90000048  }
0xb2: {  	_ =	sfence  }
0xb3: {  	s28 =	sld [smem:$0x0];
	_ =	sdelay $0x1  }
0xb4: {  	s29 =	srdreg.scid  }
0xb5: {  	s30 =	sshll.u32 s29, $0xD;
	s31 =	sshrl.u32 s29, $0x2  }
0xb6: {  	s1 =	sand.u32 $0x1, s29;
	s2 =	sand.u32 $0x4000, s30;
	s0 =	sadd.s32 s31, s28  }
0xb7: {  	s1 =	sor.u32 s2, s1;
	s0 =	sshll.u32 s0, $0x11  }
0xb8: {  	s0 =	sor.u32 s0, s1  }
0xb9: {  	s0 =	sadd.s32 $0x8F2B, s0  }
0xba: {  	[sflag:s0] =	ssyncadd.remote.s32 $0x1  }
0xbb: {  	_ =	sfence.sel $0xFFFF  }
0xbc: {  	[dreg:$0x0] =	wrdreg $0xFFFFFFFF;
	(pc) =	sbr.abs _section_cstart, $3  }
0xbd: {  	[dreg:$0x1] =	wrdreg $0xFFFFFFFF  }
0xbe: {  	_ =	task.clear_ibuf [dreg:s4], $0x2FFFF;
	_ =	strace $0x9FFFFFFF  }
0xbf: {  	(tm) =	ssettm $0x7FFFFFFF  }
tec
execute0_lowered:
.L_overlay_start_1:
0x0: {  	(tag) =	ssettag $0x1  }
0x1: {  	s0 =	stileid.u32  }
0x2: {  	s2 =	rddreg [dreg:$0x0];
	s4 =	smul.u32 $0x9C4, s0  }
0x3: {  	s1 =	rddreg [dreg:$0x1];
	s3 =	simm.s32 $0x0  }
0x4: {  	[smem:$0x7FF] =	sst s3;
	s4 =	sadd.s32 s4, s2  }
0x5: {  	s31 =	simm.s32 $0x1;
	_ =	strace $0x80000047;
	s4 =	sadd.s32 $0x1E00, s4  }
0x6: {  	[tilespmem:s3], [sflag:$0x1] =	stream.linear.gather [hbm4b:s4+s3], $0x4E20, $0x38;
	[tilespmem:$0x7600] =	vst v63  }
0x7: {  	_ =	swait.ge [sflag:s31], $0x4E20  }
0x8: {  	[sflag:s31] =	ssyncset.done $0x0  }
0x9: {  	v0 =	vimm.f32 $0.0e+00;
	s2 =	sadd.s32 $0xBC00, s2;
	[sflag:s31] =	ssyncadd.s32 $0xFFFFB1E0  }
.LBB2_1:
0xa: {  	p0 =	sne.s32 s3, $0x9DC0  }
.Ltmp0:
0xb: {  	_ = 	snop;
	(pc) =	sbr.rel @p0 .LBB2_1-.Ltmp0, $3  }
0xc: {  	_ =	sdelay $0x1  }
0xd: {  	s4 =	sshra.s32 s3, $0x2  }
0xe: {  	s3 =	sadd.s32 $0x40, s3;
	[tilespmem:s4+$0x4E80] =	vst v0  }
0xf: {  	v0 =	vimm.f32 $1.000000000e+00;
	s3 =	simm.s32 $0x4E80;
	s5 =	simm.s32 $0x0;
	s4 =	simm.s32 $0x40  }
.LBB2_3:
0x10: {  	p0 =	sne.s32 s4, $0x13840;
	v1 =	vld [tilespmem:s5+$0x0];
	_ =	sdelay $0x3  }
.Ltmp1:
0x11: {  	(pc) =	sbr.rel @p0 .LBB2_3-.Ltmp1, $2  }
0x12: {  	_ =	sdelay $0x2  }
0x13: {  	s5 =	sshra.s32 s4, $0x2;
	s4 =	sadd.s32 $0x40, s4;
	[tilespmem:v1+s3+$0x0] =	vst.idx.add.f32.msk $0xffff, v0  }
0x14: {  	v1 =	vld [tilespmem:s5+$0x0];
	_ =	sdelay $0x5  }
0x15: {  	s4 =	smul.u32 $0x4F0, s0  }
0x16: {  	s29 =	simm.s32 $0x0  }
0x17: {  	s30 =	simm.s32 $0x4E80;
	s31 =	simm.s32 $0x1;
	s2 =	sadd.s32 s2, s4;
	[tilespmem:v1+s3+$0x0] =	vst.idx.add.f32.msk $0xffff, v0  }
0x18: {  	[hbm4b:s2+s29] =	stream.linear.scatter [tilespmem:s30], [sflag:$0x1], $0x2780, $0x38;
	[tilespmem:$0x7600] =	vst v63  }
0x19: {  	_ =	swait.ge [sflag:s31], $0x2780  }
0x1a: {  	[sflag:s31] =	ssyncset.done $0x0  }
0x1b: {  	[sflag:s31] =	ssyncadd.s32 $0xFFFFD880  }
0x1c: {  	_ =	sfence.sel $0x180000  }
0x1d: {  	[bflag:$0x0] =	sbarrier.arrive $0xFFFF  }
0x1e: {  	p0 =	sne.s32 s0, $0x0;
	_ =	strace $0x90000047  }
0x1f: {  	s0 =	sadd.s32 @!p0 $0x100000, s1;
	[bflag:$0x2] =	sbarrier.arrive $0xFFFF  }
0x20: {  	[sflag:s0] =	ssyncadd.tile.s32 @!p0 $0x1;
	_ =	shalt  }
.Lfunc_end2:
_tile_overlayer_lowered:
.L_overlay_start_2:
0x21: {  	(tag) =	ssettag $0x2  }
0x22: {  	s0 =	rddreg [dreg:$0x0];
	s2 =	stileid.u32  }
0x23: {  	s1 =	rddreg [dreg:$0x1];
	p0 =	sne.s32 s2, $0x0  }
0x24: {  	s3 =	rddreg [dreg:$0x2];
	[bflag:$0x3] =	sbarrier.arrive $0xFFFF;
	s2 =	simm.s32 @!p0 $0x1C01  }
0x25: {  	[timem:s3], [sflag:s2] =	dma.local @!p0 [hbm:s0], s1  }
0x26: {  	s0 =	simm.s32 @!p0 $0x1  }
0x27: {  	_ =	swait.ge @!p0 [sflag:s0], s1  }
0x28: {  	s1 =	ssub.s32 @!p0 $0x0, s1;
	[sflag:s0] =	ssyncset.done @!p0 $0x0  }
0x29: {  	[sflag:s0] =	ssyncadd.s32 @!p0 s1  }
0x2a: {  	[bflag:$0x3] =	sbarrier.arrive $0xFFFF  }
0x2b: {  	_ =	shalt  }

</sc_bundles>
